<compile_context>
chip_gen: v7x
topology: tpu7x:2x2x1
jax: 0.10.2.dev20260603
libtpu: 0.0.44.dev20260713+nightly
codegen_flags: <defaults>
</compile_context>

<pallas_src>
import functools

import jax
import jax.numpy as jnp
from jax import lax
from jax.experimental import pallas as pl
from jax.experimental.pallas import tpu as pltpu
from jax.experimental.pallas import tpu_sc as plsc

B = 16384
D = 64
D2 = 128
NLBL = 64
NTC = 7813

NC, NS = 2, 16
NW = NC * NS
CPW = 252
KC = 6
NCHK = CPW // KC
NB = 2
LCAP = 640
SCAP = 64
L = 16

_mesh = plsc.VectorSubcoreMesh(core_axis_name="c", subcore_axis_name="s")


def _b16(x):
    return jnp.broadcast_to(x, (L,)).astype(jnp.int32)


@functools.partial(
    pl.kernel,
    mesh=_mesh,
    out_type=jax.ShapeDtypeStruct((B, D2), jnp.float32),
    scratch_types=[
        pltpu.VMEM((B,), jnp.int32),
        pltpu.VMEM((LCAP,), jnp.int32),
        pltpu.VMEM((LCAP,), jnp.int32),
        pltpu.VMEM((SCAP,), jnp.int32),
        pltpu.VMEM((SCAP,), jnp.int32),
        pltpu.VMEM((16 * D2,), jnp.float32),
        pltpu.VMEM((NB, D, KC * D2), jnp.float32),
        pltpu.SemaphoreType.DMA,
        pltpu.SemaphoreType.DMA,
        pltpu.SemaphoreType.DMA,
        pltpu.SemaphoreType.DMA,
    ],
    compiler_params=pltpu.CompilerParams(needs_layout_passes=False),
)
def _sc_gather(idx_hbm, tableT_hbm, out_hbm, idx_all, ilist, plist,
               sub_i, sub_p, rowtmp, slab, sem0, sem1, sem2, rsem):
    wid = lax.axis_index("s") * NC + lax.axis_index("c")
    c0 = wid * CPW
    c0v = _b16(c0)
    c1v = _b16(c0 + CPW)

    slab_sems = (sem0, sem1, sem2)

    def _fire_slab(c, bidx):
        col = jnp.minimum(c * KC + c0, NTC - KC)
        pltpu.async_copy(
            tableT_hbm.at[:, pl.ds(col * D2, KC * D2)],
            slab.at[bidx],
            slab_sems[bidx],
        )

    def _drain_slab(bidx):
        pltpu.make_async_copy(
            tableT_hbm.at[:, pl.ds(0, KC * D2)],
            slab.at[bidx],
            slab_sems[bidx],
        ).wait()

    for bi in range(NB - 1):
        _fire_slab(bi, bi)
    pltpu.sync_copy(idx_hbm, idx_all)

    @pl.loop(0, B // L, init_carry=jnp.zeros((L,), jnp.int32), unroll=4)
    def n16(i, n):
        idx16 = idx_all[pl.ds(i * L, L)]
        tc16 = lax.shift_right_logical(idx16, 7)
        m = jnp.logical_and(tc16 >= c0v, tc16 < c1v)
        mi = m.astype(jnp.int32)
        posn = n + plsc.cumsum(mi) - mi
        okm = jnp.logical_and(m, posn < LCAP)
        plsc.store_scatter(ilist, [posn], idx16, mask=okm)
        plsc.store_scatter(plist, [posn], _b16(i * L) + lax.iota(jnp.int32, L),
                           mask=okm)
        return n + plsc.all_reduce_population_count(m)

    @pl.loop(0, NCHK, step=NB, init_carry=jnp.zeros((L,), jnp.int32))
    def h16(ch, h):
        for bi in range(NB):
            c = ch + bi
            _fire_slab(jnp.minimum(c + NB - 1, NCHK - 1), (bi + NB - 1) % NB)
            _drain_slab(bi)
            cbase = c * KC + c0
            colc = jnp.minimum(cbase, NTC - KC)
            cb_lo = _b16(cbase)
            cb_hi = _b16(cbase + KC)
            ns = jnp.zeros((L,), jnp.int32)
            for g in range(LCAP // L):
                il16 = ilist[pl.ds(g * L, L)]
                tc16 = lax.shift_right_logical(il16, 7)
                valid = (_b16(g * L) + lax.iota(jnp.int32, L)) < n16
                m = jnp.logical_and(
                    valid,
                    jnp.logical_and(tc16 >= cb_lo, tc16 < cb_hi),
                )
                mi = m.astype(jnp.int32)
                posn = ns + plsc.cumsum(mi) - mi
                okm = jnp.logical_and(m, posn < SCAP)
                plsc.store_scatter(sub_i, [posn], il16, mask=okm)
                pl16 = plist[pl.ds(g * L, L)]
                plsc.store_scatter(sub_p, [posn], pl16, mask=okm)
                ns = ns + plsc.all_reduce_population_count(m)

            def _extract(j, hh):
                e16 = plsc.load_gather(sub_i, [_b16(j)])
                p16 = plsc.load_gather(sub_p, [_b16(j)])
                tcs = lax.shift_right_logical(e16, 7)
                ln16 = jnp.bitwise_and(e16, 127)
                col16 = (tcs - _b16(colc)) * D2 + ln16
                slot = jnp.bitwise_and(hh[0], 15)

                @pl.when(hh[0] >= 16)
                def _():
                    pltpu.make_async_copy(
                        tableT_hbm.at[0, pl.ds(0, D2)],
                        rowtmp.at[pl.ds(0, D2)],
                        rsem,
                    ).wait()

                for g in range(D // L):
                    d16 = lax.iota(jnp.int32, L) + g * L
                    val = plsc.load_gather(slab.at[bi], [d16, col16])
                    rowtmp[pl.ds(slot * D2 + g * L, L)] = val
                pltpu.async_copy(
                    rowtmp.at[pl.ds(slot * D2, D2)],
                    out_hbm.at[p16[0]],
                    rsem,
                )
                return hh + 1

            h = lax.fori_loop(0, ns[0], _extract, h)
        return h

    _drain_slab(0)

    def _drain_row(j, _):
        pltpu.make_async_copy(
            tableT_hbm.at[0, pl.ds(0, D2)],
            rowtmp.at[pl.ds(0, D2)],
            rsem,
        ).wait()
        return 0

    lax.fori_loop(0, jnp.minimum(h16[0], 16), _drain_row, 0)


def _mm_body(g_ref, wt_ref, b_ref, o_ref):
    o_ref[...] = (
        jnp.dot(g_ref[:, :D], wt_ref[...], preferred_element_type=jnp.float32)
        + b_ref[...]
    )


MB = 2048


def _tc_linear(g, wt, b2):
    return pl.pallas_call(
        _mm_body,
        grid=(B // MB,),
        in_specs=[
            pl.BlockSpec((MB, D2), lambda i: (i, 0)),
            pl.BlockSpec((D, NLBL), lambda i: (0, 0)),
            pl.BlockSpec((1, NLBL), lambda i: (0, 0)),
        ],
        out_specs=pl.BlockSpec((MB, NLBL), lambda i: (i, 0)),
        out_shape=jax.ShapeDtypeStruct((B, NLBL), jnp.float32),
    )(g, wt, b2)


def kernel(node_seq, table, W, b):
    idx = node_seq.astype(jnp.int32)
    g2 = _sc_gather(idx, table.T)
    return _tc_linear(g2, W.T, b.reshape(1, NLBL))

# --- scband reference (transcript-rebuilt; emitter-appended) ---
"""Pipeline reference for scband-static-struct-sampling-model-19181323944363 (READ-ONLY COPY).

The authoritative reference and input builder live on the scoring server;
editing this copy changes nothing except your own understanding.
"""

import jax, jax.numpy as jnp
import numpy as np

NUM_EMBEDDINGS = 1000000
EMBED_DIM = 64
NUM_LABELS = 64
BATCH = 16384


def setup_inputs(seed: int = 0) -> dict:
    key = jax.random.key(seed)
    k1, k2, k3 = jax.random.split(key, 3)
    node_seq = jax.random.randint(k1, (BATCH,), 0, NUM_EMBEDDINGS, dtype=jnp.int64 if jax.config.jax_enable_x64 else jnp.int32)
    # learned parameters: static feature embedding table (graph_model) + output linear layer
    table = jax.random.normal(k2, (NUM_EMBEDDINGS, EMBED_DIM), dtype=jnp.float32) * 0.02
    kw, kb = jax.random.split(k3)
    W = jax.random.normal(kw, (NUM_LABELS, EMBED_DIM), dtype=jnp.float32) * (1.0 / np.sqrt(EMBED_DIM))
    b = jnp.zeros((NUM_LABELS,), dtype=jnp.float32)
    return {"node_seq": node_seq, "table": table, "W": W, "b": b}


def reference(node_seq, table, W, b):
    # graph_model(node_seq, G): static feature embedder == row gather from node-feature table
    g_out = jnp.take(table, node_seq, axis=0)          # [B, EMBED_DIM]
    # self.out(g_out): nn.Linear(graph_outs, num_labels)
    out = g_out @ W.T + b                               # [B, NUM_LABELS]
    return out

if __name__ == "__main__":
    import jax
    _d = setup_inputs()
    print(jax.jit(kernel)(*tuple(_d.values())))

</pallas_src>

<mosaic_0001>
#map = affine_map<(d0, d1) -> (0)>
#map1 = affine_map<(d0, d1) -> (0, 0)>
module attributes {stable_mosaic.version = 14 : i64} {
  func.func @_sc_gather(%arg0: i32, %arg1: i32, %arg2: memref<16384xi32, #tpu.memory_space<hbm>>, %arg3: memref<64x1000000xf32, #tpu.memory_space<hbm>>, %arg4: memref<16384x128xf32, #tpu.memory_space<hbm>>, %arg5: memref<16384xi32, #tpu.memory_space<vmem>>, %arg6: memref<640xi32, #tpu.memory_space<vmem>>, %arg7: memref<640xi32, #tpu.memory_space<vmem>>, %arg8: memref<64xi32, #tpu.memory_space<vmem>>, %arg9: memref<64xi32, #tpu.memory_space<vmem>>, %arg10: memref<2048xf32, #tpu.memory_space<vmem>>, %arg11: memref<2x64x768xf32, #tpu.memory_space<vmem>>, %arg12: memref<!tpu.dma_semaphore, #tpu.memory_space<semaphore_mem>>, %arg13: memref<!tpu.dma_semaphore, #tpu.memory_space<semaphore_mem>>, %arg14: memref<!tpu.dma_semaphore, #tpu.memory_space<semaphore_mem>>, %arg15: memref<!tpu.dma_semaphore, #tpu.memory_space<semaphore_mem>>) attributes {dimension_semantics = [#tpu.dimension_semantics<core_parallel>, #tpu.dimension_semantics<subcore_parallel>], iteration_bounds = array<i64: 2, 16>, scalar_prefetch = 0 : i64, scratch_operands = 11 : i64, tpu.core_type = #tpu.core_type<sc_vector_subcore>, window_params = [{transform_indices = #map}, {transform_indices = #map1}, {transform_indices = #map1}]} {
    %mul3A = arith.constant 2 : i32
    %mul3A_0 = arith.muli %arg1, %mul3A : i32
    %add3A = arith.addi %mul3A_0, %arg0 : i32
    %mul3A_1 = arith.constant 252 : i32
    %mul3A_2 = arith.muli %add3A, %mul3A_1 : i32
    %broadcast_in_dim3A = vector.broadcast %mul3A_2 : i32 to vector<16xi32>
    %add3A_3 = arith.constant 252 : i32
    %add3A_4 = arith.addi %mul3A_2, %add3A_3 : i32
    %broadcast_in_dim3A_5 = vector.broadcast %add3A_4 : i32 to vector<16xi32>
    %add3A_6 = arith.constant 0 : i32
    %add3A_7 = arith.addi %add3A_6, %mul3A_2 : i32
    %min3A = arith.constant 7807 : i32
    %min3A_8 = arith.minsi %add3A_7, %min3A : i32
    %mul3A_9 = arith.constant 128 : i32
    %mul3A_10 = arith.muli %min3A_8, %mul3A_9 : i32
    %dma_start3A = arith.constant 0 : i32
    %dma_start3A_11 = arith.constant 0 : i32
    %dma_start3A_12 = arith.constant 0 : i32
    %dma_start3A_13 = tpu.memref_slice %arg11[%dma_start3A, %dma_start3A_11, %dma_start3A_12] : memref<2x64x768xf32, #tpu.memory_space<vmem>> -> memref<1x64x768xf32, #tpu.memory_space<vmem>>
    %dma_start3A_14 = tpu.memref_squeeze %dma_start3A_13 : memref<1x64x768xf32, #tpu.memory_space<vmem>> -> memref<64x768xf32, #tpu.memory_space<vmem>>
    %dma_start3A_15 = arith.constant 0 : i32
    %dma_start3A_16 = tpu.memref_slice %arg3[%dma_start3A_15, %mul3A_10] : memref<64x1000000xf32, #tpu.memory_space<hbm>> -> memref<64x768xf32, #tpu.memory_space<hbm>>
    %dma_start3A_17 = arith.constant 0 : i32
    %dma_start3A_18 = arith.constant 0 : i32
    %dma_start3A_19 = tpu.memref_slice %arg11[%dma_start3A, %dma_start3A_17, %dma_start3A_18] : memref<2x64x768xf32, #tpu.memory_space<vmem>> -> memref<1x64x768xf32, #tpu.memory_space<vmem>>
    %dma_start3A_20 = tpu.memref_squeeze %dma_start3A_19 : memref<1x64x768xf32, #tpu.memory_space<vmem>> -> memref<64x768xf32, #tpu.memory_space<vmem>>
    %dma_start3A_21 = arith.constant 0 : i32
    %dma_start3A_22 = tpu.memref_slice %arg3[%dma_start3A_21, %mul3A_10] : memref<64x1000000xf32, #tpu.memory_space<hbm>> -> memref<64x768xf32, #tpu.memory_space<hbm>>
    tpu.enqueue_dma source(%dma_start3A_22 : memref<64x768xf32, #tpu.memory_space<hbm>>) target(%dma_start3A_20 : memref<64x768xf32, #tpu.memory_space<vmem>>) target_semaphore(%arg12 : memref<!tpu.dma_semaphore, #tpu.memory_space<semaphore_mem>>)
    "tpu.region"() ({
      %run_scoped3A = tpu.sem_alloc : memref<!tpu.dma_semaphore, #tpu.memory_space<semaphore_mem>>
      tpu.enqueue_dma source(%arg2 : memref<16384xi32, #tpu.memory_space<hbm>>) target(%arg5 : memref<16384xi32, #tpu.memory_space<vmem>>) target_semaphore(%run_scoped3A : memref<!tpu.dma_semaphore, #tpu.memory_space<semaphore_mem>>)
      tpu.wait_dma2 semaphore(%run_scoped3A : memref<!tpu.dma_semaphore, #tpu.memory_space<semaphore_mem>>) src(%arg2 : memref<16384xi32, #tpu.memory_space<hbm>>) dst(%arg5 : memref<16384xi32, #tpu.memory_space<vmem>>)
      tpu.yield
    }) : () -> ()
    %broadcast_in_dim3A_23 = arith.constant 0 : i32
    %broadcast_in_dim3A_24 = vector.broadcast %broadcast_in_dim3A_23 : i32 to vector<16xi32>
    %scan3A = arith.constant 0 : i32
    %scan3A_25 = arith.constant 1024 : i32
    %scan3A_26 = arith.addi %scan3A, %scan3A_25 : i32
    %scan3A_27 = arith.constant 4 : i32
    %scan3A_28 = scf.for %scan3A_65 = %scan3A to %scan3A_26 step %scan3A_27 iter_args(%scan3A_66 = %broadcast_in_dim3A_24) -> (vector<16xi32>)  : i32 {
      %mul3A_67 = arith.constant 1 : i32
      %mul3A_68 = arith.muli %scan3A_65, %mul3A_67 : i32
      %add3A_69 = arith.constant 0 : i32
      %add3A_70 = arith.addi %add3A_69, %mul3A_68 : i32
      %mul3A_71 = arith.constant 16 : i32
      %mul3A_72 = arith.muli %add3A_70, %mul3A_71 : i32
      %get3A = arith.index_cast %mul3A_72 : i32 to index
      %get3A_73 = tpu.vector_load %arg5[%get3A] {strides = array<i32>} : memref<16384xi32, #tpu.memory_space<vmem>>, vector<16xi32>,
      %shift_right_logical3A = arith.constant 7 : i32
      %shift_right_logical3A_74 = vector.broadcast %shift_right_logical3A : i32 to vector<16xi32>
      %shift_right_logical3A_75 = arith.shrui %get3A_73, %shift_right_logical3A_74 : vector<16xi32>
      %ge3A = arith.cmpi sge, %shift_right_logical3A_75, %broadcast_in_dim3A : vector<16xi32>
      %lt3A = arith.cmpi slt, %shift_right_logical3A_75, %broadcast_in_dim3A_5 : vector<16xi32>
      %and3A = arith.andi %ge3A, %lt3A : vector<16xi1>
      %convert_element_type3A = arith.extui %and3A : vector<16xi1> to vector<16xi32>
      %broadcast_in_dim3A_76 = arith.constant true
      %broadcast_in_dim3A_77 = vector.broadcast %broadcast_in_dim3A_76 : i1 to vector<16xi1>
      %masked_cumsum3A = tpu.scan <sum>, %convert_element_type3A masked %broadcast_in_dim3A_77 : vector<16xi32>, vector<16xi1> -> vector<16xi32>
      %add3A_78 = arith.addi %scan3A_66, %masked_cumsum3A : vector<16xi32>
      %sub3A = arith.subi %add3A_78, %convert_element_type3A : vector<16xi32>
      %lt3A_79 = arith.constant 640 : i32
      %lt3A_80 = vector.broadcast %lt3A_79 : i32 to vector<16xi32>
      %lt3A_81 = arith.cmpi slt, %sub3A, %lt3A_80 : vector<16xi32>
      %and3A_82 = arith.andi %and3A, %lt3A_81 : vector<16xi1>
      tpu.vector_store_idx %arg6[%sub3A], %get3A_73 masked %and3A_82 : memref<640xi32, #tpu.memory_space<vmem>>[vector<16xi32>], vector<16xi32>, vector<16xi1>
      %mul3A_83 = arith.constant 16 : i32
      %mul3A_84 = arith.muli %add3A_70, %mul3A_83 : i32
      %broadcast_in_dim3A_85 = vector.broadcast %mul3A_84 : i32 to vector<16xi32>
      %iota3A = tpu.iota {dimensions = array<i32: 0>} : vector<16xi32>
      %add3A_86 = arith.addi %broadcast_in_dim3A_85, %iota3A : vector<16xi32>
      tpu.vector_store_idx %arg7[%sub3A], %add3A_86 masked %and3A_82 : memref<640xi32, #tpu.memory_space<vmem>>[vector<16xi32>], vector<16xi32>, vector<16xi1>
      %all_reduce_population_count3A = tpu.all_reduce %and3A {dim = 0 : i64, kind = #tpu.reduction_kind<sum>} : vector<16xi1> -> vector<16xi32>
      %add3A_87 = arith.addi %scan3A_66, %all_reduce_population_count3A : vector<16xi32>
      %scan3A_88 = arith.constant 1 : i32
      %scan3A_89 = arith.addi %scan3A_65, %scan3A_88 : i32
      %mul3A_90 = arith.constant 1 : i32
      %mul3A_91 = arith.muli %scan3A_89, %mul3A_90 : i32
      %add3A_92 = arith.constant 0 : i32
      %add3A_93 = arith.addi %add3A_92, %mul3A_91 : i32
      %mul3A_94 = arith.constant 16 : i32
      %mul3A_95 = arith.muli %add3A_93, %mul3A_94 : i32
      %get3A_96 = arith.index_cast %mul3A_95 : i32 to index
      %get3A_97 = tpu.vector_load %arg5[%get3A_96] {strides = array<i32>} : memref<16384xi32, #tpu.memory_space<vmem>>, vector<16xi32>,
      %shift_right_logical3A_98 = arith.constant 7 : i32
      %shift_right_logical3A_99 = vector.broadcast %shift_right_logical3A_98 : i32 to vector<16xi32>
      %shift_right_logical3A_100 = arith.shrui %get3A_97, %shift_right_logical3A_99 : vector<16xi32>
      %ge3A_101 = arith.cmpi sge, %shift_right_logical3A_100, %broadcast_in_dim3A : vector<16xi32>
      %lt3A_102 = arith.cmpi slt, %shift_right_logical3A_100, %broadcast_in_dim3A_5 : vector<16xi32>
      %and3A_103 = arith.andi %ge3A_101, %lt3A_102 : vector<16xi1>
      %convert_element_type3A_104 = arith.extui %and3A_103 : vector<16xi1> to vector<16xi32>
      %broadcast_in_dim3A_105 = arith.constant true
      %broadcast_in_dim3A_106 = vector.broadcast %broadcast_in_dim3A_105 : i1 to vector<16xi1>
      %masked_cumsum3A_107 = tpu.scan <sum>, %convert_element_type3A_104 masked %broadcast_in_dim3A_106 : vector<16xi32>, vector<16xi1> -> vector<16xi32>
      %add3A_108 = arith.addi %add3A_87, %masked_cumsum3A_107 : vector<16xi32>
      %sub3A_109 = arith.subi %add3A_108, %convert_element_type3A_104 : vector<16xi32>
      %lt3A_110 = arith.constant 640 : i32
      %lt3A_111 = vector.broadcast %lt3A_110 : i32 to vector<16xi32>
      %lt3A_112 = arith.cmpi slt, %sub3A_109, %lt3A_111 : vector<16xi32>
      %and3A_113 = arith.andi %and3A_103, %lt3A_112 : vector<16xi1>
      tpu.vector_store_idx %arg6[%sub3A_109], %get3A_97 masked %and3A_113 : memref<640xi32, #tpu.memory_space<vmem>>[vector<16xi32>], vector<16xi32>, vector<16xi1>
      %mul3A_114 = arith.constant 16 : i32
      %mul3A_115 = arith.muli %add3A_93, %mul3A_114 : i32
      %broadcast_in_dim3A_116 = vector.broadcast %mul3A_115 : i32 to vector<16xi32>
      %iota3A_117 = tpu.iota {dimensions = array<i32: 0>} : vector<16xi32>
      %add3A_118 = arith.addi %broadcast_in_dim3A_116, %iota3A_117 : vector<16xi32>
      tpu.vector_store_idx %arg7[%sub3A_109], %add3A_118 masked %and3A_113 : memref<640xi32, #tpu.memory_space<vmem>>[vector<16xi32>], vector<16xi32>, vector<16xi1>
      %all_reduce_population_count3A_119 = tpu.all_reduce %and3A_103 {dim = 0 : i64, kind = #tpu.reduction_kind<sum>} : vector<16xi1> -> vector<16xi32>
      %add3A_120 = arith.addi %add3A_87, %all_reduce_population_count3A_119 : vector<16xi32>
      %scan3A_121 = arith.constant 2 : i32
      %scan3A_122 = arith.addi %scan3A_65, %scan3A_121 : i32
      %mul3A_123 = arith.constant 1 : i32
      %mul3A_124 = arith.muli %scan3A_122, %mul3A_123 : i32
      %add3A_125 = arith.constant 0 : i32
      %add3A_126 = arith.addi %add3A_125, %mul3A_124 : i32
      %mul3A_127 = arith.constant 16 : i32
      %mul3A_128 = arith.muli %add3A_126, %mul3A_127 : i32
      %get3A_129 = arith.index_cast %mul3A_128 : i32 to index
      %get3A_130 = tpu.vector_load %arg5[%get3A_129] {strides = array<i32>} : memref<16384xi32, #tpu.memory_space<vmem>>, vector<16xi32>,
      %shift_right_logical3A_131 = arith.constant 7 : i32
      %shift_right_logical3A_132 = vector.broadcast %shift_right_logical3A_131 : i32 to vector<16xi32>
      %shift_right_logical3A_133 = arith.shrui %get3A_130, %shift_right_logical3A_132 : vector<16xi32>
      %ge3A_134 = arith.cmpi sge, %shift_right_logical3A_133, %broadcast_in_dim3A : vector<16xi32>
      %lt3A_135 = arith.cmpi slt, %shift_right_logical3A_133, %broadcast_in_dim3A_5 : vector<16xi32>
      %and3A_136 = arith.andi %ge3A_134, %lt3A_135 : vector<16xi1>
      %convert_element_type3A_137 = arith.extui %and3A_136 : vector<16xi1> to vector<16xi32>
      %broadcast_in_dim3A_138 = arith.constant true
      %broadcast_in_dim3A_139 = vector.broadcast %broadcast_in_dim3A_138 : i1 to vector<16xi1>
      %masked_cumsum3A_140 = tpu.scan <sum>, %convert_element_type3A_137 masked %broadcast_in_dim3A_139 : vector<16xi32>, vector<16xi1> -> vector<16xi32>
      %add3A_141 = arith.addi %add3A_120, %masked_cumsum3A_140 : vector<16xi32>
      %sub3A_142 = arith.subi %add3A_141, %convert_element_type3A_137 : vector<16xi32>
      %lt3A_143 = arith.constant 640 : i32
      %lt3A_144 = vector.broadcast %lt3A_143 : i32 to vector<16xi32>
      %lt3A_145 = arith.cmpi slt, %sub3A_142, %lt3A_144 : vector<16xi32>
      %and3A_146 = arith.andi %and3A_136, %lt3A_145 : vector<16xi1>
      tpu.vector_store_idx %arg6[%sub3A_142], %get3A_130 masked %and3A_146 : memref<640xi32, #tpu.memory_space<vmem>>[vector<16xi32>], vector<16xi32>, vector<16xi1>
      %mul3A_147 = arith.constant 16 : i32
      %mul3A_148 = arith.muli %add3A_126, %mul3A_147 : i32
      %broadcast_in_dim3A_149 = vector.broadcast %mul3A_148 : i32 to vector<16xi32>
      %iota3A_150 = tpu.iota {dimensions = array<i32: 0>} : vector<16xi32>
      %add3A_151 = arith.addi %broadcast_in_dim3A_149, %iota3A_150 : vector<16xi32>
      tpu.vector_store_idx %arg7[%sub3A_142], %add3A_151 masked %and3A_146 : memref<640xi32, #tpu.memory_space<vmem>>[vector<16xi32>], vector<16xi32>, vector<16xi1>
      %all_reduce_population_count3A_152 = tpu.all_reduce %and3A_136 {dim = 0 : i64, kind = #tpu.reduction_kind<sum>} : vector<16xi1> -> vector<16xi32>
      %add3A_153 = arith.addi %add3A_120, %all_reduce_population_count3A_152 : vector<16xi32>
      %scan3A_154 = arith.constant 3 : i32
      %scan3A_155 = arith.addi %scan3A_65, %scan3A_154 : i32
      %mul3A_156 = arith.constant 1 : i32
      %mul3A_157 = arith.muli %scan3A_155, %mul3A_156 : i32
      %add3A_158 = arith.constant 0 : i32
      %add3A_159 = arith.addi %add3A_158, %mul3A_157 : i32
      %mul3A_160 = arith.constant 16 : i32
      %mul3A_161 = arith.muli %add3A_159, %mul3A_160 : i32
      %get3A_162 = arith.index_cast %mul3A_161 : i32 to index
      %get3A_163 = tpu.vector_load %arg5[%get3A_162] {strides = array<i32>} : memref<16384xi32, #tpu.memory_space<vmem>>, vector<16xi32>,
      %shift_right_logical3A_164 = arith.constant 7 : i32
      %shift_right_logical3A_165 = vector.broadcast %shift_right_logical3A_164 : i32 to vector<16xi32>
      %shift_right_logical3A_166 = arith.shrui %get3A_163, %shift_right_logical3A_165 : vector<16xi32>
      %ge3A_167 = arith.cmpi sge, %shift_right_logical3A_166, %broadcast_in_dim3A : vector<16xi32>
      %lt3A_168 = arith.cmpi slt, %shift_right_logical3A_166, %broadcast_in_dim3A_5 : vector<16xi32>
      %and3A_169 = arith.andi %ge3A_167, %lt3A_168 : vector<16xi1>
      %convert_element_type3A_170 = arith.extui %and3A_169 : vector<16xi1> to vector<16xi32>
      %broadcast_in_dim3A_171 = arith.constant true
      %broadcast_in_dim3A_172 = vector.broadcast %broadcast_in_dim3A_171 : i1 to vector<16xi1>
      %masked_cumsum3A_173 = tpu.scan <sum>, %convert_element_type3A_170 masked %broadcast_in_dim3A_172 : vector<16xi32>, vector<16xi1> -> vector<16xi32>
      %add3A_174 = arith.addi %add3A_153, %masked_cumsum3A_173 : vector<16xi32>
      %sub3A_175 = arith.subi %add3A_174, %convert_element_type3A_170 : vector<16xi32>
      %lt3A_176 = arith.constant 640 : i32
      %lt3A_177 = vector.broadcast %lt3A_176 : i32 to vector<16xi32>
      %lt3A_178 = arith.cmpi slt, %sub3A_175, %lt3A_177 : vector<16xi32>
      %and3A_179 = arith.andi %and3A_169, %lt3A_178 : vector<16xi1>
      tpu.vector_store_idx %arg6[%sub3A_175], %get3A_163 masked %and3A_179 : memref<640xi32, #tpu.memory_space<vmem>>[vector<16xi32>], vector<16xi32>, vector<16xi1>
      %mul3A_180 = arith.constant 16 : i32
      %mul3A_181 = arith.muli %add3A_159, %mul3A_180 : i32
      %broadcast_in_dim3A_182 = vector.broadcast %mul3A_181 : i32 to vector<16xi32>
      %iota3A_183 = tpu.iota {dimensions = array<i32: 0>} : vector<16xi32>
      %add3A_184 = arith.addi %broadcast_in_dim3A_182, %iota3A_183 : vector<16xi32>
      tpu.vector_store_idx %arg7[%sub3A_175], %add3A_184 masked %and3A_179 : memref<640xi32, #tpu.memory_space<vmem>>[vector<16xi32>], vector<16xi32>, vector<16xi1>
      %all_reduce_population_count3A_185 = tpu.all_reduce %and3A_169 {dim = 0 : i64, kind = #tpu.reduction_kind<sum>} : vector<16xi1> -> vector<16xi32>
      %add3A_186 = arith.addi %add3A_153, %all_reduce_population_count3A_185 : vector<16xi32>
      scf.yield %add3A_186 : vector<16xi32>
    }
    %scan3A_29 = arith.constant 1024 : i32
    %broadcast_in_dim3A_30 = arith.constant 0 : i32
    %broadcast_in_dim3A_31 = vector.broadcast %broadcast_in_dim3A_30 : i32 to vector<16xi32>
    %scan3A_32 = arith.constant 0 : i32
    %scan3A_33 = arith.constant 21 : i32
    %scan3A_34 = arith.addi %scan3A_32, %scan3A_33 : i32
    %scan3A_35 = arith.constant 1 : i32
    %scan3A_36 = scf.for %scan3A_65 = %scan3A_32 to %scan3A_34 step %scan3A_35 iter_args(%scan3A_66 = %broadcast_in_dim3A_31) -> (vector<16xi32>)  : i32 {
      %mul3A_67 = arith.constant 2 : i32
      %mul3A_68 = arith.muli %scan3A_65, %mul3A_67 : i32
      %add3A_69 = arith.constant 0 : i32
      %add3A_70 = arith.addi %add3A_69, %mul3A_68 : i32
      %add3A_71 = arith.constant 0 : i32
      %add3A_72 = arith.addi %add3A_70, %add3A_71 : i32
      %add3A_73 = arith.constant 2 : i32
      %add3A_74 = arith.addi %add3A_72, %add3A_73 : i32
      %sub3A = arith.constant 1 : i32
      %sub3A_75 = arith.subi %add3A_74, %sub3A : i32
      %min3A_76 = arith.constant 41 : i32
      %min3A_77 = arith.minsi %sub3A_75, %min3A_76 : i32
      %mul3A_78 = arith.constant 6 : i32
      %mul3A_79 = arith.muli %min3A_77, %mul3A_78 : i32
      %add3A_80 = arith.addi %mul3A_79, %mul3A_2 : i32
      %min3A_81 = arith.constant 7807 : i32
      %min3A_82 = arith.minsi %add3A_80, %min3A_81 : i32
      %mul3A_83 = arith.constant 128 : i32
      %mul3A_84 = arith.muli %min3A_82, %mul3A_83 : i32
      %dma_start3A_85 = arith.constant 1 : i32
      %dma_start3A_86 = arith.constant 0 : i32
      %dma_start3A_87 = arith.constant 0 : i32
      %dma_start3A_88 = tpu.memref_slice %arg11[%dma_start3A_85, %dma_start3A_86, %dma_start3A_87] : memref<2x64x768xf32, #tpu.memory_space<vmem>> -> memref<1x64x768xf32, #tpu.memory_space<vmem>>
      %dma_start3A_89 = tpu.memref_squeeze %dma_start3A_88 : memref<1x64x768xf32, #tpu.memory_space<vmem>> -> memref<64x768xf32, #tpu.memory_space<vmem>>
      %dma_start3A_90 = arith.constant 0 : i32
      %dma_start3A_91 = tpu.memref_slice %arg3[%dma_start3A_90, %mul3A_84] : memref<64x1000000xf32, #tpu.memory_space<hbm>> -> memref<64x768xf32, #tpu.memory_space<hbm>>
      %dma_start3A_92 = arith.constant 0 : i32
      %dma_start3A_93 = arith.constant 0 : i32
      %dma_start3A_94 = tpu.memref_slice %arg11[%dma_start3A_85, %dma_start3A_92, %dma_start3A_93] : memref<2x64x768xf32, #tpu.memory_space<vmem>> -> memref<1x64x768xf32, #tpu.memory_space<vmem>>
      %dma_start3A_95 = tpu.memref_squeeze %dma_start3A_94 : memref<1x64x768xf32, #tpu.memory_space<vmem>> -> memref<64x768xf32, #tpu.memory_space<vmem>>
      %dma_start3A_96 = arith.constant 0 : i32
      %dma_start3A_97 = tpu.memref_slice %arg3[%dma_start3A_96, %mul3A_84] : memref<64x1000000xf32, #tpu.memory_space<hbm>> -> memref<64x768xf32, #tpu.memory_space<hbm>>
      tpu.enqueue_dma source(%dma_start3A_97 : memref<64x768xf32, #tpu.memory_space<hbm>>) target(%dma_start3A_95 : memref<64x768xf32, #tpu.memory_space<vmem>>) target_semaphore(%arg13 : memref<!tpu.dma_semaphore, #tpu.memory_space<semaphore_mem>>)
      %dma_wait3A_98 = arith.constant 0 : i32
      %dma_wait3A_99 = arith.constant 0 : i32
      %dma_wait3A_100 = arith.constant 0 : i32
      %dma_wait3A_101 = tpu.memref_slice %arg11[%dma_wait3A_98, %dma_wait3A_99, %dma_wait3A_100] : memref<2x64x768xf32, #tpu.memory_space<vmem>> -> memref<1x64x768xf32, #tpu.memory_space<vmem>>
      %dma_wait3A_102 = tpu.memref_squeeze %dma_wait3A_101 : memref<1x64x768xf32, #tpu.memory_space<vmem>> -> memref<64x768xf32, #tpu.memory_space<vmem>>
      %dma_wait3A_103 = arith.constant 0 : i32
      %dma_wait3A_104 = arith.constant 0 : i32
      %dma_wait3A_105 = tpu.memref_slice %arg3[%dma_wait3A_103, %dma_wait3A_104] : memref<64x1000000xf32, #tpu.memory_space<hbm>> -> memref<64x768xf32, #tpu.memory_space<hbm>>
      %dma_wait3A_106 = arith.constant 0 : i32
      %dma_wait3A_107 = arith.constant 0 : i32
      %dma_wait3A_108 = tpu.memref_slice %arg11[%dma_wait3A_98, %dma_wait3A_106, %dma_wait3A_107] : memref<2x64x768xf32, #tpu.memory_space<vmem>> -> memref<1x64x768xf32, #tpu.memory_space<vmem>>
      %dma_wait3A_109 = tpu.memref_squeeze %dma_wait3A_108 : memref<1x64x768xf32, #tpu.memory_space<vmem>> -> memref<64x768xf32, #tpu.memory_space<vmem>>
      %dma_wait3A_110 = arith.constant 0 : i32
      %dma_wait3A_111 = arith.constant 0 : i32
      %dma_wait3A_112 = tpu.memref_slice %arg3[%dma_wait3A_110, %dma_wait3A_111] : memref<64x1000000xf32, #tpu.memory_space<hbm>> -> memref<64x768xf32, #tpu.memory_space<hbm>>
      tpu.wait_dma2 semaphore(%arg12 : memref<!tpu.dma_semaphore, #tpu.memory_space<semaphore_mem>>) src(%dma_wait3A_112 : memref<64x768xf32, #tpu.memory_space<hbm>>) dst(%dma_wait3A_109 : memref<64x768xf32, #tpu.memory_space<vmem>>)
      %mul3A_113 = arith.constant 6 : i32
      %mul3A_114 = arith.muli %add3A_72, %mul3A_113 : i32
      %add3A_115 = arith.addi %mul3A_114, %mul3A_2 : i32
      %min3A_116 = arith.constant 7807 : i32
      %min3A_117 = arith.minsi %add3A_115, %min3A_116 : i32
      %broadcast_in_dim3A_118 = vector.broadcast %add3A_115 : i32 to vector<16xi32>
      %add3A_119 = arith.constant 6 : i32
      %add3A_120 = arith.addi %add3A_115, %add3A_119 : i32
      %broadcast_in_dim3A_121 = vector.broadcast %add3A_120 : i32 to vector<16xi32>
      %broadcast_in_dim3A_122 = arith.constant 0 : i32
      %broadcast_in_dim3A_123 = vector.broadcast %broadcast_in_dim3A_122 : i32 to vector<16xi32>
      %get3A = arith.constant 0 : index
      %get3A_124 = tpu.vector_load %arg6[%get3A] {strides = array<i32>} : memref<640xi32, #tpu.memory_space<vmem>>, vector<16xi32>,
      %shift_right_logical3A = arith.constant 7 : i32
      %shift_right_logical3A_125 = vector.broadcast %shift_right_logical3A : i32 to vector<16xi32>
      %shift_right_logical3A_126 = arith.shrui %get3A_124, %shift_right_logical3A_125 : vector<16xi32>
      %broadcast_in_dim3A_127 = arith.constant 0 : i32
      %broadcast_in_dim3A_128 = vector.broadcast %broadcast_in_dim3A_127 : i32 to vector<16xi32>
      %iota3A = tpu.iota {dimensions = array<i32: 0>} : vector<16xi32>
      %add3A_129 = arith.addi %broadcast_in_dim3A_128, %iota3A : vector<16xi32>
      %lt3A = arith.cmpi slt, %add3A_129, %scan3A_28 : vector<16xi32>
      %ge3A = arith.cmpi sge, %shift_right_logical3A_126, %broadcast_in_dim3A_118 : vector<16xi32>
      %lt3A_130 = arith.cmpi slt, %shift_right_logical3A_126, %broadcast_in_dim3A_121 : vector<16xi32>
      %and3A = arith.andi %ge3A, %lt3A_130 : vector<16xi1>
      %and3A_131 = arith.andi %lt3A, %and3A : vector<16xi1>
      %convert_element_type3A = arith.extui %and3A_131 : vector<16xi1> to vector<16xi32>
      %broadcast_in_dim3A_132 = arith.constant true
      %broadcast_in_dim3A_133 = vector.broadcast %broadcast_in_dim3A_132 : i1 to vector<16xi1>
      %masked_cumsum3A = tpu.scan <sum>, %convert_element_type3A masked %broadcast_in_dim3A_133 : vector<16xi32>, vector<16xi1> -> vector<16xi32>
      %add3A_134 = arith.addi %broadcast_in_dim3A_123, %masked_cumsum3A : vector<16xi32>
      %sub3A_135 = arith.subi %add3A_134, %convert_element_type3A : vector<16xi32>
      %lt3A_136 = arith.constant 64 : i32
      %lt3A_137 = vector.broadcast %lt3A_136 : i32 to vector<16xi32>
      %lt3A_138 = arith.cmpi slt, %sub3A_135, %lt3A_137 : vector<16xi32>
      %and3A_139 = arith.andi %and3A_131, %lt3A_138 : vector<16xi1>
      tpu.vector_store_idx %arg8[%sub3A_135], %get3A_124 masked %and3A_139 : memref<64xi32, #tpu.memory_space<vmem>>[vector<16xi32>], vector<16xi32>, vector<16xi1>
      %get3A_140 = arith.constant 0 : index
      %get3A_141 = tpu.vector_load %arg7[%get3A_140] {strides = array<i32>} : memref<640xi32, #tpu.memory_space<vmem>>, vector<16xi32>,
      tpu.vector_store_idx %arg9[%sub3A_135], %get3A_141 masked %and3A_139 : memref<64xi32, #tpu.memory_space<vmem>>[vector<16xi32>], vector<16xi32>, vector<16xi1>
      %all_reduce_population_count3A = tpu.all_reduce %and3A_131 {dim = 0 : i64, kind = #tpu.reduction_kind<sum>} : vector<16xi1> -> vector<16xi32>
      %add3A_142 = arith.addi %broadcast_in_dim3A_123, %all_reduce_population_count3A : vector<16xi32>
      %get3A_143 = arith.constant 16 : index
      %get3A_144 = tpu.vector_load %arg6[%get3A_143] {strides = array<i32>} : memref<640xi32, #tpu.memory_space<vmem>>, vector<16xi32>,
      %shift_right_logical3A_145 = arith.constant 7 : i32
      %shift_right_logical3A_146 = vector.broadcast %shift_right_logical3A_145 : i32 to vector<16xi32>
      %shift_right_logical3A_147 = arith.shrui %get3A_144, %shift_right_logical3A_146 : vector<16xi32>
      %broadcast_in_dim3A_148 = arith.constant 16 : i32
      %broadcast_in_dim3A_149 = vector.broadcast %broadcast_in_dim3A_148 : i32 to vector<16xi32>
      %iota3A_150 = tpu.iota {dimensions = array<i32: 0>} : vector<16xi32>
      %add3A_151 = arith.addi %broadcast_in_dim3A_149, %iota3A_150 : vector<16xi32>
      %lt3A_152 = arith.cmpi slt, %add3A_151, %scan3A_28 : vector<16xi32>
      %ge3A_153 = arith.cmpi sge, %shift_right_logical3A_147, %broadcast_in_dim3A_118 : vector<16xi32>
      %lt3A_154 = arith.cmpi slt, %shift_right_logical3A_147, %broadcast_in_dim3A_121 : vector<16xi32>
      %and3A_155 = arith.andi %ge3A_153, %lt3A_154 : vector<16xi1>
      %and3A_156 = arith.andi %lt3A_152, %and3A_155 : vector<16xi1>
      %convert_element_type3A_157 = arith.extui %and3A_156 : vector<16xi1> to vector<16xi32>
      %broadcast_in_dim3A_158 = arith.constant true
      %broadcast_in_dim3A_159 = vector.broadcast %broadcast_in_dim3A_158 : i1 to vector<16xi1>
      %masked_cumsum3A_160 = tpu.scan <sum>, %convert_element_type3A_157 masked %broadcast_in_dim3A_159 : vector<16xi32>, vector<16xi1> -> vector<16xi32>
      %add3A_161 = arith.addi %add3A_142, %masked_cumsum3A_160 : vector<16xi32>
      %sub3A_162 = arith.subi %add3A_161, %convert_element_type3A_157 : vector<16xi32>
      %lt3A_163 = arith.constant 64 : i32
      %lt3A_164 = vector.broadcast %lt3A_163 : i32 to vector<16xi32>
      %lt3A_165 = arith.cmpi slt, %sub3A_162, %lt3A_164 : vector<16xi32>
      %and3A_166 = arith.andi %and3A_156, %lt3A_165 : vector<16xi1>
      tpu.vector_store_idx %arg8[%sub3A_162], %get3A_144 masked %and3A_166 : memref<64xi32, #tpu.memory_space<vmem>>[vector<16xi32>], vector<16xi32>, vector<16xi1>
      %get3A_167 = arith.constant 16 : index
      %get3A_168 = tpu.vector_load %arg7[%get3A_167] {strides = array<i32>} : memref<640xi32, #tpu.memory_space<vmem>>, vector<16xi32>,
      tpu.vector_store_idx %arg9[%sub3A_162], %get3A_168 masked %and3A_166 : memref<64xi32, #tpu.memory_space<vmem>>[vector<16xi32>], vector<16xi32>, vector<16xi1>
      %all_reduce_population_count3A_169 = tpu.all_reduce %and3A_156 {dim = 0 : i64, kind = #tpu.reduction_kind<sum>} : vector<16xi1> -> vector<16xi32>
      %add3A_170 = arith.addi %add3A_142, %all_reduce_population_count3A_169 : vector<16xi32>
      %get3A_171 = arith.constant 32 : index
      %get3A_172 = tpu.vector_load %arg6[%get3A_171] {strides = array<i32>} : memref<640xi32, #tpu.memory_space<vmem>>, vector<16xi32>,
      %shift_right_logical3A_173 = arith.constant 7 : i32
      %shift_right_logical3A_174 = vector.broadcast %shift_right_logical3A_173 : i32 to vector<16xi32>
      %shift_right_logical3A_175 = arith.shrui %get3A_172, %shift_right_logical3A_174 : vector<16xi32>
      %broadcast_in_dim3A_176 = arith.constant 32 : i32
      %broadcast_in_dim3A_177 = vector.broadcast %broadcast_in_dim3A_176 : i32 to vector<16xi32>
      %iota3A_178 = tpu.iota {dimensions = array<i32: 0>} : vector<16xi32>
      %add3A_179 = arith.addi %broadcast_in_dim3A_177, %iota3A_178 : vector<16xi32>
      %lt3A_180 = arith.cmpi slt, %add3A_179, %scan3A_28 : vector<16xi32>
      %ge3A_181 = arith.cmpi sge, %shift_right_logical3A_175, %broadcast_in_dim3A_118 : vector<16xi32>
      %lt3A_182 = arith.cmpi slt, %shift_right_logical3A_175, %broadcast_in_dim3A_121 : vector<16xi32>
      %and3A_183 = arith.andi %ge3A_181, %lt3A_182 : vector<16xi1>
      %and3A_184 = arith.andi %lt3A_180, %and3A_183 : vector<16xi1>
      %convert_element_type3A_185 = arith.extui %and3A_184 : vector<16xi1> to vector<16xi32>
      %broadcast_in_dim3A_186 = arith.constant true
      %broadcast_in_dim3A_187 = vector.broadcast %broadcast_in_dim3A_186 : i1 to vector<16xi1>
      %masked_cumsum3A_188 = tpu.scan <sum>, %convert_element_type3A_185 masked %broadcast_in_dim3A_187 : vector<16xi32>, vector<16xi1> -> vector<16xi32>
      %add3A_189 = arith.addi %add3A_170, %masked_cumsum3A_188 : vector<16xi32>
      %sub3A_190 = arith.subi %add3A_189, %convert_element_type3A_185 : vector<16xi32>
      %lt3A_191 = arith.constant 64 : i32
      %lt3A_192 = vector.broadcast %lt3A_191 : i32 to vector<16xi32>
      %lt3A_193 = arith.cmpi slt, %sub3A_190, %lt3A_192 : vector<16xi32>
      %and3A_194 = arith.andi %and3A_184, %lt3A_193 : vector<16xi1>
      tpu.vector_store_idx %arg8[%sub3A_190], %get3A_172 masked %and3A_194 : memref<64xi32, #tpu.memory_space<vmem>>[vector<16xi32>], vector<16xi32>, vector<16xi1>
      %get3A_195 = arith.constant 32 : index
      %get3A_196 = tpu.vector_load %arg7[%get3A_195] {strides = array<i32>} : memref<640xi32, #tpu.memory_space<vmem>>, vector<16xi32>,
      tpu.vector_store_idx %arg9[%sub3A_190], %get3A_196 masked %and3A_194 : memref<64xi32, #tpu.memory_space<vmem>>[vector<16xi32>], vector<16xi32>, vector<16xi1>
      %all_reduce_population_count3A_197 = tpu.all_reduce %and3A_184 {dim = 0 : i64, kind = #tpu.reduction_kind<sum>} : vector<16xi1> -> vector<16xi32>
      %add3A_198 = arith.addi %add3A_170, %all_reduce_population_count3A_197 : vector<16xi32>
      %get3A_199 = arith.constant 48 : index
      %get3A_200 = tpu.vector_load %arg6[%get3A_199] {strides = array<i32>} : memref<640xi32, #tpu.memory_space<vmem>>, vector<16xi32>,
      %shift_right_logical3A_201 = arith.constant 7 : i32
      %shift_right_logical3A_202 = vector.broadcast %shift_right_logical3A_201 : i32 to vector<16xi32>
      %shift_right_logical3A_203 = arith.shrui %get3A_200, %shift_right_logical3A_202 : vector<16xi32>
      %broadcast_in_dim3A_204 = arith.constant 48 : i32
      %broadcast_in_dim3A_205 = vector.broadcast %broadcast_in_dim3A_204 : i32 to vector<16xi32>
      %iota3A_206 = tpu.iota {dimensions = array<i32: 0>} : vector<16xi32>
      %add3A_207 = arith.addi %broadcast_in_dim3A_205, %iota3A_206 : vector<16xi32>
      %lt3A_208 = arith.cmpi slt, %add3A_207, %scan3A_28 : vector<16xi32>
      %ge3A_209 = arith.cmpi sge, %shift_right_logical3A_203, %broadcast_in_dim3A_118 : vector<16xi32>
      %lt3A_210 = arith.cmpi slt, %shift_right_logical3A_203, %broadcast_in_dim3A_121 : vector<16xi32>
      %and3A_211 = arith.andi %ge3A_209, %lt3A_210 : vector<16xi1>
      %and3A_212 = arith.andi %lt3A_208, %and3A_211 : vector<16xi1>
      %convert_element_type3A_213 = arith.extui %and3A_212 : vector<16xi1> to vector<16xi32>
      %broadcast_in_dim3A_214 = arith.constant true
      %broadcast_in_dim3A_215 = vector.broadcast %broadcast_in_dim3A_214 : i1 to vector<16xi1>
      %masked_cumsum3A_216 = tpu.scan <sum>, %convert_element_type3A_213 masked %broadcast_in_dim3A_215 : vector<16xi32>, vector<16xi1> -> vector<16xi32>
      %add3A_217 = arith.addi %add3A_198, %masked_cumsum3A_216 : vector<16xi32>
      %sub3A_218 = arith.subi %add3A_217, %convert_element_type3A_213 : vector<16xi32>
      %lt3A_219 = arith.constant 64 : i32
      %lt3A_220 = vector.broadcast %lt3A_219 : i32 to vector<16xi32>
      %lt3A_221 = arith.cmpi slt, %sub3A_218, %lt3A_220 : vector<16xi32>
      %and3A_222 = arith.andi %and3A_212, %lt3A_221 : vector<16xi1>
      tpu.vector_store_idx %arg8[%sub3A_218], %get3A_200 masked %and3A_222 : memref<64xi32, #tpu.memory_space<vmem>>[vector<16xi32>], vector<16xi32>, vector<16xi1>
      %get3A_223 = arith.constant 48 : index
      %get3A_224 = tpu.vector_load %arg7[%get3A_223] {strides = array<i32>} : memref<640xi32, #tpu.memory_space<vmem>>, vector<16xi32>,
      tpu.vector_store_idx %arg9[%sub3A_218], %get3A_224 masked %and3A_222 : memref<64xi32, #tpu.memory_space<vmem>>[vector<16xi32>], vector<16xi32>, vector<16xi1>
      %all_reduce_population_count3A_225 = tpu.all_reduce %and3A_212 {dim = 0 : i64, kind = #tpu.reduction_kind<sum>} : vector<16xi1> -> vector<16xi32>
      %add3A_226 = arith.addi %add3A_198, %all_reduce_population_count3A_225 : vector<16xi32>
      %get3A_227 = arith.constant 64 : index
      %get3A_228 = tpu.vector_load %arg6[%get3A_227] {strides = array<i32>} : memref<640xi32, #tpu.memory_space<vmem>>, vector<16xi32>,
      %shift_right_logical3A_229 = arith.constant 7 : i32
      %shift_right_logical3A_230 = vector.broadcast %shift_right_logical3A_229 : i32 to vector<16xi32>
      %shift_right_logical3A_231 = arith.shrui %get3A_228, %shift_right_logical3A_230 : vector<16xi32>
      %broadcast_in_dim3A_232 = arith.constant 64 : i32
      %broadcast_in_dim3A_233 = vector.broadcast %broadcast_in_dim3A_232 : i32 to vector<16xi32>
      %iota3A_234 = tpu.iota {dimensions = array<i32: 0>} : vector<16xi32>
      %add3A_235 = arith.addi %broadcast_in_dim3A_233, %iota3A_234 : vector<16xi32>
      %lt3A_236 = arith.cmpi slt, %add3A_235, %scan3A_28 : vector<16xi32>
      %ge3A_237 = arith.cmpi sge, %shift_right_logical3A_231, %broadcast_in_dim3A_118 : vector<16xi32>
      %lt3A_238 = arith.cmpi slt, %shift_right_logical3A_231, %broadcast_in_dim3A_121 : vector<16xi32>
      %and3A_239 = arith.andi %ge3A_237, %lt3A_238 : vector<16xi1>
      %and3A_240 = arith.andi %lt3A_236, %and3A_239 : vector<16xi1>
      %convert_element_type3A_241 = arith.extui %and3A_240 : vector<16xi1> to vector<16xi32>
      %broadcast_in_dim3A_242 = arith.constant true
      %broadcast_in_dim3A_243 = vector.broadcast %broadcast_in_dim3A_242 : i1 to vector<16xi1>
      %masked_cumsum3A_244 = tpu.scan <sum>, %convert_element_type3A_241 masked %broadcast_in_dim3A_243 : vector<16xi32>, vector<16xi1> -> vector<16xi32>
      %add3A_245 = arith.addi %add3A_226, %masked_cumsum3A_244 : vector<16xi32>
      %sub3A_246 = arith.subi %add3A_245, %convert_element_type3A_241 : vector<16xi32>
      %lt3A_247 = arith.constant 64 : i32
      %lt3A_248 = vector.broadcast %lt3A_247 : i32 to vector<16xi32>
      %lt3A_249 = arith.cmpi slt, %sub3A_246, %lt3A_248 : vector<16xi32>
      %and3A_250 = arith.andi %and3A_240, %lt3A_249 : vector<16xi1>
      tpu.vector_store_idx %arg8[%sub3A_246], %get3A_228 masked %and3A_250 : memref<64xi32, #tpu.memory_space<vmem>>[vector<16xi32>], vector<16xi32>, vector<16xi1>
      %get3A_251 = arith.constant 64 : index
      %get3A_252 = tpu.vector_load %arg7[%get3A_251] {strides = array<i32>} : memref<640xi32, #tpu.memory_space<vmem>>, vector<16xi32>,
      tpu.vector_store_idx %arg9[%sub3A_246], %get3A_252 masked %and3A_250 : memref<64xi32, #tpu.memory_space<vmem>>[vector<16xi32>], vector<16xi32>, vector<16xi1>
      %all_reduce_population_count3A_253 = tpu.all_reduce %and3A_240 {dim = 0 : i64, kind = #tpu.reduction_kind<sum>} : vector<16xi1> -> vector<16xi32>
      %add3A_254 = arith.addi %add3A_226, %all_reduce_population_count3A_253 : vector<16xi32>
      %get3A_255 = arith.constant 80 : index
      %get3A_256 = tpu.vector_load %arg6[%get3A_255] {strides = array<i32>} : memref<640xi32, #tpu.memory_space<vmem>>, vector<16xi32>,
      %shift_right_logical3A_257 = arith.constant 7 : i32
      %shift_right_logical3A_258 = vector.broadcast %shift_right_logical3A_257 : i32 to vector<16xi32>
      %shift_right_logical3A_259 = arith.shrui %get3A_256, %shift_right_logical3A_258 : vector<16xi32>
      %broadcast_in_dim3A_260 = arith.constant 80 : i32
      %broadcast_in_dim3A_261 = vector.broadcast %broadcast_in_dim3A_260 : i32 to vector<16xi32>
      %iota3A_262 = tpu.iota {dimensions = array<i32: 0>} : vector<16xi32>
      %add3A_263 = arith.addi %broadcast_in_dim3A_261, %iota3A_262 : vector<16xi32>
      %lt3A_264 = arith.cmpi slt, %add3A_263, %scan3A_28 : vector<16xi32>
      %ge3A_265 = arith.cmpi sge, %shift_right_logical3A_259, %broadcast_in_dim3A_118 : vector<16xi32>
      %lt3A_266 = arith.cmpi slt, %shift_right_logical3A_259, %broadcast_in_dim3A_121 : vector<16xi32>
      %and3A_267 = arith.andi %ge3A_265, %lt3A_266 : vector<16xi1>
      %and3A_268 = arith.andi %lt3A_264, %and3A_267 : vector<16xi1>
      %convert_element_type3A_269 = arith.extui %and3A_268 : vector<16xi1> to vector<16xi32>
      %broadcast_in_dim3A_270 = arith.constant true
      %broadcast_in_dim3A_271 = vector.broadcast %broadcast_in_dim3A_270 : i1 to vector<16xi1>
      %masked_cumsum3A_272 = tpu.scan <sum>, %convert_element_type3A_269 masked %broadcast_in_dim3A_271 : vector<16xi32>, vector<16xi1> -> vector<16xi32>
      %add3A_273 = arith.addi %add3A_254, %masked_cumsum3A_272 : vector<16xi32>
      %sub3A_274 = arith.subi %add3A_273, %convert_element_type3A_269 : vector<16xi32>
      %lt3A_275 = arith.constant 64 : i32
      %lt3A_276 = vector.broadcast %lt3A_275 : i32 to vector<16xi32>
      %lt3A_277 = arith.cmpi slt, %sub3A_274, %lt3A_276 : vector<16xi32>
      %and3A_278 = arith.andi %and3A_268, %lt3A_277 : vector<16xi1>
      tpu.vector_store_idx %arg8[%sub3A_274], %get3A_256 masked %and3A_278 : memref<64xi32, #tpu.memory_space<vmem>>[vector<16xi32>], vector<16xi32>, vector<16xi1>
      %get3A_279 = arith.constant 80 : index
      %get3A_280 = tpu.vector_load %arg7[%get3A_279] {strides = array<i32>} : memref<640xi32, #tpu.memory_space<vmem>>, vector<16xi32>,
      tpu.vector_store_idx %arg9[%sub3A_274], %get3A_280 masked %and3A_278 : memref<64xi32, #tpu.memory_space<vmem>>[vector<16xi32>], vector<16xi32>, vector<16xi1>
      %all_reduce_population_count3A_281 = tpu.all_reduce %and3A_268 {dim = 0 : i64, kind = #tpu.reduction_kind<sum>} : vector<16xi1> -> vector<16xi32>
      %add3A_282 = arith.addi %add3A_254, %all_reduce_population_count3A_281 : vector<16xi32>
      %get3A_283 = arith.constant 96 : index
      %get3A_284 = tpu.vector_load %arg6[%get3A_283] {strides = array<i32>} : memref<640xi32, #tpu.memory_space<vmem>>, vector<16xi32>,
      %shift_right_logical3A_285 = arith.constant 7 : i32
      %shift_right_logical3A_286 = vector.broadcast %shift_right_logical3A_285 : i32 to vector<16xi32>
      %shift_right_logical3A_287 = arith.shrui %get3A_284, %shift_right_logical3A_286 : vector<16xi32>
      %broadcast_in_dim3A_288 = arith.constant 96 : i32
      %broadcast_in_dim3A_289 = vector.broadcast %broadcast_in_dim3A_288 : i32 to vector<16xi32>
      %iota3A_290 = tpu.iota {dimensions = array<i32: 0>} : vector<16xi32>
      %add3A_291 = arith.addi %broadcast_in_dim3A_289, %iota3A_290 : vector<16xi32>
      %lt3A_292 = arith.cmpi slt, %add3A_291, %scan3A_28 : vector<16xi32>
      %ge3A_293 = arith.cmpi sge, %shift_right_logical3A_287, %broadcast_in_dim3A_118 : vector<16xi32>
      %lt3A_294 = arith.cmpi slt, %shift_right_logical3A_287, %broadcast_in_dim3A_121 : vector<16xi32>
      %and3A_295 = arith.andi %ge3A_293, %lt3A_294 : vector<16xi1>
      %and3A_296 = arith.andi %lt3A_292, %and3A_295 : vector<16xi1>
      %convert_element_type3A_297 = arith.extui %and3A_296 : vector<16xi1> to vector<16xi32>
      %broadcast_in_dim3A_298 = arith.constant true
      %broadcast_in_dim3A_299 = vector.broadcast %broadcast_in_dim3A_298 : i1 to vector<16xi1>
      %masked_cumsum3A_300 = tpu.scan <sum>, %convert_element_type3A_297 masked %broadcast_in_dim3A_299 : vector<16xi32>, vector<16xi1> -> vector<16xi32>
      %add3A_301 = arith.addi %add3A_282, %masked_cumsum3A_300 : vector<16xi32>
      %sub3A_302 = arith.subi %add3A_301, %convert_element_type3A_297 : vector<16xi32>
      %lt3A_303 = arith.constant 64 : i32
      %lt3A_304 = vector.broadcast %lt3A_303 : i32 to vector<16xi32>
      %lt3A_305 = arith.cmpi slt, %sub3A_302, %lt3A_304 : vector<16xi32>
      %and3A_306 = arith.andi %and3A_296, %lt3A_305 : vector<16xi1>
      tpu.vector_store_idx %arg8[%sub3A_302], %get3A_284 masked %and3A_306 : memref<64xi32, #tpu.memory_space<vmem>>[vector<16xi32>], vector<16xi32>, vector<16xi1>
      %get3A_307 = arith.constant 96 : index
      %get3A_308 = tpu.vector_load %arg7[%get3A_307] {strides = array<i32>} : memref<640xi32, #tpu.memory_space<vmem>>, vector<16xi32>,
      tpu.vector_store_idx %arg9[%sub3A_302], %get3A_308 masked %and3A_306 : memref<64xi32, #tpu.memory_space<vmem>>[vector<16xi32>], vector<16xi32>, vector<16xi1>
      %all_reduce_population_count3A_309 = tpu.all_reduce %and3A_296 {dim = 0 : i64, kind = #tpu.reduction_kind<sum>} : vector<16xi1> -> vector<16xi32>
      %add3A_310 = arith.addi %add3A_282, %all_reduce_population_count3A_309 : vector<16xi32>
      %get3A_311 = arith.constant 112 : index
      %get3A_312 = tpu.vector_load %arg6[%get3A_311] {strides = array<i32>} : memref<640xi32, #tpu.memory_space<vmem>>, vector<16xi32>,
      %shift_right_logical3A_313 = arith.constant 7 : i32
      %shift_right_logical3A_314 = vector.broadcast %shift_right_logical3A_313 : i32 to vector<16xi32>
      %shift_right_logical3A_315 = arith.shrui %get3A_312, %shift_right_logical3A_314 : vector<16xi32>
      %broadcast_in_dim3A_316 = arith.constant 112 : i32
      %broadcast_in_dim3A_317 = vector.broadcast %broadcast_in_dim3A_316 : i32 to vector<16xi32>
      %iota3A_318 = tpu.iota {dimensions = array<i32: 0>} : vector<16xi32>
      %add3A_319 = arith.addi %broadcast_in_dim3A_317, %iota3A_318 : vector<16xi32>
      %lt3A_320 = arith.cmpi slt, %add3A_319, %scan3A_28 : vector<16xi32>
      %ge3A_321 = arith.cmpi sge, %shift_right_logical3A_315, %broadcast_in_dim3A_118 : vector<16xi32>
      %lt3A_322 = arith.cmpi slt, %shift_right_logical3A_315, %broadcast_in_dim3A_121 : vector<16xi32>
      %and3A_323 = arith.andi %ge3A_321, %lt3A_322 : vector<16xi1>
      %and3A_324 = arith.andi %lt3A_320, %and3A_323 : vector<16xi1>
      %convert_element_type3A_325 = arith.extui %and3A_324 : vector<16xi1> to vector<16xi32>
      %broadcast_in_dim3A_326 = arith.constant true
      %broadcast_in_dim3A_327 = vector.broadcast %broadcast_in_dim3A_326 : i1 to vector<16xi1>
      %masked_cumsum3A_328 = tpu.scan <sum>, %convert_element_type3A_325 masked %broadcast_in_dim3A_327 : vector<16xi32>, vector<16xi1> -> vector<16xi32>
      %add3A_329 = arith.addi %add3A_310, %masked_cumsum3A_328 : vector<16xi32>
      %sub3A_330 = arith.subi %add3A_329, %convert_element_type3A_325 : vector<16xi32>
      %lt3A_331 = arith.constant 64 : i32
      %lt3A_332 = vector.broadcast %lt3A_331 : i32 to vector<16xi32>
      %lt3A_333 = arith.cmpi slt, %sub3A_330, %lt3A_332 : vector<16xi32>
      %and3A_334 = arith.andi %and3A_324, %lt3A_333 : vector<16xi1>
      tpu.vector_store_idx %arg8[%sub3A_330], %get3A_312 masked %and3A_334 : memref<64xi32, #tpu.memory_space<vmem>>[vector<16xi32>], vector<16xi32>, vector<16xi1>
      %get3A_335 = arith.constant 112 : index
      %get3A_336 = tpu.vector_load %arg7[%get3A_335] {strides = array<i32>} : memref<640xi32, #tpu.memory_space<vmem>>, vector<16xi32>,
      tpu.vector_store_idx %arg9[%sub3A_330], %get3A_336 masked %and3A_334 : memref<64xi32, #tpu.memory_space<vmem>>[vector<16xi32>], vector<16xi32>, vector<16xi1>
      %all_reduce_population_count3A_337 = tpu.all_reduce %and3A_324 {dim = 0 : i64, kind = #tpu.reduction_kind<sum>} : vector<16xi1> -> vector<16xi32>
      %add3A_338 = arith.addi %add3A_310, %all_reduce_population_count3A_337 : vector<16xi32>
      %get3A_339 = arith.constant 128 : index
      %get3A_340 = tpu.vector_load %arg6[%get3A_339] {strides = array<i32>} : memref<640xi32, #tpu.memory_space<vmem>>, vector<16xi32>,
      %shift_right_logical3A_341 = arith.constant 7 : i32
      %shift_right_logical3A_342 = vector.broadcast %shift_right_logical3A_341 : i32 to vector<16xi32>
      %shift_right_logical3A_343 = arith.shrui %get3A_340, %shift_right_logical3A_342 : vector<16xi32>
      %broadcast_in_dim3A_344 = arith.constant 128 : i32
      %broadcast_in_dim3A_345 = vector.broadcast %broadcast_in_dim3A_344 : i32 to vector<16xi32>
      %iota3A_346 = tpu.iota {dimensions = array<i32: 0>} : vector<16xi32>
      %add3A_347 = arith.addi %broadcast_in_dim3A_345, %iota3A_346 : vector<16xi32>
      %lt3A_348 = arith.cmpi slt, %add3A_347, %scan3A_28 : vector<16xi32>
      %ge3A_349 = arith.cmpi sge, %shift_right_logical3A_343, %broadcast_in_dim3A_118 : vector<16xi32>
      %lt3A_350 = arith.cmpi slt, %shift_right_logical3A_343, %broadcast_in_dim3A_121 : vector<16xi32>
      %and3A_351 = arith.andi %ge3A_349, %lt3A_350 : vector<16xi1>
      %and3A_352 = arith.andi %lt3A_348, %and3A_351 : vector<16xi1>
      %convert_element_type3A_353 = arith.extui %and3A_352 : vector<16xi1> to vector<16xi32>
      %broadcast_in_dim3A_354 = arith.constant true
      %broadcast_in_dim3A_355 = vector.broadcast %broadcast_in_dim3A_354 : i1 to vector<16xi1>
      %masked_cumsum3A_356 = tpu.scan <sum>, %convert_element_type3A_353 masked %broadcast_in_dim3A_355 : vector<16xi32>, vector<16xi1> -> vector<16xi32>
      %add3A_357 = arith.addi %add3A_338, %masked_cumsum3A_356 : vector<16xi32>
      %sub3A_358 = arith.subi %add3A_357, %convert_element_type3A_353 : vector<16xi32>
      %lt3A_359 = arith.constant 64 : i32
      %lt3A_360 = vector.broadcast %lt3A_359 : i32 to vector<16xi32>
      %lt3A_361 = arith.cmpi slt, %sub3A_358, %lt3A_360 : vector<16xi32>
      %and3A_362 = arith.andi %and3A_352, %lt3A_361 : vector<16xi1>
      tpu.vector_store_idx %arg8[%sub3A_358], %get3A_340 masked %and3A_362 : memref<64xi32, #tpu.memory_space<vmem>>[vector<16xi32>], vector<16xi32>, vector<16xi1>
      %get3A_363 = arith.constant 128 : index
      %get3A_364 = tpu.vector_load %arg7[%get3A_363] {strides = array<i32>} : memref<640xi32, #tpu.memory_space<vmem>>, vector<16xi32>,
      tpu.vector_store_idx %arg9[%sub3A_358], %get3A_364 masked %and3A_362 : memref<64xi32, #tpu.memory_space<vmem>>[vector<16xi32>], vector<16xi32>, vector<16xi1>
      %all_reduce_population_count3A_365 = tpu.all_reduce %and3A_352 {dim = 0 : i64, kind = #tpu.reduction_kind<sum>} : vector<16xi1> -> vector<16xi32>
      %add3A_366 = arith.addi %add3A_338, %all_reduce_population_count3A_365 : vector<16xi32>
      %get3A_367 = arith.constant 144 : index
      %get3A_368 = tpu.vector_load %arg6[%get3A_367] {strides = array<i32>} : memref<640xi32, #tpu.memory_space<vmem>>, vector<16xi32>,
      %shift_right_logical3A_369 = arith.constant 7 : i32
      %shift_right_logical3A_370 = vector.broadcast %shift_right_logical3A_369 : i32 to vector<16xi32>
      %shift_right_logical3A_371 = arith.shrui %get3A_368, %shift_right_logical3A_370 : vector<16xi32>
      %broadcast_in_dim3A_372 = arith.constant 144 : i32
      %broadcast_in_dim3A_373 = vector.broadcast %broadcast_in_dim3A_372 : i32 to vector<16xi32>
      %iota3A_374 = tpu.iota {dimensions = array<i32: 0>} : vector<16xi32>
      %add3A_375 = arith.addi %broadcast_in_dim3A_373, %iota3A_374 : vector<16xi32>
      %lt3A_376 = arith.cmpi slt, %add3A_375, %scan3A_28 : vector<16xi32>
      %ge3A_377 = arith.cmpi sge, %shift_right_logical3A_371, %broadcast_in_dim3A_118 : vector<16xi32>
      %lt3A_378 = arith.cmpi slt, %shift_right_logical3A_371, %broadcast_in_dim3A_121 : vector<16xi32>
      %and3A_379 = arith.andi %ge3A_377, %lt3A_378 : vector<16xi1>
      %and3A_380 = arith.andi %lt3A_376, %and3A_379 : vector<16xi1>
      %convert_element_type3A_381 = arith.extui %and3A_380 : vector<16xi1> to vector<16xi32>
      %broadcast_in_dim3A_382 = arith.constant true
      %broadcast_in_dim3A_383 = vector.broadcast %broadcast_in_dim3A_382 : i1 to vector<16xi1>
      %masked_cumsum3A_384 = tpu.scan <sum>, %convert_element_type3A_381 masked %broadcast_in_dim3A_383 : vector<16xi32>, vector<16xi1> -> vector<16xi32>
      %add3A_385 = arith.addi %add3A_366, %masked_cumsum3A_384 : vector<16xi32>
      %sub3A_386 = arith.subi %add3A_385, %convert_element_type3A_381 : vector<16xi32>
      %lt3A_387 = arith.constant 64 : i32
      %lt3A_388 = vector.broadcast %lt3A_387 : i32 to vector<16xi32>
      %lt3A_389 = arith.cmpi slt, %sub3A_386, %lt3A_388 : vector<16xi32>
      %and3A_390 = arith.andi %and3A_380, %lt3A_389 : vector<16xi1>
      tpu.vector_store_idx %arg8[%sub3A_386], %get3A_368 masked %and3A_390 : memref<64xi32, #tpu.memory_space<vmem>>[vector<16xi32>], vector<16xi32>, vector<16xi1>
      %get3A_391 = arith.constant 144 : index
      %get3A_392 = tpu.vector_load %arg7[%get3A_391] {strides = array<i32>} : memref<640xi32, #tpu.memory_space<vmem>>, vector<16xi32>,
      tpu.vector_store_idx %arg9[%sub3A_386], %get3A_392 masked %and3A_390 : memref<64xi32, #tpu.memory_space<vmem>>[vector<16xi32>], vector<16xi32>, vector<16xi1>
      %all_reduce_population_count3A_393 = tpu.all_reduce %and3A_380 {dim = 0 : i64, kind = #tpu.reduction_kind<sum>} : vector<16xi1> -> vector<16xi32>
      %add3A_394 = arith.addi %add3A_366, %all_reduce_population_count3A_393 : vector<16xi32>
      %get3A_395 = arith.constant 160 : index
      %get3A_396 = tpu.vector_load %arg6[%get3A_395] {strides = array<i32>} : memref<640xi32, #tpu.memory_space<vmem>>, vector<16xi32>,
      %shift_right_logical3A_397 = arith.constant 7 : i32
      %shift_right_logical3A_398 = vector.broadcast %shift_right_logical3A_397 : i32 to vector<16xi32>
      %shift_right_logical3A_399 = arith.shrui %get3A_396, %shift_right_logical3A_398 : vector<16xi32>
      %broadcast_in_dim3A_400 = arith.constant 160 : i32
      %broadcast_in_dim3A_401 = vector.broadcast %broadcast_in_dim3A_400 : i32 to vector<16xi32>
      %iota3A_402 = tpu.iota {dimensions = array<i32: 0>} : vector<16xi32>
      %add3A_403 = arith.addi %broadcast_in_dim3A_401, %iota3A_402 : vector<16xi32>
      %lt3A_404 = arith.cmpi slt, %add3A_403, %scan3A_28 : vector<16xi32>
      %ge3A_405 = arith.cmpi sge, %shift_right_logical3A_399, %broadcast_in_dim3A_118 : vector<16xi32>
      %lt3A_406 = arith.cmpi slt, %shift_right_logical3A_399, %broadcast_in_dim3A_121 : vector<16xi32>
      %and3A_407 = arith.andi %ge3A_405, %lt3A_406 : vector<16xi1>
      %and3A_408 = arith.andi %lt3A_404, %and3A_407 : vector<16xi1>
      %convert_element_type3A_409 = arith.extui %and3A_408 : vector<16xi1> to vector<16xi32>
      %broadcast_in_dim3A_410 = arith.constant true
      %broadcast_in_dim3A_411 = vector.broadcast %broadcast_in_dim3A_410 : i1 to vector<16xi1>
      %masked_cumsum3A_412 = tpu.scan <sum>, %convert_element_type3A_409 masked %broadcast_in_dim3A_411 : vector<16xi32>, vector<16xi1> -> vector<16xi32>
      %add3A_413 = arith.addi %add3A_394, %masked_cumsum3A_412 : vector<16xi32>
      %sub3A_414 = arith.subi %add3A_413, %convert_element_type3A_409 : vector<16xi32>
      %lt3A_415 = arith.constant 64 : i32
      %lt3A_416 = vector.broadcast %lt3A_415 : i32 to vector<16xi32>
      %lt3A_417 = arith.cmpi slt, %sub3A_414, %lt3A_416 : vector<16xi32>
      %and3A_418 = arith.andi %and3A_408, %lt3A_417 : vector<16xi1>
      tpu.vector_store_idx %arg8[%sub3A_414], %get3A_396 masked %and3A_418 : memref<64xi32, #tpu.memory_space<vmem>>[vector<16xi32>], vector<16xi32>, vector<16xi1>
      %get3A_419 = arith.constant 160 : index
      %get3A_420 = tpu.vector_load %arg7[%get3A_419] {strides = array<i32>} : memref<640xi32, #tpu.memory_space<vmem>>, vector<16xi32>,
      tpu.vector_store_idx %arg9[%sub3A_414], %get3A_420 masked %and3A_418 : memref<64xi32, #tpu.memory_space<vmem>>[vector<16xi32>], vector<16xi32>, vector<16xi1>
      %all_reduce_population_count3A_421 = tpu.all_reduce %and3A_408 {dim = 0 : i64, kind = #tpu.reduction_kind<sum>} : vector<16xi1> -> vector<16xi32>
      %add3A_422 = arith.addi %add3A_394, %all_reduce_population_count3A_421 : vector<16xi32>
      %get3A_423 = arith.constant 176 : index
      %get3A_424 = tpu.vector_load %arg6[%get3A_423] {strides = array<i32>} : memref<640xi32, #tpu.memory_space<vmem>>, vector<16xi32>,
      %shift_right_logical3A_425 = arith.constant 7 : i32
      %shift_right_logical3A_426 = vector.broadcast %shift_right_logical3A_425 : i32 to vector<16xi32>
      %shift_right_logical3A_427 = arith.shrui %get3A_424, %shift_right_logical3A_426 : vector<16xi32>
      %broadcast_in_dim3A_428 = arith.constant 176 : i32
      %broadcast_in_dim3A_429 = vector.broadcast %broadcast_in_dim3A_428 : i32 to vector<16xi32>
      %iota3A_430 = tpu.iota {dimensions = array<i32: 0>} : vector<16xi32>
      %add3A_431 = arith.addi %broadcast_in_dim3A_429, %iota3A_430 : vector<16xi32>
      %lt3A_432 = arith.cmpi slt, %add3A_431, %scan3A_28 : vector<16xi32>
      %ge3A_433 = arith.cmpi sge, %shift_right_logical3A_427, %broadcast_in_dim3A_118 : vector<16xi32>
      %lt3A_434 = arith.cmpi slt, %shift_right_logical3A_427, %broadcast_in_dim3A_121 : vector<16xi32>
      %and3A_435 = arith.andi %ge3A_433, %lt3A_434 : vector<16xi1>
      %and3A_436 = arith.andi %lt3A_432, %and3A_435 : vector<16xi1>
      %convert_element_type3A_437 = arith.extui %and3A_436 : vector<16xi1> to vector<16xi32>
      %broadcast_in_dim3A_438 = arith.constant true
      %broadcast_in_dim3A_439 = vector.broadcast %broadcast_in_dim3A_438 : i1 to vector<16xi1>
      %masked_cumsum3A_440 = tpu.scan <sum>, %convert_element_type3A_437 masked %broadcast_in_dim3A_439 : vector<16xi32>, vector<16xi1> -> vector<16xi32>
      %add3A_441 = arith.addi %add3A_422, %masked_cumsum3A_440 : vector<16xi32>
      %sub3A_442 = arith.subi %add3A_441, %convert_element_type3A_437 : vector<16xi32>
      %lt3A_443 = arith.constant 64 : i32
      %lt3A_444 = vector.broadcast %lt3A_443 : i32 to vector<16xi32>
      %lt3A_445 = arith.cmpi slt, %sub3A_442, %lt3A_444 : vector<16xi32>
      %and3A_446 = arith.andi %and3A_436, %lt3A_445 : vector<16xi1>
      tpu.vector_store_idx %arg8[%sub3A_442], %get3A_424 masked %and3A_446 : memref<64xi32, #tpu.memory_space<vmem>>[vector<16xi32>], vector<16xi32>, vector<16xi1>
      %get3A_447 = arith.constant 176 : index
      %get3A_448 = tpu.vector_load %arg7[%get3A_447] {strides = array<i32>} : memref<640xi32, #tpu.memory_space<vmem>>, vector<16xi32>,
      tpu.vector_store_idx %arg9[%sub3A_442], %get3A_448 masked %and3A_446 : memref<64xi32, #tpu.memory_space<vmem>>[vector<16xi32>], vector<16xi32>, vector<16xi1>
      %all_reduce_population_count3A_449 = tpu.all_reduce %and3A_436 {dim = 0 : i64, kind = #tpu.reduction_kind<sum>} : vector<16xi1> -> vector<16xi32>
      %add3A_450 = arith.addi %add3A_422, %all_reduce_population_count3A_449 : vector<16xi32>
      %get3A_451 = arith.constant 192 : index
      %get3A_452 = tpu.vector_load %arg6[%get3A_451] {strides = array<i32>} : memref<640xi32, #tpu.memory_space<vmem>>, vector<16xi32>,
      %shift_right_logical3A_453 = arith.constant 7 : i32
      %shift_right_logical3A_454 = vector.broadcast %shift_right_logical3A_453 : i32 to vector<16xi32>
      %shift_right_logical3A_455 = arith.shrui %get3A_452, %shift_right_logical3A_454 : vector<16xi32>
      %broadcast_in_dim3A_456 = arith.constant 192 : i32
      %broadcast_in_dim3A_457 = vector.broadcast %broadcast_in_dim3A_456 : i32 to vector<16xi32>
      %iota3A_458 = tpu.iota {dimensions = array<i32: 0>} : vector<16xi32>
      %add3A_459 = arith.addi %broadcast_in_dim3A_457, %iota3A_458 : vector<16xi32>
      %lt3A_460 = arith.cmpi slt, %add3A_459, %scan3A_28 : vector<16xi32>
      %ge3A_461 = arith.cmpi sge, %shift_right_logical3A_455, %broadcast_in_dim3A_118 : vector<16xi32>
      %lt3A_462 = arith.cmpi slt, %shift_right_logical3A_455, %broadcast_in_dim3A_121 : vector<16xi32>
      %and3A_463 = arith.andi %ge3A_461, %lt3A_462 : vector<16xi1>
      %and3A_464 = arith.andi %lt3A_460, %and3A_463 : vector<16xi1>
      %convert_element_type3A_465 = arith.extui %and3A_464 : vector<16xi1> to vector<16xi32>
      %broadcast_in_dim3A_466 = arith.constant true
      %broadcast_in_dim3A_467 = vector.broadcast %broadcast_in_dim3A_466 : i1 to vector<16xi1>
      %masked_cumsum3A_468 = tpu.scan <sum>, %convert_element_type3A_465 masked %broadcast_in_dim3A_467 : vector<16xi32>, vector<16xi1> -> vector<16xi32>
      %add3A_469 = arith.addi %add3A_450, %masked_cumsum3A_468 : vector<16xi32>
      %sub3A_470 = arith.subi %add3A_469, %convert_element_type3A_465 : vector<16xi32>
      %lt3A_471 = arith.constant 64 : i32
      %lt3A_472 = vector.broadcast %lt3A_471 : i32 to vector<16xi32>
      %lt3A_473 = arith.cmpi slt, %sub3A_470, %lt3A_472 : vector<16xi32>
      %and3A_474 = arith.andi %and3A_464, %lt3A_473 : vector<16xi1>
      tpu.vector_store_idx %arg8[%sub3A_470], %get3A_452 masked %and3A_474 : memref<64xi32, #tpu.memory_space<vmem>>[vector<16xi32>], vector<16xi32>, vector<16xi1>
      %get3A_475 = arith.constant 192 : index
      %get3A_476 = tpu.vector_load %arg7[%get3A_475] {strides = array<i32>} : memref<640xi32, #tpu.memory_space<vmem>>, vector<16xi32>,
      tpu.vector_store_idx %arg9[%sub3A_470], %get3A_476 masked %and3A_474 : memref<64xi32, #tpu.memory_space<vmem>>[vector<16xi32>], vector<16xi32>, vector<16xi1>
      %all_reduce_population_count3A_477 = tpu.all_reduce %and3A_464 {dim = 0 : i64, kind = #tpu.reduction_kind<sum>} : vector<16xi1> -> vector<16xi32>
      %add3A_478 = arith.addi %add3A_450, %all_reduce_population_count3A_477 : vector<16xi32>
      %get3A_479 = arith.constant 208 : index
      %get3A_480 = tpu.vector_load %arg6[%get3A_479] {strides = array<i32>} : memref<640xi32, #tpu.memory_space<vmem>>, vector<16xi32>,
      %shift_right_logical3A_481 = arith.constant 7 : i32
      %shift_right_logical3A_482 = vector.broadcast %shift_right_logical3A_481 : i32 to vector<16xi32>
      %shift_right_logical3A_483 = arith.shrui %get3A_480, %shift_right_logical3A_482 : vector<16xi32>
      %broadcast_in_dim3A_484 = arith.constant 208 : i32
      %broadcast_in_dim3A_485 = vector.broadcast %broadcast_in_dim3A_484 : i32 to vector<16xi32>
      %iota3A_486 = tpu.iota {dimensions = array<i32: 0>} : vector<16xi32>
      %add3A_487 = arith.addi %broadcast_in_dim3A_485, %iota3A_486 : vector<16xi32>
      %lt3A_488 = arith.cmpi slt, %add3A_487, %scan3A_28 : vector<16xi32>
      %ge3A_489 = arith.cmpi sge, %shift_right_logical3A_483, %broadcast_in_dim3A_118 : vector<16xi32>
      %lt3A_490 = arith.cmpi slt, %shift_right_logical3A_483, %broadcast_in_dim3A_121 : vector<16xi32>
      %and3A_491 = arith.andi %ge3A_489, %lt3A_490 : vector<16xi1>
      %and3A_492 = arith.andi %lt3A_488, %and3A_491 : vector<16xi1>
      %convert_element_type3A_493 = arith.extui %and3A_492 : vector<16xi1> to vector<16xi32>
      %broadcast_in_dim3A_494 = arith.constant true
      %broadcast_in_dim3A_495 = vector.broadcast %broadcast_in_dim3A_494 : i1 to vector<16xi1>
      %masked_cumsum3A_496 = tpu.scan <sum>, %convert_element_type3A_493 masked %broadcast_in_dim3A_495 : vector<16xi32>, vector<16xi1> -> vector<16xi32>
      %add3A_497 = arith.addi %add3A_478, %masked_cumsum3A_496 : vector<16xi32>
      %sub3A_498 = arith.subi %add3A_497, %convert_element_type3A_493 : vector<16xi32>
      %lt3A_499 = arith.constant 64 : i32
      %lt3A_500 = vector.broadcast %lt3A_499 : i32 to vector<16xi32>
      %lt3A_501 = arith.cmpi slt, %sub3A_498, %lt3A_500 : vector<16xi32>
      %and3A_502 = arith.andi %and3A_492, %lt3A_501 : vector<16xi1>
      tpu.vector_store_idx %arg8[%sub3A_498], %get3A_480 masked %and3A_502 : memref<64xi32, #tpu.memory_space<vmem>>[vector<16xi32>], vector<16xi32>, vector<16xi1>
      %get3A_503 = arith.constant 208 : index
      %get3A_504 = tpu.vector_load %arg7[%get3A_503] {strides = array<i32>} : memref<640xi32, #tpu.memory_space<vmem>>, vector<16xi32>,
      tpu.vector_store_idx %arg9[%sub3A_498], %get3A_504 masked %and3A_502 : memref<64xi32, #tpu.memory_space<vmem>>[vector<16xi32>], vector<16xi32>, vector<16xi1>
      %all_reduce_population_count3A_505 = tpu.all_reduce %and3A_492 {dim = 0 : i64, kind = #tpu.reduction_kind<sum>} : vector<16xi1> -> vector<16xi32>
      %add3A_506 = arith.addi %add3A_478, %all_reduce_population_count3A_505 : vector<16xi32>
      %get3A_507 = arith.constant 224 : index
      %get3A_508 = tpu.vector_load %arg6[%get3A_507] {strides = array<i32>} : memref<640xi32, #tpu.memory_space<vmem>>, vector<16xi32>,
      %shift_right_logical3A_509 = arith.constant 7 : i32
      %shift_right_logical3A_510 = vector.broadcast %shift_right_logical3A_509 : i32 to vector<16xi32>
      %shift_right_logical3A_511 = arith.shrui %get3A_508, %shift_right_logical3A_510 : vector<16xi32>
      %broadcast_in_dim3A_512 = arith.constant 224 : i32
      %broadcast_in_dim3A_513 = vector.broadcast %broadcast_in_dim3A_512 : i32 to vector<16xi32>
      %iota3A_514 = tpu.iota {dimensions = array<i32: 0>} : vector<16xi32>
      %add3A_515 = arith.addi %broadcast_in_dim3A_513, %iota3A_514 : vector<16xi32>
      %lt3A_516 = arith.cmpi slt, %add3A_515, %scan3A_28 : vector<16xi32>
      %ge3A_517 = arith.cmpi sge, %shift_right_logical3A_511, %broadcast_in_dim3A_118 : vector<16xi32>
      %lt3A_518 = arith.cmpi slt, %shift_right_logical3A_511, %broadcast_in_dim3A_121 : vector<16xi32>
      %and3A_519 = arith.andi %ge3A_517, %lt3A_518 : vector<16xi1>
      %and3A_520 = arith.andi %lt3A_516, %and3A_519 : vector<16xi1>
      %convert_element_type3A_521 = arith.extui %and3A_520 : vector<16xi1> to vector<16xi32>
      %broadcast_in_dim3A_522 = arith.constant true
      %broadcast_in_dim3A_523 = vector.broadcast %broadcast_in_dim3A_522 : i1 to vector<16xi1>
      %masked_cumsum3A_524 = tpu.scan <sum>, %convert_element_type3A_521 masked %broadcast_in_dim3A_523 : vector<16xi32>, vector<16xi1> -> vector<16xi32>
      %add3A_525 = arith.addi %add3A_506, %masked_cumsum3A_524 : vector<16xi32>
      %sub3A_526 = arith.subi %add3A_525, %convert_element_type3A_521 : vector<16xi32>
      %lt3A_527 = arith.constant 64 : i32
      %lt3A_528 = vector.broadcast %lt3A_527 : i32 to vector<16xi32>
      %lt3A_529 = arith.cmpi slt, %sub3A_526, %lt3A_528 : vector<16xi32>
      %and3A_530 = arith.andi %and3A_520, %lt3A_529 : vector<16xi1>
      tpu.vector_store_idx %arg8[%sub3A_526], %get3A_508 masked %and3A_530 : memref<64xi32, #tpu.memory_space<vmem>>[vector<16xi32>], vector<16xi32>, vector<16xi1>
      %get3A_531 = arith.constant 224 : index
      %get3A_532 = tpu.vector_load %arg7[%get3A_531] {strides = array<i32>} : memref<640xi32, #tpu.memory_space<vmem>>, vector<16xi32>,
      tpu.vector_store_idx %arg9[%sub3A_526], %get3A_532 masked %and3A_530 : memref<64xi32, #tpu.memory_space<vmem>>[vector<16xi32>], vector<16xi32>, vector<16xi1>
      %all_reduce_population_count3A_533 = tpu.all_reduce %and3A_520 {dim = 0 : i64, kind = #tpu.reduction_kind<sum>} : vector<16xi1> -> vector<16xi32>
      %add3A_534 = arith.addi %add3A_506, %all_reduce_population_count3A_533 : vector<16xi32>
      %get3A_535 = arith.constant 240 : index
      %get3A_536 = tpu.vector_load %arg6[%get3A_535] {strides = array<i32>} : memref<640xi32, #tpu.memory_space<vmem>>, vector<16xi32>,
      %shift_right_logical3A_537 = arith.constant 7 : i32
      %shift_right_logical3A_538 = vector.broadcast %shift_right_logical3A_537 : i32 to vector<16xi32>
      %shift_right_logical3A_539 = arith.shrui %get3A_536, %shift_right_logical3A_538 : vector<16xi32>
      %broadcast_in_dim3A_540 = arith.constant 240 : i32
      %broadcast_in_dim3A_541 = vector.broadcast %broadcast_in_dim3A_540 : i32 to vector<16xi32>
      %iota3A_542 = tpu.iota {dimensions = array<i32: 0>} : vector<16xi32>
      %add3A_543 = arith.addi %broadcast_in_dim3A_541, %iota3A_542 : vector<16xi32>
      %lt3A_544 = arith.cmpi slt, %add3A_543, %scan3A_28 : vector<16xi32>
      %ge3A_545 = arith.cmpi sge, %shift_right_logical3A_539, %broadcast_in_dim3A_118 : vector<16xi32>
      %lt3A_546 = arith.cmpi slt, %shift_right_logical3A_539, %broadcast_in_dim3A_121 : vector<16xi32>
      %and3A_547 = arith.andi %ge3A_545, %lt3A_546 : vector<16xi1>
      %and3A_548 = arith.andi %lt3A_544, %and3A_547 : vector<16xi1>
      %convert_element_type3A_549 = arith.extui %and3A_548 : vector<16xi1> to vector<16xi32>
      %broadcast_in_dim3A_550 = arith.constant true
      %broadcast_in_dim3A_551 = vector.broadcast %broadcast_in_dim3A_550 : i1 to vector<16xi1>
      %masked_cumsum3A_552 = tpu.scan <sum>, %convert_element_type3A_549 masked %broadcast_in_dim3A_551 : vector<16xi32>, vector<16xi1> -> vector<16xi32>
      %add3A_553 = arith.addi %add3A_534, %masked_cumsum3A_552 : vector<16xi32>
      %sub3A_554 = arith.subi %add3A_553, %convert_element_type3A_549 : vector<16xi32>
      %lt3A_555 = arith.constant 64 : i32
      %lt3A_556 = vector.broadcast %lt3A_555 : i32 to vector<16xi32>
      %lt3A_557 = arith.cmpi slt, %sub3A_554, %lt3A_556 : vector<16xi32>
      %and3A_558 = arith.andi %and3A_548, %lt3A_557 : vector<16xi1>
      tpu.vector_store_idx %arg8[%sub3A_554], %get3A_536 masked %and3A_558 : memref<64xi32, #tpu.memory_space<vmem>>[vector<16xi32>], vector<16xi32>, vector<16xi1>
      %get3A_559 = arith.constant 240 : index
      %get3A_560 = tpu.vector_load %arg7[%get3A_559] {strides = array<i32>} : memref<640xi32, #tpu.memory_space<vmem>>, vector<16xi32>,
      tpu.vector_store_idx %arg9[%sub3A_554], %get3A_560 masked %and3A_558 : memref<64xi32, #tpu.memory_space<vmem>>[vector<16xi32>], vector<16xi32>, vector<16xi1>
      %all_reduce_population_count3A_561 = tpu.all_reduce %and3A_548 {dim = 0 : i64, kind = #tpu.reduction_kind<sum>} : vector<16xi1> -> vector<16xi32>
      %add3A_562 = arith.addi %add3A_534, %all_reduce_population_count3A_561 : vector<16xi32>
      %get3A_563 = arith.constant 256 : index
      %get3A_564 = tpu.vector_load %arg6[%get3A_563] {strides = array<i32>} : memref<640xi32, #tpu.memory_space<vmem>>, vector<16xi32>,
      %shift_right_logical3A_565 = arith.constant 7 : i32
      %shift_right_logical3A_566 = vector.broadcast %shift_right_logical3A_565 : i32 to vector<16xi32>
      %shift_right_logical3A_567 = arith.shrui %get3A_564, %shift_right_logical3A_566 : vector<16xi32>
      %broadcast_in_dim3A_568 = arith.constant 256 : i32
      %broadcast_in_dim3A_569 = vector.broadcast %broadcast_in_dim3A_568 : i32 to vector<16xi32>
      %iota3A_570 = tpu.iota {dimensions = array<i32: 0>} : vector<16xi32>
      %add3A_571 = arith.addi %broadcast_in_dim3A_569, %iota3A_570 : vector<16xi32>
      %lt3A_572 = arith.cmpi slt, %add3A_571, %scan3A_28 : vector<16xi32>
      %ge3A_573 = arith.cmpi sge, %shift_right_logical3A_567, %broadcast_in_dim3A_118 : vector<16xi32>
      %lt3A_574 = arith.cmpi slt, %shift_right_logical3A_567, %broadcast_in_dim3A_121 : vector<16xi32>
      %and3A_575 = arith.andi %ge3A_573, %lt3A_574 : vector<16xi1>
      %and3A_576 = arith.andi %lt3A_572, %and3A_575 : vector<16xi1>
      %convert_element_type3A_577 = arith.extui %and3A_576 : vector<16xi1> to vector<16xi32>
      %broadcast_in_dim3A_578 = arith.constant true
      %broadcast_in_dim3A_579 = vector.broadcast %broadcast_in_dim3A_578 : i1 to vector<16xi1>
      %masked_cumsum3A_580 = tpu.scan <sum>, %convert_element_type3A_577 masked %broadcast_in_dim3A_579 : vector<16xi32>, vector<16xi1> -> vector<16xi32>
      %add3A_581 = arith.addi %add3A_562, %masked_cumsum3A_580 : vector<16xi32>
      %sub3A_582 = arith.subi %add3A_581, %convert_element_type3A_577 : vector<16xi32>
      %lt3A_583 = arith.constant 64 : i32
      %lt3A_584 = vector.broadcast %lt3A_583 : i32 to vector<16xi32>
      %lt3A_585 = arith.cmpi slt, %sub3A_582, %lt3A_584 : vector<16xi32>
      %and3A_586 = arith.andi %and3A_576, %lt3A_585 : vector<16xi1>
      tpu.vector_store_idx %arg8[%sub3A_582], %get3A_564 masked %and3A_586 : memref<64xi32, #tpu.memory_space<vmem>>[vector<16xi32>], vector<16xi32>, vector<16xi1>
      %get3A_587 = arith.constant 256 : index
      %get3A_588 = tpu.vector_load %arg7[%get3A_587] {strides = array<i32>} : memref<640xi32, #tpu.memory_space<vmem>>, vector<16xi32>,
      tpu.vector_store_idx %arg9[%sub3A_582], %get3A_588 masked %and3A_586 : memref<64xi32, #tpu.memory_space<vmem>>[vector<16xi32>], vector<16xi32>, vector<16xi1>
      %all_reduce_population_count3A_589 = tpu.all_reduce %and3A_576 {dim = 0 : i64, kind = #tpu.reduction_kind<sum>} : vector<16xi1> -> vector<16xi32>
      %add3A_590 = arith.addi %add3A_562, %all_reduce_population_count3A_589 : vector<16xi32>
      %get3A_591 = arith.constant 272 : index
      %get3A_592 = tpu.vector_load %arg6[%get3A_591] {strides = array<i32>} : memref<640xi32, #tpu.memory_space<vmem>>, vector<16xi32>,
      %shift_right_logical3A_593 = arith.constant 7 : i32
      %shift_right_logical3A_594 = vector.broadcast %shift_right_logical3A_593 : i32 to vector<16xi32>
      %shift_right_logical3A_595 = arith.shrui %get3A_592, %shift_right_logical3A_594 : vector<16xi32>
      %broadcast_in_dim3A_596 = arith.constant 272 : i32
      %broadcast_in_dim3A_597 = vector.broadcast %broadcast_in_dim3A_596 : i32 to vector<16xi32>
      %iota3A_598 = tpu.iota {dimensions = array<i32: 0>} : vector<16xi32>
      %add3A_599 = arith.addi %broadcast_in_dim3A_597, %iota3A_598 : vector<16xi32>
      %lt3A_600 = arith.cmpi slt, %add3A_599, %scan3A_28 : vector<16xi32>
      %ge3A_601 = arith.cmpi sge, %shift_right_logical3A_595, %broadcast_in_dim3A_118 : vector<16xi32>
      %lt3A_602 = arith.cmpi slt, %shift_right_logical3A_595, %broadcast_in_dim3A_121 : vector<16xi32>
      %and3A_603 = arith.andi %ge3A_601, %lt3A_602 : vector<16xi1>
      %and3A_604 = arith.andi %lt3A_600, %and3A_603 : vector<16xi1>
      %convert_element_type3A_605 = arith.extui %and3A_604 : vector<16xi1> to vector<16xi32>
      %broadcast_in_dim3A_606 = arith.constant true
      %broadcast_in_dim3A_607 = vector.broadcast %broadcast_in_dim3A_606 : i1 to vector<16xi1>
      %masked_cumsum3A_608 = tpu.scan <sum>, %convert_element_type3A_605 masked %broadcast_in_dim3A_607 : vector<16xi32>, vector<16xi1> -> vector<16xi32>
      %add3A_609 = arith.addi %add3A_590, %masked_cumsum3A_608 : vector<16xi32>
      %sub3A_610 = arith.subi %add3A_609, %convert_element_type3A_605 : vector<16xi32>
      %lt3A_611 = arith.constant 64 : i32
      %lt3A_612 = vector.broadcast %lt3A_611 : i32 to vector<16xi32>
      %lt3A_613 = arith.cmpi slt, %sub3A_610, %lt3A_612 : vector<16xi32>
      %and3A_614 = arith.andi %and3A_604, %lt3A_613 : vector<16xi1>
      tpu.vector_store_idx %arg8[%sub3A_610], %get3A_592 masked %and3A_614 : memref<64xi32, #tpu.memory_space<vmem>>[vector<16xi32>], vector<16xi32>, vector<16xi1>
      %get3A_615 = arith.constant 272 : index
      %get3A_616 = tpu.vector_load %arg7[%get3A_615] {strides = array<i32>} : memref<640xi32, #tpu.memory_space<vmem>>, vector<16xi32>,
      tpu.vector_store_idx %arg9[%sub3A_610], %get3A_616 masked %and3A_614 : memref<64xi32, #tpu.memory_space<vmem>>[vector<16xi32>], vector<16xi32>, vector<16xi1>
      %all_reduce_population_count3A_617 = tpu.all_reduce %and3A_604 {dim = 0 : i64, kind = #tpu.reduction_kind<sum>} : vector<16xi1> -> vector<16xi32>
      %add3A_618 = arith.addi %add3A_590, %all_reduce_population_count3A_617 : vector<16xi32>
      %get3A_619 = arith.constant 288 : index
      %get3A_620 = tpu.vector_load %arg6[%get3A_619] {strides = array<i32>} : memref<640xi32, #tpu.memory_space<vmem>>, vector<16xi32>,
      %shift_right_logical3A_621 = arith.constant 7 : i32
      %shift_right_logical3A_622 = vector.broadcast %shift_right_logical3A_621 : i32 to vector<16xi32>
      %shift_right_logical3A_623 = arith.shrui %get3A_620, %shift_right_logical3A_622 : vector<16xi32>
      %broadcast_in_dim3A_624 = arith.constant 288 : i32
      %broadcast_in_dim3A_625 = vector.broadcast %broadcast_in_dim3A_624 : i32 to vector<16xi32>
      %iota3A_626 = tpu.iota {dimensions = array<i32: 0>} : vector<16xi32>
      %add3A_627 = arith.addi %broadcast_in_dim3A_625, %iota3A_626 : vector<16xi32>
      %lt3A_628 = arith.cmpi slt, %add3A_627, %scan3A_28 : vector<16xi32>
      %ge3A_629 = arith.cmpi sge, %shift_right_logical3A_623, %broadcast_in_dim3A_118 : vector<16xi32>
      %lt3A_630 = arith.cmpi slt, %shift_right_logical3A_623, %broadcast_in_dim3A_121 : vector<16xi32>
      %and3A_631 = arith.andi %ge3A_629, %lt3A_630 : vector<16xi1>
      %and3A_632 = arith.andi %lt3A_628, %and3A_631 : vector<16xi1>
      %convert_element_type3A_633 = arith.extui %and3A_632 : vector<16xi1> to vector<16xi32>
      %broadcast_in_dim3A_634 = arith.constant true
      %broadcast_in_dim3A_635 = vector.broadcast %broadcast_in_dim3A_634 : i1 to vector<16xi1>
      %masked_cumsum3A_636 = tpu.scan <sum>, %convert_element_type3A_633 masked %broadcast_in_dim3A_635 : vector<16xi32>, vector<16xi1> -> vector<16xi32>
      %add3A_637 = arith.addi %add3A_618, %masked_cumsum3A_636 : vector<16xi32>
      %sub3A_638 = arith.subi %add3A_637, %convert_element_type3A_633 : vector<16xi32>
      %lt3A_639 = arith.constant 64 : i32
      %lt3A_640 = vector.broadcast %lt3A_639 : i32 to vector<16xi32>
      %lt3A_641 = arith.cmpi slt, %sub3A_638, %lt3A_640 : vector<16xi32>
      %and3A_642 = arith.andi %and3A_632, %lt3A_641 : vector<16xi1>
      tpu.vector_store_idx %arg8[%sub3A_638], %get3A_620 masked %and3A_642 : memref<64xi32, #tpu.memory_space<vmem>>[vector<16xi32>], vector<16xi32>, vector<16xi1>
      %get3A_643 = arith.constant 288 : index
      %get3A_644 = tpu.vector_load %arg7[%get3A_643] {strides = array<i32>} : memref<640xi32, #tpu.memory_space<vmem>>, vector<16xi32>,
      tpu.vector_store_idx %arg9[%sub3A_638], %get3A_644 masked %and3A_642 : memref<64xi32, #tpu.memory_space<vmem>>[vector<16xi32>], vector<16xi32>, vector<16xi1>
      %all_reduce_population_count3A_645 = tpu.all_reduce %and3A_632 {dim = 0 : i64, kind = #tpu.reduction_kind<sum>} : vector<16xi1> -> vector<16xi32>
      %add3A_646 = arith.addi %add3A_618, %all_reduce_population_count3A_645 : vector<16xi32>
      %get3A_647 = arith.constant 304 : index
      %get3A_648 = tpu.vector_load %arg6[%get3A_647] {strides = array<i32>} : memref<640xi32, #tpu.memory_space<vmem>>, vector<16xi32>,
      %shift_right_logical3A_649 = arith.constant 7 : i32
      %shift_right_logical3A_650 = vector.broadcast %shift_right_logical3A_649 : i32 to vector<16xi32>
      %shift_right_logical3A_651 = arith.shrui %get3A_648, %shift_right_logical3A_650 : vector<16xi32>
      %broadcast_in_dim3A_652 = arith.constant 304 : i32
      %broadcast_in_dim3A_653 = vector.broadcast %broadcast_in_dim3A_652 : i32 to vector<16xi32>
      %iota3A_654 = tpu.iota {dimensions = array<i32: 0>} : vector<16xi32>
      %add3A_655 = arith.addi %broadcast_in_dim3A_653, %iota3A_654 : vector<16xi32>
      %lt3A_656 = arith.cmpi slt, %add3A_655, %scan3A_28 : vector<16xi32>
      %ge3A_657 = arith.cmpi sge, %shift_right_logical3A_651, %broadcast_in_dim3A_118 : vector<16xi32>
      %lt3A_658 = arith.cmpi slt, %shift_right_logical3A_651, %broadcast_in_dim3A_121 : vector<16xi32>
      %and3A_659 = arith.andi %ge3A_657, %lt3A_658 : vector<16xi1>
      %and3A_660 = arith.andi %lt3A_656, %and3A_659 : vector<16xi1>
      %convert_element_type3A_661 = arith.extui %and3A_660 : vector<16xi1> to vector<16xi32>
      %broadcast_in_dim3A_662 = arith.constant true
      %broadcast_in_dim3A_663 = vector.broadcast %broadcast_in_dim3A_662 : i1 to vector<16xi1>
      %masked_cumsum3A_664 = tpu.scan <sum>, %convert_element_type3A_661 masked %broadcast_in_dim3A_663 : vector<16xi32>, vector<16xi1> -> vector<16xi32>
      %add3A_665 = arith.addi %add3A_646, %masked_cumsum3A_664 : vector<16xi32>
      %sub3A_666 = arith.subi %add3A_665, %convert_element_type3A_661 : vector<16xi32>
      %lt3A_667 = arith.constant 64 : i32
      %lt3A_668 = vector.broadcast %lt3A_667 : i32 to vector<16xi32>
      %lt3A_669 = arith.cmpi slt, %sub3A_666, %lt3A_668 : vector<16xi32>
      %and3A_670 = arith.andi %and3A_660, %lt3A_669 : vector<16xi1>
      tpu.vector_store_idx %arg8[%sub3A_666], %get3A_648 masked %and3A_670 : memref<64xi32, #tpu.memory_space<vmem>>[vector<16xi32>], vector<16xi32>, vector<16xi1>
      %get3A_671 = arith.constant 304 : index
      %get3A_672 = tpu.vector_load %arg7[%get3A_671] {strides = array<i32>} : memref<640xi32, #tpu.memory_space<vmem>>, vector<16xi32>,
      tpu.vector_store_idx %arg9[%sub3A_666], %get3A_672 masked %and3A_670 : memref<64xi32, #tpu.memory_space<vmem>>[vector<16xi32>], vector<16xi32>, vector<16xi1>
      %all_reduce_population_count3A_673 = tpu.all_reduce %and3A_660 {dim = 0 : i64, kind = #tpu.reduction_kind<sum>} : vector<16xi1> -> vector<16xi32>
      %add3A_674 = arith.addi %add3A_646, %all_reduce_population_count3A_673 : vector<16xi32>
      %get3A_675 = arith.constant 320 : index
      %get3A_676 = tpu.vector_load %arg6[%get3A_675] {strides = array<i32>} : memref<640xi32, #tpu.memory_space<vmem>>, vector<16xi32>,
      %shift_right_logical3A_677 = arith.constant 7 : i32
      %shift_right_logical3A_678 = vector.broadcast %shift_right_logical3A_677 : i32 to vector<16xi32>
      %shift_right_logical3A_679 = arith.shrui %get3A_676, %shift_right_logical3A_678 : vector<16xi32>
      %broadcast_in_dim3A_680 = arith.constant 320 : i32
      %broadcast_in_dim3A_681 = vector.broadcast %broadcast_in_dim3A_680 : i32 to vector<16xi32>
      %iota3A_682 = tpu.iota {dimensions = array<i32: 0>} : vector<16xi32>
      %add3A_683 = arith.addi %broadcast_in_dim3A_681, %iota3A_682 : vector<16xi32>
      %lt3A_684 = arith.cmpi slt, %add3A_683, %scan3A_28 : vector<16xi32>
      %ge3A_685 = arith.cmpi sge, %shift_right_logical3A_679, %broadcast_in_dim3A_118 : vector<16xi32>
      %lt3A_686 = arith.cmpi slt, %shift_right_logical3A_679, %broadcast_in_dim3A_121 : vector<16xi32>
      %and3A_687 = arith.andi %ge3A_685, %lt3A_686 : vector<16xi1>
      %and3A_688 = arith.andi %lt3A_684, %and3A_687 : vector<16xi1>
      %convert_element_type3A_689 = arith.extui %and3A_688 : vector<16xi1> to vector<16xi32>
      %broadcast_in_dim3A_690 = arith.constant true
      %broadcast_in_dim3A_691 = vector.broadcast %broadcast_in_dim3A_690 : i1 to vector<16xi1>
      %masked_cumsum3A_692 = tpu.scan <sum>, %convert_element_type3A_689 masked %broadcast_in_dim3A_691 : vector<16xi32>, vector<16xi1> -> vector<16xi32>
      %add3A_693 = arith.addi %add3A_674, %masked_cumsum3A_692 : vector<16xi32>
      %sub3A_694 = arith.subi %add3A_693, %convert_element_type3A_689 : vector<16xi32>
      %lt3A_695 = arith.constant 64 : i32
      %lt3A_696 = vector.broadcast %lt3A_695 : i32 to vector<16xi32>
      %lt3A_697 = arith.cmpi slt, %sub3A_694, %lt3A_696 : vector<16xi32>
      %and3A_698 = arith.andi %and3A_688, %lt3A_697 : vector<16xi1>
      tpu.vector_store_idx %arg8[%sub3A_694], %get3A_676 masked %and3A_698 : memref<64xi32, #tpu.memory_space<vmem>>[vector<16xi32>], vector<16xi32>, vector<16xi1>
      %get3A_699 = arith.constant 320 : index
      %get3A_700 = tpu.vector_load %arg7[%get3A_699] {strides = array<i32>} : memref<640xi32, #tpu.memory_space<vmem>>, vector<16xi32>,
      tpu.vector_store_idx %arg9[%sub3A_694], %get3A_700 masked %and3A_698 : memref<64xi32, #tpu.memory_space<vmem>>[vector<16xi32>], vector<16xi32>, vector<16xi1>
      %all_reduce_population_count3A_701 = tpu.all_reduce %and3A_688 {dim = 0 : i64, kind = #tpu.reduction_kind<sum>} : vector<16xi1> -> vector<16xi32>
      %add3A_702 = arith.addi %add3A_674, %all_reduce_population_count3A_701 : vector<16xi32>
      %get3A_703 = arith.constant 336 : index
      %get3A_704 = tpu.vector_load %arg6[%get3A_703] {strides = array<i32>} : memref<640xi32, #tpu.memory_space<vmem>>, vector<16xi32>,
      %shift_right_logical3A_705 = arith.constant 7 : i32
      %shift_right_logical3A_706 = vector.broadcast %shift_right_logical3A_705 : i32 to vector<16xi32>
      %shift_right_logical3A_707 = arith.shrui %get3A_704, %shift_right_logical3A_706 : vector<16xi32>
      %broadcast_in_dim3A_708 = arith.constant 336 : i32
      %broadcast_in_dim3A_709 = vector.broadcast %broadcast_in_dim3A_708 : i32 to vector<16xi32>
      %iota3A_710 = tpu.iota {dimensions = array<i32: 0>} : vector<16xi32>
      %add3A_711 = arith.addi %broadcast_in_dim3A_709, %iota3A_710 : vector<16xi32>
      %lt3A_712 = arith.cmpi slt, %add3A_711, %scan3A_28 : vector<16xi32>
      %ge3A_713 = arith.cmpi sge, %shift_right_logical3A_707, %broadcast_in_dim3A_118 : vector<16xi32>
      %lt3A_714 = arith.cmpi slt, %shift_right_logical3A_707, %broadcast_in_dim3A_121 : vector<16xi32>
      %and3A_715 = arith.andi %ge3A_713, %lt3A_714 : vector<16xi1>
      %and3A_716 = arith.andi %lt3A_712, %and3A_715 : vector<16xi1>
      %convert_element_type3A_717 = arith.extui %and3A_716 : vector<16xi1> to vector<16xi32>
      %broadcast_in_dim3A_718 = arith.constant true
      %broadcast_in_dim3A_719 = vector.broadcast %broadcast_in_dim3A_718 : i1 to vector<16xi1>
      %masked_cumsum3A_720 = tpu.scan <sum>, %convert_element_type3A_717 masked %broadcast_in_dim3A_719 : vector<16xi32>, vector<16xi1> -> vector<16xi32>
      %add3A_721 = arith.addi %add3A_702, %masked_cumsum3A_720 : vector<16xi32>
      %sub3A_722 = arith.subi %add3A_721, %convert_element_type3A_717 : vector<16xi32>
      %lt3A_723 = arith.constant 64 : i32
      %lt3A_724 = vector.broadcast %lt3A_723 : i32 to vector<16xi32>
      %lt3A_725 = arith.cmpi slt, %sub3A_722, %lt3A_724 : vector<16xi32>
      %and3A_726 = arith.andi %and3A_716, %lt3A_725 : vector<16xi1>
      tpu.vector_store_idx %arg8[%sub3A_722], %get3A_704 masked %and3A_726 : memref<64xi32, #tpu.memory_space<vmem>>[vector<16xi32>], vector<16xi32>, vector<16xi1>
      %get3A_727 = arith.constant 336 : index
      %get3A_728 = tpu.vector_load %arg7[%get3A_727] {strides = array<i32>} : memref<640xi32, #tpu.memory_space<vmem>>, vector<16xi32>,
      tpu.vector_store_idx %arg9[%sub3A_722], %get3A_728 masked %and3A_726 : memref<64xi32, #tpu.memory_space<vmem>>[vector<16xi32>], vector<16xi32>, vector<16xi1>
      %all_reduce_population_count3A_729 = tpu.all_reduce %and3A_716 {dim = 0 : i64, kind = #tpu.reduction_kind<sum>} : vector<16xi1> -> vector<16xi32>
      %add3A_730 = arith.addi %add3A_702, %all_reduce_population_count3A_729 : vector<16xi32>
      %get3A_731 = arith.constant 352 : index
      %get3A_732 = tpu.vector_load %arg6[%get3A_731] {strides = array<i32>} : memref<640xi32, #tpu.memory_space<vmem>>, vector<16xi32>,
      %shift_right_logical3A_733 = arith.constant 7 : i32
      %shift_right_logical3A_734 = vector.broadcast %shift_right_logical3A_733 : i32 to vector<16xi32>
      %shift_right_logical3A_735 = arith.shrui %get3A_732, %shift_right_logical3A_734 : vector<16xi32>
      %broadcast_in_dim3A_736 = arith.constant 352 : i32
      %broadcast_in_dim3A_737 = vector.broadcast %broadcast_in_dim3A_736 : i32 to vector<16xi32>
      %iota3A_738 = tpu.iota {dimensions = array<i32: 0>} : vector<16xi32>
      %add3A_739 = arith.addi %broadcast_in_dim3A_737, %iota3A_738 : vector<16xi32>
      %lt3A_740 = arith.cmpi slt, %add3A_739, %scan3A_28 : vector<16xi32>
      %ge3A_741 = arith.cmpi sge, %shift_right_logical3A_735, %broadcast_in_dim3A_118 : vector<16xi32>
      %lt3A_742 = arith.cmpi slt, %shift_right_logical3A_735, %broadcast_in_dim3A_121 : vector<16xi32>
      %and3A_743 = arith.andi %ge3A_741, %lt3A_742 : vector<16xi1>
      %and3A_744 = arith.andi %lt3A_740, %and3A_743 : vector<16xi1>
      %convert_element_type3A_745 = arith.extui %and3A_744 : vector<16xi1> to vector<16xi32>
      %broadcast_in_dim3A_746 = arith.constant true
      %broadcast_in_dim3A_747 = vector.broadcast %broadcast_in_dim3A_746 : i1 to vector<16xi1>
      %masked_cumsum3A_748 = tpu.scan <sum>, %convert_element_type3A_745 masked %broadcast_in_dim3A_747 : vector<16xi32>, vector<16xi1> -> vector<16xi32>
      %add3A_749 = arith.addi %add3A_730, %masked_cumsum3A_748 : vector<16xi32>
      %sub3A_750 = arith.subi %add3A_749, %convert_element_type3A_745 : vector<16xi32>
      %lt3A_751 = arith.constant 64 : i32
      %lt3A_752 = vector.broadcast %lt3A_751 : i32 to vector<16xi32>
      %lt3A_753 = arith.cmpi slt, %sub3A_750, %lt3A_752 : vector<16xi32>
      %and3A_754 = arith.andi %and3A_744, %lt3A_753 : vector<16xi1>
      tpu.vector_store_idx %arg8[%sub3A_750], %get3A_732 masked %and3A_754 : memref<64xi32, #tpu.memory_space<vmem>>[vector<16xi32>], vector<16xi32>, vector<16xi1>
      %get3A_755 = arith.constant 352 : index
      %get3A_756 = tpu.vector_load %arg7[%get3A_755] {strides = array<i32>} : memref<640xi32, #tpu.memory_space<vmem>>, vector<16xi32>,
      tpu.vector_store_idx %arg9[%sub3A_750], %get3A_756 masked %and3A_754 : memref<64xi32, #tpu.memory_space<vmem>>[vector<16xi32>], vector<16xi32>, vector<16xi1>
      %all_reduce_population_count3A_757 = tpu.all_reduce %and3A_744 {dim = 0 : i64, kind = #tpu.reduction_kind<sum>} : vector<16xi1> -> vector<16xi32>
      %add3A_758 = arith.addi %add3A_730, %all_reduce_population_count3A_757 : vector<16xi32>
      %get3A_759 = arith.constant 368 : index
      %get3A_760 = tpu.vector_load %arg6[%get3A_759] {strides = array<i32>} : memref<640xi32, #tpu.memory_space<vmem>>, vector<16xi32>,
      %shift_right_logical3A_761 = arith.constant 7 : i32
      %shift_right_logical3A_762 = vector.broadcast %shift_right_logical3A_761 : i32 to vector<16xi32>
      %shift_right_logical3A_763 = arith.shrui %get3A_760, %shift_right_logical3A_762 : vector<16xi32>
      %broadcast_in_dim3A_764 = arith.constant 368 : i32
      %broadcast_in_dim3A_765 = vector.broadcast %broadcast_in_dim3A_764 : i32 to vector<16xi32>
      %iota3A_766 = tpu.iota {dimensions = array<i32: 0>} : vector<16xi32>
      %add3A_767 = arith.addi %broadcast_in_dim3A_765, %iota3A_766 : vector<16xi32>
      %lt3A_768 = arith.cmpi slt, %add3A_767, %scan3A_28 : vector<16xi32>
      %ge3A_769 = arith.cmpi sge, %shift_right_logical3A_763, %broadcast_in_dim3A_118 : vector<16xi32>
      %lt3A_770 = arith.cmpi slt, %shift_right_logical3A_763, %broadcast_in_dim3A_121 : vector<16xi32>
      %and3A_771 = arith.andi %ge3A_769, %lt3A_770 : vector<16xi1>
      %and3A_772 = arith.andi %lt3A_768, %and3A_771 : vector<16xi1>
      %convert_element_type3A_773 = arith.extui %and3A_772 : vector<16xi1> to vector<16xi32>
      %broadcast_in_dim3A_774 = arith.constant true
      %broadcast_in_dim3A_775 = vector.broadcast %broadcast_in_dim3A_774 : i1 to vector<16xi1>
      %masked_cumsum3A_776 = tpu.scan <sum>, %convert_element_type3A_773 masked %broadcast_in_dim3A_775 : vector<16xi32>, vector<16xi1> -> vector<16xi32>
      %add3A_777 = arith.addi %add3A_758, %masked_cumsum3A_776 : vector<16xi32>
      %sub3A_778 = arith.subi %add3A_777, %convert_element_type3A_773 : vector<16xi32>
      %lt3A_779 = arith.constant 64 : i32
      %lt3A_780 = vector.broadcast %lt3A_779 : i32 to vector<16xi32>
      %lt3A_781 = arith.cmpi slt, %sub3A_778, %lt3A_780 : vector<16xi32>
      %and3A_782 = arith.andi %and3A_772, %lt3A_781 : vector<16xi1>
      tpu.vector_store_idx %arg8[%sub3A_778], %get3A_760 masked %and3A_782 : memref<64xi32, #tpu.memory_space<vmem>>[vector<16xi32>], vector<16xi32>, vector<16xi1>
      %get3A_783 = arith.constant 368 : index
      %get3A_784 = tpu.vector_load %arg7[%get3A_783] {strides = array<i32>} : memref<640xi32, #tpu.memory_space<vmem>>, vector<16xi32>,
      tpu.vector_store_idx %arg9[%sub3A_778], %get3A_784 masked %and3A_782 : memref<64xi32, #tpu.memory_space<vmem>>[vector<16xi32>], vector<16xi32>, vector<16xi1>
      %all_reduce_population_count3A_785 = tpu.all_reduce %and3A_772 {dim = 0 : i64, kind = #tpu.reduction_kind<sum>} : vector<16xi1> -> vector<16xi32>
      %add3A_786 = arith.addi %add3A_758, %all_reduce_population_count3A_785 : vector<16xi32>
      %get3A_787 = arith.constant 384 : index
      %get3A_788 = tpu.vector_load %arg6[%get3A_787] {strides = array<i32>} : memref<640xi32, #tpu.memory_space<vmem>>, vector<16xi32>,
      %shift_right_logical3A_789 = arith.constant 7 : i32
      %shift_right_logical3A_790 = vector.broadcast %shift_right_logical3A_789 : i32 to vector<16xi32>
      %shift_right_logical3A_791 = arith.shrui %get3A_788, %shift_right_logical3A_790 : vector<16xi32>
      %broadcast_in_dim3A_792 = arith.constant 384 : i32
      %broadcast_in_dim3A_793 = vector.broadcast %broadcast_in_dim3A_792 : i32 to vector<16xi32>
      %iota3A_794 = tpu.iota {dimensions = array<i32: 0>} : vector<16xi32>
      %add3A_795 = arith.addi %broadcast_in_dim3A_793, %iota3A_794 : vector<16xi32>
      %lt3A_796 = arith.cmpi slt, %add3A_795, %scan3A_28 : vector<16xi32>
      %ge3A_797 = arith.cmpi sge, %shift_right_logical3A_791, %broadcast_in_dim3A_118 : vector<16xi32>
      %lt3A_798 = arith.cmpi slt, %shift_right_logical3A_791, %broadcast_in_dim3A_121 : vector<16xi32>
      %and3A_799 = arith.andi %ge3A_797, %lt3A_798 : vector<16xi1>
      %and3A_800 = arith.andi %lt3A_796, %and3A_799 : vector<16xi1>
      %convert_element_type3A_801 = arith.extui %and3A_800 : vector<16xi1> to vector<16xi32>
      %broadcast_in_dim3A_802 = arith.constant true
      %broadcast_in_dim3A_803 = vector.broadcast %broadcast_in_dim3A_802 : i1 to vector<16xi1>
      %masked_cumsum3A_804 = tpu.scan <sum>, %convert_element_type3A_801 masked %broadcast_in_dim3A_803 : vector<16xi32>, vector<16xi1> -> vector<16xi32>
      %add3A_805 = arith.addi %add3A_786, %masked_cumsum3A_804 : vector<16xi32>
      %sub3A_806 = arith.subi %add3A_805, %convert_element_type3A_801 : vector<16xi32>
      %lt3A_807 = arith.constant 64 : i32
      %lt3A_808 = vector.broadcast %lt3A_807 : i32 to vector<16xi32>
      %lt3A_809 = arith.cmpi slt, %sub3A_806, %lt3A_808 : vector<16xi32>
      %and3A_810 = arith.andi %and3A_800, %lt3A_809 : vector<16xi1>
      tpu.vector_store_idx %arg8[%sub3A_806], %get3A_788 masked %and3A_810 : memref<64xi32, #tpu.memory_space<vmem>>[vector<16xi32>], vector<16xi32>, vector<16xi1>
      %get3A_811 = arith.constant 384 : index
      %get3A_812 = tpu.vector_load %arg7[%get3A_811] {strides = array<i32>} : memref<640xi32, #tpu.memory_space<vmem>>, vector<16xi32>,
      tpu.vector_store_idx %arg9[%sub3A_806], %get3A_812 masked %and3A_810 : memref<64xi32, #tpu.memory_space<vmem>>[vector<16xi32>], vector<16xi32>, vector<16xi1>
      %all_reduce_population_count3A_813 = tpu.all_reduce %and3A_800 {dim = 0 : i64, kind = #tpu.reduction_kind<sum>} : vector<16xi1> -> vector<16xi32>
      %add3A_814 = arith.addi %add3A_786, %all_reduce_population_count3A_813 : vector<16xi32>
      %get3A_815 = arith.constant 400 : index
      %get3A_816 = tpu.vector_load %arg6[%get3A_815] {strides = array<i32>} : memref<640xi32, #tpu.memory_space<vmem>>, vector<16xi32>,
      %shift_right_logical3A_817 = arith.constant 7 : i32
      %shift_right_logical3A_818 = vector.broadcast %shift_right_logical3A_817 : i32 to vector<16xi32>
      %shift_right_logical3A_819 = arith.shrui %get3A_816, %shift_right_logical3A_818 : vector<16xi32>
      %broadcast_in_dim3A_820 = arith.constant 400 : i32
      %broadcast_in_dim3A_821 = vector.broadcast %broadcast_in_dim3A_820 : i32 to vector<16xi32>
      %iota3A_822 = tpu.iota {dimensions = array<i32: 0>} : vector<16xi32>
      %add3A_823 = arith.addi %broadcast_in_dim3A_821, %iota3A_822 : vector<16xi32>
      %lt3A_824 = arith.cmpi slt, %add3A_823, %scan3A_28 : vector<16xi32>
      %ge3A_825 = arith.cmpi sge, %shift_right_logical3A_819, %broadcast_in_dim3A_118 : vector<16xi32>
      %lt3A_826 = arith.cmpi slt, %shift_right_logical3A_819, %broadcast_in_dim3A_121 : vector<16xi32>
      %and3A_827 = arith.andi %ge3A_825, %lt3A_826 : vector<16xi1>
      %and3A_828 = arith.andi %lt3A_824, %and3A_827 : vector<16xi1>
      %convert_element_type3A_829 = arith.extui %and3A_828 : vector<16xi1> to vector<16xi32>
      %broadcast_in_dim3A_830 = arith.constant true
      %broadcast_in_dim3A_831 = vector.broadcast %broadcast_in_dim3A_830 : i1 to vector<16xi1>
      %masked_cumsum3A_832 = tpu.scan <sum>, %convert_element_type3A_829 masked %broadcast_in_dim3A_831 : vector<16xi32>, vector<16xi1> -> vector<16xi32>
      %add3A_833 = arith.addi %add3A_814, %masked_cumsum3A_832 : vector<16xi32>
      %sub3A_834 = arith.subi %add3A_833, %convert_element_type3A_829 : vector<16xi32>
      %lt3A_835 = arith.constant 64 : i32
      %lt3A_836 = vector.broadcast %lt3A_835 : i32 to vector<16xi32>
      %lt3A_837 = arith.cmpi slt, %sub3A_834, %lt3A_836 : vector<16xi32>
      %and3A_838 = arith.andi %and3A_828, %lt3A_837 : vector<16xi1>
      tpu.vector_store_idx %arg8[%sub3A_834], %get3A_816 masked %and3A_838 : memref<64xi32, #tpu.memory_space<vmem>>[vector<16xi32>], vector<16xi32>, vector<16xi1>
      %get3A_839 = arith.constant 400 : index
      %get3A_840 = tpu.vector_load %arg7[%get3A_839] {strides = array<i32>} : memref<640xi32, #tpu.memory_space<vmem>>, vector<16xi32>,
      tpu.vector_store_idx %arg9[%sub3A_834], %get3A_840 masked %and3A_838 : memref<64xi32, #tpu.memory_space<vmem>>[vector<16xi32>], vector<16xi32>, vector<16xi1>
      %all_reduce_population_count3A_841 = tpu.all_reduce %and3A_828 {dim = 0 : i64, kind = #tpu.reduction_kind<sum>} : vector<16xi1> -> vector<16xi32>
      %add3A_842 = arith.addi %add3A_814, %all_reduce_population_count3A_841 : vector<16xi32>
      %get3A_843 = arith.constant 416 : index
      %get3A_844 = tpu.vector_load %arg6[%get3A_843] {strides = array<i32>} : memref<640xi32, #tpu.memory_space<vmem>>, vector<16xi32>,
      %shift_right_logical3A_845 = arith.constant 7 : i32
      %shift_right_logical3A_846 = vector.broadcast %shift_right_logical3A_845 : i32 to vector<16xi32>
      %shift_right_logical3A_847 = arith.shrui %get3A_844, %shift_right_logical3A_846 : vector<16xi32>
      %broadcast_in_dim3A_848 = arith.constant 416 : i32
      %broadcast_in_dim3A_849 = vector.broadcast %broadcast_in_dim3A_848 : i32 to vector<16xi32>
      %iota3A_850 = tpu.iota {dimensions = array<i32: 0>} : vector<16xi32>
      %add3A_851 = arith.addi %broadcast_in_dim3A_849, %iota3A_850 : vector<16xi32>
      %lt3A_852 = arith.cmpi slt, %add3A_851, %scan3A_28 : vector<16xi32>
      %ge3A_853 = arith.cmpi sge, %shift_right_logical3A_847, %broadcast_in_dim3A_118 : vector<16xi32>
      %lt3A_854 = arith.cmpi slt, %shift_right_logical3A_847, %broadcast_in_dim3A_121 : vector<16xi32>
      %and3A_855 = arith.andi %ge3A_853, %lt3A_854 : vector<16xi1>
      %and3A_856 = arith.andi %lt3A_852, %and3A_855 : vector<16xi1>
      %convert_element_type3A_857 = arith.extui %and3A_856 : vector<16xi1> to vector<16xi32>
      %broadcast_in_dim3A_858 = arith.constant true
      %broadcast_in_dim3A_859 = vector.broadcast %broadcast_in_dim3A_858 : i1 to vector<16xi1>
      %masked_cumsum3A_860 = tpu.scan <sum>, %convert_element_type3A_857 masked %broadcast_in_dim3A_859 : vector<16xi32>, vector<16xi1> -> vector<16xi32>
      %add3A_861 = arith.addi %add3A_842, %masked_cumsum3A_860 : vector<16xi32>
      %sub3A_862 = arith.subi %add3A_861, %convert_element_type3A_857 : vector<16xi32>
      %lt3A_863 = arith.constant 64 : i32
      %lt3A_864 = vector.broadcast %lt3A_863 : i32 to vector<16xi32>
      %lt3A_865 = arith.cmpi slt, %sub3A_862, %lt3A_864 : vector<16xi32>
      %and3A_866 = arith.andi %and3A_856, %lt3A_865 : vector<16xi1>
      tpu.vector_store_idx %arg8[%sub3A_862], %get3A_844 masked %and3A_866 : memref<64xi32, #tpu.memory_space<vmem>>[vector<16xi32>], vector<16xi32>, vector<16xi1>
      %get3A_867 = arith.constant 416 : index
      %get3A_868 = tpu.vector_load %arg7[%get3A_867] {strides = array<i32>} : memref<640xi32, #tpu.memory_space<vmem>>, vector<16xi32>,
      tpu.vector_store_idx %arg9[%sub3A_862], %get3A_868 masked %and3A_866 : memref<64xi32, #tpu.memory_space<vmem>>[vector<16xi32>], vector<16xi32>, vector<16xi1>
      %all_reduce_population_count3A_869 = tpu.all_reduce %and3A_856 {dim = 0 : i64, kind = #tpu.reduction_kind<sum>} : vector<16xi1> -> vector<16xi32>
      %add3A_870 = arith.addi %add3A_842, %all_reduce_population_count3A_869 : vector<16xi32>
      %get3A_871 = arith.constant 432 : index
      %get3A_872 = tpu.vector_load %arg6[%get3A_871] {strides = array<i32>} : memref<640xi32, #tpu.memory_space<vmem>>, vector<16xi32>,
      %shift_right_logical3A_873 = arith.constant 7 : i32
      %shift_right_logical3A_874 = vector.broadcast %shift_right_logical3A_873 : i32 to vector<16xi32>
      %shift_right_logical3A_875 = arith.shrui %get3A_872, %shift_right_logical3A_874 : vector<16xi32>
      %broadcast_in_dim3A_876 = arith.constant 432 : i32
      %broadcast_in_dim3A_877 = vector.broadcast %broadcast_in_dim3A_876 : i32 to vector<16xi32>
      %iota3A_878 = tpu.iota {dimensions = array<i32: 0>} : vector<16xi32>
      %add3A_879 = arith.addi %broadcast_in_dim3A_877, %iota3A_878 : vector<16xi32>
      %lt3A_880 = arith.cmpi slt, %add3A_879, %scan3A_28 : vector<16xi32>
      %ge3A_881 = arith.cmpi sge, %shift_right_logical3A_875, %broadcast_in_dim3A_118 : vector<16xi32>
      %lt3A_882 = arith.cmpi slt, %shift_right_logical3A_875, %broadcast_in_dim3A_121 : vector<16xi32>
      %and3A_883 = arith.andi %ge3A_881, %lt3A_882 : vector<16xi1>
      %and3A_884 = arith.andi %lt3A_880, %and3A_883 : vector<16xi1>
      %convert_element_type3A_885 = arith.extui %and3A_884 : vector<16xi1> to vector<16xi32>
      %broadcast_in_dim3A_886 = arith.constant true
      %broadcast_in_dim3A_887 = vector.broadcast %broadcast_in_dim3A_886 : i1 to vector<16xi1>
      %masked_cumsum3A_888 = tpu.scan <sum>, %convert_element_type3A_885 masked %broadcast_in_dim3A_887 : vector<16xi32>, vector<16xi1> -> vector<16xi32>
      %add3A_889 = arith.addi %add3A_870, %masked_cumsum3A_888 : vector<16xi32>
      %sub3A_890 = arith.subi %add3A_889, %convert_element_type3A_885 : vector<16xi32>
      %lt3A_891 = arith.constant 64 : i32
      %lt3A_892 = vector.broadcast %lt3A_891 : i32 to vector<16xi32>
      %lt3A_893 = arith.cmpi slt, %sub3A_890, %lt3A_892 : vector<16xi32>
      %and3A_894 = arith.andi %and3A_884, %lt3A_893 : vector<16xi1>
      tpu.vector_store_idx %arg8[%sub3A_890], %get3A_872 masked %and3A_894 : memref<64xi32, #tpu.memory_space<vmem>>[vector<16xi32>], vector<16xi32>, vector<16xi1>
      %get3A_895 = arith.constant 432 : index
      %get3A_896 = tpu.vector_load %arg7[%get3A_895] {strides = array<i32>} : memref<640xi32, #tpu.memory_space<vmem>>, vector<16xi32>,
      tpu.vector_store_idx %arg9[%sub3A_890], %get3A_896 masked %and3A_894 : memref<64xi32, #tpu.memory_space<vmem>>[vector<16xi32>], vector<16xi32>, vector<16xi1>
      %all_reduce_population_count3A_897 = tpu.all_reduce %and3A_884 {dim = 0 : i64, kind = #tpu.reduction_kind<sum>} : vector<16xi1> -> vector<16xi32>
      %add3A_898 = arith.addi %add3A_870, %all_reduce_population_count3A_897 : vector<16xi32>
      %get3A_899 = arith.constant 448 : index
      %get3A_900 = tpu.vector_load %arg6[%get3A_899] {strides = array<i32>} : memref<640xi32, #tpu.memory_space<vmem>>, vector<16xi32>,
      %shift_right_logical3A_901 = arith.constant 7 : i32
      %shift_right_logical3A_902 = vector.broadcast %shift_right_logical3A_901 : i32 to vector<16xi32>
      %shift_right_logical3A_903 = arith.shrui %get3A_900, %shift_right_logical3A_902 : vector<16xi32>
      %broadcast_in_dim3A_904 = arith.constant 448 : i32
      %broadcast_in_dim3A_905 = vector.broadcast %broadcast_in_dim3A_904 : i32 to vector<16xi32>
      %iota3A_906 = tpu.iota {dimensions = array<i32: 0>} : vector<16xi32>
      %add3A_907 = arith.addi %broadcast_in_dim3A_905, %iota3A_906 : vector<16xi32>
      %lt3A_908 = arith.cmpi slt, %add3A_907, %scan3A_28 : vector<16xi32>
      %ge3A_909 = arith.cmpi sge, %shift_right_logical3A_903, %broadcast_in_dim3A_118 : vector<16xi32>
      %lt3A_910 = arith.cmpi slt, %shift_right_logical3A_903, %broadcast_in_dim3A_121 : vector<16xi32>
      %and3A_911 = arith.andi %ge3A_909, %lt3A_910 : vector<16xi1>
      %and3A_912 = arith.andi %lt3A_908, %and3A_911 : vector<16xi1>
      %convert_element_type3A_913 = arith.extui %and3A_912 : vector<16xi1> to vector<16xi32>
      %broadcast_in_dim3A_914 = arith.constant true
      %broadcast_in_dim3A_915 = vector.broadcast %broadcast_in_dim3A_914 : i1 to vector<16xi1>
      %masked_cumsum3A_916 = tpu.scan <sum>, %convert_element_type3A_913 masked %broadcast_in_dim3A_915 : vector<16xi32>, vector<16xi1> -> vector<16xi32>
      %add3A_917 = arith.addi %add3A_898, %masked_cumsum3A_916 : vector<16xi32>
      %sub3A_918 = arith.subi %add3A_917, %convert_element_type3A_913 : vector<16xi32>
      %lt3A_919 = arith.constant 64 : i32
      %lt3A_920 = vector.broadcast %lt3A_919 : i32 to vector<16xi32>
      %lt3A_921 = arith.cmpi slt, %sub3A_918, %lt3A_920 : vector<16xi32>
      %and3A_922 = arith.andi %and3A_912, %lt3A_921 : vector<16xi1>
      tpu.vector_store_idx %arg8[%sub3A_918], %get3A_900 masked %and3A_922 : memref<64xi32, #tpu.memory_space<vmem>>[vector<16xi32>], vector<16xi32>, vector<16xi1>
      %get3A_923 = arith.constant 448 : index
      %get3A_924 = tpu.vector_load %arg7[%get3A_923] {strides = array<i32>} : memref<640xi32, #tpu.memory_space<vmem>>, vector<16xi32>,
      tpu.vector_store_idx %arg9[%sub3A_918], %get3A_924 masked %and3A_922 : memref<64xi32, #tpu.memory_space<vmem>>[vector<16xi32>], vector<16xi32>, vector<16xi1>
      %all_reduce_population_count3A_925 = tpu.all_reduce %and3A_912 {dim = 0 : i64, kind = #tpu.reduction_kind<sum>} : vector<16xi1> -> vector<16xi32>
      %add3A_926 = arith.addi %add3A_898, %all_reduce_population_count3A_925 : vector<16xi32>
      %get3A_927 = arith.constant 464 : index
      %get3A_928 = tpu.vector_load %arg6[%get3A_927] {strides = array<i32>} : memref<640xi32, #tpu.memory_space<vmem>>, vector<16xi32>,
      %shift_right_logical3A_929 = arith.constant 7 : i32
      %shift_right_logical3A_930 = vector.broadcast %shift_right_logical3A_929 : i32 to vector<16xi32>
      %shift_right_logical3A_931 = arith.shrui %get3A_928, %shift_right_logical3A_930 : vector<16xi32>
      %broadcast_in_dim3A_932 = arith.constant 464 : i32
      %broadcast_in_dim3A_933 = vector.broadcast %broadcast_in_dim3A_932 : i32 to vector<16xi32>
      %iota3A_934 = tpu.iota {dimensions = array<i32: 0>} : vector<16xi32>
      %add3A_935 = arith.addi %broadcast_in_dim3A_933, %iota3A_934 : vector<16xi32>
      %lt3A_936 = arith.cmpi slt, %add3A_935, %scan3A_28 : vector<16xi32>
      %ge3A_937 = arith.cmpi sge, %shift_right_logical3A_931, %broadcast_in_dim3A_118 : vector<16xi32>
      %lt3A_938 = arith.cmpi slt, %shift_right_logical3A_931, %broadcast_in_dim3A_121 : vector<16xi32>
      %and3A_939 = arith.andi %ge3A_937, %lt3A_938 : vector<16xi1>
      %and3A_940 = arith.andi %lt3A_936, %and3A_939 : vector<16xi1>
      %convert_element_type3A_941 = arith.extui %and3A_940 : vector<16xi1> to vector<16xi32>
      %broadcast_in_dim3A_942 = arith.constant true
      %broadcast_in_dim3A_943 = vector.broadcast %broadcast_in_dim3A_942 : i1 to vector<16xi1>
      %masked_cumsum3A_944 = tpu.scan <sum>, %convert_element_type3A_941 masked %broadcast_in_dim3A_943 : vector<16xi32>, vector<16xi1> -> vector<16xi32>
      %add3A_945 = arith.addi %add3A_926, %masked_cumsum3A_944 : vector<16xi32>
      %sub3A_946 = arith.subi %add3A_945, %convert_element_type3A_941 : vector<16xi32>
      %lt3A_947 = arith.constant 64 : i32
      %lt3A_948 = vector.broadcast %lt3A_947 : i32 to vector<16xi32>
      %lt3A_949 = arith.cmpi slt, %sub3A_946, %lt3A_948 : vector<16xi32>
      %and3A_950 = arith.andi %and3A_940, %lt3A_949 : vector<16xi1>
      tpu.vector_store_idx %arg8[%sub3A_946], %get3A_928 masked %and3A_950 : memref<64xi32, #tpu.memory_space<vmem>>[vector<16xi32>], vector<16xi32>, vector<16xi1>
      %get3A_951 = arith.constant 464 : index
      %get3A_952 = tpu.vector_load %arg7[%get3A_951] {strides = array<i32>} : memref<640xi32, #tpu.memory_space<vmem>>, vector<16xi32>,
      tpu.vector_store_idx %arg9[%sub3A_946], %get3A_952 masked %and3A_950 : memref<64xi32, #tpu.memory_space<vmem>>[vector<16xi32>], vector<16xi32>, vector<16xi1>
      %all_reduce_population_count3A_953 = tpu.all_reduce %and3A_940 {dim = 0 : i64, kind = #tpu.reduction_kind<sum>} : vector<16xi1> -> vector<16xi32>
      %add3A_954 = arith.addi %add3A_926, %all_reduce_population_count3A_953 : vector<16xi32>
      %get3A_955 = arith.constant 480 : index
      %get3A_956 = tpu.vector_load %arg6[%get3A_955] {strides = array<i32>} : memref<640xi32, #tpu.memory_space<vmem>>, vector<16xi32>,
      %shift_right_logical3A_957 = arith.constant 7 : i32
      %shift_right_logical3A_958 = vector.broadcast %shift_right_logical3A_957 : i32 to vector<16xi32>
      %shift_right_logical3A_959 = arith.shrui %get3A_956, %shift_right_logical3A_958 : vector<16xi32>
      %broadcast_in_dim3A_960 = arith.constant 480 : i32
      %broadcast_in_dim3A_961 = vector.broadcast %broadcast_in_dim3A_960 : i32 to vector<16xi32>
      %iota3A_962 = tpu.iota {dimensions = array<i32: 0>} : vector<16xi32>
      %add3A_963 = arith.addi %broadcast_in_dim3A_961, %iota3A_962 : vector<16xi32>
      %lt3A_964 = arith.cmpi slt, %add3A_963, %scan3A_28 : vector<16xi32>
      %ge3A_965 = arith.cmpi sge, %shift_right_logical3A_959, %broadcast_in_dim3A_118 : vector<16xi32>
      %lt3A_966 = arith.cmpi slt, %shift_right_logical3A_959, %broadcast_in_dim3A_121 : vector<16xi32>
      %and3A_967 = arith.andi %ge3A_965, %lt3A_966 : vector<16xi1>
      %and3A_968 = arith.andi %lt3A_964, %and3A_967 : vector<16xi1>
      %convert_element_type3A_969 = arith.extui %and3A_968 : vector<16xi1> to vector<16xi32>
      %broadcast_in_dim3A_970 = arith.constant true
      %broadcast_in_dim3A_971 = vector.broadcast %broadcast_in_dim3A_970 : i1 to vector<16xi1>
      %masked_cumsum3A_972 = tpu.scan <sum>, %convert_element_type3A_969 masked %broadcast_in_dim3A_971 : vector<16xi32>, vector<16xi1> -> vector<16xi32>
      %add3A_973 = arith.addi %add3A_954, %masked_cumsum3A_972 : vector<16xi32>
      %sub3A_974 = arith.subi %add3A_973, %convert_element_type3A_969 : vector<16xi32>
      %lt3A_975 = arith.constant 64 : i32
      %lt3A_976 = vector.broadcast %lt3A_975 : i32 to vector<16xi32>
      %lt3A_977 = arith.cmpi slt, %sub3A_974, %lt3A_976 : vector<16xi32>
      %and3A_978 = arith.andi %and3A_968, %lt3A_977 : vector<16xi1>
      tpu.vector_store_idx %arg8[%sub3A_974], %get3A_956 masked %and3A_978 : memref<64xi32, #tpu.memory_space<vmem>>[vector<16xi32>], vector<16xi32>, vector<16xi1>
      %get3A_979 = arith.constant 480 : index
      %get3A_980 = tpu.vector_load %arg7[%get3A_979] {strides = array<i32>} : memref<640xi32, #tpu.memory_space<vmem>>, vector<16xi32>,
      tpu.vector_store_idx %arg9[%sub3A_974], %get3A_980 masked %and3A_978 : memref<64xi32, #tpu.memory_space<vmem>>[vector<16xi32>], vector<16xi32>, vector<16xi1>
      %all_reduce_population_count3A_981 = tpu.all_reduce %and3A_968 {dim = 0 : i64, kind = #tpu.reduction_kind<sum>} : vector<16xi1> -> vector<16xi32>
      %add3A_982 = arith.addi %add3A_954, %all_reduce_population_count3A_981 : vector<16xi32>
      %get3A_983 = arith.constant 496 : index
      %get3A_984 = tpu.vector_load %arg6[%get3A_983] {strides = array<i32>} : memref<640xi32, #tpu.memory_space<vmem>>, vector<16xi32>,
      %shift_right_logical3A_985 = arith.constant 7 : i32
      %shift_right_logical3A_986 = vector.broadcast %shift_right_logical3A_985 : i32 to vector<16xi32>
      %shift_right_logical3A_987 = arith.shrui %get3A_984, %shift_right_logical3A_986 : vector<16xi32>
      %broadcast_in_dim3A_988 = arith.constant 496 : i32
      %broadcast_in_dim3A_989 = vector.broadcast %broadcast_in_dim3A_988 : i32 to vector<16xi32>
      %iota3A_990 = tpu.iota {dimensions = array<i32: 0>} : vector<16xi32>
      %add3A_991 = arith.addi %broadcast_in_dim3A_989, %iota3A_990 : vector<16xi32>
      %lt3A_992 = arith.cmpi slt, %add3A_991, %scan3A_28 : vector<16xi32>
      %ge3A_993 = arith.cmpi sge, %shift_right_logical3A_987, %broadcast_in_dim3A_118 : vector<16xi32>
      %lt3A_994 = arith.cmpi slt, %shift_right_logical3A_987, %broadcast_in_dim3A_121 : vector<16xi32>
      %and3A_995 = arith.andi %ge3A_993, %lt3A_994 : vector<16xi1>
      %and3A_996 = arith.andi %lt3A_992, %and3A_995 : vector<16xi1>
      %convert_element_type3A_997 = arith.extui %and3A_996 : vector<16xi1> to vector<16xi32>
      %broadcast_in_dim3A_998 = arith.constant true
      %broadcast_in_dim3A_999 = vector.broadcast %broadcast_in_dim3A_998 : i1 to vector<16xi1>
      %masked_cumsum3A_1000 = tpu.scan <sum>, %convert_element_type3A_997 masked %broadcast_in_dim3A_999 : vector<16xi32>, vector<16xi1> -> vector<16xi32>
      %add3A_1001 = arith.addi %add3A_982, %masked_cumsum3A_1000 : vector<16xi32>
      %sub3A_1002 = arith.subi %add3A_1001, %convert_element_type3A_997 : vector<16xi32>
      %lt3A_1003 = arith.constant 64 : i32
      %lt3A_1004 = vector.broadcast %lt3A_1003 : i32 to vector<16xi32>
      %lt3A_1005 = arith.cmpi slt, %sub3A_1002, %lt3A_1004 : vector<16xi32>
      %and3A_1006 = arith.andi %and3A_996, %lt3A_1005 : vector<16xi1>
      tpu.vector_store_idx %arg8[%sub3A_1002], %get3A_984 masked %and3A_1006 : memref<64xi32, #tpu.memory_space<vmem>>[vector<16xi32>], vector<16xi32>, vector<16xi1>
      %get3A_1007 = arith.constant 496 : index
      %get3A_1008 = tpu.vector_load %arg7[%get3A_1007] {strides = array<i32>} : memref<640xi32, #tpu.memory_space<vmem>>, vector<16xi32>,
      tpu.vector_store_idx %arg9[%sub3A_1002], %get3A_1008 masked %and3A_1006 : memref<64xi32, #tpu.memory_space<vmem>>[vector<16xi32>], vector<16xi32>, vector<16xi1>
      %all_reduce_population_count3A_1009 = tpu.all_reduce %and3A_996 {dim = 0 : i64, kind = #tpu.reduction_kind<sum>} : vector<16xi1> -> vector<16xi32>
      %add3A_1010 = arith.addi %add3A_982, %all_reduce_population_count3A_1009 : vector<16xi32>
      %get3A_1011 = arith.constant 512 : index
      %get3A_1012 = tpu.vector_load %arg6[%get3A_1011] {strides = array<i32>} : memref<640xi32, #tpu.memory_space<vmem>>, vector<16xi32>,
      %shift_right_logical3A_1013 = arith.constant 7 : i32
      %shift_right_logical3A_1014 = vector.broadcast %shift_right_logical3A_1013 : i32 to vector<16xi32>
      %shift_right_logical3A_1015 = arith.shrui %get3A_1012, %shift_right_logical3A_1014 : vector<16xi32>
      %broadcast_in_dim3A_1016 = arith.constant 512 : i32
      %broadcast_in_dim3A_1017 = vector.broadcast %broadcast_in_dim3A_1016 : i32 to vector<16xi32>
      %iota3A_1018 = tpu.iota {dimensions = array<i32: 0>} : vector<16xi32>
      %add3A_1019 = arith.addi %broadcast_in_dim3A_1017, %iota3A_1018 : vector<16xi32>
      %lt3A_1020 = arith.cmpi slt, %add3A_1019, %scan3A_28 : vector<16xi32>
      %ge3A_1021 = arith.cmpi sge, %shift_right_logical3A_1015, %broadcast_in_dim3A_118 : vector<16xi32>
      %lt3A_1022 = arith.cmpi slt, %shift_right_logical3A_1015, %broadcast_in_dim3A_121 : vector<16xi32>
      %and3A_1023 = arith.andi %ge3A_1021, %lt3A_1022 : vector<16xi1>
      %and3A_1024 = arith.andi %lt3A_1020, %and3A_1023 : vector<16xi1>
      %convert_element_type3A_1025 = arith.extui %and3A_1024 : vector<16xi1> to vector<16xi32>
      %broadcast_in_dim3A_1026 = arith.constant true
      %broadcast_in_dim3A_1027 = vector.broadcast %broadcast_in_dim3A_1026 : i1 to vector<16xi1>
      %masked_cumsum3A_1028 = tpu.scan <sum>, %convert_element_type3A_1025 masked %broadcast_in_dim3A_1027 : vector<16xi32>, vector<16xi1> -> vector<16xi32>
      %add3A_1029 = arith.addi %add3A_1010, %masked_cumsum3A_1028 : vector<16xi32>
      %sub3A_1030 = arith.subi %add3A_1029, %convert_element_type3A_1025 : vector<16xi32>
      %lt3A_1031 = arith.constant 64 : i32
      %lt3A_1032 = vector.broadcast %lt3A_1031 : i32 to vector<16xi32>
      %lt3A_1033 = arith.cmpi slt, %sub3A_1030, %lt3A_1032 : vector<16xi32>
      %and3A_1034 = arith.andi %and3A_1024, %lt3A_1033 : vector<16xi1>
      tpu.vector_store_idx %arg8[%sub3A_1030], %get3A_1012 masked %and3A_1034 : memref<64xi32, #tpu.memory_space<vmem>>[vector<16xi32>], vector<16xi32>, vector<16xi1>
      %get3A_1035 = arith.constant 512 : index
      %get3A_1036 = tpu.vector_load %arg7[%get3A_1035] {strides = array<i32>} : memref<640xi32, #tpu.memory_space<vmem>>, vector<16xi32>,
      tpu.vector_store_idx %arg9[%sub3A_1030], %get3A_1036 masked %and3A_1034 : memref<64xi32, #tpu.memory_space<vmem>>[vector<16xi32>], vector<16xi32>, vector<16xi1>
      %all_reduce_population_count3A_1037 = tpu.all_reduce %and3A_1024 {dim = 0 : i64, kind = #tpu.reduction_kind<sum>} : vector<16xi1> -> vector<16xi32>
      %add3A_1038 = arith.addi %add3A_1010, %all_reduce_population_count3A_1037 : vector<16xi32>
      %get3A_1039 = arith.constant 528 : index
      %get3A_1040 = tpu.vector_load %arg6[%get3A_1039] {strides = array<i32>} : memref<640xi32, #tpu.memory_space<vmem>>, vector<16xi32>,
      %shift_right_logical3A_1041 = arith.constant 7 : i32
      %shift_right_logical3A_1042 = vector.broadcast %shift_right_logical3A_1041 : i32 to vector<16xi32>
      %shift_right_logical3A_1043 = arith.shrui %get3A_1040, %shift_right_logical3A_1042 : vector<16xi32>
      %broadcast_in_dim3A_1044 = arith.constant 528 : i32
      %broadcast_in_dim3A_1045 = vector.broadcast %broadcast_in_dim3A_1044 : i32 to vector<16xi32>
      %iota3A_1046 = tpu.iota {dimensions = array<i32: 0>} : vector<16xi32>
      %add3A_1047 = arith.addi %broadcast_in_dim3A_1045, %iota3A_1046 : vector<16xi32>
      %lt3A_1048 = arith.cmpi slt, %add3A_1047, %scan3A_28 : vector<16xi32>
      %ge3A_1049 = arith.cmpi sge, %shift_right_logical3A_1043, %broadcast_in_dim3A_118 : vector<16xi32>
      %lt3A_1050 = arith.cmpi slt, %shift_right_logical3A_1043, %broadcast_in_dim3A_121 : vector<16xi32>
      %and3A_1051 = arith.andi %ge3A_1049, %lt3A_1050 : vector<16xi1>
      %and3A_1052 = arith.andi %lt3A_1048, %and3A_1051 : vector<16xi1>
      %convert_element_type3A_1053 = arith.extui %and3A_1052 : vector<16xi1> to vector<16xi32>
      %broadcast_in_dim3A_1054 = arith.constant true
      %broadcast_in_dim3A_1055 = vector.broadcast %broadcast_in_dim3A_1054 : i1 to vector<16xi1>
      %masked_cumsum3A_1056 = tpu.scan <sum>, %convert_element_type3A_1053 masked %broadcast_in_dim3A_1055 : vector<16xi32>, vector<16xi1> -> vector<16xi32>
      %add3A_1057 = arith.addi %add3A_1038, %masked_cumsum3A_1056 : vector<16xi32>
      %sub3A_1058 = arith.subi %add3A_1057, %convert_element_type3A_1053 : vector<16xi32>
      %lt3A_1059 = arith.constant 64 : i32
      %lt3A_1060 = vector.broadcast %lt3A_1059 : i32 to vector<16xi32>
      %lt3A_1061 = arith.cmpi slt, %sub3A_1058, %lt3A_1060 : vector<16xi32>
      %and3A_1062 = arith.andi %and3A_1052, %lt3A_1061 : vector<16xi1>
      tpu.vector_store_idx %arg8[%sub3A_1058], %get3A_1040 masked %and3A_1062 : memref<64xi32, #tpu.memory_space<vmem>>[vector<16xi32>], vector<16xi32>, vector<16xi1>
      %get3A_1063 = arith.constant 528 : index
      %get3A_1064 = tpu.vector_load %arg7[%get3A_1063] {strides = array<i32>} : memref<640xi32, #tpu.memory_space<vmem>>, vector<16xi32>,
      tpu.vector_store_idx %arg9[%sub3A_1058], %get3A_1064 masked %and3A_1062 : memref<64xi32, #tpu.memory_space<vmem>>[vector<16xi32>], vector<16xi32>, vector<16xi1>
      %all_reduce_population_count3A_1065 = tpu.all_reduce %and3A_1052 {dim = 0 : i64, kind = #tpu.reduction_kind<sum>} : vector<16xi1> -> vector<16xi32>
      %add3A_1066 = arith.addi %add3A_1038, %all_reduce_population_count3A_1065 : vector<16xi32>
      %get3A_1067 = arith.constant 544 : index
      %get3A_1068 = tpu.vector_load %arg6[%get3A_1067] {strides = array<i32>} : memref<640xi32, #tpu.memory_space<vmem>>, vector<16xi32>,
      %shift_right_logical3A_1069 = arith.constant 7 : i32
      %shift_right_logical3A_1070 = vector.broadcast %shift_right_logical3A_1069 : i32 to vector<16xi32>
      %shift_right_logical3A_1071 = arith.shrui %get3A_1068, %shift_right_logical3A_1070 : vector<16xi32>
      %broadcast_in_dim3A_1072 = arith.constant 544 : i32
      %broadcast_in_dim3A_1073 = vector.broadcast %broadcast_in_dim3A_1072 : i32 to vector<16xi32>
      %iota3A_1074 = tpu.iota {dimensions = array<i32: 0>} : vector<16xi32>
      %add3A_1075 = arith.addi %broadcast_in_dim3A_1073, %iota3A_1074 : vector<16xi32>
      %lt3A_1076 = arith.cmpi slt, %add3A_1075, %scan3A_28 : vector<16xi32>
      %ge3A_1077 = arith.cmpi sge, %shift_right_logical3A_1071, %broadcast_in_dim3A_118 : vector<16xi32>
      %lt3A_1078 = arith.cmpi slt, %shift_right_logical3A_1071, %broadcast_in_dim3A_121 : vector<16xi32>
      %and3A_1079 = arith.andi %ge3A_1077, %lt3A_1078 : vector<16xi1>
      %and3A_1080 = arith.andi %lt3A_1076, %and3A_1079 : vector<16xi1>
      %convert_element_type3A_1081 = arith.extui %and3A_1080 : vector<16xi1> to vector<16xi32>
      %broadcast_in_dim3A_1082 = arith.constant true
      %broadcast_in_dim3A_1083 = vector.broadcast %broadcast_in_dim3A_1082 : i1 to vector<16xi1>
      %masked_cumsum3A_1084 = tpu.scan <sum>, %convert_element_type3A_1081 masked %broadcast_in_dim3A_1083 : vector<16xi32>, vector<16xi1> -> vector<16xi32>
      %add3A_1085 = arith.addi %add3A_1066, %masked_cumsum3A_1084 : vector<16xi32>
      %sub3A_1086 = arith.subi %add3A_1085, %convert_element_type3A_1081 : vector<16xi32>
      %lt3A_1087 = arith.constant 64 : i32
      %lt3A_1088 = vector.broadcast %lt3A_1087 : i32 to vector<16xi32>
      %lt3A_1089 = arith.cmpi slt, %sub3A_1086, %lt3A_1088 : vector<16xi32>
      %and3A_1090 = arith.andi %and3A_1080, %lt3A_1089 : vector<16xi1>
      tpu.vector_store_idx %arg8[%sub3A_1086], %get3A_1068 masked %and3A_1090 : memref<64xi32, #tpu.memory_space<vmem>>[vector<16xi32>], vector<16xi32>, vector<16xi1>
      %get3A_1091 = arith.constant 544 : index
      %get3A_1092 = tpu.vector_load %arg7[%get3A_1091] {strides = array<i32>} : memref<640xi32, #tpu.memory_space<vmem>>, vector<16xi32>,
      tpu.vector_store_idx %arg9[%sub3A_1086], %get3A_1092 masked %and3A_1090 : memref<64xi32, #tpu.memory_space<vmem>>[vector<16xi32>], vector<16xi32>, vector<16xi1>
      %all_reduce_population_count3A_1093 = tpu.all_reduce %and3A_1080 {dim = 0 : i64, kind = #tpu.reduction_kind<sum>} : vector<16xi1> -> vector<16xi32>
      %add3A_1094 = arith.addi %add3A_1066, %all_reduce_population_count3A_1093 : vector<16xi32>
      %get3A_1095 = arith.constant 560 : index
      %get3A_1096 = tpu.vector_load %arg6[%get3A_1095] {strides = array<i32>} : memref<640xi32, #tpu.memory_space<vmem>>, vector<16xi32>,
      %shift_right_logical3A_1097 = arith.constant 7 : i32
      %shift_right_logical3A_1098 = vector.broadcast %shift_right_logical3A_1097 : i32 to vector<16xi32>
      %shift_right_logical3A_1099 = arith.shrui %get3A_1096, %shift_right_logical3A_1098 : vector<16xi32>
      %broadcast_in_dim3A_1100 = arith.constant 560 : i32
      %broadcast_in_dim3A_1101 = vector.broadcast %broadcast_in_dim3A_1100 : i32 to vector<16xi32>
      %iota3A_1102 = tpu.iota {dimensions = array<i32: 0>} : vector<16xi32>
      %add3A_1103 = arith.addi %broadcast_in_dim3A_1101, %iota3A_1102 : vector<16xi32>
      %lt3A_1104 = arith.cmpi slt, %add3A_1103, %scan3A_28 : vector<16xi32>
      %ge3A_1105 = arith.cmpi sge, %shift_right_logical3A_1099, %broadcast_in_dim3A_118 : vector<16xi32>
      %lt3A_1106 = arith.cmpi slt, %shift_right_logical3A_1099, %broadcast_in_dim3A_121 : vector<16xi32>
      %and3A_1107 = arith.andi %ge3A_1105, %lt3A_1106 : vector<16xi1>
      %and3A_1108 = arith.andi %lt3A_1104, %and3A_1107 : vector<16xi1>
      %convert_element_type3A_1109 = arith.extui %and3A_1108 : vector<16xi1> to vector<16xi32>
      %broadcast_in_dim3A_1110 = arith.constant true
      %broadcast_in_dim3A_1111 = vector.broadcast %broadcast_in_dim3A_1110 : i1 to vector<16xi1>
      %masked_cumsum3A_1112 = tpu.scan <sum>, %convert_element_type3A_1109 masked %broadcast_in_dim3A_1111 : vector<16xi32>, vector<16xi1> -> vector<16xi32>
      %add3A_1113 = arith.addi %add3A_1094, %masked_cumsum3A_1112 : vector<16xi32>
      %sub3A_1114 = arith.subi %add3A_1113, %convert_element_type3A_1109 : vector<16xi32>
      %lt3A_1115 = arith.constant 64 : i32
      %lt3A_1116 = vector.broadcast %lt3A_1115 : i32 to vector<16xi32>
      %lt3A_1117 = arith.cmpi slt, %sub3A_1114, %lt3A_1116 : vector<16xi32>
      %and3A_1118 = arith.andi %and3A_1108, %lt3A_1117 : vector<16xi1>
      tpu.vector_store_idx %arg8[%sub3A_1114], %get3A_1096 masked %and3A_1118 : memref<64xi32, #tpu.memory_space<vmem>>[vector<16xi32>], vector<16xi32>, vector<16xi1>
      %get3A_1119 = arith.constant 560 : index
      %get3A_1120 = tpu.vector_load %arg7[%get3A_1119] {strides = array<i32>} : memref<640xi32, #tpu.memory_space<vmem>>, vector<16xi32>,
      tpu.vector_store_idx %arg9[%sub3A_1114], %get3A_1120 masked %and3A_1118 : memref<64xi32, #tpu.memory_space<vmem>>[vector<16xi32>], vector<16xi32>, vector<16xi1>
      %all_reduce_population_count3A_1121 = tpu.all_reduce %and3A_1108 {dim = 0 : i64, kind = #tpu.reduction_kind<sum>} : vector<16xi1> -> vector<16xi32>
      %add3A_1122 = arith.addi %add3A_1094, %all_reduce_population_count3A_1121 : vector<16xi32>
      %get3A_1123 = arith.constant 576 : index
      %get3A_1124 = tpu.vector_load %arg6[%get3A_1123] {strides = array<i32>} : memref<640xi32, #tpu.memory_space<vmem>>, vector<16xi32>,
      %shift_right_logical3A_1125 = arith.constant 7 : i32
      %shift_right_logical3A_1126 = vector.broadcast %shift_right_logical3A_1125 : i32 to vector<16xi32>
      %shift_right_logical3A_1127 = arith.shrui %get3A_1124, %shift_right_logical3A_1126 : vector<16xi32>
      %broadcast_in_dim3A_1128 = arith.constant 576 : i32
      %broadcast_in_dim3A_1129 = vector.broadcast %broadcast_in_dim3A_1128 : i32 to vector<16xi32>
      %iota3A_1130 = tpu.iota {dimensions = array<i32: 0>} : vector<16xi32>
      %add3A_1131 = arith.addi %broadcast_in_dim3A_1129, %iota3A_1130 : vector<16xi32>
      %lt3A_1132 = arith.cmpi slt, %add3A_1131, %scan3A_28 : vector<16xi32>
      %ge3A_1133 = arith.cmpi sge, %shift_right_logical3A_1127, %broadcast_in_dim3A_118 : vector<16xi32>
      %lt3A_1134 = arith.cmpi slt, %shift_right_logical3A_1127, %broadcast_in_dim3A_121 : vector<16xi32>
      %and3A_1135 = arith.andi %ge3A_1133, %lt3A_1134 : vector<16xi1>
      %and3A_1136 = arith.andi %lt3A_1132, %and3A_1135 : vector<16xi1>
      %convert_element_type3A_1137 = arith.extui %and3A_1136 : vector<16xi1> to vector<16xi32>
      %broadcast_in_dim3A_1138 = arith.constant true
      %broadcast_in_dim3A_1139 = vector.broadcast %broadcast_in_dim3A_1138 : i1 to vector<16xi1>
      %masked_cumsum3A_1140 = tpu.scan <sum>, %convert_element_type3A_1137 masked %broadcast_in_dim3A_1139 : vector<16xi32>, vector<16xi1> -> vector<16xi32>
      %add3A_1141 = arith.addi %add3A_1122, %masked_cumsum3A_1140 : vector<16xi32>
      %sub3A_1142 = arith.subi %add3A_1141, %convert_element_type3A_1137 : vector<16xi32>
      %lt3A_1143 = arith.constant 64 : i32
      %lt3A_1144 = vector.broadcast %lt3A_1143 : i32 to vector<16xi32>
      %lt3A_1145 = arith.cmpi slt, %sub3A_1142, %lt3A_1144 : vector<16xi32>
      %and3A_1146 = arith.andi %and3A_1136, %lt3A_1145 : vector<16xi1>
      tpu.vector_store_idx %arg8[%sub3A_1142], %get3A_1124 masked %and3A_1146 : memref<64xi32, #tpu.memory_space<vmem>>[vector<16xi32>], vector<16xi32>, vector<16xi1>
      %get3A_1147 = arith.constant 576 : index
      %get3A_1148 = tpu.vector_load %arg7[%get3A_1147] {strides = array<i32>} : memref<640xi32, #tpu.memory_space<vmem>>, vector<16xi32>,
      tpu.vector_store_idx %arg9[%sub3A_1142], %get3A_1148 masked %and3A_1146 : memref<64xi32, #tpu.memory_space<vmem>>[vector<16xi32>], vector<16xi32>, vector<16xi1>
      %all_reduce_population_count3A_1149 = tpu.all_reduce %and3A_1136 {dim = 0 : i64, kind = #tpu.reduction_kind<sum>} : vector<16xi1> -> vector<16xi32>
      %add3A_1150 = arith.addi %add3A_1122, %all_reduce_population_count3A_1149 : vector<16xi32>
      %get3A_1151 = arith.constant 592 : index
      %get3A_1152 = tpu.vector_load %arg6[%get3A_1151] {strides = array<i32>} : memref<640xi32, #tpu.memory_space<vmem>>, vector<16xi32>,
      %shift_right_logical3A_1153 = arith.constant 7 : i32
      %shift_right_logical3A_1154 = vector.broadcast %shift_right_logical3A_1153 : i32 to vector<16xi32>
      %shift_right_logical3A_1155 = arith.shrui %get3A_1152, %shift_right_logical3A_1154 : vector<16xi32>
      %broadcast_in_dim3A_1156 = arith.constant 592 : i32
      %broadcast_in_dim3A_1157 = vector.broadcast %broadcast_in_dim3A_1156 : i32 to vector<16xi32>
      %iota3A_1158 = tpu.iota {dimensions = array<i32: 0>} : vector<16xi32>
      %add3A_1159 = arith.addi %broadcast_in_dim3A_1157, %iota3A_1158 : vector<16xi32>
      %lt3A_1160 = arith.cmpi slt, %add3A_1159, %scan3A_28 : vector<16xi32>
      %ge3A_1161 = arith.cmpi sge, %shift_right_logical3A_1155, %broadcast_in_dim3A_118 : vector<16xi32>
      %lt3A_1162 = arith.cmpi slt, %shift_right_logical3A_1155, %broadcast_in_dim3A_121 : vector<16xi32>
      %and3A_1163 = arith.andi %ge3A_1161, %lt3A_1162 : vector<16xi1>
      %and3A_1164 = arith.andi %lt3A_1160, %and3A_1163 : vector<16xi1>
      %convert_element_type3A_1165 = arith.extui %and3A_1164 : vector<16xi1> to vector<16xi32>
      %broadcast_in_dim3A_1166 = arith.constant true
      %broadcast_in_dim3A_1167 = vector.broadcast %broadcast_in_dim3A_1166 : i1 to vector<16xi1>
      %masked_cumsum3A_1168 = tpu.scan <sum>, %convert_element_type3A_1165 masked %broadcast_in_dim3A_1167 : vector<16xi32>, vector<16xi1> -> vector<16xi32>
      %add3A_1169 = arith.addi %add3A_1150, %masked_cumsum3A_1168 : vector<16xi32>
      %sub3A_1170 = arith.subi %add3A_1169, %convert_element_type3A_1165 : vector<16xi32>
      %lt3A_1171 = arith.constant 64 : i32
      %lt3A_1172 = vector.broadcast %lt3A_1171 : i32 to vector<16xi32>
      %lt3A_1173 = arith.cmpi slt, %sub3A_1170, %lt3A_1172 : vector<16xi32>
      %and3A_1174 = arith.andi %and3A_1164, %lt3A_1173 : vector<16xi1>
      tpu.vector_store_idx %arg8[%sub3A_1170], %get3A_1152 masked %and3A_1174 : memref<64xi32, #tpu.memory_space<vmem>>[vector<16xi32>], vector<16xi32>, vector<16xi1>
      %get3A_1175 = arith.constant 592 : index
      %get3A_1176 = tpu.vector_load %arg7[%get3A_1175] {strides = array<i32>} : memref<640xi32, #tpu.memory_space<vmem>>, vector<16xi32>,
      tpu.vector_store_idx %arg9[%sub3A_1170], %get3A_1176 masked %and3A_1174 : memref<64xi32, #tpu.memory_space<vmem>>[vector<16xi32>], vector<16xi32>, vector<16xi1>
      %all_reduce_population_count3A_1177 = tpu.all_reduce %and3A_1164 {dim = 0 : i64, kind = #tpu.reduction_kind<sum>} : vector<16xi1> -> vector<16xi32>
      %add3A_1178 = arith.addi %add3A_1150, %all_reduce_population_count3A_1177 : vector<16xi32>
      %get3A_1179 = arith.constant 608 : index
      %get3A_1180 = tpu.vector_load %arg6[%get3A_1179] {strides = array<i32>} : memref<640xi32, #tpu.memory_space<vmem>>, vector<16xi32>,
      %shift_right_logical3A_1181 = arith.constant 7 : i32
      %shift_right_logical3A_1182 = vector.broadcast %shift_right_logical3A_1181 : i32 to vector<16xi32>
      %shift_right_logical3A_1183 = arith.shrui %get3A_1180, %shift_right_logical3A_1182 : vector<16xi32>
      %broadcast_in_dim3A_1184 = arith.constant 608 : i32
      %broadcast_in_dim3A_1185 = vector.broadcast %broadcast_in_dim3A_1184 : i32 to vector<16xi32>
      %iota3A_1186 = tpu.iota {dimensions = array<i32: 0>} : vector<16xi32>
      %add3A_1187 = arith.addi %broadcast_in_dim3A_1185, %iota3A_1186 : vector<16xi32>
      %lt3A_1188 = arith.cmpi slt, %add3A_1187, %scan3A_28 : vector<16xi32>
      %ge3A_1189 = arith.cmpi sge, %shift_right_logical3A_1183, %broadcast_in_dim3A_118 : vector<16xi32>
      %lt3A_1190 = arith.cmpi slt, %shift_right_logical3A_1183, %broadcast_in_dim3A_121 : vector<16xi32>
      %and3A_1191 = arith.andi %ge3A_1189, %lt3A_1190 : vector<16xi1>
      %and3A_1192 = arith.andi %lt3A_1188, %and3A_1191 : vector<16xi1>
      %convert_element_type3A_1193 = arith.extui %and3A_1192 : vector<16xi1> to vector<16xi32>
      %broadcast_in_dim3A_1194 = arith.constant true
      %broadcast_in_dim3A_1195 = vector.broadcast %broadcast_in_dim3A_1194 : i1 to vector<16xi1>
      %masked_cumsum3A_1196 = tpu.scan <sum>, %convert_element_type3A_1193 masked %broadcast_in_dim3A_1195 : vector<16xi32>, vector<16xi1> -> vector<16xi32>
      %add3A_1197 = arith.addi %add3A_1178, %masked_cumsum3A_1196 : vector<16xi32>
      %sub3A_1198 = arith.subi %add3A_1197, %convert_element_type3A_1193 : vector<16xi32>
      %lt3A_1199 = arith.constant 64 : i32
      %lt3A_1200 = vector.broadcast %lt3A_1199 : i32 to vector<16xi32>
      %lt3A_1201 = arith.cmpi slt, %sub3A_1198, %lt3A_1200 : vector<16xi32>
      %and3A_1202 = arith.andi %and3A_1192, %lt3A_1201 : vector<16xi1>
      tpu.vector_store_idx %arg8[%sub3A_1198], %get3A_1180 masked %and3A_1202 : memref<64xi32, #tpu.memory_space<vmem>>[vector<16xi32>], vector<16xi32>, vector<16xi1>
      %get3A_1203 = arith.constant 608 : index
      %get3A_1204 = tpu.vector_load %arg7[%get3A_1203] {strides = array<i32>} : memref<640xi32, #tpu.memory_space<vmem>>, vector<16xi32>,
      tpu.vector_store_idx %arg9[%sub3A_1198], %get3A_1204 masked %and3A_1202 : memref<64xi32, #tpu.memory_space<vmem>>[vector<16xi32>], vector<16xi32>, vector<16xi1>
      %all_reduce_population_count3A_1205 = tpu.all_reduce %and3A_1192 {dim = 0 : i64, kind = #tpu.reduction_kind<sum>} : vector<16xi1> -> vector<16xi32>
      %add3A_1206 = arith.addi %add3A_1178, %all_reduce_population_count3A_1205 : vector<16xi32>
      %get3A_1207 = arith.constant 624 : index
      %get3A_1208 = tpu.vector_load %arg6[%get3A_1207] {strides = array<i32>} : memref<640xi32, #tpu.memory_space<vmem>>, vector<16xi32>,
      %shift_right_logical3A_1209 = arith.constant 7 : i32
      %shift_right_logical3A_1210 = vector.broadcast %shift_right_logical3A_1209 : i32 to vector<16xi32>
      %shift_right_logical3A_1211 = arith.shrui %get3A_1208, %shift_right_logical3A_1210 : vector<16xi32>
      %broadcast_in_dim3A_1212 = arith.constant 624 : i32
      %broadcast_in_dim3A_1213 = vector.broadcast %broadcast_in_dim3A_1212 : i32 to vector<16xi32>
      %iota3A_1214 = tpu.iota {dimensions = array<i32: 0>} : vector<16xi32>
      %add3A_1215 = arith.addi %broadcast_in_dim3A_1213, %iota3A_1214 : vector<16xi32>
      %lt3A_1216 = arith.cmpi slt, %add3A_1215, %scan3A_28 : vector<16xi32>
      %ge3A_1217 = arith.cmpi sge, %shift_right_logical3A_1211, %broadcast_in_dim3A_118 : vector<16xi32>
      %lt3A_1218 = arith.cmpi slt, %shift_right_logical3A_1211, %broadcast_in_dim3A_121 : vector<16xi32>
      %and3A_1219 = arith.andi %ge3A_1217, %lt3A_1218 : vector<16xi1>
      %and3A_1220 = arith.andi %lt3A_1216, %and3A_1219 : vector<16xi1>
      %convert_element_type3A_1221 = arith.extui %and3A_1220 : vector<16xi1> to vector<16xi32>
      %broadcast_in_dim3A_1222 = arith.constant true
      %broadcast_in_dim3A_1223 = vector.broadcast %broadcast_in_dim3A_1222 : i1 to vector<16xi1>
      %masked_cumsum3A_1224 = tpu.scan <sum>, %convert_element_type3A_1221 masked %broadcast_in_dim3A_1223 : vector<16xi32>, vector<16xi1> -> vector<16xi32>
      %add3A_1225 = arith.addi %add3A_1206, %masked_cumsum3A_1224 : vector<16xi32>
      %sub3A_1226 = arith.subi %add3A_1225, %convert_element_type3A_1221 : vector<16xi32>
      %lt3A_1227 = arith.constant 64 : i32
      %lt3A_1228 = vector.broadcast %lt3A_1227 : i32 to vector<16xi32>
      %lt3A_1229 = arith.cmpi slt, %sub3A_1226, %lt3A_1228 : vector<16xi32>
      %and3A_1230 = arith.andi %and3A_1220, %lt3A_1229 : vector<16xi1>
      tpu.vector_store_idx %arg8[%sub3A_1226], %get3A_1208 masked %and3A_1230 : memref<64xi32, #tpu.memory_space<vmem>>[vector<16xi32>], vector<16xi32>, vector<16xi1>
      %get3A_1231 = arith.constant 624 : index
      %get3A_1232 = tpu.vector_load %arg7[%get3A_1231] {strides = array<i32>} : memref<640xi32, #tpu.memory_space<vmem>>, vector<16xi32>,
      tpu.vector_store_idx %arg9[%sub3A_1226], %get3A_1232 masked %and3A_1230 : memref<64xi32, #tpu.memory_space<vmem>>[vector<16xi32>], vector<16xi32>, vector<16xi1>
      %all_reduce_population_count3A_1233 = tpu.all_reduce %and3A_1220 {dim = 0 : i64, kind = #tpu.reduction_kind<sum>} : vector<16xi1> -> vector<16xi32>
      %add3A_1234 = arith.addi %add3A_1206, %all_reduce_population_count3A_1233 : vector<16xi32>
      %slice3A_1235 = vector.extract_strided_slice %add3A_1234 {offsets = [0], sizes = [1], strides = [1]} : vector<16xi32> to vector<1xi32>
      %squeeze3A_1236 = vector.extract %slice3A_1235[0] : i32 from vector<1xi32>
      %while3A_1237 = arith.constant 0 : i32
      %while3A_1238 = arith.subi %squeeze3A_1236, %while3A_1237 : i32
      %while3A_1239 = arith.addi %while3A_1237, %while3A_1238 : i32
      %while3A_1240 = arith.constant 1 : i32
      %while3A_1241 = arith.divsi %while3A_1238, %while3A_1240 : i32
      %while3A_1242 = arith.muli %while3A_1241, %while3A_1240 : i32
      %while3A_1243 = arith.addi %while3A_1237, %while3A_1242 : i32
      %while3A_1244 = arith.constant 1 : i32
      %while3A_1245 = scf.for %while3A_2435 = %while3A_1237 to %while3A_1243 step %while3A_1244 iter_args(%while3A_2436 = %scan3A_66) -> (vector<16xi32>)  : i32 {
        %broadcast_in_dim3A_2437 = vector.broadcast %while3A_2435 : i32 to vector<16xi32>
        %gather3A = tpu.vector_load_idx %arg8[%broadcast_in_dim3A_2437] : memref<64xi32, #tpu.memory_space<vmem>>[vector<16xi32>], vector<16xi32>,
        %broadcast_in_dim3A_2438 = vector.broadcast %while3A_2435 : i32 to vector<16xi32>
        %gather3A_2439 = tpu.vector_load_idx %arg9[%broadcast_in_dim3A_2438] : memref<64xi32, #tpu.memory_space<vmem>>[vector<16xi32>], vector<16xi32>,
        %shift_right_logical3A_2440 = arith.constant 7 : i32
        %shift_right_logical3A_2441 = vector.broadcast %shift_right_logical3A_2440 : i32 to vector<16xi32>
        %shift_right_logical3A_2442 = arith.shrui %gather3A, %shift_right_logical3A_2441 : vector<16xi32>
        %and3A_2443 = arith.constant 127 : i32
        %and3A_2444 = vector.broadcast %and3A_2443 : i32 to vector<16xi32>
        %and3A_2445 = arith.andi %gather3A, %and3A_2444 : vector<16xi32>
        %broadcast_in_dim3A_2446 = vector.broadcast %min3A_117 : i32 to vector<16xi32>
        %sub3A_2447 = arith.subi %shift_right_logical3A_2442, %broadcast_in_dim3A_2446 : vector<16xi32>
        %mul3A_2448 = arith.constant 128 : i32
        %mul3A_2449 = vector.broadcast %mul3A_2448 : i32 to vector<16xi32>
        %mul3A_2450 = arith.muli %sub3A_2447, %mul3A_2449 : vector<16xi32>
        %add3A_2451 = arith.addi %mul3A_2450, %and3A_2445 : vector<16xi32>
        %slice3A_2452 = vector.extract_strided_slice %while3A_2436 {offsets = [0], sizes = [1], strides = [1]} : vector<16xi32> to vector<1xi32>
        %squeeze3A_2453 = vector.extract %slice3A_2452[0] : i32 from vector<1xi32>
        %and3A_2454 = arith.constant 15 : i32
        %and3A_2455 = arith.andi %squeeze3A_2453, %and3A_2454 : i32
        %slice3A_2456 = vector.extract_strided_slice %while3A_2436 {offsets = [0], sizes = [1], strides = [1]} : vector<16xi32> to vector<1xi32>
        %squeeze3A_2457 = vector.extract %slice3A_2456[0] : i32 from vector<1xi32>
        %ge3A_2458 = arith.constant 16 : i32
        %ge3A_2459 = arith.cmpi sge, %squeeze3A_2457, %ge3A_2458 : i32
        %convert_element_type3A_2460 = arith.extui %ge3A_2459 : i1 to i32
        %cond3A = arith.constant 0 : i32
        %cond3A_2461 = arith.cmpi ne, %convert_element_type3A_2460, %cond3A : i32
        scf.if %cond3A_2461 {
          %dma_wait3A_2540 = arith.constant 0 : i32
          %dma_wait3A_2541 = arith.constant 0 : i32
          %dma_wait3A_2542 = tpu.memref_slice %arg10[%dma_wait3A_2541] : memref<2048xf32, #tpu.memory_space<vmem>> -> memref<128xf32, #tpu.memory_space<vmem>>
          %dma_wait3A_2543 = arith.constant 0 : i32
          %dma_wait3A_2544 = tpu.memref_slice %arg3[%dma_wait3A_2540, %dma_wait3A_2543] : memref<64x1000000xf32, #tpu.memory_space<hbm>> -> memref<1x128xf32, #tpu.memory_space<hbm>>
          %dma_wait3A_2545 = tpu.memref_squeeze %dma_wait3A_2544 : memref<1x128xf32, #tpu.memory_space<hbm>> -> memref<128xf32, #tpu.memory_space<hbm>>
          %dma_wait3A_2546 = arith.constant 0 : i32
          %dma_wait3A_2547 = tpu.memref_slice %arg10[%dma_wait3A_2546] : memref<2048xf32, #tpu.memory_space<vmem>> -> memref<128xf32, #tpu.memory_space<vmem>>
          %dma_wait3A_2548 = arith.constant 0 : i32
          %dma_wait3A_2549 = tpu.memref_slice %arg3[%dma_wait3A_2540, %dma_wait3A_2548] : memref<64x1000000xf32, #tpu.memory_space<hbm>> -> memref<1x128xf32, #tpu.memory_space<hbm>>
          %dma_wait3A_2550 = tpu.memref_squeeze %dma_wait3A_2549 : memref<1x128xf32, #tpu.memory_space<hbm>> -> memref<128xf32, #tpu.memory_space<hbm>>
          tpu.wait_dma2 semaphore(%arg15 : memref<!tpu.dma_semaphore, #tpu.memory_space<semaphore_mem>>) src(%dma_wait3A_2550 : memref<128xf32, #tpu.memory_space<hbm>>) dst(%dma_wait3A_2547 : memref<128xf32, #tpu.memory_space<vmem>>)
        } else {
        }
        %iota3A_2462 = tpu.iota {dimensions = array<i32: 0>} : vector<16xi32>
        %add3A_2463 = arith.constant 0 : i32
        %add3A_2464 = vector.broadcast %add3A_2463 : i32 to vector<16xi32>
        %add3A_2465 = arith.addi %iota3A_2462, %add3A_2464 : vector<16xi32>
        %gather3A_2466 = arith.constant 0 : i32
        %gather3A_2467 = arith.constant 0 : i32
        %gather3A_2468 = arith.constant 0 : i32
        %gather3A_2469 = tpu.memref_slice %arg11[%gather3A_2466, %gather3A_2467, %gather3A_2468] : memref<2x64x768xf32, #tpu.memory_space<vmem>> -> memref<1x64x768xf32, #tpu.memory_space<vmem>>
        %gather3A_2470 = tpu.memref_squeeze %gather3A_2469 : memref<1x64x768xf32, #tpu.memory_space<vmem>> -> memref<64x768xf32, #tpu.memory_space<vmem>>
        %gather3A_2471 = tpu.vector_load_idx %gather3A_2470[%add3A_2465, %add3A_2451] : memref<64x768xf32, #tpu.memory_space<vmem>>[vector<16xi32>, vector<16xi32>], vector<16xf32>,
        %mul3A_2472 = arith.constant 128 : i32
        %mul3A_2473 = arith.muli %and3A_2455, %mul3A_2472 : i32
        %add3A_2474 = arith.constant 0 : i32
        %add3A_2475 = arith.addi %mul3A_2473, %add3A_2474 : i32
        %swap3A = arith.index_cast %add3A_2475 : i32 to index
        %swap3A_2476 = tpu.vector_load %arg10[%swap3A] {strides = array<i32>} : memref<2048xf32, #tpu.memory_space<vmem>>, vector<16xf32>,
        tpu.vector_store %arg10[%swap3A], %gather3A_2471 {strides = array<i32>} : memref<2048xf32, #tpu.memory_space<vmem>>, vector<16xf32>,
        %iota3A_2477 = tpu.iota {dimensions = array<i32: 0>} : vector<16xi32>
        %add3A_2478 = arith.constant 16 : i32
        %add3A_2479 = vector.broadcast %add3A_2478 : i32 to vector<16xi32>
        %add3A_2480 = arith.addi %iota3A_2477, %add3A_2479 : vector<16xi32>
        %gather3A_2481 = arith.constant 0 : i32
        %gather3A_2482 = arith.constant 0 : i32
        %gather3A_2483 = arith.constant 0 : i32
        %gather3A_2484 = tpu.memref_slice %arg11[%gather3A_2481, %gather3A_2482, %gather3A_2483] : memref<2x64x768xf32, #tpu.memory_space<vmem>> -> memref<1x64x768xf32, #tpu.memory_space<vmem>>
        %gather3A_2485 = tpu.memref_squeeze %gather3A_2484 : memref<1x64x768xf32, #tpu.memory_space<vmem>> -> memref<64x768xf32, #tpu.memory_space<vmem>>
        %gather3A_2486 = tpu.vector_load_idx %gather3A_2485[%add3A_2480, %add3A_2451] : memref<64x768xf32, #tpu.memory_space<vmem>>[vector<16xi32>, vector<16xi32>], vector<16xf32>,
        %mul3A_2487 = arith.constant 128 : i32
        %mul3A_2488 = arith.muli %and3A_2455, %mul3A_2487 : i32
        %add3A_2489 = arith.constant 16 : i32
        %add3A_2490 = arith.addi %mul3A_2488, %add3A_2489 : i32
        %swap3A_2491 = arith.index_cast %add3A_2490 : i32 to index
        %swap3A_2492 = tpu.vector_load %arg10[%swap3A_2491] {strides = array<i32>} : memref<2048xf32, #tpu.memory_space<vmem>>, vector<16xf32>,
        tpu.vector_store %arg10[%swap3A_2491], %gather3A_2486 {strides = array<i32>} : memref<2048xf32, #tpu.memory_space<vmem>>, vector<16xf32>,
        %iota3A_2493 = tpu.iota {dimensions = array<i32: 0>} : vector<16xi32>
        %add3A_2494 = arith.constant 32 : i32
        %add3A_2495 = vector.broadcast %add3A_2494 : i32 to vector<16xi32>
        %add3A_2496 = arith.addi %iota3A_2493, %add3A_2495 : vector<16xi32>
        %gather3A_2497 = arith.constant 0 : i32
        %gather3A_2498 = arith.constant 0 : i32
        %gather3A_2499 = arith.constant 0 : i32
        %gather3A_2500 = tpu.memref_slice %arg11[%gather3A_2497, %gather3A_2498, %gather3A_2499] : memref<2x64x768xf32, #tpu.memory_space<vmem>> -> memref<1x64x768xf32, #tpu.memory_space<vmem>>
        %gather3A_2501 = tpu.memref_squeeze %gather3A_2500 : memref<1x64x768xf32, #tpu.memory_space<vmem>> -> memref<64x768xf32, #tpu.memory_space<vmem>>
        %gather3A_2502 = tpu.vector_load_idx %gather3A_2501[%add3A_2496, %add3A_2451] : memref<64x768xf32, #tpu.memory_space<vmem>>[vector<16xi32>, vector<16xi32>], vector<16xf32>,
        %mul3A_2503 = arith.constant 128 : i32
        %mul3A_2504 = arith.muli %and3A_2455, %mul3A_2503 : i32
        %add3A_2505 = arith.constant 32 : i32
        %add3A_2506 = arith.addi %mul3A_2504, %add3A_2505 : i32
        %swap3A_2507 = arith.index_cast %add3A_2506 : i32 to index
        %swap3A_2508 = tpu.vector_load %arg10[%swap3A_2507] {strides = array<i32>} : memref<2048xf32, #tpu.memory_space<vmem>>, vector<16xf32>,
        tpu.vector_store %arg10[%swap3A_2507], %gather3A_2502 {strides = array<i32>} : memref<2048xf32, #tpu.memory_space<vmem>>, vector<16xf32>,
        %iota3A_2509 = tpu.iota {dimensions = array<i32: 0>} : vector<16xi32>
        %add3A_2510 = arith.constant 48 : i32
        %add3A_2511 = vector.broadcast %add3A_2510 : i32 to vector<16xi32>
        %add3A_2512 = arith.addi %iota3A_2509, %add3A_2511 : vector<16xi32>
        %gather3A_2513 = arith.constant 0 : i32
        %gather3A_2514 = arith.constant 0 : i32
        %gather3A_2515 = arith.constant 0 : i32
        %gather3A_2516 = tpu.memref_slice %arg11[%gather3A_2513, %gather3A_2514, %gather3A_2515] : memref<2x64x768xf32, #tpu.memory_space<vmem>> -> memref<1x64x768xf32, #tpu.memory_space<vmem>>
        %gather3A_2517 = tpu.memref_squeeze %gather3A_2516 : memref<1x64x768xf32, #tpu.memory_space<vmem>> -> memref<64x768xf32, #tpu.memory_space<vmem>>
        %gather3A_2518 = tpu.vector_load_idx %gather3A_2517[%add3A_2512, %add3A_2451] : memref<64x768xf32, #tpu.memory_space<vmem>>[vector<16xi32>, vector<16xi32>], vector<16xf32>,
        %mul3A_2519 = arith.constant 128 : i32
        %mul3A_2520 = arith.muli %and3A_2455, %mul3A_2519 : i32
        %add3A_2521 = arith.constant 48 : i32
        %add3A_2522 = arith.addi %mul3A_2520, %add3A_2521 : i32
        %swap3A_2523 = arith.index_cast %add3A_2522 : i32 to index
        %swap3A_2524 = tpu.vector_load %arg10[%swap3A_2523] {strides = array<i32>} : memref<2048xf32, #tpu.memory_space<vmem>>, vector<16xf32>,
        tpu.vector_store %arg10[%swap3A_2523], %gather3A_2518 {strides = array<i32>} : memref<2048xf32, #tpu.memory_space<vmem>>, vector<16xf32>,
        %mul3A_2525 = arith.constant 128 : i32
        %mul3A_2526 = arith.muli %and3A_2455, %mul3A_2525 : i32
        %slice3A_2527 = vector.extract_strided_slice %gather3A_2439 {offsets = [0], sizes = [1], strides = [1]} : vector<16xi32> to vector<1xi32>
        %squeeze3A_2528 = vector.extract %slice3A_2527[0] : i32 from vector<1xi32>
        %dma_start3A_2529 = tpu.memref_slice %arg10[%mul3A_2526] : memref<2048xf32, #tpu.memory_space<vmem>> -> memref<128xf32, #tpu.memory_space<vmem>>
        %dma_start3A_2530 = arith.constant 0 : i32
        %dma_start3A_2531 = tpu.memref_slice %arg4[%squeeze3A_2528, %dma_start3A_2530] : memref<16384x128xf32, #tpu.memory_space<hbm>> -> memref<1x128xf32, #tpu.memory_space<hbm>>
        %dma_start3A_2532 = tpu.memref_squeeze %dma_start3A_2531 : memref<1x128xf32, #tpu.memory_space<hbm>> -> memref<128xf32, #tpu.memory_space<hbm>>
        %dma_start3A_2533 = arith.constant 0 : i32
        %dma_start3A_2534 = tpu.memref_slice %arg4[%squeeze3A_2528, %dma_start3A_2533] : memref<16384x128xf32, #tpu.memory_space<hbm>> -> memref<1x128xf32, #tpu.memory_space<hbm>>
        %dma_start3A_2535 = tpu.memref_squeeze %dma_start3A_2534 : memref<1x128xf32, #tpu.memory_space<hbm>> -> memref<128xf32, #tpu.memory_space<hbm>>
        %dma_start3A_2536 = tpu.memref_slice %arg10[%mul3A_2526] : memref<2048xf32, #tpu.memory_space<vmem>> -> memref<128xf32, #tpu.memory_space<vmem>>
        tpu.enqueue_dma source(%dma_start3A_2536 : memref<128xf32, #tpu.memory_space<vmem>>) target(%dma_start3A_2535 : memref<128xf32, #tpu.memory_space<hbm>>) target_semaphore(%arg15 : memref<!tpu.dma_semaphore, #tpu.memory_space<semaphore_mem>>)
        %add3A_2537 = arith.constant 1 : i32
        %add3A_2538 = vector.broadcast %add3A_2537 : i32 to vector<16xi32>
        %add3A_2539 = arith.addi %while3A_2436, %add3A_2538 : vector<16xi32>
        scf.yield %add3A_2539 : vector<16xi32>
      }
      %while3A_1246 = arith.constant 1 : i32
      %while3A_1247 = scf.for %while3A_2435 = %while3A_1243 to %while3A_1239 step %while3A_1246 iter_args(%while3A_2436 = %while3A_1245) -> (vector<16xi32>)  : i32 {
        %broadcast_in_dim3A_2437 = vector.broadcast %while3A_2435 : i32 to vector<16xi32>
        %gather3A = tpu.vector_load_idx %arg8[%broadcast_in_dim3A_2437] : memref<64xi32, #tpu.memory_space<vmem>>[vector<16xi32>], vector<16xi32>,
        %broadcast_in_dim3A_2438 = vector.broadcast %while3A_2435 : i32 to vector<16xi32>
        %gather3A_2439 = tpu.vector_load_idx %arg9[%broadcast_in_dim3A_2438] : memref<64xi32, #tpu.memory_space<vmem>>[vector<16xi32>], vector<16xi32>,
        %shift_right_logical3A_2440 = arith.constant 7 : i32
        %shift_right_logical3A_2441 = vector.broadcast %shift_right_logical3A_2440 : i32 to vector<16xi32>
        %shift_right_logical3A_2442 = arith.shrui %gather3A, %shift_right_logical3A_2441 : vector<16xi32>
        %and3A_2443 = arith.constant 127 : i32
        %and3A_2444 = vector.broadcast %and3A_2443 : i32 to vector<16xi32>
        %and3A_2445 = arith.andi %gather3A, %and3A_2444 : vector<16xi32>
        %broadcast_in_dim3A_2446 = vector.broadcast %min3A_117 : i32 to vector<16xi32>
        %sub3A_2447 = arith.subi %shift_right_logical3A_2442, %broadcast_in_dim3A_2446 : vector<16xi32>
        %mul3A_2448 = arith.constant 128 : i32
        %mul3A_2449 = vector.broadcast %mul3A_2448 : i32 to vector<16xi32>
        %mul3A_2450 = arith.muli %sub3A_2447, %mul3A_2449 : vector<16xi32>
        %add3A_2451 = arith.addi %mul3A_2450, %and3A_2445 : vector<16xi32>
        %slice3A_2452 = vector.extract_strided_slice %while3A_2436 {offsets = [0], sizes = [1], strides = [1]} : vector<16xi32> to vector<1xi32>
        %squeeze3A_2453 = vector.extract %slice3A_2452[0] : i32 from vector<1xi32>
        %and3A_2454 = arith.constant 15 : i32
        %and3A_2455 = arith.andi %squeeze3A_2453, %and3A_2454 : i32
        %slice3A_2456 = vector.extract_strided_slice %while3A_2436 {offsets = [0], sizes = [1], strides = [1]} : vector<16xi32> to vector<1xi32>
        %squeeze3A_2457 = vector.extract %slice3A_2456[0] : i32 from vector<1xi32>
        %ge3A_2458 = arith.constant 16 : i32
        %ge3A_2459 = arith.cmpi sge, %squeeze3A_2457, %ge3A_2458 : i32
        %convert_element_type3A_2460 = arith.extui %ge3A_2459 : i1 to i32
        %cond3A = arith.constant 0 : i32
        %cond3A_2461 = arith.cmpi ne, %convert_element_type3A_2460, %cond3A : i32
        scf.if %cond3A_2461 {
          %dma_wait3A_2540 = arith.constant 0 : i32
          %dma_wait3A_2541 = arith.constant 0 : i32
          %dma_wait3A_2542 = tpu.memref_slice %arg10[%dma_wait3A_2541] : memref<2048xf32, #tpu.memory_space<vmem>> -> memref<128xf32, #tpu.memory_space<vmem>>
          %dma_wait3A_2543 = arith.constant 0 : i32
          %dma_wait3A_2544 = tpu.memref_slice %arg3[%dma_wait3A_2540, %dma_wait3A_2543] : memref<64x1000000xf32, #tpu.memory_space<hbm>> -> memref<1x128xf32, #tpu.memory_space<hbm>>
          %dma_wait3A_2545 = tpu.memref_squeeze %dma_wait3A_2544 : memref<1x128xf32, #tpu.memory_space<hbm>> -> memref<128xf32, #tpu.memory_space<hbm>>
          %dma_wait3A_2546 = arith.constant 0 : i32
          %dma_wait3A_2547 = tpu.memref_slice %arg10[%dma_wait3A_2546] : memref<2048xf32, #tpu.memory_space<vmem>> -> memref<128xf32, #tpu.memory_space<vmem>>
          %dma_wait3A_2548 = arith.constant 0 : i32
          %dma_wait3A_2549 = tpu.memref_slice %arg3[%dma_wait3A_2540, %dma_wait3A_2548] : memref<64x1000000xf32, #tpu.memory_space<hbm>> -> memref<1x128xf32, #tpu.memory_space<hbm>>
          %dma_wait3A_2550 = tpu.memref_squeeze %dma_wait3A_2549 : memref<1x128xf32, #tpu.memory_space<hbm>> -> memref<128xf32, #tpu.memory_space<hbm>>
          tpu.wait_dma2 semaphore(%arg15 : memref<!tpu.dma_semaphore, #tpu.memory_space<semaphore_mem>>) src(%dma_wait3A_2550 : memref<128xf32, #tpu.memory_space<hbm>>) dst(%dma_wait3A_2547 : memref<128xf32, #tpu.memory_space<vmem>>)
        } else {
        }
        %iota3A_2462 = tpu.iota {dimensions = array<i32: 0>} : vector<16xi32>
        %add3A_2463 = arith.constant 0 : i32
        %add3A_2464 = vector.broadcast %add3A_2463 : i32 to vector<16xi32>
        %add3A_2465 = arith.addi %iota3A_2462, %add3A_2464 : vector<16xi32>
        %gather3A_2466 = arith.constant 0 : i32
        %gather3A_2467 = arith.constant 0 : i32
        %gather3A_2468 = arith.constant 0 : i32
        %gather3A_2469 = tpu.memref_slice %arg11[%gather3A_2466, %gather3A_2467, %gather3A_2468] : memref<2x64x768xf32, #tpu.memory_space<vmem>> -> memref<1x64x768xf32, #tpu.memory_space<vmem>>
        %gather3A_2470 = tpu.memref_squeeze %gather3A_2469 : memref<1x64x768xf32, #tpu.memory_space<vmem>> -> memref<64x768xf32, #tpu.memory_space<vmem>>
        %gather3A_2471 = tpu.vector_load_idx %gather3A_2470[%add3A_2465, %add3A_2451] : memref<64x768xf32, #tpu.memory_space<vmem>>[vector<16xi32>, vector<16xi32>], vector<16xf32>,
        %mul3A_2472 = arith.constant 128 : i32
        %mul3A_2473 = arith.muli %and3A_2455, %mul3A_2472 : i32
        %add3A_2474 = arith.constant 0 : i32
        %add3A_2475 = arith.addi %mul3A_2473, %add3A_2474 : i32
        %swap3A = arith.index_cast %add3A_2475 : i32 to index
        %swap3A_2476 = tpu.vector_load %arg10[%swap3A] {strides = array<i32>} : memref<2048xf32, #tpu.memory_space<vmem>>, vector<16xf32>,
        tpu.vector_store %arg10[%swap3A], %gather3A_2471 {strides = array<i32>} : memref<2048xf32, #tpu.memory_space<vmem>>, vector<16xf32>,
        %iota3A_2477 = tpu.iota {dimensions = array<i32: 0>} : vector<16xi32>
        %add3A_2478 = arith.constant 16 : i32
        %add3A_2479 = vector.broadcast %add3A_2478 : i32 to vector<16xi32>
        %add3A_2480 = arith.addi %iota3A_2477, %add3A_2479 : vector<16xi32>
        %gather3A_2481 = arith.constant 0 : i32
        %gather3A_2482 = arith.constant 0 : i32
        %gather3A_2483 = arith.constant 0 : i32
        %gather3A_2484 = tpu.memref_slice %arg11[%gather3A_2481, %gather3A_2482, %gather3A_2483] : memref<2x64x768xf32, #tpu.memory_space<vmem>> -> memref<1x64x768xf32, #tpu.memory_space<vmem>>
        %gather3A_2485 = tpu.memref_squeeze %gather3A_2484 : memref<1x64x768xf32, #tpu.memory_space<vmem>> -> memref<64x768xf32, #tpu.memory_space<vmem>>
        %gather3A_2486 = tpu.vector_load_idx %gather3A_2485[%add3A_2480, %add3A_2451] : memref<64x768xf32, #tpu.memory_space<vmem>>[vector<16xi32>, vector<16xi32>], vector<16xf32>,
        %mul3A_2487 = arith.constant 128 : i32
        %mul3A_2488 = arith.muli %and3A_2455, %mul3A_2487 : i32
        %add3A_2489 = arith.constant 16 : i32
        %add3A_2490 = arith.addi %mul3A_2488, %add3A_2489 : i32
        %swap3A_2491 = arith.index_cast %add3A_2490 : i32 to index
        %swap3A_2492 = tpu.vector_load %arg10[%swap3A_2491] {strides = array<i32>} : memref<2048xf32, #tpu.memory_space<vmem>>, vector<16xf32>,
        tpu.vector_store %arg10[%swap3A_2491], %gather3A_2486 {strides = array<i32>} : memref<2048xf32, #tpu.memory_space<vmem>>, vector<16xf32>,
        %iota3A_2493 = tpu.iota {dimensions = array<i32: 0>} : vector<16xi32>
        %add3A_2494 = arith.constant 32 : i32
        %add3A_2495 = vector.broadcast %add3A_2494 : i32 to vector<16xi32>
        %add3A_2496 = arith.addi %iota3A_2493, %add3A_2495 : vector<16xi32>
        %gather3A_2497 = arith.constant 0 : i32
        %gather3A_2498 = arith.constant 0 : i32
        %gather3A_2499 = arith.constant 0 : i32
        %gather3A_2500 = tpu.memref_slice %arg11[%gather3A_2497, %gather3A_2498, %gather3A_2499] : memref<2x64x768xf32, #tpu.memory_space<vmem>> -> memref<1x64x768xf32, #tpu.memory_space<vmem>>
        %gather3A_2501 = tpu.memref_squeeze %gather3A_2500 : memref<1x64x768xf32, #tpu.memory_space<vmem>> -> memref<64x768xf32, #tpu.memory_space<vmem>>
        %gather3A_2502 = tpu.vector_load_idx %gather3A_2501[%add3A_2496, %add3A_2451] : memref<64x768xf32, #tpu.memory_space<vmem>>[vector<16xi32>, vector<16xi32>], vector<16xf32>,
        %mul3A_2503 = arith.constant 128 : i32
        %mul3A_2504 = arith.muli %and3A_2455, %mul3A_2503 : i32
        %add3A_2505 = arith.constant 32 : i32
        %add3A_2506 = arith.addi %mul3A_2504, %add3A_2505 : i32
        %swap3A_2507 = arith.index_cast %add3A_2506 : i32 to index
        %swap3A_2508 = tpu.vector_load %arg10[%swap3A_2507] {strides = array<i32>} : memref<2048xf32, #tpu.memory_space<vmem>>, vector<16xf32>,
        tpu.vector_store %arg10[%swap3A_2507], %gather3A_2502 {strides = array<i32>} : memref<2048xf32, #tpu.memory_space<vmem>>, vector<16xf32>,
        %iota3A_2509 = tpu.iota {dimensions = array<i32: 0>} : vector<16xi32>
        %add3A_2510 = arith.constant 48 : i32
        %add3A_2511 = vector.broadcast %add3A_2510 : i32 to vector<16xi32>
        %add3A_2512 = arith.addi %iota3A_2509, %add3A_2511 : vector<16xi32>
        %gather3A_2513 = arith.constant 0 : i32
        %gather3A_2514 = arith.constant 0 : i32
        %gather3A_2515 = arith.constant 0 : i32
        %gather3A_2516 = tpu.memref_slice %arg11[%gather3A_2513, %gather3A_2514, %gather3A_2515] : memref<2x64x768xf32, #tpu.memory_space<vmem>> -> memref<1x64x768xf32, #tpu.memory_space<vmem>>
        %gather3A_2517 = tpu.memref_squeeze %gather3A_2516 : memref<1x64x768xf32, #tpu.memory_space<vmem>> -> memref<64x768xf32, #tpu.memory_space<vmem>>
        %gather3A_2518 = tpu.vector_load_idx %gather3A_2517[%add3A_2512, %add3A_2451] : memref<64x768xf32, #tpu.memory_space<vmem>>[vector<16xi32>, vector<16xi32>], vector<16xf32>,
        %mul3A_2519 = arith.constant 128 : i32
        %mul3A_2520 = arith.muli %and3A_2455, %mul3A_2519 : i32
        %add3A_2521 = arith.constant 48 : i32
        %add3A_2522 = arith.addi %mul3A_2520, %add3A_2521 : i32
        %swap3A_2523 = arith.index_cast %add3A_2522 : i32 to index
        %swap3A_2524 = tpu.vector_load %arg10[%swap3A_2523] {strides = array<i32>} : memref<2048xf32, #tpu.memory_space<vmem>>, vector<16xf32>,
        tpu.vector_store %arg10[%swap3A_2523], %gather3A_2518 {strides = array<i32>} : memref<2048xf32, #tpu.memory_space<vmem>>, vector<16xf32>,
        %mul3A_2525 = arith.constant 128 : i32
        %mul3A_2526 = arith.muli %and3A_2455, %mul3A_2525 : i32
        %slice3A_2527 = vector.extract_strided_slice %gather3A_2439 {offsets = [0], sizes = [1], strides = [1]} : vector<16xi32> to vector<1xi32>
        %squeeze3A_2528 = vector.extract %slice3A_2527[0] : i32 from vector<1xi32>
        %dma_start3A_2529 = tpu.memref_slice %arg10[%mul3A_2526] : memref<2048xf32, #tpu.memory_space<vmem>> -> memref<128xf32, #tpu.memory_space<vmem>>
        %dma_start3A_2530 = arith.constant 0 : i32
        %dma_start3A_2531 = tpu.memref_slice %arg4[%squeeze3A_2528, %dma_start3A_2530] : memref<16384x128xf32, #tpu.memory_space<hbm>> -> memref<1x128xf32, #tpu.memory_space<hbm>>
        %dma_start3A_2532 = tpu.memref_squeeze %dma_start3A_2531 : memref<1x128xf32, #tpu.memory_space<hbm>> -> memref<128xf32, #tpu.memory_space<hbm>>
        %dma_start3A_2533 = arith.constant 0 : i32
        %dma_start3A_2534 = tpu.memref_slice %arg4[%squeeze3A_2528, %dma_start3A_2533] : memref<16384x128xf32, #tpu.memory_space<hbm>> -> memref<1x128xf32, #tpu.memory_space<hbm>>
        %dma_start3A_2535 = tpu.memref_squeeze %dma_start3A_2534 : memref<1x128xf32, #tpu.memory_space<hbm>> -> memref<128xf32, #tpu.memory_space<hbm>>
        %dma_start3A_2536 = tpu.memref_slice %arg10[%mul3A_2526] : memref<2048xf32, #tpu.memory_space<vmem>> -> memref<128xf32, #tpu.memory_space<vmem>>
        tpu.enqueue_dma source(%dma_start3A_2536 : memref<128xf32, #tpu.memory_space<vmem>>) target(%dma_start3A_2535 : memref<128xf32, #tpu.memory_space<hbm>>) target_semaphore(%arg15 : memref<!tpu.dma_semaphore, #tpu.memory_space<semaphore_mem>>)
        %add3A_2537 = arith.constant 1 : i32
        %add3A_2538 = vector.broadcast %add3A_2537 : i32 to vector<16xi32>
        %add3A_2539 = arith.addi %while3A_2436, %add3A_2538 : vector<16xi32>
        scf.yield %add3A_2539 : vector<16xi32>
      }
      %add3A_1248 = arith.constant 1 : i32
      %add3A_1249 = arith.addi %add3A_70, %add3A_1248 : i32
      %add3A_1250 = arith.constant 2 : i32
      %add3A_1251 = arith.addi %add3A_1249, %add3A_1250 : i32
      %sub3A_1252 = arith.constant 1 : i32
      %sub3A_1253 = arith.subi %add3A_1251, %sub3A_1252 : i32
      %min3A_1254 = arith.constant 41 : i32
      %min3A_1255 = arith.minsi %sub3A_1253, %min3A_1254 : i32
      %mul3A_1256 = arith.constant 6 : i32
      %mul3A_1257 = arith.muli %min3A_1255, %mul3A_1256 : i32
      %add3A_1258 = arith.addi %mul3A_1257, %mul3A_2 : i32
      %min3A_1259 = arith.constant 7807 : i32
      %min3A_1260 = arith.minsi %add3A_1258, %min3A_1259 : i32
      %mul3A_1261 = arith.constant 128 : i32
      %mul3A_1262 = arith.muli %min3A_1260, %mul3A_1261 : i32
      %dma_start3A_1263 = arith.constant 0 : i32
      %dma_start3A_1264 = arith.constant 0 : i32
      %dma_start3A_1265 = arith.constant 0 : i32
      %dma_start3A_1266 = tpu.memref_slice %arg11[%dma_start3A_1263, %dma_start3A_1264, %dma_start3A_1265] : memref<2x64x768xf32, #tpu.memory_space<vmem>> -> memref<1x64x768xf32, #tpu.memory_space<vmem>>
      %dma_start3A_1267 = tpu.memref_squeeze %dma_start3A_1266 : memref<1x64x768xf32, #tpu.memory_space<vmem>> -> memref<64x768xf32, #tpu.memory_space<vmem>>
      %dma_start3A_1268 = arith.constant 0 : i32
      %dma_start3A_1269 = tpu.memref_slice %arg3[%dma_start3A_1268, %mul3A_1262] : memref<64x1000000xf32, #tpu.memory_space<hbm>> -> memref<64x768xf32, #tpu.memory_space<hbm>>
      %dma_start3A_1270 = arith.constant 0 : i32
      %dma_start3A_1271 = arith.constant 0 : i32
      %dma_start3A_1272 = tpu.memref_slice %arg11[%dma_start3A_1263, %dma_start3A_1270, %dma_start3A_1271] : memref<2x64x768xf32, #tpu.memory_space<vmem>> -> memref<1x64x768xf32, #tpu.memory_space<vmem>>
      %dma_start3A_1273 = tpu.memref_squeeze %dma_start3A_1272 : memref<1x64x768xf32, #tpu.memory_space<vmem>> -> memref<64x768xf32, #tpu.memory_space<vmem>>
      %dma_start3A_1274 = arith.constant 0 : i32
      %dma_start3A_1275 = tpu.memref_slice %arg3[%dma_start3A_1274, %mul3A_1262] : memref<64x1000000xf32, #tpu.memory_space<hbm>> -> memref<64x768xf32, #tpu.memory_space<hbm>>
      tpu.enqueue_dma source(%dma_start3A_1275 : memref<64x768xf32, #tpu.memory_space<hbm>>) target(%dma_start3A_1273 : memref<64x768xf32, #tpu.memory_space<vmem>>) target_semaphore(%arg12 : memref<!tpu.dma_semaphore, #tpu.memory_space<semaphore_mem>>)
      %dma_wait3A_1276 = arith.constant 1 : i32
      %dma_wait3A_1277 = arith.constant 0 : i32
      %dma_wait3A_1278 = arith.constant 0 : i32
      %dma_wait3A_1279 = tpu.memref_slice %arg11[%dma_wait3A_1276, %dma_wait3A_1277, %dma_wait3A_1278] : memref<2x64x768xf32, #tpu.memory_space<vmem>> -> memref<1x64x768xf32, #tpu.memory_space<vmem>>
      %dma_wait3A_1280 = tpu.memref_squeeze %dma_wait3A_1279 : memref<1x64x768xf32, #tpu.memory_space<vmem>> -> memref<64x768xf32, #tpu.memory_space<vmem>>
      %dma_wait3A_1281 = arith.constant 0 : i32
      %dma_wait3A_1282 = arith.constant 0 : i32
      %dma_wait3A_1283 = tpu.memref_slice %arg3[%dma_wait3A_1281, %dma_wait3A_1282] : memref<64x1000000xf32, #tpu.memory_space<hbm>> -> memref<64x768xf32, #tpu.memory_space<hbm>>
      %dma_wait3A_1284 = arith.constant 0 : i32
      %dma_wait3A_1285 = arith.constant 0 : i32
      %dma_wait3A_1286 = tpu.memref_slice %arg11[%dma_wait3A_1276, %dma_wait3A_1284, %dma_wait3A_1285] : memref<2x64x768xf32, #tpu.memory_space<vmem>> -> memref<1x64x768xf32, #tpu.memory_space<vmem>>
      %dma_wait3A_1287 = tpu.memref_squeeze %dma_wait3A_1286 : memref<1x64x768xf32, #tpu.memory_space<vmem>> -> memref<64x768xf32, #tpu.memory_space<vmem>>
      %dma_wait3A_1288 = arith.constant 0 : i32
      %dma_wait3A_1289 = arith.constant 0 : i32
      %dma_wait3A_1290 = tpu.memref_slice %arg3[%dma_wait3A_1288, %dma_wait3A_1289] : memref<64x1000000xf32, #tpu.memory_space<hbm>> -> memref<64x768xf32, #tpu.memory_space<hbm>>
      tpu.wait_dma2 semaphore(%arg13 : memref<!tpu.dma_semaphore, #tpu.memory_space<semaphore_mem>>) src(%dma_wait3A_1290 : memref<64x768xf32, #tpu.memory_space<hbm>>) dst(%dma_wait3A_1287 : memref<64x768xf32, #tpu.memory_space<vmem>>)
      %mul3A_1291 = arith.constant 6 : i32
      %mul3A_1292 = arith.muli %add3A_1249, %mul3A_1291 : i32
      %add3A_1293 = arith.addi %mul3A_1292, %mul3A_2 : i32
      %min3A_1294 = arith.constant 7807 : i32
      %min3A_1295 = arith.minsi %add3A_1293, %min3A_1294 : i32
      %broadcast_in_dim3A_1296 = vector.broadcast %add3A_1293 : i32 to vector<16xi32>
      %add3A_1297 = arith.constant 6 : i32
      %add3A_1298 = arith.addi %add3A_1293, %add3A_1297 : i32
      %broadcast_in_dim3A_1299 = vector.broadcast %add3A_1298 : i32 to vector<16xi32>
      %broadcast_in_dim3A_1300 = arith.constant 0 : i32
      %broadcast_in_dim3A_1301 = vector.broadcast %broadcast_in_dim3A_1300 : i32 to vector<16xi32>
      %get3A_1302 = arith.constant 0 : index
      %get3A_1303 = tpu.vector_load %arg6[%get3A_1302] {strides = array<i32>} : memref<640xi32, #tpu.memory_space<vmem>>, vector<16xi32>,
      %shift_right_logical3A_1304 = arith.constant 7 : i32
      %shift_right_logical3A_1305 = vector.broadcast %shift_right_logical3A_1304 : i32 to vector<16xi32>
      %shift_right_logical3A_1306 = arith.shrui %get3A_1303, %shift_right_logical3A_1305 : vector<16xi32>
      %broadcast_in_dim3A_1307 = arith.constant 0 : i32
      %broadcast_in_dim3A_1308 = vector.broadcast %broadcast_in_dim3A_1307 : i32 to vector<16xi32>
      %iota3A_1309 = tpu.iota {dimensions = array<i32: 0>} : vector<16xi32>
      %add3A_1310 = arith.addi %broadcast_in_dim3A_1308, %iota3A_1309 : vector<16xi32>
      %lt3A_1311 = arith.cmpi slt, %add3A_1310, %scan3A_28 : vector<16xi32>
      %ge3A_1312 = arith.cmpi sge, %shift_right_logical3A_1306, %broadcast_in_dim3A_1296 : vector<16xi32>
      %lt3A_1313 = arith.cmpi slt, %shift_right_logical3A_1306, %broadcast_in_dim3A_1299 : vector<16xi32>
      %and3A_1314 = arith.andi %ge3A_1312, %lt3A_1313 : vector<16xi1>
      %and3A_1315 = arith.andi %lt3A_1311, %and3A_1314 : vector<16xi1>
      %convert_element_type3A_1316 = arith.extui %and3A_1315 : vector<16xi1> to vector<16xi32>
      %broadcast_in_dim3A_1317 = arith.constant true
      %broadcast_in_dim3A_1318 = vector.broadcast %broadcast_in_dim3A_1317 : i1 to vector<16xi1>
      %masked_cumsum3A_1319 = tpu.scan <sum>, %convert_element_type3A_1316 masked %broadcast_in_dim3A_1318 : vector<16xi32>, vector<16xi1> -> vector<16xi32>
      %add3A_1320 = arith.addi %broadcast_in_dim3A_1301, %masked_cumsum3A_1319 : vector<16xi32>
      %sub3A_1321 = arith.subi %add3A_1320, %convert_element_type3A_1316 : vector<16xi32>
      %lt3A_1322 = arith.constant 64 : i32
      %lt3A_1323 = vector.broadcast %lt3A_1322 : i32 to vector<16xi32>
      %lt3A_1324 = arith.cmpi slt, %sub3A_1321, %lt3A_1323 : vector<16xi32>
      %and3A_1325 = arith.andi %and3A_1315, %lt3A_1324 : vector<16xi1>
      tpu.vector_store_idx %arg8[%sub3A_1321], %get3A_1303 masked %and3A_1325 : memref<64xi32, #tpu.memory_space<vmem>>[vector<16xi32>], vector<16xi32>, vector<16xi1>
      %get3A_1326 = arith.constant 0 : index
      %get3A_1327 = tpu.vector_load %arg7[%get3A_1326] {strides = array<i32>} : memref<640xi32, #tpu.memory_space<vmem>>, vector<16xi32>,
      tpu.vector_store_idx %arg9[%sub3A_1321], %get3A_1327 masked %and3A_1325 : memref<64xi32, #tpu.memory_space<vmem>>[vector<16xi32>], vector<16xi32>, vector<16xi1>
      %all_reduce_population_count3A_1328 = tpu.all_reduce %and3A_1315 {dim = 0 : i64, kind = #tpu.reduction_kind<sum>} : vector<16xi1> -> vector<16xi32>
      %add3A_1329 = arith.addi %broadcast_in_dim3A_1301, %all_reduce_population_count3A_1328 : vector<16xi32>
      %get3A_1330 = arith.constant 16 : index
      %get3A_1331 = tpu.vector_load %arg6[%get3A_1330] {strides = array<i32>} : memref<640xi32, #tpu.memory_space<vmem>>, vector<16xi32>,
      %shift_right_logical3A_1332 = arith.constant 7 : i32
      %shift_right_logical3A_1333 = vector.broadcast %shift_right_logical3A_1332 : i32 to vector<16xi32>
      %shift_right_logical3A_1334 = arith.shrui %get3A_1331, %shift_right_logical3A_1333 : vector<16xi32>
      %broadcast_in_dim3A_1335 = arith.constant 16 : i32
      %broadcast_in_dim3A_1336 = vector.broadcast %broadcast_in_dim3A_1335 : i32 to vector<16xi32>
      %iota3A_1337 = tpu.iota {dimensions = array<i32: 0>} : vector<16xi32>
      %add3A_1338 = arith.addi %broadcast_in_dim3A_1336, %iota3A_1337 : vector<16xi32>
      %lt3A_1339 = arith.cmpi slt, %add3A_1338, %scan3A_28 : vector<16xi32>
      %ge3A_1340 = arith.cmpi sge, %shift_right_logical3A_1334, %broadcast_in_dim3A_1296 : vector<16xi32>
      %lt3A_1341 = arith.cmpi slt, %shift_right_logical3A_1334, %broadcast_in_dim3A_1299 : vector<16xi32>
      %and3A_1342 = arith.andi %ge3A_1340, %lt3A_1341 : vector<16xi1>
      %and3A_1343 = arith.andi %lt3A_1339, %and3A_1342 : vector<16xi1>
      %convert_element_type3A_1344 = arith.extui %and3A_1343 : vector<16xi1> to vector<16xi32>
      %broadcast_in_dim3A_1345 = arith.constant true
      %broadcast_in_dim3A_1346 = vector.broadcast %broadcast_in_dim3A_1345 : i1 to vector<16xi1>
      %masked_cumsum3A_1347 = tpu.scan <sum>, %convert_element_type3A_1344 masked %broadcast_in_dim3A_1346 : vector<16xi32>, vector<16xi1> -> vector<16xi32>
      %add3A_1348 = arith.addi %add3A_1329, %masked_cumsum3A_1347 : vector<16xi32>
      %sub3A_1349 = arith.subi %add3A_1348, %convert_element_type3A_1344 : vector<16xi32>
      %lt3A_1350 = arith.constant 64 : i32
      %lt3A_1351 = vector.broadcast %lt3A_1350 : i32 to vector<16xi32>
      %lt3A_1352 = arith.cmpi slt, %sub3A_1349, %lt3A_1351 : vector<16xi32>
      %and3A_1353 = arith.andi %and3A_1343, %lt3A_1352 : vector<16xi1>
      tpu.vector_store_idx %arg8[%sub3A_1349], %get3A_1331 masked %and3A_1353 : memref<64xi32, #tpu.memory_space<vmem>>[vector<16xi32>], vector<16xi32>, vector<16xi1>
      %get3A_1354 = arith.constant 16 : index
      %get3A_1355 = tpu.vector_load %arg7[%get3A_1354] {strides = array<i32>} : memref<640xi32, #tpu.memory_space<vmem>>, vector<16xi32>,
      tpu.vector_store_idx %arg9[%sub3A_1349], %get3A_1355 masked %and3A_1353 : memref<64xi32, #tpu.memory_space<vmem>>[vector<16xi32>], vector<16xi32>, vector<16xi1>
      %all_reduce_population_count3A_1356 = tpu.all_reduce %and3A_1343 {dim = 0 : i64, kind = #tpu.reduction_kind<sum>} : vector<16xi1> -> vector<16xi32>
      %add3A_1357 = arith.addi %add3A_1329, %all_reduce_population_count3A_1356 : vector<16xi32>
      %get3A_1358 = arith.constant 32 : index
      %get3A_1359 = tpu.vector_load %arg6[%get3A_1358] {strides = array<i32>} : memref<640xi32, #tpu.memory_space<vmem>>, vector<16xi32>,
      %shift_right_logical3A_1360 = arith.constant 7 : i32
      %shift_right_logical3A_1361 = vector.broadcast %shift_right_logical3A_1360 : i32 to vector<16xi32>
      %shift_right_logical3A_1362 = arith.shrui %get3A_1359, %shift_right_logical3A_1361 : vector<16xi32>
      %broadcast_in_dim3A_1363 = arith.constant 32 : i32
      %broadcast_in_dim3A_1364 = vector.broadcast %broadcast_in_dim3A_1363 : i32 to vector<16xi32>
      %iota3A_1365 = tpu.iota {dimensions = array<i32: 0>} : vector<16xi32>
      %add3A_1366 = arith.addi %broadcast_in_dim3A_1364, %iota3A_1365 : vector<16xi32>
      %lt3A_1367 = arith.cmpi slt, %add3A_1366, %scan3A_28 : vector<16xi32>
      %ge3A_1368 = arith.cmpi sge, %shift_right_logical3A_1362, %broadcast_in_dim3A_1296 : vector<16xi32>
      %lt3A_1369 = arith.cmpi slt, %shift_right_logical3A_1362, %broadcast_in_dim3A_1299 : vector<16xi32>
      %and3A_1370 = arith.andi %ge3A_1368, %lt3A_1369 : vector<16xi1>
      %and3A_1371 = arith.andi %lt3A_1367, %and3A_1370 : vector<16xi1>
      %convert_element_type3A_1372 = arith.extui %and3A_1371 : vector<16xi1> to vector<16xi32>
      %broadcast_in_dim3A_1373 = arith.constant true
      %broadcast_in_dim3A_1374 = vector.broadcast %broadcast_in_dim3A_1373 : i1 to vector<16xi1>
      %masked_cumsum3A_1375 = tpu.scan <sum>, %convert_element_type3A_1372 masked %broadcast_in_dim3A_1374 : vector<16xi32>, vector<16xi1> -> vector<16xi32>
      %add3A_1376 = arith.addi %add3A_1357, %masked_cumsum3A_1375 : vector<16xi32>
      %sub3A_1377 = arith.subi %add3A_1376, %convert_element_type3A_1372 : vector<16xi32>
      %lt3A_1378 = arith.constant 64 : i32
      %lt3A_1379 = vector.broadcast %lt3A_1378 : i32 to vector<16xi32>
      %lt3A_1380 = arith.cmpi slt, %sub3A_1377, %lt3A_1379 : vector<16xi32>
      %and3A_1381 = arith.andi %and3A_1371, %lt3A_1380 : vector<16xi1>
      tpu.vector_store_idx %arg8[%sub3A_1377], %get3A_1359 masked %and3A_1381 : memref<64xi32, #tpu.memory_space<vmem>>[vector<16xi32>], vector<16xi32>, vector<16xi1>
      %get3A_1382 = arith.constant 32 : index
      %get3A_1383 = tpu.vector_load %arg7[%get3A_1382] {strides = array<i32>} : memref<640xi32, #tpu.memory_space<vmem>>, vector<16xi32>,
      tpu.vector_store_idx %arg9[%sub3A_1377], %get3A_1383 masked %and3A_1381 : memref<64xi32, #tpu.memory_space<vmem>>[vector<16xi32>], vector<16xi32>, vector<16xi1>
      %all_reduce_population_count3A_1384 = tpu.all_reduce %and3A_1371 {dim = 0 : i64, kind = #tpu.reduction_kind<sum>} : vector<16xi1> -> vector<16xi32>
      %add3A_1385 = arith.addi %add3A_1357, %all_reduce_population_count3A_1384 : vector<16xi32>
      %get3A_1386 = arith.constant 48 : index
      %get3A_1387 = tpu.vector_load %arg6[%get3A_1386] {strides = array<i32>} : memref<640xi32, #tpu.memory_space<vmem>>, vector<16xi32>,
      %shift_right_logical3A_1388 = arith.constant 7 : i32
      %shift_right_logical3A_1389 = vector.broadcast %shift_right_logical3A_1388 : i32 to vector<16xi32>
      %shift_right_logical3A_1390 = arith.shrui %get3A_1387, %shift_right_logical3A_1389 : vector<16xi32>
      %broadcast_in_dim3A_1391 = arith.constant 48 : i32
      %broadcast_in_dim3A_1392 = vector.broadcast %broadcast_in_dim3A_1391 : i32 to vector<16xi32>
      %iota3A_1393 = tpu.iota {dimensions = array<i32: 0>} : vector<16xi32>
      %add3A_1394 = arith.addi %broadcast_in_dim3A_1392, %iota3A_1393 : vector<16xi32>
      %lt3A_1395 = arith.cmpi slt, %add3A_1394, %scan3A_28 : vector<16xi32>
      %ge3A_1396 = arith.cmpi sge, %shift_right_logical3A_1390, %broadcast_in_dim3A_1296 : vector<16xi32>
      %lt3A_1397 = arith.cmpi slt, %shift_right_logical3A_1390, %broadcast_in_dim3A_1299 : vector<16xi32>
      %and3A_1398 = arith.andi %ge3A_1396, %lt3A_1397 : vector<16xi1>
      %and3A_1399 = arith.andi %lt3A_1395, %and3A_1398 : vector<16xi1>
      %convert_element_type3A_1400 = arith.extui %and3A_1399 : vector<16xi1> to vector<16xi32>
      %broadcast_in_dim3A_1401 = arith.constant true
      %broadcast_in_dim3A_1402 = vector.broadcast %broadcast_in_dim3A_1401 : i1 to vector<16xi1>
      %masked_cumsum3A_1403 = tpu.scan <sum>, %convert_element_type3A_1400 masked %broadcast_in_dim3A_1402 : vector<16xi32>, vector<16xi1> -> vector<16xi32>
      %add3A_1404 = arith.addi %add3A_1385, %masked_cumsum3A_1403 : vector<16xi32>
      %sub3A_1405 = arith.subi %add3A_1404, %convert_element_type3A_1400 : vector<16xi32>
      %lt3A_1406 = arith.constant 64 : i32
      %lt3A_1407 = vector.broadcast %lt3A_1406 : i32 to vector<16xi32>
      %lt3A_1408 = arith.cmpi slt, %sub3A_1405, %lt3A_1407 : vector<16xi32>
      %and3A_1409 = arith.andi %and3A_1399, %lt3A_1408 : vector<16xi1>
      tpu.vector_store_idx %arg8[%sub3A_1405], %get3A_1387 masked %and3A_1409 : memref<64xi32, #tpu.memory_space<vmem>>[vector<16xi32>], vector<16xi32>, vector<16xi1>
      %get3A_1410 = arith.constant 48 : index
      %get3A_1411 = tpu.vector_load %arg7[%get3A_1410] {strides = array<i32>} : memref<640xi32, #tpu.memory_space<vmem>>, vector<16xi32>,
      tpu.vector_store_idx %arg9[%sub3A_1405], %get3A_1411 masked %and3A_1409 : memref<64xi32, #tpu.memory_space<vmem>>[vector<16xi32>], vector<16xi32>, vector<16xi1>
      %all_reduce_population_count3A_1412 = tpu.all_reduce %and3A_1399 {dim = 0 : i64, kind = #tpu.reduction_kind<sum>} : vector<16xi1> -> vector<16xi32>
      %add3A_1413 = arith.addi %add3A_1385, %all_reduce_population_count3A_1412 : vector<16xi32>
      %get3A_1414 = arith.constant 64 : index
      %get3A_1415 = tpu.vector_load %arg6[%get3A_1414] {strides = array<i32>} : memref<640xi32, #tpu.memory_space<vmem>>, vector<16xi32>,
      %shift_right_logical3A_1416 = arith.constant 7 : i32
      %shift_right_logical3A_1417 = vector.broadcast %shift_right_logical3A_1416 : i32 to vector<16xi32>
      %shift_right_logical3A_1418 = arith.shrui %get3A_1415, %shift_right_logical3A_1417 : vector<16xi32>
      %broadcast_in_dim3A_1419 = arith.constant 64 : i32
      %broadcast_in_dim3A_1420 = vector.broadcast %broadcast_in_dim3A_1419 : i32 to vector<16xi32>
      %iota3A_1421 = tpu.iota {dimensions = array<i32: 0>} : vector<16xi32>
      %add3A_1422 = arith.addi %broadcast_in_dim3A_1420, %iota3A_1421 : vector<16xi32>
      %lt3A_1423 = arith.cmpi slt, %add3A_1422, %scan3A_28 : vector<16xi32>
      %ge3A_1424 = arith.cmpi sge, %shift_right_logical3A_1418, %broadcast_in_dim3A_1296 : vector<16xi32>
      %lt3A_1425 = arith.cmpi slt, %shift_right_logical3A_1418, %broadcast_in_dim3A_1299 : vector<16xi32>
      %and3A_1426 = arith.andi %ge3A_1424, %lt3A_1425 : vector<16xi1>
      %and3A_1427 = arith.andi %lt3A_1423, %and3A_1426 : vector<16xi1>
      %convert_element_type3A_1428 = arith.extui %and3A_1427 : vector<16xi1> to vector<16xi32>
      %broadcast_in_dim3A_1429 = arith.constant true
      %broadcast_in_dim3A_1430 = vector.broadcast %broadcast_in_dim3A_1429 : i1 to vector<16xi1>
      %masked_cumsum3A_1431 = tpu.scan <sum>, %convert_element_type3A_1428 masked %broadcast_in_dim3A_1430 : vector<16xi32>, vector<16xi1> -> vector<16xi32>
      %add3A_1432 = arith.addi %add3A_1413, %masked_cumsum3A_1431 : vector<16xi32>
      %sub3A_1433 = arith.subi %add3A_1432, %convert_element_type3A_1428 : vector<16xi32>
      %lt3A_1434 = arith.constant 64 : i32
      %lt3A_1435 = vector.broadcast %lt3A_1434 : i32 to vector<16xi32>
      %lt3A_1436 = arith.cmpi slt, %sub3A_1433, %lt3A_1435 : vector<16xi32>
      %and3A_1437 = arith.andi %and3A_1427, %lt3A_1436 : vector<16xi1>
      tpu.vector_store_idx %arg8[%sub3A_1433], %get3A_1415 masked %and3A_1437 : memref<64xi32, #tpu.memory_space<vmem>>[vector<16xi32>], vector<16xi32>, vector<16xi1>
      %get3A_1438 = arith.constant 64 : index
      %get3A_1439 = tpu.vector_load %arg7[%get3A_1438] {strides = array<i32>} : memref<640xi32, #tpu.memory_space<vmem>>, vector<16xi32>,
      tpu.vector_store_idx %arg9[%sub3A_1433], %get3A_1439 masked %and3A_1437 : memref<64xi32, #tpu.memory_space<vmem>>[vector<16xi32>], vector<16xi32>, vector<16xi1>
      %all_reduce_population_count3A_1440 = tpu.all_reduce %and3A_1427 {dim = 0 : i64, kind = #tpu.reduction_kind<sum>} : vector<16xi1> -> vector<16xi32>
      %add3A_1441 = arith.addi %add3A_1413, %all_reduce_population_count3A_1440 : vector<16xi32>
      %get3A_1442 = arith.constant 80 : index
      %get3A_1443 = tpu.vector_load %arg6[%get3A_1442] {strides = array<i32>} : memref<640xi32, #tpu.memory_space<vmem>>, vector<16xi32>,
      %shift_right_logical3A_1444 = arith.constant 7 : i32
      %shift_right_logical3A_1445 = vector.broadcast %shift_right_logical3A_1444 : i32 to vector<16xi32>
      %shift_right_logical3A_1446 = arith.shrui %get3A_1443, %shift_right_logical3A_1445 : vector<16xi32>
      %broadcast_in_dim3A_1447 = arith.constant 80 : i32
      %broadcast_in_dim3A_1448 = vector.broadcast %broadcast_in_dim3A_1447 : i32 to vector<16xi32>
      %iota3A_1449 = tpu.iota {dimensions = array<i32: 0>} : vector<16xi32>
      %add3A_1450 = arith.addi %broadcast_in_dim3A_1448, %iota3A_1449 : vector<16xi32>
      %lt3A_1451 = arith.cmpi slt, %add3A_1450, %scan3A_28 : vector<16xi32>
      %ge3A_1452 = arith.cmpi sge, %shift_right_logical3A_1446, %broadcast_in_dim3A_1296 : vector<16xi32>
      %lt3A_1453 = arith.cmpi slt, %shift_right_logical3A_1446, %broadcast_in_dim3A_1299 : vector<16xi32>
      %and3A_1454 = arith.andi %ge3A_1452, %lt3A_1453 : vector<16xi1>
      %and3A_1455 = arith.andi %lt3A_1451, %and3A_1454 : vector<16xi1>
      %convert_element_type3A_1456 = arith.extui %and3A_1455 : vector<16xi1> to vector<16xi32>
      %broadcast_in_dim3A_1457 = arith.constant true
      %broadcast_in_dim3A_1458 = vector.broadcast %broadcast_in_dim3A_1457 : i1 to vector<16xi1>
      %masked_cumsum3A_1459 = tpu.scan <sum>, %convert_element_type3A_1456 masked %broadcast_in_dim3A_1458 : vector<16xi32>, vector<16xi1> -> vector<16xi32>
      %add3A_1460 = arith.addi %add3A_1441, %masked_cumsum3A_1459 : vector<16xi32>
      %sub3A_1461 = arith.subi %add3A_1460, %convert_element_type3A_1456 : vector<16xi32>
      %lt3A_1462 = arith.constant 64 : i32
      %lt3A_1463 = vector.broadcast %lt3A_1462 : i32 to vector<16xi32>
      %lt3A_1464 = arith.cmpi slt, %sub3A_1461, %lt3A_1463 : vector<16xi32>
      %and3A_1465 = arith.andi %and3A_1455, %lt3A_1464 : vector<16xi1>
      tpu.vector_store_idx %arg8[%sub3A_1461], %get3A_1443 masked %and3A_1465 : memref<64xi32, #tpu.memory_space<vmem>>[vector<16xi32>], vector<16xi32>, vector<16xi1>
      %get3A_1466 = arith.constant 80 : index
      %get3A_1467 = tpu.vector_load %arg7[%get3A_1466] {strides = array<i32>} : memref<640xi32, #tpu.memory_space<vmem>>, vector<16xi32>,
      tpu.vector_store_idx %arg9[%sub3A_1461], %get3A_1467 masked %and3A_1465 : memref<64xi32, #tpu.memory_space<vmem>>[vector<16xi32>], vector<16xi32>, vector<16xi1>
      %all_reduce_population_count3A_1468 = tpu.all_reduce %and3A_1455 {dim = 0 : i64, kind = #tpu.reduction_kind<sum>} : vector<16xi1> -> vector<16xi32>
      %add3A_1469 = arith.addi %add3A_1441, %all_reduce_population_count3A_1468 : vector<16xi32>
      %get3A_1470 = arith.constant 96 : index
      %get3A_1471 = tpu.vector_load %arg6[%get3A_1470] {strides = array<i32>} : memref<640xi32, #tpu.memory_space<vmem>>, vector<16xi32>,
      %shift_right_logical3A_1472 = arith.constant 7 : i32
      %shift_right_logical3A_1473 = vector.broadcast %shift_right_logical3A_1472 : i32 to vector<16xi32>
      %shift_right_logical3A_1474 = arith.shrui %get3A_1471, %shift_right_logical3A_1473 : vector<16xi32>
      %broadcast_in_dim3A_1475 = arith.constant 96 : i32
      %broadcast_in_dim3A_1476 = vector.broadcast %broadcast_in_dim3A_1475 : i32 to vector<16xi32>
      %iota3A_1477 = tpu.iota {dimensions = array<i32: 0>} : vector<16xi32>
      %add3A_1478 = arith.addi %broadcast_in_dim3A_1476, %iota3A_1477 : vector<16xi32>
      %lt3A_1479 = arith.cmpi slt, %add3A_1478, %scan3A_28 : vector<16xi32>
      %ge3A_1480 = arith.cmpi sge, %shift_right_logical3A_1474, %broadcast_in_dim3A_1296 : vector<16xi32>
      %lt3A_1481 = arith.cmpi slt, %shift_right_logical3A_1474, %broadcast_in_dim3A_1299 : vector<16xi32>
      %and3A_1482 = arith.andi %ge3A_1480, %lt3A_1481 : vector<16xi1>
      %and3A_1483 = arith.andi %lt3A_1479, %and3A_1482 : vector<16xi1>
      %convert_element_type3A_1484 = arith.extui %and3A_1483 : vector<16xi1> to vector<16xi32>
      %broadcast_in_dim3A_1485 = arith.constant true
      %broadcast_in_dim3A_1486 = vector.broadcast %broadcast_in_dim3A_1485 : i1 to vector<16xi1>
      %masked_cumsum3A_1487 = tpu.scan <sum>, %convert_element_type3A_1484 masked %broadcast_in_dim3A_1486 : vector<16xi32>, vector<16xi1> -> vector<16xi32>
      %add3A_1488 = arith.addi %add3A_1469, %masked_cumsum3A_1487 : vector<16xi32>
      %sub3A_1489 = arith.subi %add3A_1488, %convert_element_type3A_1484 : vector<16xi32>
      %lt3A_1490 = arith.constant 64 : i32
      %lt3A_1491 = vector.broadcast %lt3A_1490 : i32 to vector<16xi32>
      %lt3A_1492 = arith.cmpi slt, %sub3A_1489, %lt3A_1491 : vector<16xi32>
      %and3A_1493 = arith.andi %and3A_1483, %lt3A_1492 : vector<16xi1>
      tpu.vector_store_idx %arg8[%sub3A_1489], %get3A_1471 masked %and3A_1493 : memref<64xi32, #tpu.memory_space<vmem>>[vector<16xi32>], vector<16xi32>, vector<16xi1>
      %get3A_1494 = arith.constant 96 : index
      %get3A_1495 = tpu.vector_load %arg7[%get3A_1494] {strides = array<i32>} : memref<640xi32, #tpu.memory_space<vmem>>, vector<16xi32>,
      tpu.vector_store_idx %arg9[%sub3A_1489], %get3A_1495 masked %and3A_1493 : memref<64xi32, #tpu.memory_space<vmem>>[vector<16xi32>], vector<16xi32>, vector<16xi1>
      %all_reduce_population_count3A_1496 = tpu.all_reduce %and3A_1483 {dim = 0 : i64, kind = #tpu.reduction_kind<sum>} : vector<16xi1> -> vector<16xi32>
      %add3A_1497 = arith.addi %add3A_1469, %all_reduce_population_count3A_1496 : vector<16xi32>
      %get3A_1498 = arith.constant 112 : index
      %get3A_1499 = tpu.vector_load %arg6[%get3A_1498] {strides = array<i32>} : memref<640xi32, #tpu.memory_space<vmem>>, vector<16xi32>,
      %shift_right_logical3A_1500 = arith.constant 7 : i32
      %shift_right_logical3A_1501 = vector.broadcast %shift_right_logical3A_1500 : i32 to vector<16xi32>
      %shift_right_logical3A_1502 = arith.shrui %get3A_1499, %shift_right_logical3A_1501 : vector<16xi32>
      %broadcast_in_dim3A_1503 = arith.constant 112 : i32
      %broadcast_in_dim3A_1504 = vector.broadcast %broadcast_in_dim3A_1503 : i32 to vector<16xi32>
      %iota3A_1505 = tpu.iota {dimensions = array<i32: 0>} : vector<16xi32>
      %add3A_1506 = arith.addi %broadcast_in_dim3A_1504, %iota3A_1505 : vector<16xi32>
      %lt3A_1507 = arith.cmpi slt, %add3A_1506, %scan3A_28 : vector<16xi32>
      %ge3A_1508 = arith.cmpi sge, %shift_right_logical3A_1502, %broadcast_in_dim3A_1296 : vector<16xi32>
      %lt3A_1509 = arith.cmpi slt, %shift_right_logical3A_1502, %broadcast_in_dim3A_1299 : vector<16xi32>
      %and3A_1510 = arith.andi %ge3A_1508, %lt3A_1509 : vector<16xi1>
      %and3A_1511 = arith.andi %lt3A_1507, %and3A_1510 : vector<16xi1>
      %convert_element_type3A_1512 = arith.extui %and3A_1511 : vector<16xi1> to vector<16xi32>
      %broadcast_in_dim3A_1513 = arith.constant true
      %broadcast_in_dim3A_1514 = vector.broadcast %broadcast_in_dim3A_1513 : i1 to vector<16xi1>
      %masked_cumsum3A_1515 = tpu.scan <sum>, %convert_element_type3A_1512 masked %broadcast_in_dim3A_1514 : vector<16xi32>, vector<16xi1> -> vector<16xi32>
      %add3A_1516 = arith.addi %add3A_1497, %masked_cumsum3A_1515 : vector<16xi32>
      %sub3A_1517 = arith.subi %add3A_1516, %convert_element_type3A_1512 : vector<16xi32>
      %lt3A_1518 = arith.constant 64 : i32
      %lt3A_1519 = vector.broadcast %lt3A_1518 : i32 to vector<16xi32>
      %lt3A_1520 = arith.cmpi slt, %sub3A_1517, %lt3A_1519 : vector<16xi32>
      %and3A_1521 = arith.andi %and3A_1511, %lt3A_1520 : vector<16xi1>
      tpu.vector_store_idx %arg8[%sub3A_1517], %get3A_1499 masked %and3A_1521 : memref<64xi32, #tpu.memory_space<vmem>>[vector<16xi32>], vector<16xi32>, vector<16xi1>
      %get3A_1522 = arith.constant 112 : index
      %get3A_1523 = tpu.vector_load %arg7[%get3A_1522] {strides = array<i32>} : memref<640xi32, #tpu.memory_space<vmem>>, vector<16xi32>,
      tpu.vector_store_idx %arg9[%sub3A_1517], %get3A_1523 masked %and3A_1521 : memref<64xi32, #tpu.memory_space<vmem>>[vector<16xi32>], vector<16xi32>, vector<16xi1>
      %all_reduce_population_count3A_1524 = tpu.all_reduce %and3A_1511 {dim = 0 : i64, kind = #tpu.reduction_kind<sum>} : vector<16xi1> -> vector<16xi32>
      %add3A_1525 = arith.addi %add3A_1497, %all_reduce_population_count3A_1524 : vector<16xi32>
      %get3A_1526 = arith.constant 128 : index
      %get3A_1527 = tpu.vector_load %arg6[%get3A_1526] {strides = array<i32>} : memref<640xi32, #tpu.memory_space<vmem>>, vector<16xi32>,
      %shift_right_logical3A_1528 = arith.constant 7 : i32
      %shift_right_logical3A_1529 = vector.broadcast %shift_right_logical3A_1528 : i32 to vector<16xi32>
      %shift_right_logical3A_1530 = arith.shrui %get3A_1527, %shift_right_logical3A_1529 : vector<16xi32>
      %broadcast_in_dim3A_1531 = arith.constant 128 : i32
      %broadcast_in_dim3A_1532 = vector.broadcast %broadcast_in_dim3A_1531 : i32 to vector<16xi32>
      %iota3A_1533 = tpu.iota {dimensions = array<i32: 0>} : vector<16xi32>
      %add3A_1534 = arith.addi %broadcast_in_dim3A_1532, %iota3A_1533 : vector<16xi32>
      %lt3A_1535 = arith.cmpi slt, %add3A_1534, %scan3A_28 : vector<16xi32>
      %ge3A_1536 = arith.cmpi sge, %shift_right_logical3A_1530, %broadcast_in_dim3A_1296 : vector<16xi32>
      %lt3A_1537 = arith.cmpi slt, %shift_right_logical3A_1530, %broadcast_in_dim3A_1299 : vector<16xi32>
      %and3A_1538 = arith.andi %ge3A_1536, %lt3A_1537 : vector<16xi1>
      %and3A_1539 = arith.andi %lt3A_1535, %and3A_1538 : vector<16xi1>
      %convert_element_type3A_1540 = arith.extui %and3A_1539 : vector<16xi1> to vector<16xi32>
      %broadcast_in_dim3A_1541 = arith.constant true
      %broadcast_in_dim3A_1542 = vector.broadcast %broadcast_in_dim3A_1541 : i1 to vector<16xi1>
      %masked_cumsum3A_1543 = tpu.scan <sum>, %convert_element_type3A_1540 masked %broadcast_in_dim3A_1542 : vector<16xi32>, vector<16xi1> -> vector<16xi32>
      %add3A_1544 = arith.addi %add3A_1525, %masked_cumsum3A_1543 : vector<16xi32>
      %sub3A_1545 = arith.subi %add3A_1544, %convert_element_type3A_1540 : vector<16xi32>
      %lt3A_1546 = arith.constant 64 : i32
      %lt3A_1547 = vector.broadcast %lt3A_1546 : i32 to vector<16xi32>
      %lt3A_1548 = arith.cmpi slt, %sub3A_1545, %lt3A_1547 : vector<16xi32>
      %and3A_1549 = arith.andi %and3A_1539, %lt3A_1548 : vector<16xi1>
      tpu.vector_store_idx %arg8[%sub3A_1545], %get3A_1527 masked %and3A_1549 : memref<64xi32, #tpu.memory_space<vmem>>[vector<16xi32>], vector<16xi32>, vector<16xi1>
      %get3A_1550 = arith.constant 128 : index
      %get3A_1551 = tpu.vector_load %arg7[%get3A_1550] {strides = array<i32>} : memref<640xi32, #tpu.memory_space<vmem>>, vector<16xi32>,
      tpu.vector_store_idx %arg9[%sub3A_1545], %get3A_1551 masked %and3A_1549 : memref<64xi32, #tpu.memory_space<vmem>>[vector<16xi32>], vector<16xi32>, vector<16xi1>
      %all_reduce_population_count3A_1552 = tpu.all_reduce %and3A_1539 {dim = 0 : i64, kind = #tpu.reduction_kind<sum>} : vector<16xi1> -> vector<16xi32>
      %add3A_1553 = arith.addi %add3A_1525, %all_reduce_population_count3A_1552 : vector<16xi32>
      %get3A_1554 = arith.constant 144 : index
      %get3A_1555 = tpu.vector_load %arg6[%get3A_1554] {strides = array<i32>} : memref<640xi32, #tpu.memory_space<vmem>>, vector<16xi32>,
      %shift_right_logical3A_1556 = arith.constant 7 : i32
      %shift_right_logical3A_1557 = vector.broadcast %shift_right_logical3A_1556 : i32 to vector<16xi32>
      %shift_right_logical3A_1558 = arith.shrui %get3A_1555, %shift_right_logical3A_1557 : vector<16xi32>
      %broadcast_in_dim3A_1559 = arith.constant 144 : i32
      %broadcast_in_dim3A_1560 = vector.broadcast %broadcast_in_dim3A_1559 : i32 to vector<16xi32>
      %iota3A_1561 = tpu.iota {dimensions = array<i32: 0>} : vector<16xi32>
      %add3A_1562 = arith.addi %broadcast_in_dim3A_1560, %iota3A_1561 : vector<16xi32>
      %lt3A_1563 = arith.cmpi slt, %add3A_1562, %scan3A_28 : vector<16xi32>
      %ge3A_1564 = arith.cmpi sge, %shift_right_logical3A_1558, %broadcast_in_dim3A_1296 : vector<16xi32>
      %lt3A_1565 = arith.cmpi slt, %shift_right_logical3A_1558, %broadcast_in_dim3A_1299 : vector<16xi32>
      %and3A_1566 = arith.andi %ge3A_1564, %lt3A_1565 : vector<16xi1>
      %and3A_1567 = arith.andi %lt3A_1563, %and3A_1566 : vector<16xi1>
      %convert_element_type3A_1568 = arith.extui %and3A_1567 : vector<16xi1> to vector<16xi32>
      %broadcast_in_dim3A_1569 = arith.constant true
      %broadcast_in_dim3A_1570 = vector.broadcast %broadcast_in_dim3A_1569 : i1 to vector<16xi1>
      %masked_cumsum3A_1571 = tpu.scan <sum>, %convert_element_type3A_1568 masked %broadcast_in_dim3A_1570 : vector<16xi32>, vector<16xi1> -> vector<16xi32>
      %add3A_1572 = arith.addi %add3A_1553, %masked_cumsum3A_1571 : vector<16xi32>
      %sub3A_1573 = arith.subi %add3A_1572, %convert_element_type3A_1568 : vector<16xi32>
      %lt3A_1574 = arith.constant 64 : i32
      %lt3A_1575 = vector.broadcast %lt3A_1574 : i32 to vector<16xi32>
      %lt3A_1576 = arith.cmpi slt, %sub3A_1573, %lt3A_1575 : vector<16xi32>
      %and3A_1577 = arith.andi %and3A_1567, %lt3A_1576 : vector<16xi1>
      tpu.vector_store_idx %arg8[%sub3A_1573], %get3A_1555 masked %and3A_1577 : memref<64xi32, #tpu.memory_space<vmem>>[vector<16xi32>], vector<16xi32>, vector<16xi1>
      %get3A_1578 = arith.constant 144 : index
      %get3A_1579 = tpu.vector_load %arg7[%get3A_1578] {strides = array<i32>} : memref<640xi32, #tpu.memory_space<vmem>>, vector<16xi32>,
      tpu.vector_store_idx %arg9[%sub3A_1573], %get3A_1579 masked %and3A_1577 : memref<64xi32, #tpu.memory_space<vmem>>[vector<16xi32>], vector<16xi32>, vector<16xi1>
      %all_reduce_population_count3A_1580 = tpu.all_reduce %and3A_1567 {dim = 0 : i64, kind = #tpu.reduction_kind<sum>} : vector<16xi1> -> vector<16xi32>
      %add3A_1581 = arith.addi %add3A_1553, %all_reduce_population_count3A_1580 : vector<16xi32>
      %get3A_1582 = arith.constant 160 : index
      %get3A_1583 = tpu.vector_load %arg6[%get3A_1582] {strides = array<i32>} : memref<640xi32, #tpu.memory_space<vmem>>, vector<16xi32>,
      %shift_right_logical3A_1584 = arith.constant 7 : i32
      %shift_right_logical3A_1585 = vector.broadcast %shift_right_logical3A_1584 : i32 to vector<16xi32>
      %shift_right_logical3A_1586 = arith.shrui %get3A_1583, %shift_right_logical3A_1585 : vector<16xi32>
      %broadcast_in_dim3A_1587 = arith.constant 160 : i32
      %broadcast_in_dim3A_1588 = vector.broadcast %broadcast_in_dim3A_1587 : i32 to vector<16xi32>
      %iota3A_1589 = tpu.iota {dimensions = array<i32: 0>} : vector<16xi32>
      %add3A_1590 = arith.addi %broadcast_in_dim3A_1588, %iota3A_1589 : vector<16xi32>
      %lt3A_1591 = arith.cmpi slt, %add3A_1590, %scan3A_28 : vector<16xi32>
      %ge3A_1592 = arith.cmpi sge, %shift_right_logical3A_1586, %broadcast_in_dim3A_1296 : vector<16xi32>
      %lt3A_1593 = arith.cmpi slt, %shift_right_logical3A_1586, %broadcast_in_dim3A_1299 : vector<16xi32>
      %and3A_1594 = arith.andi %ge3A_1592, %lt3A_1593 : vector<16xi1>
      %and3A_1595 = arith.andi %lt3A_1591, %and3A_1594 : vector<16xi1>
      %convert_element_type3A_1596 = arith.extui %and3A_1595 : vector<16xi1> to vector<16xi32>
      %broadcast_in_dim3A_1597 = arith.constant true
      %broadcast_in_dim3A_1598 = vector.broadcast %broadcast_in_dim3A_1597 : i1 to vector<16xi1>
      %masked_cumsum3A_1599 = tpu.scan <sum>, %convert_element_type3A_1596 masked %broadcast_in_dim3A_1598 : vector<16xi32>, vector<16xi1> -> vector<16xi32>
      %add3A_1600 = arith.addi %add3A_1581, %masked_cumsum3A_1599 : vector<16xi32>
      %sub3A_1601 = arith.subi %add3A_1600, %convert_element_type3A_1596 : vector<16xi32>
      %lt3A_1602 = arith.constant 64 : i32
      %lt3A_1603 = vector.broadcast %lt3A_1602 : i32 to vector<16xi32>
      %lt3A_1604 = arith.cmpi slt, %sub3A_1601, %lt3A_1603 : vector<16xi32>
      %and3A_1605 = arith.andi %and3A_1595, %lt3A_1604 : vector<16xi1>
      tpu.vector_store_idx %arg8[%sub3A_1601], %get3A_1583 masked %and3A_1605 : memref<64xi32, #tpu.memory_space<vmem>>[vector<16xi32>], vector<16xi32>, vector<16xi1>
      %get3A_1606 = arith.constant 160 : index
      %get3A_1607 = tpu.vector_load %arg7[%get3A_1606] {strides = array<i32>} : memref<640xi32, #tpu.memory_space<vmem>>, vector<16xi32>,
      tpu.vector_store_idx %arg9[%sub3A_1601], %get3A_1607 masked %and3A_1605 : memref<64xi32, #tpu.memory_space<vmem>>[vector<16xi32>], vector<16xi32>, vector<16xi1>
      %all_reduce_population_count3A_1608 = tpu.all_reduce %and3A_1595 {dim = 0 : i64, kind = #tpu.reduction_kind<sum>} : vector<16xi1> -> vector<16xi32>
      %add3A_1609 = arith.addi %add3A_1581, %all_reduce_population_count3A_1608 : vector<16xi32>
      %get3A_1610 = arith.constant 176 : index
      %get3A_1611 = tpu.vector_load %arg6[%get3A_1610] {strides = array<i32>} : memref<640xi32, #tpu.memory_space<vmem>>, vector<16xi32>,
      %shift_right_logical3A_1612 = arith.constant 7 : i32
      %shift_right_logical3A_1613 = vector.broadcast %shift_right_logical3A_1612 : i32 to vector<16xi32>
      %shift_right_logical3A_1614 = arith.shrui %get3A_1611, %shift_right_logical3A_1613 : vector<16xi32>
      %broadcast_in_dim3A_1615 = arith.constant 176 : i32
      %broadcast_in_dim3A_1616 = vector.broadcast %broadcast_in_dim3A_1615 : i32 to vector<16xi32>
      %iota3A_1617 = tpu.iota {dimensions = array<i32: 0>} : vector<16xi32>
      %add3A_1618 = arith.addi %broadcast_in_dim3A_1616, %iota3A_1617 : vector<16xi32>
      %lt3A_1619 = arith.cmpi slt, %add3A_1618, %scan3A_28 : vector<16xi32>
      %ge3A_1620 = arith.cmpi sge, %shift_right_logical3A_1614, %broadcast_in_dim3A_1296 : vector<16xi32>
      %lt3A_1621 = arith.cmpi slt, %shift_right_logical3A_1614, %broadcast_in_dim3A_1299 : vector<16xi32>
      %and3A_1622 = arith.andi %ge3A_1620, %lt3A_1621 : vector<16xi1>
      %and3A_1623 = arith.andi %lt3A_1619, %and3A_1622 : vector<16xi1>
      %convert_element_type3A_1624 = arith.extui %and3A_1623 : vector<16xi1> to vector<16xi32>
      %broadcast_in_dim3A_1625 = arith.constant true
      %broadcast_in_dim3A_1626 = vector.broadcast %broadcast_in_dim3A_1625 : i1 to vector<16xi1>
      %masked_cumsum3A_1627 = tpu.scan <sum>, %convert_element_type3A_1624 masked %broadcast_in_dim3A_1626 : vector<16xi32>, vector<16xi1> -> vector<16xi32>
      %add3A_1628 = arith.addi %add3A_1609, %masked_cumsum3A_1627 : vector<16xi32>
      %sub3A_1629 = arith.subi %add3A_1628, %convert_element_type3A_1624 : vector<16xi32>
      %lt3A_1630 = arith.constant 64 : i32
      %lt3A_1631 = vector.broadcast %lt3A_1630 : i32 to vector<16xi32>
      %lt3A_1632 = arith.cmpi slt, %sub3A_1629, %lt3A_1631 : vector<16xi32>
      %and3A_1633 = arith.andi %and3A_1623, %lt3A_1632 : vector<16xi1>
      tpu.vector_store_idx %arg8[%sub3A_1629], %get3A_1611 masked %and3A_1633 : memref<64xi32, #tpu.memory_space<vmem>>[vector<16xi32>], vector<16xi32>, vector<16xi1>
      %get3A_1634 = arith.constant 176 : index
      %get3A_1635 = tpu.vector_load %arg7[%get3A_1634] {strides = array<i32>} : memref<640xi32, #tpu.memory_space<vmem>>, vector<16xi32>,
      tpu.vector_store_idx %arg9[%sub3A_1629], %get3A_1635 masked %and3A_1633 : memref<64xi32, #tpu.memory_space<vmem>>[vector<16xi32>], vector<16xi32>, vector<16xi1>
      %all_reduce_population_count3A_1636 = tpu.all_reduce %and3A_1623 {dim = 0 : i64, kind = #tpu.reduction_kind<sum>} : vector<16xi1> -> vector<16xi32>
      %add3A_1637 = arith.addi %add3A_1609, %all_reduce_population_count3A_1636 : vector<16xi32>
      %get3A_1638 = arith.constant 192 : index
      %get3A_1639 = tpu.vector_load %arg6[%get3A_1638] {strides = array<i32>} : memref<640xi32, #tpu.memory_space<vmem>>, vector<16xi32>,
      %shift_right_logical3A_1640 = arith.constant 7 : i32
      %shift_right_logical3A_1641 = vector.broadcast %shift_right_logical3A_1640 : i32 to vector<16xi32>
      %shift_right_logical3A_1642 = arith.shrui %get3A_1639, %shift_right_logical3A_1641 : vector<16xi32>
      %broadcast_in_dim3A_1643 = arith.constant 192 : i32
      %broadcast_in_dim3A_1644 = vector.broadcast %broadcast_in_dim3A_1643 : i32 to vector<16xi32>
      %iota3A_1645 = tpu.iota {dimensions = array<i32: 0>} : vector<16xi32>
      %add3A_1646 = arith.addi %broadcast_in_dim3A_1644, %iota3A_1645 : vector<16xi32>
      %lt3A_1647 = arith.cmpi slt, %add3A_1646, %scan3A_28 : vector<16xi32>
      %ge3A_1648 = arith.cmpi sge, %shift_right_logical3A_1642, %broadcast_in_dim3A_1296 : vector<16xi32>
      %lt3A_1649 = arith.cmpi slt, %shift_right_logical3A_1642, %broadcast_in_dim3A_1299 : vector<16xi32>
      %and3A_1650 = arith.andi %ge3A_1648, %lt3A_1649 : vector<16xi1>
      %and3A_1651 = arith.andi %lt3A_1647, %and3A_1650 : vector<16xi1>
      %convert_element_type3A_1652 = arith.extui %and3A_1651 : vector<16xi1> to vector<16xi32>
      %broadcast_in_dim3A_1653 = arith.constant true
      %broadcast_in_dim3A_1654 = vector.broadcast %broadcast_in_dim3A_1653 : i1 to vector<16xi1>
      %masked_cumsum3A_1655 = tpu.scan <sum>, %convert_element_type3A_1652 masked %broadcast_in_dim3A_1654 : vector<16xi32>, vector<16xi1> -> vector<16xi32>
      %add3A_1656 = arith.addi %add3A_1637, %masked_cumsum3A_1655 : vector<16xi32>
      %sub3A_1657 = arith.subi %add3A_1656, %convert_element_type3A_1652 : vector<16xi32>
      %lt3A_1658 = arith.constant 64 : i32
      %lt3A_1659 = vector.broadcast %lt3A_1658 : i32 to vector<16xi32>
      %lt3A_1660 = arith.cmpi slt, %sub3A_1657, %lt3A_1659 : vector<16xi32>
      %and3A_1661 = arith.andi %and3A_1651, %lt3A_1660 : vector<16xi1>
      tpu.vector_store_idx %arg8[%sub3A_1657], %get3A_1639 masked %and3A_1661 : memref<64xi32, #tpu.memory_space<vmem>>[vector<16xi32>], vector<16xi32>, vector<16xi1>
      %get3A_1662 = arith.constant 192 : index
      %get3A_1663 = tpu.vector_load %arg7[%get3A_1662] {strides = array<i32>} : memref<640xi32, #tpu.memory_space<vmem>>, vector<16xi32>,
      tpu.vector_store_idx %arg9[%sub3A_1657], %get3A_1663 masked %and3A_1661 : memref<64xi32, #tpu.memory_space<vmem>>[vector<16xi32>], vector<16xi32>, vector<16xi1>
      %all_reduce_population_count3A_1664 = tpu.all_reduce %and3A_1651 {dim = 0 : i64, kind = #tpu.reduction_kind<sum>} : vector<16xi1> -> vector<16xi32>
      %add3A_1665 = arith.addi %add3A_1637, %all_reduce_population_count3A_1664 : vector<16xi32>
      %get3A_1666 = arith.constant 208 : index
      %get3A_1667 = tpu.vector_load %arg6[%get3A_1666] {strides = array<i32>} : memref<640xi32, #tpu.memory_space<vmem>>, vector<16xi32>,
      %shift_right_logical3A_1668 = arith.constant 7 : i32
      %shift_right_logical3A_1669 = vector.broadcast %shift_right_logical3A_1668 : i32 to vector<16xi32>
      %shift_right_logical3A_1670 = arith.shrui %get3A_1667, %shift_right_logical3A_1669 : vector<16xi32>
      %broadcast_in_dim3A_1671 = arith.constant 208 : i32
      %broadcast_in_dim3A_1672 = vector.broadcast %broadcast_in_dim3A_1671 : i32 to vector<16xi32>
      %iota3A_1673 = tpu.iota {dimensions = array<i32: 0>} : vector<16xi32>
      %add3A_1674 = arith.addi %broadcast_in_dim3A_1672, %iota3A_1673 : vector<16xi32>
      %lt3A_1675 = arith.cmpi slt, %add3A_1674, %scan3A_28 : vector<16xi32>
      %ge3A_1676 = arith.cmpi sge, %shift_right_logical3A_1670, %broadcast_in_dim3A_1296 : vector<16xi32>
      %lt3A_1677 = arith.cmpi slt, %shift_right_logical3A_1670, %broadcast_in_dim3A_1299 : vector<16xi32>
      %and3A_1678 = arith.andi %ge3A_1676, %lt3A_1677 : vector<16xi1>
      %and3A_1679 = arith.andi %lt3A_1675, %and3A_1678 : vector<16xi1>
      %convert_element_type3A_1680 = arith.extui %and3A_1679 : vector<16xi1> to vector<16xi32>
      %broadcast_in_dim3A_1681 = arith.constant true
      %broadcast_in_dim3A_1682 = vector.broadcast %broadcast_in_dim3A_1681 : i1 to vector<16xi1>
      %masked_cumsum3A_1683 = tpu.scan <sum>, %convert_element_type3A_1680 masked %broadcast_in_dim3A_1682 : vector<16xi32>, vector<16xi1> -> vector<16xi32>
      %add3A_1684 = arith.addi %add3A_1665, %masked_cumsum3A_1683 : vector<16xi32>
      %sub3A_1685 = arith.subi %add3A_1684, %convert_element_type3A_1680 : vector<16xi32>
      %lt3A_1686 = arith.constant 64 : i32
      %lt3A_1687 = vector.broadcast %lt3A_1686 : i32 to vector<16xi32>
      %lt3A_1688 = arith.cmpi slt, %sub3A_1685, %lt3A_1687 : vector<16xi32>
      %and3A_1689 = arith.andi %and3A_1679, %lt3A_1688 : vector<16xi1>
      tpu.vector_store_idx %arg8[%sub3A_1685], %get3A_1667 masked %and3A_1689 : memref<64xi32, #tpu.memory_space<vmem>>[vector<16xi32>], vector<16xi32>, vector<16xi1>
      %get3A_1690 = arith.constant 208 : index
      %get3A_1691 = tpu.vector_load %arg7[%get3A_1690] {strides = array<i32>} : memref<640xi32, #tpu.memory_space<vmem>>, vector<16xi32>,
      tpu.vector_store_idx %arg9[%sub3A_1685], %get3A_1691 masked %and3A_1689 : memref<64xi32, #tpu.memory_space<vmem>>[vector<16xi32>], vector<16xi32>, vector<16xi1>
      %all_reduce_population_count3A_1692 = tpu.all_reduce %and3A_1679 {dim = 0 : i64, kind = #tpu.reduction_kind<sum>} : vector<16xi1> -> vector<16xi32>
      %add3A_1693 = arith.addi %add3A_1665, %all_reduce_population_count3A_1692 : vector<16xi32>
      %get3A_1694 = arith.constant 224 : index
      %get3A_1695 = tpu.vector_load %arg6[%get3A_1694] {strides = array<i32>} : memref<640xi32, #tpu.memory_space<vmem>>, vector<16xi32>,
      %shift_right_logical3A_1696 = arith.constant 7 : i32
      %shift_right_logical3A_1697 = vector.broadcast %shift_right_logical3A_1696 : i32 to vector<16xi32>
      %shift_right_logical3A_1698 = arith.shrui %get3A_1695, %shift_right_logical3A_1697 : vector<16xi32>
      %broadcast_in_dim3A_1699 = arith.constant 224 : i32
      %broadcast_in_dim3A_1700 = vector.broadcast %broadcast_in_dim3A_1699 : i32 to vector<16xi32>
      %iota3A_1701 = tpu.iota {dimensions = array<i32: 0>} : vector<16xi32>
      %add3A_1702 = arith.addi %broadcast_in_dim3A_1700, %iota3A_1701 : vector<16xi32>
      %lt3A_1703 = arith.cmpi slt, %add3A_1702, %scan3A_28 : vector<16xi32>
      %ge3A_1704 = arith.cmpi sge, %shift_right_logical3A_1698, %broadcast_in_dim3A_1296 : vector<16xi32>
      %lt3A_1705 = arith.cmpi slt, %shift_right_logical3A_1698, %broadcast_in_dim3A_1299 : vector<16xi32>
      %and3A_1706 = arith.andi %ge3A_1704, %lt3A_1705 : vector<16xi1>
      %and3A_1707 = arith.andi %lt3A_1703, %and3A_1706 : vector<16xi1>
      %convert_element_type3A_1708 = arith.extui %and3A_1707 : vector<16xi1> to vector<16xi32>
      %broadcast_in_dim3A_1709 = arith.constant true
      %broadcast_in_dim3A_1710 = vector.broadcast %broadcast_in_dim3A_1709 : i1 to vector<16xi1>
      %masked_cumsum3A_1711 = tpu.scan <sum>, %convert_element_type3A_1708 masked %broadcast_in_dim3A_1710 : vector<16xi32>, vector<16xi1> -> vector<16xi32>
      %add3A_1712 = arith.addi %add3A_1693, %masked_cumsum3A_1711 : vector<16xi32>
      %sub3A_1713 = arith.subi %add3A_1712, %convert_element_type3A_1708 : vector<16xi32>
      %lt3A_1714 = arith.constant 64 : i32
      %lt3A_1715 = vector.broadcast %lt3A_1714 : i32 to vector<16xi32>
      %lt3A_1716 = arith.cmpi slt, %sub3A_1713, %lt3A_1715 : vector<16xi32>
      %and3A_1717 = arith.andi %and3A_1707, %lt3A_1716 : vector<16xi1>
      tpu.vector_store_idx %arg8[%sub3A_1713], %get3A_1695 masked %and3A_1717 : memref<64xi32, #tpu.memory_space<vmem>>[vector<16xi32>], vector<16xi32>, vector<16xi1>
      %get3A_1718 = arith.constant 224 : index
      %get3A_1719 = tpu.vector_load %arg7[%get3A_1718] {strides = array<i32>} : memref<640xi32, #tpu.memory_space<vmem>>, vector<16xi32>,
      tpu.vector_store_idx %arg9[%sub3A_1713], %get3A_1719 masked %and3A_1717 : memref<64xi32, #tpu.memory_space<vmem>>[vector<16xi32>], vector<16xi32>, vector<16xi1>
      %all_reduce_population_count3A_1720 = tpu.all_reduce %and3A_1707 {dim = 0 : i64, kind = #tpu.reduction_kind<sum>} : vector<16xi1> -> vector<16xi32>
      %add3A_1721 = arith.addi %add3A_1693, %all_reduce_population_count3A_1720 : vector<16xi32>
      %get3A_1722 = arith.constant 240 : index
      %get3A_1723 = tpu.vector_load %arg6[%get3A_1722] {strides = array<i32>} : memref<640xi32, #tpu.memory_space<vmem>>, vector<16xi32>,
      %shift_right_logical3A_1724 = arith.constant 7 : i32
      %shift_right_logical3A_1725 = vector.broadcast %shift_right_logical3A_1724 : i32 to vector<16xi32>
      %shift_right_logical3A_1726 = arith.shrui %get3A_1723, %shift_right_logical3A_1725 : vector<16xi32>
      %broadcast_in_dim3A_1727 = arith.constant 240 : i32
      %broadcast_in_dim3A_1728 = vector.broadcast %broadcast_in_dim3A_1727 : i32 to vector<16xi32>
      %iota3A_1729 = tpu.iota {dimensions = array<i32: 0>} : vector<16xi32>
      %add3A_1730 = arith.addi %broadcast_in_dim3A_1728, %iota3A_1729 : vector<16xi32>
      %lt3A_1731 = arith.cmpi slt, %add3A_1730, %scan3A_28 : vector<16xi32>
      %ge3A_1732 = arith.cmpi sge, %shift_right_logical3A_1726, %broadcast_in_dim3A_1296 : vector<16xi32>
      %lt3A_1733 = arith.cmpi slt, %shift_right_logical3A_1726, %broadcast_in_dim3A_1299 : vector<16xi32>
      %and3A_1734 = arith.andi %ge3A_1732, %lt3A_1733 : vector<16xi1>
      %and3A_1735 = arith.andi %lt3A_1731, %and3A_1734 : vector<16xi1>
      %convert_element_type3A_1736 = arith.extui %and3A_1735 : vector<16xi1> to vector<16xi32>
      %broadcast_in_dim3A_1737 = arith.constant true
      %broadcast_in_dim3A_1738 = vector.broadcast %broadcast_in_dim3A_1737 : i1 to vector<16xi1>
      %masked_cumsum3A_1739 = tpu.scan <sum>, %convert_element_type3A_1736 masked %broadcast_in_dim3A_1738 : vector<16xi32>, vector<16xi1> -> vector<16xi32>
      %add3A_1740 = arith.addi %add3A_1721, %masked_cumsum3A_1739 : vector<16xi32>
      %sub3A_1741 = arith.subi %add3A_1740, %convert_element_type3A_1736 : vector<16xi32>
      %lt3A_1742 = arith.constant 64 : i32
      %lt3A_1743 = vector.broadcast %lt3A_1742 : i32 to vector<16xi32>
      %lt3A_1744 = arith.cmpi slt, %sub3A_1741, %lt3A_1743 : vector<16xi32>
      %and3A_1745 = arith.andi %and3A_1735, %lt3A_1744 : vector<16xi1>
      tpu.vector_store_idx %arg8[%sub3A_1741], %get3A_1723 masked %and3A_1745 : memref<64xi32, #tpu.memory_space<vmem>>[vector<16xi32>], vector<16xi32>, vector<16xi1>
      %get3A_1746 = arith.constant 240 : index
      %get3A_1747 = tpu.vector_load %arg7[%get3A_1746] {strides = array<i32>} : memref<640xi32, #tpu.memory_space<vmem>>, vector<16xi32>,
      tpu.vector_store_idx %arg9[%sub3A_1741], %get3A_1747 masked %and3A_1745 : memref<64xi32, #tpu.memory_space<vmem>>[vector<16xi32>], vector<16xi32>, vector<16xi1>
      %all_reduce_population_count3A_1748 = tpu.all_reduce %and3A_1735 {dim = 0 : i64, kind = #tpu.reduction_kind<sum>} : vector<16xi1> -> vector<16xi32>
      %add3A_1749 = arith.addi %add3A_1721, %all_reduce_population_count3A_1748 : vector<16xi32>
      %get3A_1750 = arith.constant 256 : index
      %get3A_1751 = tpu.vector_load %arg6[%get3A_1750] {strides = array<i32>} : memref<640xi32, #tpu.memory_space<vmem>>, vector<16xi32>,
      %shift_right_logical3A_1752 = arith.constant 7 : i32
      %shift_right_logical3A_1753 = vector.broadcast %shift_right_logical3A_1752 : i32 to vector<16xi32>
      %shift_right_logical3A_1754 = arith.shrui %get3A_1751, %shift_right_logical3A_1753 : vector<16xi32>
      %broadcast_in_dim3A_1755 = arith.constant 256 : i32
      %broadcast_in_dim3A_1756 = vector.broadcast %broadcast_in_dim3A_1755 : i32 to vector<16xi32>
      %iota3A_1757 = tpu.iota {dimensions = array<i32: 0>} : vector<16xi32>
      %add3A_1758 = arith.addi %broadcast_in_dim3A_1756, %iota3A_1757 : vector<16xi32>
      %lt3A_1759 = arith.cmpi slt, %add3A_1758, %scan3A_28 : vector<16xi32>
      %ge3A_1760 = arith.cmpi sge, %shift_right_logical3A_1754, %broadcast_in_dim3A_1296 : vector<16xi32>
      %lt3A_1761 = arith.cmpi slt, %shift_right_logical3A_1754, %broadcast_in_dim3A_1299 : vector<16xi32>
      %and3A_1762 = arith.andi %ge3A_1760, %lt3A_1761 : vector<16xi1>
      %and3A_1763 = arith.andi %lt3A_1759, %and3A_1762 : vector<16xi1>
      %convert_element_type3A_1764 = arith.extui %and3A_1763 : vector<16xi1> to vector<16xi32>
      %broadcast_in_dim3A_1765 = arith.constant true
      %broadcast_in_dim3A_1766 = vector.broadcast %broadcast_in_dim3A_1765 : i1 to vector<16xi1>
      %masked_cumsum3A_1767 = tpu.scan <sum>, %convert_element_type3A_1764 masked %broadcast_in_dim3A_1766 : vector<16xi32>, vector<16xi1> -> vector<16xi32>
      %add3A_1768 = arith.addi %add3A_1749, %masked_cumsum3A_1767 : vector<16xi32>
      %sub3A_1769 = arith.subi %add3A_1768, %convert_element_type3A_1764 : vector<16xi32>
      %lt3A_1770 = arith.constant 64 : i32
      %lt3A_1771 = vector.broadcast %lt3A_1770 : i32 to vector<16xi32>
      %lt3A_1772 = arith.cmpi slt, %sub3A_1769, %lt3A_1771 : vector<16xi32>
      %and3A_1773 = arith.andi %and3A_1763, %lt3A_1772 : vector<16xi1>
      tpu.vector_store_idx %arg8[%sub3A_1769], %get3A_1751 masked %and3A_1773 : memref<64xi32, #tpu.memory_space<vmem>>[vector<16xi32>], vector<16xi32>, vector<16xi1>
      %get3A_1774 = arith.constant 256 : index
      %get3A_1775 = tpu.vector_load %arg7[%get3A_1774] {strides = array<i32>} : memref<640xi32, #tpu.memory_space<vmem>>, vector<16xi32>,
      tpu.vector_store_idx %arg9[%sub3A_1769], %get3A_1775 masked %and3A_1773 : memref<64xi32, #tpu.memory_space<vmem>>[vector<16xi32>], vector<16xi32>, vector<16xi1>
      %all_reduce_population_count3A_1776 = tpu.all_reduce %and3A_1763 {dim = 0 : i64, kind = #tpu.reduction_kind<sum>} : vector<16xi1> -> vector<16xi32>
      %add3A_1777 = arith.addi %add3A_1749, %all_reduce_population_count3A_1776 : vector<16xi32>
      %get3A_1778 = arith.constant 272 : index
      %get3A_1779 = tpu.vector_load %arg6[%get3A_1778] {strides = array<i32>} : memref<640xi32, #tpu.memory_space<vmem>>, vector<16xi32>,
      %shift_right_logical3A_1780 = arith.constant 7 : i32
      %shift_right_logical3A_1781 = vector.broadcast %shift_right_logical3A_1780 : i32 to vector<16xi32>
      %shift_right_logical3A_1782 = arith.shrui %get3A_1779, %shift_right_logical3A_1781 : vector<16xi32>
      %broadcast_in_dim3A_1783 = arith.constant 272 : i32
      %broadcast_in_dim3A_1784 = vector.broadcast %broadcast_in_dim3A_1783 : i32 to vector<16xi32>
      %iota3A_1785 = tpu.iota {dimensions = array<i32: 0>} : vector<16xi32>
      %add3A_1786 = arith.addi %broadcast_in_dim3A_1784, %iota3A_1785 : vector<16xi32>
      %lt3A_1787 = arith.cmpi slt, %add3A_1786, %scan3A_28 : vector<16xi32>
      %ge3A_1788 = arith.cmpi sge, %shift_right_logical3A_1782, %broadcast_in_dim3A_1296 : vector<16xi32>
      %lt3A_1789 = arith.cmpi slt, %shift_right_logical3A_1782, %broadcast_in_dim3A_1299 : vector<16xi32>
      %and3A_1790 = arith.andi %ge3A_1788, %lt3A_1789 : vector<16xi1>
      %and3A_1791 = arith.andi %lt3A_1787, %and3A_1790 : vector<16xi1>
      %convert_element_type3A_1792 = arith.extui %and3A_1791 : vector<16xi1> to vector<16xi32>
      %broadcast_in_dim3A_1793 = arith.constant true
      %broadcast_in_dim3A_1794 = vector.broadcast %broadcast_in_dim3A_1793 : i1 to vector<16xi1>
      %masked_cumsum3A_1795 = tpu.scan <sum>, %convert_element_type3A_1792 masked %broadcast_in_dim3A_1794 : vector<16xi32>, vector<16xi1> -> vector<16xi32>
      %add3A_1796 = arith.addi %add3A_1777, %masked_cumsum3A_1795 : vector<16xi32>
      %sub3A_1797 = arith.subi %add3A_1796, %convert_element_type3A_1792 : vector<16xi32>
      %lt3A_1798 = arith.constant 64 : i32
      %lt3A_1799 = vector.broadcast %lt3A_1798 : i32 to vector<16xi32>
      %lt3A_1800 = arith.cmpi slt, %sub3A_1797, %lt3A_1799 : vector<16xi32>
      %and3A_1801 = arith.andi %and3A_1791, %lt3A_1800 : vector<16xi1>
      tpu.vector_store_idx %arg8[%sub3A_1797], %get3A_1779 masked %and3A_1801 : memref<64xi32, #tpu.memory_space<vmem>>[vector<16xi32>], vector<16xi32>, vector<16xi1>
      %get3A_1802 = arith.constant 272 : index
      %get3A_1803 = tpu.vector_load %arg7[%get3A_1802] {strides = array<i32>} : memref<640xi32, #tpu.memory_space<vmem>>, vector<16xi32>,
      tpu.vector_store_idx %arg9[%sub3A_1797], %get3A_1803 masked %and3A_1801 : memref<64xi32, #tpu.memory_space<vmem>>[vector<16xi32>], vector<16xi32>, vector<16xi1>
      %all_reduce_population_count3A_1804 = tpu.all_reduce %and3A_1791 {dim = 0 : i64, kind = #tpu.reduction_kind<sum>} : vector<16xi1> -> vector<16xi32>
      %add3A_1805 = arith.addi %add3A_1777, %all_reduce_population_count3A_1804 : vector<16xi32>
      %get3A_1806 = arith.constant 288 : index
      %get3A_1807 = tpu.vector_load %arg6[%get3A_1806] {strides = array<i32>} : memref<640xi32, #tpu.memory_space<vmem>>, vector<16xi32>,
      %shift_right_logical3A_1808 = arith.constant 7 : i32
      %shift_right_logical3A_1809 = vector.broadcast %shift_right_logical3A_1808 : i32 to vector<16xi32>
      %shift_right_logical3A_1810 = arith.shrui %get3A_1807, %shift_right_logical3A_1809 : vector<16xi32>
      %broadcast_in_dim3A_1811 = arith.constant 288 : i32
      %broadcast_in_dim3A_1812 = vector.broadcast %broadcast_in_dim3A_1811 : i32 to vector<16xi32>
      %iota3A_1813 = tpu.iota {dimensions = array<i32: 0>} : vector<16xi32>
      %add3A_1814 = arith.addi %broadcast_in_dim3A_1812, %iota3A_1813 : vector<16xi32>
      %lt3A_1815 = arith.cmpi slt, %add3A_1814, %scan3A_28 : vector<16xi32>
      %ge3A_1816 = arith.cmpi sge, %shift_right_logical3A_1810, %broadcast_in_dim3A_1296 : vector<16xi32>
      %lt3A_1817 = arith.cmpi slt, %shift_right_logical3A_1810, %broadcast_in_dim3A_1299 : vector<16xi32>
      %and3A_1818 = arith.andi %ge3A_1816, %lt3A_1817 : vector<16xi1>
      %and3A_1819 = arith.andi %lt3A_1815, %and3A_1818 : vector<16xi1>
      %convert_element_type3A_1820 = arith.extui %and3A_1819 : vector<16xi1> to vector<16xi32>
      %broadcast_in_dim3A_1821 = arith.constant true
      %broadcast_in_dim3A_1822 = vector.broadcast %broadcast_in_dim3A_1821 : i1 to vector<16xi1>
      %masked_cumsum3A_1823 = tpu.scan <sum>, %convert_element_type3A_1820 masked %broadcast_in_dim3A_1822 : vector<16xi32>, vector<16xi1> -> vector<16xi32>
      %add3A_1824 = arith.addi %add3A_1805, %masked_cumsum3A_1823 : vector<16xi32>
      %sub3A_1825 = arith.subi %add3A_1824, %convert_element_type3A_1820 : vector<16xi32>
      %lt3A_1826 = arith.constant 64 : i32
      %lt3A_1827 = vector.broadcast %lt3A_1826 : i32 to vector<16xi32>
      %lt3A_1828 = arith.cmpi slt, %sub3A_1825, %lt3A_1827 : vector<16xi32>
      %and3A_1829 = arith.andi %and3A_1819, %lt3A_1828 : vector<16xi1>
      tpu.vector_store_idx %arg8[%sub3A_1825], %get3A_1807 masked %and3A_1829 : memref<64xi32, #tpu.memory_space<vmem>>[vector<16xi32>], vector<16xi32>, vector<16xi1>
      %get3A_1830 = arith.constant 288 : index
      %get3A_1831 = tpu.vector_load %arg7[%get3A_1830] {strides = array<i32>} : memref<640xi32, #tpu.memory_space<vmem>>, vector<16xi32>,
      tpu.vector_store_idx %arg9[%sub3A_1825], %get3A_1831 masked %and3A_1829 : memref<64xi32, #tpu.memory_space<vmem>>[vector<16xi32>], vector<16xi32>, vector<16xi1>
      %all_reduce_population_count3A_1832 = tpu.all_reduce %and3A_1819 {dim = 0 : i64, kind = #tpu.reduction_kind<sum>} : vector<16xi1> -> vector<16xi32>
      %add3A_1833 = arith.addi %add3A_1805, %all_reduce_population_count3A_1832 : vector<16xi32>
      %get3A_1834 = arith.constant 304 : index
      %get3A_1835 = tpu.vector_load %arg6[%get3A_1834] {strides = array<i32>} : memref<640xi32, #tpu.memory_space<vmem>>, vector<16xi32>,
      %shift_right_logical3A_1836 = arith.constant 7 : i32
      %shift_right_logical3A_1837 = vector.broadcast %shift_right_logical3A_1836 : i32 to vector<16xi32>
      %shift_right_logical3A_1838 = arith.shrui %get3A_1835, %shift_right_logical3A_1837 : vector<16xi32>
      %broadcast_in_dim3A_1839 = arith.constant 304 : i32
      %broadcast_in_dim3A_1840 = vector.broadcast %broadcast_in_dim3A_1839 : i32 to vector<16xi32>
      %iota3A_1841 = tpu.iota {dimensions = array<i32: 0>} : vector<16xi32>
      %add3A_1842 = arith.addi %broadcast_in_dim3A_1840, %iota3A_1841 : vector<16xi32>
      %lt3A_1843 = arith.cmpi slt, %add3A_1842, %scan3A_28 : vector<16xi32>
      %ge3A_1844 = arith.cmpi sge, %shift_right_logical3A_1838, %broadcast_in_dim3A_1296 : vector<16xi32>
      %lt3A_1845 = arith.cmpi slt, %shift_right_logical3A_1838, %broadcast_in_dim3A_1299 : vector<16xi32>
      %and3A_1846 = arith.andi %ge3A_1844, %lt3A_1845 : vector<16xi1>
      %and3A_1847 = arith.andi %lt3A_1843, %and3A_1846 : vector<16xi1>
      %convert_element_type3A_1848 = arith.extui %and3A_1847 : vector<16xi1> to vector<16xi32>
      %broadcast_in_dim3A_1849 = arith.constant true
      %broadcast_in_dim3A_1850 = vector.broadcast %broadcast_in_dim3A_1849 : i1 to vector<16xi1>
      %masked_cumsum3A_1851 = tpu.scan <sum>, %convert_element_type3A_1848 masked %broadcast_in_dim3A_1850 : vector<16xi32>, vector<16xi1> -> vector<16xi32>
      %add3A_1852 = arith.addi %add3A_1833, %masked_cumsum3A_1851 : vector<16xi32>
      %sub3A_1853 = arith.subi %add3A_1852, %convert_element_type3A_1848 : vector<16xi32>
      %lt3A_1854 = arith.constant 64 : i32
      %lt3A_1855 = vector.broadcast %lt3A_1854 : i32 to vector<16xi32>
      %lt3A_1856 = arith.cmpi slt, %sub3A_1853, %lt3A_1855 : vector<16xi32>
      %and3A_1857 = arith.andi %and3A_1847, %lt3A_1856 : vector<16xi1>
      tpu.vector_store_idx %arg8[%sub3A_1853], %get3A_1835 masked %and3A_1857 : memref<64xi32, #tpu.memory_space<vmem>>[vector<16xi32>], vector<16xi32>, vector<16xi1>
      %get3A_1858 = arith.constant 304 : index
      %get3A_1859 = tpu.vector_load %arg7[%get3A_1858] {strides = array<i32>} : memref<640xi32, #tpu.memory_space<vmem>>, vector<16xi32>,
      tpu.vector_store_idx %arg9[%sub3A_1853], %get3A_1859 masked %and3A_1857 : memref<64xi32, #tpu.memory_space<vmem>>[vector<16xi32>], vector<16xi32>, vector<16xi1>
      %all_reduce_population_count3A_1860 = tpu.all_reduce %and3A_1847 {dim = 0 : i64, kind = #tpu.reduction_kind<sum>} : vector<16xi1> -> vector<16xi32>
      %add3A_1861 = arith.addi %add3A_1833, %all_reduce_population_count3A_1860 : vector<16xi32>
      %get3A_1862 = arith.constant 320 : index
      %get3A_1863 = tpu.vector_load %arg6[%get3A_1862] {strides = array<i32>} : memref<640xi32, #tpu.memory_space<vmem>>, vector<16xi32>,
      %shift_right_logical3A_1864 = arith.constant 7 : i32
      %shift_right_logical3A_1865 = vector.broadcast %shift_right_logical3A_1864 : i32 to vector<16xi32>
      %shift_right_logical3A_1866 = arith.shrui %get3A_1863, %shift_right_logical3A_1865 : vector<16xi32>
      %broadcast_in_dim3A_1867 = arith.constant 320 : i32
      %broadcast_in_dim3A_1868 = vector.broadcast %broadcast_in_dim3A_1867 : i32 to vector<16xi32>
      %iota3A_1869 = tpu.iota {dimensions = array<i32: 0>} : vector<16xi32>
      %add3A_1870 = arith.addi %broadcast_in_dim3A_1868, %iota3A_1869 : vector<16xi32>
      %lt3A_1871 = arith.cmpi slt, %add3A_1870, %scan3A_28 : vector<16xi32>
      %ge3A_1872 = arith.cmpi sge, %shift_right_logical3A_1866, %broadcast_in_dim3A_1296 : vector<16xi32>
      %lt3A_1873 = arith.cmpi slt, %shift_right_logical3A_1866, %broadcast_in_dim3A_1299 : vector<16xi32>
      %and3A_1874 = arith.andi %ge3A_1872, %lt3A_1873 : vector<16xi1>
      %and3A_1875 = arith.andi %lt3A_1871, %and3A_1874 : vector<16xi1>
      %convert_element_type3A_1876 = arith.extui %and3A_1875 : vector<16xi1> to vector<16xi32>
      %broadcast_in_dim3A_1877 = arith.constant true
      %broadcast_in_dim3A_1878 = vector.broadcast %broadcast_in_dim3A_1877 : i1 to vector<16xi1>
      %masked_cumsum3A_1879 = tpu.scan <sum>, %convert_element_type3A_1876 masked %broadcast_in_dim3A_1878 : vector<16xi32>, vector<16xi1> -> vector<16xi32>
      %add3A_1880 = arith.addi %add3A_1861, %masked_cumsum3A_1879 : vector<16xi32>
      %sub3A_1881 = arith.subi %add3A_1880, %convert_element_type3A_1876 : vector<16xi32>
      %lt3A_1882 = arith.constant 64 : i32
      %lt3A_1883 = vector.broadcast %lt3A_1882 : i32 to vector<16xi32>
      %lt3A_1884 = arith.cmpi slt, %sub3A_1881, %lt3A_1883 : vector<16xi32>
      %and3A_1885 = arith.andi %and3A_1875, %lt3A_1884 : vector<16xi1>
      tpu.vector_store_idx %arg8[%sub3A_1881], %get3A_1863 masked %and3A_1885 : memref<64xi32, #tpu.memory_space<vmem>>[vector<16xi32>], vector<16xi32>, vector<16xi1>
      %get3A_1886 = arith.constant 320 : index
      %get3A_1887 = tpu.vector_load %arg7[%get3A_1886] {strides = array<i32>} : memref<640xi32, #tpu.memory_space<vmem>>, vector<16xi32>,
      tpu.vector_store_idx %arg9[%sub3A_1881], %get3A_1887 masked %and3A_1885 : memref<64xi32, #tpu.memory_space<vmem>>[vector<16xi32>], vector<16xi32>, vector<16xi1>
      %all_reduce_population_count3A_1888 = tpu.all_reduce %and3A_1875 {dim = 0 : i64, kind = #tpu.reduction_kind<sum>} : vector<16xi1> -> vector<16xi32>
      %add3A_1889 = arith.addi %add3A_1861, %all_reduce_population_count3A_1888 : vector<16xi32>
      %get3A_1890 = arith.constant 336 : index
      %get3A_1891 = tpu.vector_load %arg6[%get3A_1890] {strides = array<i32>} : memref<640xi32, #tpu.memory_space<vmem>>, vector<16xi32>,
      %shift_right_logical3A_1892 = arith.constant 7 : i32
      %shift_right_logical3A_1893 = vector.broadcast %shift_right_logical3A_1892 : i32 to vector<16xi32>
      %shift_right_logical3A_1894 = arith.shrui %get3A_1891, %shift_right_logical3A_1893 : vector<16xi32>
      %broadcast_in_dim3A_1895 = arith.constant 336 : i32
      %broadcast_in_dim3A_1896 = vector.broadcast %broadcast_in_dim3A_1895 : i32 to vector<16xi32>
      %iota3A_1897 = tpu.iota {dimensions = array<i32: 0>} : vector<16xi32>
      %add3A_1898 = arith.addi %broadcast_in_dim3A_1896, %iota3A_1897 : vector<16xi32>
      %lt3A_1899 = arith.cmpi slt, %add3A_1898, %scan3A_28 : vector<16xi32>
      %ge3A_1900 = arith.cmpi sge, %shift_right_logical3A_1894, %broadcast_in_dim3A_1296 : vector<16xi32>
      %lt3A_1901 = arith.cmpi slt, %shift_right_logical3A_1894, %broadcast_in_dim3A_1299 : vector<16xi32>
      %and3A_1902 = arith.andi %ge3A_1900, %lt3A_1901 : vector<16xi1>
      %and3A_1903 = arith.andi %lt3A_1899, %and3A_1902 : vector<16xi1>
      %convert_element_type3A_1904 = arith.extui %and3A_1903 : vector<16xi1> to vector<16xi32>
      %broadcast_in_dim3A_1905 = arith.constant true
      %broadcast_in_dim3A_1906 = vector.broadcast %broadcast_in_dim3A_1905 : i1 to vector<16xi1>
      %masked_cumsum3A_1907 = tpu.scan <sum>, %convert_element_type3A_1904 masked %broadcast_in_dim3A_1906 : vector<16xi32>, vector<16xi1> -> vector<16xi32>
      %add3A_1908 = arith.addi %add3A_1889, %masked_cumsum3A_1907 : vector<16xi32>
      %sub3A_1909 = arith.subi %add3A_1908, %convert_element_type3A_1904 : vector<16xi32>
      %lt3A_1910 = arith.constant 64 : i32
      %lt3A_1911 = vector.broadcast %lt3A_1910 : i32 to vector<16xi32>
      %lt3A_1912 = arith.cmpi slt, %sub3A_1909, %lt3A_1911 : vector<16xi32>
      %and3A_1913 = arith.andi %and3A_1903, %lt3A_1912 : vector<16xi1>
      tpu.vector_store_idx %arg8[%sub3A_1909], %get3A_1891 masked %and3A_1913 : memref<64xi32, #tpu.memory_space<vmem>>[vector<16xi32>], vector<16xi32>, vector<16xi1>
      %get3A_1914 = arith.constant 336 : index
      %get3A_1915 = tpu.vector_load %arg7[%get3A_1914] {strides = array<i32>} : memref<640xi32, #tpu.memory_space<vmem>>, vector<16xi32>,
      tpu.vector_store_idx %arg9[%sub3A_1909], %get3A_1915 masked %and3A_1913 : memref<64xi32, #tpu.memory_space<vmem>>[vector<16xi32>], vector<16xi32>, vector<16xi1>
      %all_reduce_population_count3A_1916 = tpu.all_reduce %and3A_1903 {dim = 0 : i64, kind = #tpu.reduction_kind<sum>} : vector<16xi1> -> vector<16xi32>
      %add3A_1917 = arith.addi %add3A_1889, %all_reduce_population_count3A_1916 : vector<16xi32>
      %get3A_1918 = arith.constant 352 : index
      %get3A_1919 = tpu.vector_load %arg6[%get3A_1918] {strides = array<i32>} : memref<640xi32, #tpu.memory_space<vmem>>, vector<16xi32>,
      %shift_right_logical3A_1920 = arith.constant 7 : i32
      %shift_right_logical3A_1921 = vector.broadcast %shift_right_logical3A_1920 : i32 to vector<16xi32>
      %shift_right_logical3A_1922 = arith.shrui %get3A_1919, %shift_right_logical3A_1921 : vector<16xi32>
      %broadcast_in_dim3A_1923 = arith.constant 352 : i32
      %broadcast_in_dim3A_1924 = vector.broadcast %broadcast_in_dim3A_1923 : i32 to vector<16xi32>
      %iota3A_1925 = tpu.iota {dimensions = array<i32: 0>} : vector<16xi32>
      %add3A_1926 = arith.addi %broadcast_in_dim3A_1924, %iota3A_1925 : vector<16xi32>
      %lt3A_1927 = arith.cmpi slt, %add3A_1926, %scan3A_28 : vector<16xi32>
      %ge3A_1928 = arith.cmpi sge, %shift_right_logical3A_1922, %broadcast_in_dim3A_1296 : vector<16xi32>
      %lt3A_1929 = arith.cmpi slt, %shift_right_logical3A_1922, %broadcast_in_dim3A_1299 : vector<16xi32>
      %and3A_1930 = arith.andi %ge3A_1928, %lt3A_1929 : vector<16xi1>
      %and3A_1931 = arith.andi %lt3A_1927, %and3A_1930 : vector<16xi1>
      %convert_element_type3A_1932 = arith.extui %and3A_1931 : vector<16xi1> to vector<16xi32>
      %broadcast_in_dim3A_1933 = arith.constant true
      %broadcast_in_dim3A_1934 = vector.broadcast %broadcast_in_dim3A_1933 : i1 to vector<16xi1>
      %masked_cumsum3A_1935 = tpu.scan <sum>, %convert_element_type3A_1932 masked %broadcast_in_dim3A_1934 : vector<16xi32>, vector<16xi1> -> vector<16xi32>
      %add3A_1936 = arith.addi %add3A_1917, %masked_cumsum3A_1935 : vector<16xi32>
      %sub3A_1937 = arith.subi %add3A_1936, %convert_element_type3A_1932 : vector<16xi32>
      %lt3A_1938 = arith.constant 64 : i32
      %lt3A_1939 = vector.broadcast %lt3A_1938 : i32 to vector<16xi32>
      %lt3A_1940 = arith.cmpi slt, %sub3A_1937, %lt3A_1939 : vector<16xi32>
      %and3A_1941 = arith.andi %and3A_1931, %lt3A_1940 : vector<16xi1>
      tpu.vector_store_idx %arg8[%sub3A_1937], %get3A_1919 masked %and3A_1941 : memref<64xi32, #tpu.memory_space<vmem>>[vector<16xi32>], vector<16xi32>, vector<16xi1>
      %get3A_1942 = arith.constant 352 : index
      %get3A_1943 = tpu.vector_load %arg7[%get3A_1942] {strides = array<i32>} : memref<640xi32, #tpu.memory_space<vmem>>, vector<16xi32>,
      tpu.vector_store_idx %arg9[%sub3A_1937], %get3A_1943 masked %and3A_1941 : memref<64xi32, #tpu.memory_space<vmem>>[vector<16xi32>], vector<16xi32>, vector<16xi1>
      %all_reduce_population_count3A_1944 = tpu.all_reduce %and3A_1931 {dim = 0 : i64, kind = #tpu.reduction_kind<sum>} : vector<16xi1> -> vector<16xi32>
      %add3A_1945 = arith.addi %add3A_1917, %all_reduce_population_count3A_1944 : vector<16xi32>
      %get3A_1946 = arith.constant 368 : index
      %get3A_1947 = tpu.vector_load %arg6[%get3A_1946] {strides = array<i32>} : memref<640xi32, #tpu.memory_space<vmem>>, vector<16xi32>,
      %shift_right_logical3A_1948 = arith.constant 7 : i32
      %shift_right_logical3A_1949 = vector.broadcast %shift_right_logical3A_1948 : i32 to vector<16xi32>
      %shift_right_logical3A_1950 = arith.shrui %get3A_1947, %shift_right_logical3A_1949 : vector<16xi32>
      %broadcast_in_dim3A_1951 = arith.constant 368 : i32
      %broadcast_in_dim3A_1952 = vector.broadcast %broadcast_in_dim3A_1951 : i32 to vector<16xi32>
      %iota3A_1953 = tpu.iota {dimensions = array<i32: 0>} : vector<16xi32>
      %add3A_1954 = arith.addi %broadcast_in_dim3A_1952, %iota3A_1953 : vector<16xi32>
      %lt3A_1955 = arith.cmpi slt, %add3A_1954, %scan3A_28 : vector<16xi32>
      %ge3A_1956 = arith.cmpi sge, %shift_right_logical3A_1950, %broadcast_in_dim3A_1296 : vector<16xi32>
      %lt3A_1957 = arith.cmpi slt, %shift_right_logical3A_1950, %broadcast_in_dim3A_1299 : vector<16xi32>
      %and3A_1958 = arith.andi %ge3A_1956, %lt3A_1957 : vector<16xi1>
      %and3A_1959 = arith.andi %lt3A_1955, %and3A_1958 : vector<16xi1>
      %convert_element_type3A_1960 = arith.extui %and3A_1959 : vector<16xi1> to vector<16xi32>
      %broadcast_in_dim3A_1961 = arith.constant true
      %broadcast_in_dim3A_1962 = vector.broadcast %broadcast_in_dim3A_1961 : i1 to vector<16xi1>
      %masked_cumsum3A_1963 = tpu.scan <sum>, %convert_element_type3A_1960 masked %broadcast_in_dim3A_1962 : vector<16xi32>, vector<16xi1> -> vector<16xi32>
      %add3A_1964 = arith.addi %add3A_1945, %masked_cumsum3A_1963 : vector<16xi32>
      %sub3A_1965 = arith.subi %add3A_1964, %convert_element_type3A_1960 : vector<16xi32>
      %lt3A_1966 = arith.constant 64 : i32
      %lt3A_1967 = vector.broadcast %lt3A_1966 : i32 to vector<16xi32>
      %lt3A_1968 = arith.cmpi slt, %sub3A_1965, %lt3A_1967 : vector<16xi32>
      %and3A_1969 = arith.andi %and3A_1959, %lt3A_1968 : vector<16xi1>
      tpu.vector_store_idx %arg8[%sub3A_1965], %get3A_1947 masked %and3A_1969 : memref<64xi32, #tpu.memory_space<vmem>>[vector<16xi32>], vector<16xi32>, vector<16xi1>
      %get3A_1970 = arith.constant 368 : index
      %get3A_1971 = tpu.vector_load %arg7[%get3A_1970] {strides = array<i32>} : memref<640xi32, #tpu.memory_space<vmem>>, vector<16xi32>,
      tpu.vector_store_idx %arg9[%sub3A_1965], %get3A_1971 masked %and3A_1969 : memref<64xi32, #tpu.memory_space<vmem>>[vector<16xi32>], vector<16xi32>, vector<16xi1>
      %all_reduce_population_count3A_1972 = tpu.all_reduce %and3A_1959 {dim = 0 : i64, kind = #tpu.reduction_kind<sum>} : vector<16xi1> -> vector<16xi32>
      %add3A_1973 = arith.addi %add3A_1945, %all_reduce_population_count3A_1972 : vector<16xi32>
      %get3A_1974 = arith.constant 384 : index
      %get3A_1975 = tpu.vector_load %arg6[%get3A_1974] {strides = array<i32>} : memref<640xi32, #tpu.memory_space<vmem>>, vector<16xi32>,
      %shift_right_logical3A_1976 = arith.constant 7 : i32
      %shift_right_logical3A_1977 = vector.broadcast %shift_right_logical3A_1976 : i32 to vector<16xi32>
      %shift_right_logical3A_1978 = arith.shrui %get3A_1975, %shift_right_logical3A_1977 : vector<16xi32>
      %broadcast_in_dim3A_1979 = arith.constant 384 : i32
      %broadcast_in_dim3A_1980 = vector.broadcast %broadcast_in_dim3A_1979 : i32 to vector<16xi32>
      %iota3A_1981 = tpu.iota {dimensions = array<i32: 0>} : vector<16xi32>
      %add3A_1982 = arith.addi %broadcast_in_dim3A_1980, %iota3A_1981 : vector<16xi32>
      %lt3A_1983 = arith.cmpi slt, %add3A_1982, %scan3A_28 : vector<16xi32>
      %ge3A_1984 = arith.cmpi sge, %shift_right_logical3A_1978, %broadcast_in_dim3A_1296 : vector<16xi32>
      %lt3A_1985 = arith.cmpi slt, %shift_right_logical3A_1978, %broadcast_in_dim3A_1299 : vector<16xi32>
      %and3A_1986 = arith.andi %ge3A_1984, %lt3A_1985 : vector<16xi1>
      %and3A_1987 = arith.andi %lt3A_1983, %and3A_1986 : vector<16xi1>
      %convert_element_type3A_1988 = arith.extui %and3A_1987 : vector<16xi1> to vector<16xi32>
      %broadcast_in_dim3A_1989 = arith.constant true
      %broadcast_in_dim3A_1990 = vector.broadcast %broadcast_in_dim3A_1989 : i1 to vector<16xi1>
      %masked_cumsum3A_1991 = tpu.scan <sum>, %convert_element_type3A_1988 masked %broadcast_in_dim3A_1990 : vector<16xi32>, vector<16xi1> -> vector<16xi32>
      %add3A_1992 = arith.addi %add3A_1973, %masked_cumsum3A_1991 : vector<16xi32>
      %sub3A_1993 = arith.subi %add3A_1992, %convert_element_type3A_1988 : vector<16xi32>
      %lt3A_1994 = arith.constant 64 : i32
      %lt3A_1995 = vector.broadcast %lt3A_1994 : i32 to vector<16xi32>
      %lt3A_1996 = arith.cmpi slt, %sub3A_1993, %lt3A_1995 : vector<16xi32>
      %and3A_1997 = arith.andi %and3A_1987, %lt3A_1996 : vector<16xi1>
      tpu.vector_store_idx %arg8[%sub3A_1993], %get3A_1975 masked %and3A_1997 : memref<64xi32, #tpu.memory_space<vmem>>[vector<16xi32>], vector<16xi32>, vector<16xi1>
      %get3A_1998 = arith.constant 384 : index
      %get3A_1999 = tpu.vector_load %arg7[%get3A_1998] {strides = array<i32>} : memref<640xi32, #tpu.memory_space<vmem>>, vector<16xi32>,
      tpu.vector_store_idx %arg9[%sub3A_1993], %get3A_1999 masked %and3A_1997 : memref<64xi32, #tpu.memory_space<vmem>>[vector<16xi32>], vector<16xi32>, vector<16xi1>
      %all_reduce_population_count3A_2000 = tpu.all_reduce %and3A_1987 {dim = 0 : i64, kind = #tpu.reduction_kind<sum>} : vector<16xi1> -> vector<16xi32>
      %add3A_2001 = arith.addi %add3A_1973, %all_reduce_population_count3A_2000 : vector<16xi32>
      %get3A_2002 = arith.constant 400 : index
      %get3A_2003 = tpu.vector_load %arg6[%get3A_2002] {strides = array<i32>} : memref<640xi32, #tpu.memory_space<vmem>>, vector<16xi32>,
      %shift_right_logical3A_2004 = arith.constant 7 : i32
      %shift_right_logical3A_2005 = vector.broadcast %shift_right_logical3A_2004 : i32 to vector<16xi32>
      %shift_right_logical3A_2006 = arith.shrui %get3A_2003, %shift_right_logical3A_2005 : vector<16xi32>
      %broadcast_in_dim3A_2007 = arith.constant 400 : i32
      %broadcast_in_dim3A_2008 = vector.broadcast %broadcast_in_dim3A_2007 : i32 to vector<16xi32>
      %iota3A_2009 = tpu.iota {dimensions = array<i32: 0>} : vector<16xi32>
      %add3A_2010 = arith.addi %broadcast_in_dim3A_2008, %iota3A_2009 : vector<16xi32>
      %lt3A_2011 = arith.cmpi slt, %add3A_2010, %scan3A_28 : vector<16xi32>
      %ge3A_2012 = arith.cmpi sge, %shift_right_logical3A_2006, %broadcast_in_dim3A_1296 : vector<16xi32>
      %lt3A_2013 = arith.cmpi slt, %shift_right_logical3A_2006, %broadcast_in_dim3A_1299 : vector<16xi32>
      %and3A_2014 = arith.andi %ge3A_2012, %lt3A_2013 : vector<16xi1>
      %and3A_2015 = arith.andi %lt3A_2011, %and3A_2014 : vector<16xi1>
      %convert_element_type3A_2016 = arith.extui %and3A_2015 : vector<16xi1> to vector<16xi32>
      %broadcast_in_dim3A_2017 = arith.constant true
      %broadcast_in_dim3A_2018 = vector.broadcast %broadcast_in_dim3A_2017 : i1 to vector<16xi1>
      %masked_cumsum3A_2019 = tpu.scan <sum>, %convert_element_type3A_2016 masked %broadcast_in_dim3A_2018 : vector<16xi32>, vector<16xi1> -> vector<16xi32>
      %add3A_2020 = arith.addi %add3A_2001, %masked_cumsum3A_2019 : vector<16xi32>
      %sub3A_2021 = arith.subi %add3A_2020, %convert_element_type3A_2016 : vector<16xi32>
      %lt3A_2022 = arith.constant 64 : i32
      %lt3A_2023 = vector.broadcast %lt3A_2022 : i32 to vector<16xi32>
      %lt3A_2024 = arith.cmpi slt, %sub3A_2021, %lt3A_2023 : vector<16xi32>
      %and3A_2025 = arith.andi %and3A_2015, %lt3A_2024 : vector<16xi1>
      tpu.vector_store_idx %arg8[%sub3A_2021], %get3A_2003 masked %and3A_2025 : memref<64xi32, #tpu.memory_space<vmem>>[vector<16xi32>], vector<16xi32>, vector<16xi1>
      %get3A_2026 = arith.constant 400 : index
      %get3A_2027 = tpu.vector_load %arg7[%get3A_2026] {strides = array<i32>} : memref<640xi32, #tpu.memory_space<vmem>>, vector<16xi32>,
      tpu.vector_store_idx %arg9[%sub3A_2021], %get3A_2027 masked %and3A_2025 : memref<64xi32, #tpu.memory_space<vmem>>[vector<16xi32>], vector<16xi32>, vector<16xi1>
      %all_reduce_population_count3A_2028 = tpu.all_reduce %and3A_2015 {dim = 0 : i64, kind = #tpu.reduction_kind<sum>} : vector<16xi1> -> vector<16xi32>
      %add3A_2029 = arith.addi %add3A_2001, %all_reduce_population_count3A_2028 : vector<16xi32>
      %get3A_2030 = arith.constant 416 : index
      %get3A_2031 = tpu.vector_load %arg6[%get3A_2030] {strides = array<i32>} : memref<640xi32, #tpu.memory_space<vmem>>, vector<16xi32>,
      %shift_right_logical3A_2032 = arith.constant 7 : i32
      %shift_right_logical3A_2033 = vector.broadcast %shift_right_logical3A_2032 : i32 to vector<16xi32>
      %shift_right_logical3A_2034 = arith.shrui %get3A_2031, %shift_right_logical3A_2033 : vector<16xi32>
      %broadcast_in_dim3A_2035 = arith.constant 416 : i32
      %broadcast_in_dim3A_2036 = vector.broadcast %broadcast_in_dim3A_2035 : i32 to vector<16xi32>
      %iota3A_2037 = tpu.iota {dimensions = array<i32: 0>} : vector<16xi32>
      %add3A_2038 = arith.addi %broadcast_in_dim3A_2036, %iota3A_2037 : vector<16xi32>
      %lt3A_2039 = arith.cmpi slt, %add3A_2038, %scan3A_28 : vector<16xi32>
      %ge3A_2040 = arith.cmpi sge, %shift_right_logical3A_2034, %broadcast_in_dim3A_1296 : vector<16xi32>
      %lt3A_2041 = arith.cmpi slt, %shift_right_logical3A_2034, %broadcast_in_dim3A_1299 : vector<16xi32>
      %and3A_2042 = arith.andi %ge3A_2040, %lt3A_2041 : vector<16xi1>
      %and3A_2043 = arith.andi %lt3A_2039, %and3A_2042 : vector<16xi1>
      %convert_element_type3A_2044 = arith.extui %and3A_2043 : vector<16xi1> to vector<16xi32>
      %broadcast_in_dim3A_2045 = arith.constant true
      %broadcast_in_dim3A_2046 = vector.broadcast %broadcast_in_dim3A_2045 : i1 to vector<16xi1>
      %masked_cumsum3A_2047 = tpu.scan <sum>, %convert_element_type3A_2044 masked %broadcast_in_dim3A_2046 : vector<16xi32>, vector<16xi1> -> vector<16xi32>
      %add3A_2048 = arith.addi %add3A_2029, %masked_cumsum3A_2047 : vector<16xi32>
      %sub3A_2049 = arith.subi %add3A_2048, %convert_element_type3A_2044 : vector<16xi32>
      %lt3A_2050 = arith.constant 64 : i32
      %lt3A_2051 = vector.broadcast %lt3A_2050 : i32 to vector<16xi32>
      %lt3A_2052 = arith.cmpi slt, %sub3A_2049, %lt3A_2051 : vector<16xi32>
      %and3A_2053 = arith.andi %and3A_2043, %lt3A_2052 : vector<16xi1>
      tpu.vector_store_idx %arg8[%sub3A_2049], %get3A_2031 masked %and3A_2053 : memref<64xi32, #tpu.memory_space<vmem>>[vector<16xi32>], vector<16xi32>, vector<16xi1>
      %get3A_2054 = arith.constant 416 : index
      %get3A_2055 = tpu.vector_load %arg7[%get3A_2054] {strides = array<i32>} : memref<640xi32, #tpu.memory_space<vmem>>, vector<16xi32>,
      tpu.vector_store_idx %arg9[%sub3A_2049], %get3A_2055 masked %and3A_2053 : memref<64xi32, #tpu.memory_space<vmem>>[vector<16xi32>], vector<16xi32>, vector<16xi1>
      %all_reduce_population_count3A_2056 = tpu.all_reduce %and3A_2043 {dim = 0 : i64, kind = #tpu.reduction_kind<sum>} : vector<16xi1> -> vector<16xi32>
      %add3A_2057 = arith.addi %add3A_2029, %all_reduce_population_count3A_2056 : vector<16xi32>
      %get3A_2058 = arith.constant 432 : index
      %get3A_2059 = tpu.vector_load %arg6[%get3A_2058] {strides = array<i32>} : memref<640xi32, #tpu.memory_space<vmem>>, vector<16xi32>,
      %shift_right_logical3A_2060 = arith.constant 7 : i32
      %shift_right_logical3A_2061 = vector.broadcast %shift_right_logical3A_2060 : i32 to vector<16xi32>
      %shift_right_logical3A_2062 = arith.shrui %get3A_2059, %shift_right_logical3A_2061 : vector<16xi32>
      %broadcast_in_dim3A_2063 = arith.constant 432 : i32
      %broadcast_in_dim3A_2064 = vector.broadcast %broadcast_in_dim3A_2063 : i32 to vector<16xi32>
      %iota3A_2065 = tpu.iota {dimensions = array<i32: 0>} : vector<16xi32>
      %add3A_2066 = arith.addi %broadcast_in_dim3A_2064, %iota3A_2065 : vector<16xi32>
      %lt3A_2067 = arith.cmpi slt, %add3A_2066, %scan3A_28 : vector<16xi32>
      %ge3A_2068 = arith.cmpi sge, %shift_right_logical3A_2062, %broadcast_in_dim3A_1296 : vector<16xi32>
      %lt3A_2069 = arith.cmpi slt, %shift_right_logical3A_2062, %broadcast_in_dim3A_1299 : vector<16xi32>
      %and3A_2070 = arith.andi %ge3A_2068, %lt3A_2069 : vector<16xi1>
      %and3A_2071 = arith.andi %lt3A_2067, %and3A_2070 : vector<16xi1>
      %convert_element_type3A_2072 = arith.extui %and3A_2071 : vector<16xi1> to vector<16xi32>
      %broadcast_in_dim3A_2073 = arith.constant true
      %broadcast_in_dim3A_2074 = vector.broadcast %broadcast_in_dim3A_2073 : i1 to vector<16xi1>
      %masked_cumsum3A_2075 = tpu.scan <sum>, %convert_element_type3A_2072 masked %broadcast_in_dim3A_2074 : vector<16xi32>, vector<16xi1> -> vector<16xi32>
      %add3A_2076 = arith.addi %add3A_2057, %masked_cumsum3A_2075 : vector<16xi32>
      %sub3A_2077 = arith.subi %add3A_2076, %convert_element_type3A_2072 : vector<16xi32>
      %lt3A_2078 = arith.constant 64 : i32
      %lt3A_2079 = vector.broadcast %lt3A_2078 : i32 to vector<16xi32>
      %lt3A_2080 = arith.cmpi slt, %sub3A_2077, %lt3A_2079 : vector<16xi32>
      %and3A_2081 = arith.andi %and3A_2071, %lt3A_2080 : vector<16xi1>
      tpu.vector_store_idx %arg8[%sub3A_2077], %get3A_2059 masked %and3A_2081 : memref<64xi32, #tpu.memory_space<vmem>>[vector<16xi32>], vector<16xi32>, vector<16xi1>
      %get3A_2082 = arith.constant 432 : index
      %get3A_2083 = tpu.vector_load %arg7[%get3A_2082] {strides = array<i32>} : memref<640xi32, #tpu.memory_space<vmem>>, vector<16xi32>,
      tpu.vector_store_idx %arg9[%sub3A_2077], %get3A_2083 masked %and3A_2081 : memref<64xi32, #tpu.memory_space<vmem>>[vector<16xi32>], vector<16xi32>, vector<16xi1>
      %all_reduce_population_count3A_2084 = tpu.all_reduce %and3A_2071 {dim = 0 : i64, kind = #tpu.reduction_kind<sum>} : vector<16xi1> -> vector<16xi32>
      %add3A_2085 = arith.addi %add3A_2057, %all_reduce_population_count3A_2084 : vector<16xi32>
      %get3A_2086 = arith.constant 448 : index
      %get3A_2087 = tpu.vector_load %arg6[%get3A_2086] {strides = array<i32>} : memref<640xi32, #tpu.memory_space<vmem>>, vector<16xi32>,
      %shift_right_logical3A_2088 = arith.constant 7 : i32
      %shift_right_logical3A_2089 = vector.broadcast %shift_right_logical3A_2088 : i32 to vector<16xi32>
      %shift_right_logical3A_2090 = arith.shrui %get3A_2087, %shift_right_logical3A_2089 : vector<16xi32>
      %broadcast_in_dim3A_2091 = arith.constant 448 : i32
      %broadcast_in_dim3A_2092 = vector.broadcast %broadcast_in_dim3A_2091 : i32 to vector<16xi32>
      %iota3A_2093 = tpu.iota {dimensions = array<i32: 0>} : vector<16xi32>
      %add3A_2094 = arith.addi %broadcast_in_dim3A_2092, %iota3A_2093 : vector<16xi32>
      %lt3A_2095 = arith.cmpi slt, %add3A_2094, %scan3A_28 : vector<16xi32>
      %ge3A_2096 = arith.cmpi sge, %shift_right_logical3A_2090, %broadcast_in_dim3A_1296 : vector<16xi32>
      %lt3A_2097 = arith.cmpi slt, %shift_right_logical3A_2090, %broadcast_in_dim3A_1299 : vector<16xi32>
      %and3A_2098 = arith.andi %ge3A_2096, %lt3A_2097 : vector<16xi1>
      %and3A_2099 = arith.andi %lt3A_2095, %and3A_2098 : vector<16xi1>
      %convert_element_type3A_2100 = arith.extui %and3A_2099 : vector<16xi1> to vector<16xi32>
      %broadcast_in_dim3A_2101 = arith.constant true
      %broadcast_in_dim3A_2102 = vector.broadcast %broadcast_in_dim3A_2101 : i1 to vector<16xi1>
      %masked_cumsum3A_2103 = tpu.scan <sum>, %convert_element_type3A_2100 masked %broadcast_in_dim3A_2102 : vector<16xi32>, vector<16xi1> -> vector<16xi32>
      %add3A_2104 = arith.addi %add3A_2085, %masked_cumsum3A_2103 : vector<16xi32>
      %sub3A_2105 = arith.subi %add3A_2104, %convert_element_type3A_2100 : vector<16xi32>
      %lt3A_2106 = arith.constant 64 : i32
      %lt3A_2107 = vector.broadcast %lt3A_2106 : i32 to vector<16xi32>
      %lt3A_2108 = arith.cmpi slt, %sub3A_2105, %lt3A_2107 : vector<16xi32>
      %and3A_2109 = arith.andi %and3A_2099, %lt3A_2108 : vector<16xi1>
      tpu.vector_store_idx %arg8[%sub3A_2105], %get3A_2087 masked %and3A_2109 : memref<64xi32, #tpu.memory_space<vmem>>[vector<16xi32>], vector<16xi32>, vector<16xi1>
      %get3A_2110 = arith.constant 448 : index
      %get3A_2111 = tpu.vector_load %arg7[%get3A_2110] {strides = array<i32>} : memref<640xi32, #tpu.memory_space<vmem>>, vector<16xi32>,
      tpu.vector_store_idx %arg9[%sub3A_2105], %get3A_2111 masked %and3A_2109 : memref<64xi32, #tpu.memory_space<vmem>>[vector<16xi32>], vector<16xi32>, vector<16xi1>
      %all_reduce_population_count3A_2112 = tpu.all_reduce %and3A_2099 {dim = 0 : i64, kind = #tpu.reduction_kind<sum>} : vector<16xi1> -> vector<16xi32>
      %add3A_2113 = arith.addi %add3A_2085, %all_reduce_population_count3A_2112 : vector<16xi32>
      %get3A_2114 = arith.constant 464 : index
      %get3A_2115 = tpu.vector_load %arg6[%get3A_2114] {strides = array<i32>} : memref<640xi32, #tpu.memory_space<vmem>>, vector<16xi32>,
      %shift_right_logical3A_2116 = arith.constant 7 : i32
      %shift_right_logical3A_2117 = vector.broadcast %shift_right_logical3A_2116 : i32 to vector<16xi32>
      %shift_right_logical3A_2118 = arith.shrui %get3A_2115, %shift_right_logical3A_2117 : vector<16xi32>
      %broadcast_in_dim3A_2119 = arith.constant 464 : i32
      %broadcast_in_dim3A_2120 = vector.broadcast %broadcast_in_dim3A_2119 : i32 to vector<16xi32>
      %iota3A_2121 = tpu.iota {dimensions = array<i32: 0>} : vector<16xi32>
      %add3A_2122 = arith.addi %broadcast_in_dim3A_2120, %iota3A_2121 : vector<16xi32>
      %lt3A_2123 = arith.cmpi slt, %add3A_2122, %scan3A_28 : vector<16xi32>
      %ge3A_2124 = arith.cmpi sge, %shift_right_logical3A_2118, %broadcast_in_dim3A_1296 : vector<16xi32>
      %lt3A_2125 = arith.cmpi slt, %shift_right_logical3A_2118, %broadcast_in_dim3A_1299 : vector<16xi32>
      %and3A_2126 = arith.andi %ge3A_2124, %lt3A_2125 : vector<16xi1>
      %and3A_2127 = arith.andi %lt3A_2123, %and3A_2126 : vector<16xi1>
      %convert_element_type3A_2128 = arith.extui %and3A_2127 : vector<16xi1> to vector<16xi32>
      %broadcast_in_dim3A_2129 = arith.constant true
      %broadcast_in_dim3A_2130 = vector.broadcast %broadcast_in_dim3A_2129 : i1 to vector<16xi1>
      %masked_cumsum3A_2131 = tpu.scan <sum>, %convert_element_type3A_2128 masked %broadcast_in_dim3A_2130 : vector<16xi32>, vector<16xi1> -> vector<16xi32>
      %add3A_2132 = arith.addi %add3A_2113, %masked_cumsum3A_2131 : vector<16xi32>
      %sub3A_2133 = arith.subi %add3A_2132, %convert_element_type3A_2128 : vector<16xi32>
      %lt3A_2134 = arith.constant 64 : i32
      %lt3A_2135 = vector.broadcast %lt3A_2134 : i32 to vector<16xi32>
      %lt3A_2136 = arith.cmpi slt, %sub3A_2133, %lt3A_2135 : vector<16xi32>
      %and3A_2137 = arith.andi %and3A_2127, %lt3A_2136 : vector<16xi1>
      tpu.vector_store_idx %arg8[%sub3A_2133], %get3A_2115 masked %and3A_2137 : memref<64xi32, #tpu.memory_space<vmem>>[vector<16xi32>], vector<16xi32>, vector<16xi1>
      %get3A_2138 = arith.constant 464 : index
      %get3A_2139 = tpu.vector_load %arg7[%get3A_2138] {strides = array<i32>} : memref<640xi32, #tpu.memory_space<vmem>>, vector<16xi32>,
      tpu.vector_store_idx %arg9[%sub3A_2133], %get3A_2139 masked %and3A_2137 : memref<64xi32, #tpu.memory_space<vmem>>[vector<16xi32>], vector<16xi32>, vector<16xi1>
      %all_reduce_population_count3A_2140 = tpu.all_reduce %and3A_2127 {dim = 0 : i64, kind = #tpu.reduction_kind<sum>} : vector<16xi1> -> vector<16xi32>
      %add3A_2141 = arith.addi %add3A_2113, %all_reduce_population_count3A_2140 : vector<16xi32>
      %get3A_2142 = arith.constant 480 : index
      %get3A_2143 = tpu.vector_load %arg6[%get3A_2142] {strides = array<i32>} : memref<640xi32, #tpu.memory_space<vmem>>, vector<16xi32>,
      %shift_right_logical3A_2144 = arith.constant 7 : i32
      %shift_right_logical3A_2145 = vector.broadcast %shift_right_logical3A_2144 : i32 to vector<16xi32>
      %shift_right_logical3A_2146 = arith.shrui %get3A_2143, %shift_right_logical3A_2145 : vector<16xi32>
      %broadcast_in_dim3A_2147 = arith.constant 480 : i32
      %broadcast_in_dim3A_2148 = vector.broadcast %broadcast_in_dim3A_2147 : i32 to vector<16xi32>
      %iota3A_2149 = tpu.iota {dimensions = array<i32: 0>} : vector<16xi32>
      %add3A_2150 = arith.addi %broadcast_in_dim3A_2148, %iota3A_2149 : vector<16xi32>
      %lt3A_2151 = arith.cmpi slt, %add3A_2150, %scan3A_28 : vector<16xi32>
      %ge3A_2152 = arith.cmpi sge, %shift_right_logical3A_2146, %broadcast_in_dim3A_1296 : vector<16xi32>
      %lt3A_2153 = arith.cmpi slt, %shift_right_logical3A_2146, %broadcast_in_dim3A_1299 : vector<16xi32>
      %and3A_2154 = arith.andi %ge3A_2152, %lt3A_2153 : vector<16xi1>
      %and3A_2155 = arith.andi %lt3A_2151, %and3A_2154 : vector<16xi1>
      %convert_element_type3A_2156 = arith.extui %and3A_2155 : vector<16xi1> to vector<16xi32>
      %broadcast_in_dim3A_2157 = arith.constant true
      %broadcast_in_dim3A_2158 = vector.broadcast %broadcast_in_dim3A_2157 : i1 to vector<16xi1>
      %masked_cumsum3A_2159 = tpu.scan <sum>, %convert_element_type3A_2156 masked %broadcast_in_dim3A_2158 : vector<16xi32>, vector<16xi1> -> vector<16xi32>
      %add3A_2160 = arith.addi %add3A_2141, %masked_cumsum3A_2159 : vector<16xi32>
      %sub3A_2161 = arith.subi %add3A_2160, %convert_element_type3A_2156 : vector<16xi32>
      %lt3A_2162 = arith.constant 64 : i32
      %lt3A_2163 = vector.broadcast %lt3A_2162 : i32 to vector<16xi32>
      %lt3A_2164 = arith.cmpi slt, %sub3A_2161, %lt3A_2163 : vector<16xi32>
      %and3A_2165 = arith.andi %and3A_2155, %lt3A_2164 : vector<16xi1>
      tpu.vector_store_idx %arg8[%sub3A_2161], %get3A_2143 masked %and3A_2165 : memref<64xi32, #tpu.memory_space<vmem>>[vector<16xi32>], vector<16xi32>, vector<16xi1>
      %get3A_2166 = arith.constant 480 : index
      %get3A_2167 = tpu.vector_load %arg7[%get3A_2166] {strides = array<i32>} : memref<640xi32, #tpu.memory_space<vmem>>, vector<16xi32>,
      tpu.vector_store_idx %arg9[%sub3A_2161], %get3A_2167 masked %and3A_2165 : memref<64xi32, #tpu.memory_space<vmem>>[vector<16xi32>], vector<16xi32>, vector<16xi1>
      %all_reduce_population_count3A_2168 = tpu.all_reduce %and3A_2155 {dim = 0 : i64, kind = #tpu.reduction_kind<sum>} : vector<16xi1> -> vector<16xi32>
      %add3A_2169 = arith.addi %add3A_2141, %all_reduce_population_count3A_2168 : vector<16xi32>
      %get3A_2170 = arith.constant 496 : index
      %get3A_2171 = tpu.vector_load %arg6[%get3A_2170] {strides = array<i32>} : memref<640xi32, #tpu.memory_space<vmem>>, vector<16xi32>,
      %shift_right_logical3A_2172 = arith.constant 7 : i32
      %shift_right_logical3A_2173 = vector.broadcast %shift_right_logical3A_2172 : i32 to vector<16xi32>
      %shift_right_logical3A_2174 = arith.shrui %get3A_2171, %shift_right_logical3A_2173 : vector<16xi32>
      %broadcast_in_dim3A_2175 = arith.constant 496 : i32
      %broadcast_in_dim3A_2176 = vector.broadcast %broadcast_in_dim3A_2175 : i32 to vector<16xi32>
      %iota3A_2177 = tpu.iota {dimensions = array<i32: 0>} : vector<16xi32>
      %add3A_2178 = arith.addi %broadcast_in_dim3A_2176, %iota3A_2177 : vector<16xi32>
      %lt3A_2179 = arith.cmpi slt, %add3A_2178, %scan3A_28 : vector<16xi32>
      %ge3A_2180 = arith.cmpi sge, %shift_right_logical3A_2174, %broadcast_in_dim3A_1296 : vector<16xi32>
      %lt3A_2181 = arith.cmpi slt, %shift_right_logical3A_2174, %broadcast_in_dim3A_1299 : vector<16xi32>
      %and3A_2182 = arith.andi %ge3A_2180, %lt3A_2181 : vector<16xi1>
      %and3A_2183 = arith.andi %lt3A_2179, %and3A_2182 : vector<16xi1>
      %convert_element_type3A_2184 = arith.extui %and3A_2183 : vector<16xi1> to vector<16xi32>
      %broadcast_in_dim3A_2185 = arith.constant true
      %broadcast_in_dim3A_2186 = vector.broadcast %broadcast_in_dim3A_2185 : i1 to vector<16xi1>
      %masked_cumsum3A_2187 = tpu.scan <sum>, %convert_element_type3A_2184 masked %broadcast_in_dim3A_2186 : vector<16xi32>, vector<16xi1> -> vector<16xi32>
      %add3A_2188 = arith.addi %add3A_2169, %masked_cumsum3A_2187 : vector<16xi32>
      %sub3A_2189 = arith.subi %add3A_2188, %convert_element_type3A_2184 : vector<16xi32>
      %lt3A_2190 = arith.constant 64 : i32
      %lt3A_2191 = vector.broadcast %lt3A_2190 : i32 to vector<16xi32>
      %lt3A_2192 = arith.cmpi slt, %sub3A_2189, %lt3A_2191 : vector<16xi32>
      %and3A_2193 = arith.andi %and3A_2183, %lt3A_2192 : vector<16xi1>
      tpu.vector_store_idx %arg8[%sub3A_2189], %get3A_2171 masked %and3A_2193 : memref<64xi32, #tpu.memory_space<vmem>>[vector<16xi32>], vector<16xi32>, vector<16xi1>
      %get3A_2194 = arith.constant 496 : index
      %get3A_2195 = tpu.vector_load %arg7[%get3A_2194] {strides = array<i32>} : memref<640xi32, #tpu.memory_space<vmem>>, vector<16xi32>,
      tpu.vector_store_idx %arg9[%sub3A_2189], %get3A_2195 masked %and3A_2193 : memref<64xi32, #tpu.memory_space<vmem>>[vector<16xi32>], vector<16xi32>, vector<16xi1>
      %all_reduce_population_count3A_2196 = tpu.all_reduce %and3A_2183 {dim = 0 : i64, kind = #tpu.reduction_kind<sum>} : vector<16xi1> -> vector<16xi32>
      %add3A_2197 = arith.addi %add3A_2169, %all_reduce_population_count3A_2196 : vector<16xi32>
      %get3A_2198 = arith.constant 512 : index
      %get3A_2199 = tpu.vector_load %arg6[%get3A_2198] {strides = array<i32>} : memref<640xi32, #tpu.memory_space<vmem>>, vector<16xi32>,
      %shift_right_logical3A_2200 = arith.constant 7 : i32
      %shift_right_logical3A_2201 = vector.broadcast %shift_right_logical3A_2200 : i32 to vector<16xi32>
      %shift_right_logical3A_2202 = arith.shrui %get3A_2199, %shift_right_logical3A_2201 : vector<16xi32>
      %broadcast_in_dim3A_2203 = arith.constant 512 : i32
      %broadcast_in_dim3A_2204 = vector.broadcast %broadcast_in_dim3A_2203 : i32 to vector<16xi32>
      %iota3A_2205 = tpu.iota {dimensions = array<i32: 0>} : vector<16xi32>
      %add3A_2206 = arith.addi %broadcast_in_dim3A_2204, %iota3A_2205 : vector<16xi32>
      %lt3A_2207 = arith.cmpi slt, %add3A_2206, %scan3A_28 : vector<16xi32>
      %ge3A_2208 = arith.cmpi sge, %shift_right_logical3A_2202, %broadcast_in_dim3A_1296 : vector<16xi32>
      %lt3A_2209 = arith.cmpi slt, %shift_right_logical3A_2202, %broadcast_in_dim3A_1299 : vector<16xi32>
      %and3A_2210 = arith.andi %ge3A_2208, %lt3A_2209 : vector<16xi1>
      %and3A_2211 = arith.andi %lt3A_2207, %and3A_2210 : vector<16xi1>
      %convert_element_type3A_2212 = arith.extui %and3A_2211 : vector<16xi1> to vector<16xi32>
      %broadcast_in_dim3A_2213 = arith.constant true
      %broadcast_in_dim3A_2214 = vector.broadcast %broadcast_in_dim3A_2213 : i1 to vector<16xi1>
      %masked_cumsum3A_2215 = tpu.scan <sum>, %convert_element_type3A_2212 masked %broadcast_in_dim3A_2214 : vector<16xi32>, vector<16xi1> -> vector<16xi32>
      %add3A_2216 = arith.addi %add3A_2197, %masked_cumsum3A_2215 : vector<16xi32>
      %sub3A_2217 = arith.subi %add3A_2216, %convert_element_type3A_2212 : vector<16xi32>
      %lt3A_2218 = arith.constant 64 : i32
      %lt3A_2219 = vector.broadcast %lt3A_2218 : i32 to vector<16xi32>
      %lt3A_2220 = arith.cmpi slt, %sub3A_2217, %lt3A_2219 : vector<16xi32>
      %and3A_2221 = arith.andi %and3A_2211, %lt3A_2220 : vector<16xi1>
      tpu.vector_store_idx %arg8[%sub3A_2217], %get3A_2199 masked %and3A_2221 : memref<64xi32, #tpu.memory_space<vmem>>[vector<16xi32>], vector<16xi32>, vector<16xi1>
      %get3A_2222 = arith.constant 512 : index
      %get3A_2223 = tpu.vector_load %arg7[%get3A_2222] {strides = array<i32>} : memref<640xi32, #tpu.memory_space<vmem>>, vector<16xi32>,
      tpu.vector_store_idx %arg9[%sub3A_2217], %get3A_2223 masked %and3A_2221 : memref<64xi32, #tpu.memory_space<vmem>>[vector<16xi32>], vector<16xi32>, vector<16xi1>
      %all_reduce_population_count3A_2224 = tpu.all_reduce %and3A_2211 {dim = 0 : i64, kind = #tpu.reduction_kind<sum>} : vector<16xi1> -> vector<16xi32>
      %add3A_2225 = arith.addi %add3A_2197, %all_reduce_population_count3A_2224 : vector<16xi32>
      %get3A_2226 = arith.constant 528 : index
      %get3A_2227 = tpu.vector_load %arg6[%get3A_2226] {strides = array<i32>} : memref<640xi32, #tpu.memory_space<vmem>>, vector<16xi32>,
      %shift_right_logical3A_2228 = arith.constant 7 : i32
      %shift_right_logical3A_2229 = vector.broadcast %shift_right_logical3A_2228 : i32 to vector<16xi32>
      %shift_right_logical3A_2230 = arith.shrui %get3A_2227, %shift_right_logical3A_2229 : vector<16xi32>
      %broadcast_in_dim3A_2231 = arith.constant 528 : i32
      %broadcast_in_dim3A_2232 = vector.broadcast %broadcast_in_dim3A_2231 : i32 to vector<16xi32>
      %iota3A_2233 = tpu.iota {dimensions = array<i32: 0>} : vector<16xi32>
      %add3A_2234 = arith.addi %broadcast_in_dim3A_2232, %iota3A_2233 : vector<16xi32>
      %lt3A_2235 = arith.cmpi slt, %add3A_2234, %scan3A_28 : vector<16xi32>
      %ge3A_2236 = arith.cmpi sge, %shift_right_logical3A_2230, %broadcast_in_dim3A_1296 : vector<16xi32>
      %lt3A_2237 = arith.cmpi slt, %shift_right_logical3A_2230, %broadcast_in_dim3A_1299 : vector<16xi32>
      %and3A_2238 = arith.andi %ge3A_2236, %lt3A_2237 : vector<16xi1>
      %and3A_2239 = arith.andi %lt3A_2235, %and3A_2238 : vector<16xi1>
      %convert_element_type3A_2240 = arith.extui %and3A_2239 : vector<16xi1> to vector<16xi32>
      %broadcast_in_dim3A_2241 = arith.constant true
      %broadcast_in_dim3A_2242 = vector.broadcast %broadcast_in_dim3A_2241 : i1 to vector<16xi1>
      %masked_cumsum3A_2243 = tpu.scan <sum>, %convert_element_type3A_2240 masked %broadcast_in_dim3A_2242 : vector<16xi32>, vector<16xi1> -> vector<16xi32>
      %add3A_2244 = arith.addi %add3A_2225, %masked_cumsum3A_2243 : vector<16xi32>
      %sub3A_2245 = arith.subi %add3A_2244, %convert_element_type3A_2240 : vector<16xi32>
      %lt3A_2246 = arith.constant 64 : i32
      %lt3A_2247 = vector.broadcast %lt3A_2246 : i32 to vector<16xi32>
      %lt3A_2248 = arith.cmpi slt, %sub3A_2245, %lt3A_2247 : vector<16xi32>
      %and3A_2249 = arith.andi %and3A_2239, %lt3A_2248 : vector<16xi1>
      tpu.vector_store_idx %arg8[%sub3A_2245], %get3A_2227 masked %and3A_2249 : memref<64xi32, #tpu.memory_space<vmem>>[vector<16xi32>], vector<16xi32>, vector<16xi1>
      %get3A_2250 = arith.constant 528 : index
      %get3A_2251 = tpu.vector_load %arg7[%get3A_2250] {strides = array<i32>} : memref<640xi32, #tpu.memory_space<vmem>>, vector<16xi32>,
      tpu.vector_store_idx %arg9[%sub3A_2245], %get3A_2251 masked %and3A_2249 : memref<64xi32, #tpu.memory_space<vmem>>[vector<16xi32>], vector<16xi32>, vector<16xi1>
      %all_reduce_population_count3A_2252 = tpu.all_reduce %and3A_2239 {dim = 0 : i64, kind = #tpu.reduction_kind<sum>} : vector<16xi1> -> vector<16xi32>
      %add3A_2253 = arith.addi %add3A_2225, %all_reduce_population_count3A_2252 : vector<16xi32>
      %get3A_2254 = arith.constant 544 : index
      %get3A_2255 = tpu.vector_load %arg6[%get3A_2254] {strides = array<i32>} : memref<640xi32, #tpu.memory_space<vmem>>, vector<16xi32>,
      %shift_right_logical3A_2256 = arith.constant 7 : i32
      %shift_right_logical3A_2257 = vector.broadcast %shift_right_logical3A_2256 : i32 to vector<16xi32>
      %shift_right_logical3A_2258 = arith.shrui %get3A_2255, %shift_right_logical3A_2257 : vector<16xi32>
      %broadcast_in_dim3A_2259 = arith.constant 544 : i32
      %broadcast_in_dim3A_2260 = vector.broadcast %broadcast_in_dim3A_2259 : i32 to vector<16xi32>
      %iota3A_2261 = tpu.iota {dimensions = array<i32: 0>} : vector<16xi32>
      %add3A_2262 = arith.addi %broadcast_in_dim3A_2260, %iota3A_2261 : vector<16xi32>
      %lt3A_2263 = arith.cmpi slt, %add3A_2262, %scan3A_28 : vector<16xi32>
      %ge3A_2264 = arith.cmpi sge, %shift_right_logical3A_2258, %broadcast_in_dim3A_1296 : vector<16xi32>
      %lt3A_2265 = arith.cmpi slt, %shift_right_logical3A_2258, %broadcast_in_dim3A_1299 : vector<16xi32>
      %and3A_2266 = arith.andi %ge3A_2264, %lt3A_2265 : vector<16xi1>
      %and3A_2267 = arith.andi %lt3A_2263, %and3A_2266 : vector<16xi1>
      %convert_element_type3A_2268 = arith.extui %and3A_2267 : vector<16xi1> to vector<16xi32>
      %broadcast_in_dim3A_2269 = arith.constant true
      %broadcast_in_dim3A_2270 = vector.broadcast %broadcast_in_dim3A_2269 : i1 to vector<16xi1>
      %masked_cumsum3A_2271 = tpu.scan <sum>, %convert_element_type3A_2268 masked %broadcast_in_dim3A_2270 : vector<16xi32>, vector<16xi1> -> vector<16xi32>
      %add3A_2272 = arith.addi %add3A_2253, %masked_cumsum3A_2271 : vector<16xi32>
      %sub3A_2273 = arith.subi %add3A_2272, %convert_element_type3A_2268 : vector<16xi32>
      %lt3A_2274 = arith.constant 64 : i32
      %lt3A_2275 = vector.broadcast %lt3A_2274 : i32 to vector<16xi32>
      %lt3A_2276 = arith.cmpi slt, %sub3A_2273, %lt3A_2275 : vector<16xi32>
      %and3A_2277 = arith.andi %and3A_2267, %lt3A_2276 : vector<16xi1>
      tpu.vector_store_idx %arg8[%sub3A_2273], %get3A_2255 masked %and3A_2277 : memref<64xi32, #tpu.memory_space<vmem>>[vector<16xi32>], vector<16xi32>, vector<16xi1>
      %get3A_2278 = arith.constant 544 : index
      %get3A_2279 = tpu.vector_load %arg7[%get3A_2278] {strides = array<i32>} : memref<640xi32, #tpu.memory_space<vmem>>, vector<16xi32>,
      tpu.vector_store_idx %arg9[%sub3A_2273], %get3A_2279 masked %and3A_2277 : memref<64xi32, #tpu.memory_space<vmem>>[vector<16xi32>], vector<16xi32>, vector<16xi1>
      %all_reduce_population_count3A_2280 = tpu.all_reduce %and3A_2267 {dim = 0 : i64, kind = #tpu.reduction_kind<sum>} : vector<16xi1> -> vector<16xi32>
      %add3A_2281 = arith.addi %add3A_2253, %all_reduce_population_count3A_2280 : vector<16xi32>
      %get3A_2282 = arith.constant 560 : index
      %get3A_2283 = tpu.vector_load %arg6[%get3A_2282] {strides = array<i32>} : memref<640xi32, #tpu.memory_space<vmem>>, vector<16xi32>,
      %shift_right_logical3A_2284 = arith.constant 7 : i32
      %shift_right_logical3A_2285 = vector.broadcast %shift_right_logical3A_2284 : i32 to vector<16xi32>
      %shift_right_logical3A_2286 = arith.shrui %get3A_2283, %shift_right_logical3A_2285 : vector<16xi32>
      %broadcast_in_dim3A_2287 = arith.constant 560 : i32
      %broadcast_in_dim3A_2288 = vector.broadcast %broadcast_in_dim3A_2287 : i32 to vector<16xi32>
      %iota3A_2289 = tpu.iota {dimensions = array<i32: 0>} : vector<16xi32>
      %add3A_2290 = arith.addi %broadcast_in_dim3A_2288, %iota3A_2289 : vector<16xi32>
      %lt3A_2291 = arith.cmpi slt, %add3A_2290, %scan3A_28 : vector<16xi32>
      %ge3A_2292 = arith.cmpi sge, %shift_right_logical3A_2286, %broadcast_in_dim3A_1296 : vector<16xi32>
      %lt3A_2293 = arith.cmpi slt, %shift_right_logical3A_2286, %broadcast_in_dim3A_1299 : vector<16xi32>
      %and3A_2294 = arith.andi %ge3A_2292, %lt3A_2293 : vector<16xi1>
      %and3A_2295 = arith.andi %lt3A_2291, %and3A_2294 : vector<16xi1>
      %convert_element_type3A_2296 = arith.extui %and3A_2295 : vector<16xi1> to vector<16xi32>
      %broadcast_in_dim3A_2297 = arith.constant true
      %broadcast_in_dim3A_2298 = vector.broadcast %broadcast_in_dim3A_2297 : i1 to vector<16xi1>
      %masked_cumsum3A_2299 = tpu.scan <sum>, %convert_element_type3A_2296 masked %broadcast_in_dim3A_2298 : vector<16xi32>, vector<16xi1> -> vector<16xi32>
      %add3A_2300 = arith.addi %add3A_2281, %masked_cumsum3A_2299 : vector<16xi32>
      %sub3A_2301 = arith.subi %add3A_2300, %convert_element_type3A_2296 : vector<16xi32>
      %lt3A_2302 = arith.constant 64 : i32
      %lt3A_2303 = vector.broadcast %lt3A_2302 : i32 to vector<16xi32>
      %lt3A_2304 = arith.cmpi slt, %sub3A_2301, %lt3A_2303 : vector<16xi32>
      %and3A_2305 = arith.andi %and3A_2295, %lt3A_2304 : vector<16xi1>
      tpu.vector_store_idx %arg8[%sub3A_2301], %get3A_2283 masked %and3A_2305 : memref<64xi32, #tpu.memory_space<vmem>>[vector<16xi32>], vector<16xi32>, vector<16xi1>
      %get3A_2306 = arith.constant 560 : index
      %get3A_2307 = tpu.vector_load %arg7[%get3A_2306] {strides = array<i32>} : memref<640xi32, #tpu.memory_space<vmem>>, vector<16xi32>,
      tpu.vector_store_idx %arg9[%sub3A_2301], %get3A_2307 masked %and3A_2305 : memref<64xi32, #tpu.memory_space<vmem>>[vector<16xi32>], vector<16xi32>, vector<16xi1>
      %all_reduce_population_count3A_2308 = tpu.all_reduce %and3A_2295 {dim = 0 : i64, kind = #tpu.reduction_kind<sum>} : vector<16xi1> -> vector<16xi32>
      %add3A_2309 = arith.addi %add3A_2281, %all_reduce_population_count3A_2308 : vector<16xi32>
      %get3A_2310 = arith.constant 576 : index
      %get3A_2311 = tpu.vector_load %arg6[%get3A_2310] {strides = array<i32>} : memref<640xi32, #tpu.memory_space<vmem>>, vector<16xi32>,
      %shift_right_logical3A_2312 = arith.constant 7 : i32
      %shift_right_logical3A_2313 = vector.broadcast %shift_right_logical3A_2312 : i32 to vector<16xi32>
      %shift_right_logical3A_2314 = arith.shrui %get3A_2311, %shift_right_logical3A_2313 : vector<16xi32>
      %broadcast_in_dim3A_2315 = arith.constant 576 : i32
      %broadcast_in_dim3A_2316 = vector.broadcast %broadcast_in_dim3A_2315 : i32 to vector<16xi32>
      %iota3A_2317 = tpu.iota {dimensions = array<i32: 0>} : vector<16xi32>
      %add3A_2318 = arith.addi %broadcast_in_dim3A_2316, %iota3A_2317 : vector<16xi32>
      %lt3A_2319 = arith.cmpi slt, %add3A_2318, %scan3A_28 : vector<16xi32>
      %ge3A_2320 = arith.cmpi sge, %shift_right_logical3A_2314, %broadcast_in_dim3A_1296 : vector<16xi32>
      %lt3A_2321 = arith.cmpi slt, %shift_right_logical3A_2314, %broadcast_in_dim3A_1299 : vector<16xi32>
      %and3A_2322 = arith.andi %ge3A_2320, %lt3A_2321 : vector<16xi1>
      %and3A_2323 = arith.andi %lt3A_2319, %and3A_2322 : vector<16xi1>
      %convert_element_type3A_2324 = arith.extui %and3A_2323 : vector<16xi1> to vector<16xi32>
      %broadcast_in_dim3A_2325 = arith.constant true
      %broadcast_in_dim3A_2326 = vector.broadcast %broadcast_in_dim3A_2325 : i1 to vector<16xi1>
      %masked_cumsum3A_2327 = tpu.scan <sum>, %convert_element_type3A_2324 masked %broadcast_in_dim3A_2326 : vector<16xi32>, vector<16xi1> -> vector<16xi32>
      %add3A_2328 = arith.addi %add3A_2309, %masked_cumsum3A_2327 : vector<16xi32>
      %sub3A_2329 = arith.subi %add3A_2328, %convert_element_type3A_2324 : vector<16xi32>
      %lt3A_2330 = arith.constant 64 : i32
      %lt3A_2331 = vector.broadcast %lt3A_2330 : i32 to vector<16xi32>
      %lt3A_2332 = arith.cmpi slt, %sub3A_2329, %lt3A_2331 : vector<16xi32>
      %and3A_2333 = arith.andi %and3A_2323, %lt3A_2332 : vector<16xi1>
      tpu.vector_store_idx %arg8[%sub3A_2329], %get3A_2311 masked %and3A_2333 : memref<64xi32, #tpu.memory_space<vmem>>[vector<16xi32>], vector<16xi32>, vector<16xi1>
      %get3A_2334 = arith.constant 576 : index
      %get3A_2335 = tpu.vector_load %arg7[%get3A_2334] {strides = array<i32>} : memref<640xi32, #tpu.memory_space<vmem>>, vector<16xi32>,
      tpu.vector_store_idx %arg9[%sub3A_2329], %get3A_2335 masked %and3A_2333 : memref<64xi32, #tpu.memory_space<vmem>>[vector<16xi32>], vector<16xi32>, vector<16xi1>
      %all_reduce_population_count3A_2336 = tpu.all_reduce %and3A_2323 {dim = 0 : i64, kind = #tpu.reduction_kind<sum>} : vector<16xi1> -> vector<16xi32>
      %add3A_2337 = arith.addi %add3A_2309, %all_reduce_population_count3A_2336 : vector<16xi32>
      %get3A_2338 = arith.constant 592 : index
      %get3A_2339 = tpu.vector_load %arg6[%get3A_2338] {strides = array<i32>} : memref<640xi32, #tpu.memory_space<vmem>>, vector<16xi32>,
      %shift_right_logical3A_2340 = arith.constant 7 : i32
      %shift_right_logical3A_2341 = vector.broadcast %shift_right_logical3A_2340 : i32 to vector<16xi32>
      %shift_right_logical3A_2342 = arith.shrui %get3A_2339, %shift_right_logical3A_2341 : vector<16xi32>
      %broadcast_in_dim3A_2343 = arith.constant 592 : i32
      %broadcast_in_dim3A_2344 = vector.broadcast %broadcast_in_dim3A_2343 : i32 to vector<16xi32>
      %iota3A_2345 = tpu.iota {dimensions = array<i32: 0>} : vector<16xi32>
      %add3A_2346 = arith.addi %broadcast_in_dim3A_2344, %iota3A_2345 : vector<16xi32>
      %lt3A_2347 = arith.cmpi slt, %add3A_2346, %scan3A_28 : vector<16xi32>
      %ge3A_2348 = arith.cmpi sge, %shift_right_logical3A_2342, %broadcast_in_dim3A_1296 : vector<16xi32>
      %lt3A_2349 = arith.cmpi slt, %shift_right_logical3A_2342, %broadcast_in_dim3A_1299 : vector<16xi32>
      %and3A_2350 = arith.andi %ge3A_2348, %lt3A_2349 : vector<16xi1>
      %and3A_2351 = arith.andi %lt3A_2347, %and3A_2350 : vector<16xi1>
      %convert_element_type3A_2352 = arith.extui %and3A_2351 : vector<16xi1> to vector<16xi32>
      %broadcast_in_dim3A_2353 = arith.constant true
      %broadcast_in_dim3A_2354 = vector.broadcast %broadcast_in_dim3A_2353 : i1 to vector<16xi1>
      %masked_cumsum3A_2355 = tpu.scan <sum>, %convert_element_type3A_2352 masked %broadcast_in_dim3A_2354 : vector<16xi32>, vector<16xi1> -> vector<16xi32>
      %add3A_2356 = arith.addi %add3A_2337, %masked_cumsum3A_2355 : vector<16xi32>
      %sub3A_2357 = arith.subi %add3A_2356, %convert_element_type3A_2352 : vector<16xi32>
      %lt3A_2358 = arith.constant 64 : i32
      %lt3A_2359 = vector.broadcast %lt3A_2358 : i32 to vector<16xi32>
      %lt3A_2360 = arith.cmpi slt, %sub3A_2357, %lt3A_2359 : vector<16xi32>
      %and3A_2361 = arith.andi %and3A_2351, %lt3A_2360 : vector<16xi1>
      tpu.vector_store_idx %arg8[%sub3A_2357], %get3A_2339 masked %and3A_2361 : memref<64xi32, #tpu.memory_space<vmem>>[vector<16xi32>], vector<16xi32>, vector<16xi1>
      %get3A_2362 = arith.constant 592 : index
      %get3A_2363 = tpu.vector_load %arg7[%get3A_2362] {strides = array<i32>} : memref<640xi32, #tpu.memory_space<vmem>>, vector<16xi32>,
      tpu.vector_store_idx %arg9[%sub3A_2357], %get3A_2363 masked %and3A_2361 : memref<64xi32, #tpu.memory_space<vmem>>[vector<16xi32>], vector<16xi32>, vector<16xi1>
      %all_reduce_population_count3A_2364 = tpu.all_reduce %and3A_2351 {dim = 0 : i64, kind = #tpu.reduction_kind<sum>} : vector<16xi1> -> vector<16xi32>
      %add3A_2365 = arith.addi %add3A_2337, %all_reduce_population_count3A_2364 : vector<16xi32>
      %get3A_2366 = arith.constant 608 : index
      %get3A_2367 = tpu.vector_load %arg6[%get3A_2366] {strides = array<i32>} : memref<640xi32, #tpu.memory_space<vmem>>, vector<16xi32>,
      %shift_right_logical3A_2368 = arith.constant 7 : i32
      %shift_right_logical3A_2369 = vector.broadcast %shift_right_logical3A_2368 : i32 to vector<16xi32>
      %shift_right_logical3A_2370 = arith.shrui %get3A_2367, %shift_right_logical3A_2369 : vector<16xi32>
      %broadcast_in_dim3A_2371 = arith.constant 608 : i32
      %broadcast_in_dim3A_2372 = vector.broadcast %broadcast_in_dim3A_2371 : i32 to vector<16xi32>
      %iota3A_2373 = tpu.iota {dimensions = array<i32: 0>} : vector<16xi32>
      %add3A_2374 = arith.addi %broadcast_in_dim3A_2372, %iota3A_2373 : vector<16xi32>
      %lt3A_2375 = arith.cmpi slt, %add3A_2374, %scan3A_28 : vector<16xi32>
      %ge3A_2376 = arith.cmpi sge, %shift_right_logical3A_2370, %broadcast_in_dim3A_1296 : vector<16xi32>
      %lt3A_2377 = arith.cmpi slt, %shift_right_logical3A_2370, %broadcast_in_dim3A_1299 : vector<16xi32>
      %and3A_2378 = arith.andi %ge3A_2376, %lt3A_2377 : vector<16xi1>
      %and3A_2379 = arith.andi %lt3A_2375, %and3A_2378 : vector<16xi1>
      %convert_element_type3A_2380 = arith.extui %and3A_2379 : vector<16xi1> to vector<16xi32>
      %broadcast_in_dim3A_2381 = arith.constant true
      %broadcast_in_dim3A_2382 = vector.broadcast %broadcast_in_dim3A_2381 : i1 to vector<16xi1>
      %masked_cumsum3A_2383 = tpu.scan <sum>, %convert_element_type3A_2380 masked %broadcast_in_dim3A_2382 : vector<16xi32>, vector<16xi1> -> vector<16xi32>
      %add3A_2384 = arith.addi %add3A_2365, %masked_cumsum3A_2383 : vector<16xi32>
      %sub3A_2385 = arith.subi %add3A_2384, %convert_element_type3A_2380 : vector<16xi32>
      %lt3A_2386 = arith.constant 64 : i32
      %lt3A_2387 = vector.broadcast %lt3A_2386 : i32 to vector<16xi32>
      %lt3A_2388 = arith.cmpi slt, %sub3A_2385, %lt3A_2387 : vector<16xi32>
      %and3A_2389 = arith.andi %and3A_2379, %lt3A_2388 : vector<16xi1>
      tpu.vector_store_idx %arg8[%sub3A_2385], %get3A_2367 masked %and3A_2389 : memref<64xi32, #tpu.memory_space<vmem>>[vector<16xi32>], vector<16xi32>, vector<16xi1>
      %get3A_2390 = arith.constant 608 : index
      %get3A_2391 = tpu.vector_load %arg7[%get3A_2390] {strides = array<i32>} : memref<640xi32, #tpu.memory_space<vmem>>, vector<16xi32>,
      tpu.vector_store_idx %arg9[%sub3A_2385], %get3A_2391 masked %and3A_2389 : memref<64xi32, #tpu.memory_space<vmem>>[vector<16xi32>], vector<16xi32>, vector<16xi1>
      %all_reduce_population_count3A_2392 = tpu.all_reduce %and3A_2379 {dim = 0 : i64, kind = #tpu.reduction_kind<sum>} : vector<16xi1> -> vector<16xi32>
      %add3A_2393 = arith.addi %add3A_2365, %all_reduce_population_count3A_2392 : vector<16xi32>
      %get3A_2394 = arith.constant 624 : index
      %get3A_2395 = tpu.vector_load %arg6[%get3A_2394] {strides = array<i32>} : memref<640xi32, #tpu.memory_space<vmem>>, vector<16xi32>,
      %shift_right_logical3A_2396 = arith.constant 7 : i32
      %shift_right_logical3A_2397 = vector.broadcast %shift_right_logical3A_2396 : i32 to vector<16xi32>
      %shift_right_logical3A_2398 = arith.shrui %get3A_2395, %shift_right_logical3A_2397 : vector<16xi32>
      %broadcast_in_dim3A_2399 = arith.constant 624 : i32
      %broadcast_in_dim3A_2400 = vector.broadcast %broadcast_in_dim3A_2399 : i32 to vector<16xi32>
      %iota3A_2401 = tpu.iota {dimensions = array<i32: 0>} : vector<16xi32>
      %add3A_2402 = arith.addi %broadcast_in_dim3A_2400, %iota3A_2401 : vector<16xi32>
      %lt3A_2403 = arith.cmpi slt, %add3A_2402, %scan3A_28 : vector<16xi32>
      %ge3A_2404 = arith.cmpi sge, %shift_right_logical3A_2398, %broadcast_in_dim3A_1296 : vector<16xi32>
      %lt3A_2405 = arith.cmpi slt, %shift_right_logical3A_2398, %broadcast_in_dim3A_1299 : vector<16xi32>
      %and3A_2406 = arith.andi %ge3A_2404, %lt3A_2405 : vector<16xi1>
      %and3A_2407 = arith.andi %lt3A_2403, %and3A_2406 : vector<16xi1>
      %convert_element_type3A_2408 = arith.extui %and3A_2407 : vector<16xi1> to vector<16xi32>
      %broadcast_in_dim3A_2409 = arith.constant true
      %broadcast_in_dim3A_2410 = vector.broadcast %broadcast_in_dim3A_2409 : i1 to vector<16xi1>
      %masked_cumsum3A_2411 = tpu.scan <sum>, %convert_element_type3A_2408 masked %broadcast_in_dim3A_2410 : vector<16xi32>, vector<16xi1> -> vector<16xi32>
      %add3A_2412 = arith.addi %add3A_2393, %masked_cumsum3A_2411 : vector<16xi32>
      %sub3A_2413 = arith.subi %add3A_2412, %convert_element_type3A_2408 : vector<16xi32>
      %lt3A_2414 = arith.constant 64 : i32
      %lt3A_2415 = vector.broadcast %lt3A_2414 : i32 to vector<16xi32>
      %lt3A_2416 = arith.cmpi slt, %sub3A_2413, %lt3A_2415 : vector<16xi32>
      %and3A_2417 = arith.andi %and3A_2407, %lt3A_2416 : vector<16xi1>
      tpu.vector_store_idx %arg8[%sub3A_2413], %get3A_2395 masked %and3A_2417 : memref<64xi32, #tpu.memory_space<vmem>>[vector<16xi32>], vector<16xi32>, vector<16xi1>
      %get3A_2418 = arith.constant 624 : index
      %get3A_2419 = tpu.vector_load %arg7[%get3A_2418] {strides = array<i32>} : memref<640xi32, #tpu.memory_space<vmem>>, vector<16xi32>,
      tpu.vector_store_idx %arg9[%sub3A_2413], %get3A_2419 masked %and3A_2417 : memref<64xi32, #tpu.memory_space<vmem>>[vector<16xi32>], vector<16xi32>, vector<16xi1>
      %all_reduce_population_count3A_2420 = tpu.all_reduce %and3A_2407 {dim = 0 : i64, kind = #tpu.reduction_kind<sum>} : vector<16xi1> -> vector<16xi32>
      %add3A_2421 = arith.addi %add3A_2393, %all_reduce_population_count3A_2420 : vector<16xi32>
      %slice3A_2422 = vector.extract_strided_slice %add3A_2421 {offsets = [0], sizes = [1], strides = [1]} : vector<16xi32> to vector<1xi32>
      %squeeze3A_2423 = vector.extract %slice3A_2422[0] : i32 from vector<1xi32>
      %while3A_2424 = arith.constant 0 : i32
      %while3A_2425 = arith.subi %squeeze3A_2423, %while3A_2424 : i32
      %while3A_2426 = arith.addi %while3A_2424, %while3A_2425 : i32
      %while3A_2427 = arith.constant 1 : i32
      %while3A_2428 = arith.divsi %while3A_2425, %while3A_2427 : i32
      %while3A_2429 = arith.muli %while3A_2428, %while3A_2427 : i32
      %while3A_2430 = arith.addi %while3A_2424, %while3A_2429 : i32
      %while3A_2431 = arith.constant 1 : i32
      %while3A_2432 = scf.for %while3A_2435 = %while3A_2424 to %while3A_2430 step %while3A_2431 iter_args(%while3A_2436 = %while3A_1247) -> (vector<16xi32>)  : i32 {
        %broadcast_in_dim3A_2437 = vector.broadcast %while3A_2435 : i32 to vector<16xi32>
        %gather3A = tpu.vector_load_idx %arg8[%broadcast_in_dim3A_2437] : memref<64xi32, #tpu.memory_space<vmem>>[vector<16xi32>], vector<16xi32>,
        %broadcast_in_dim3A_2438 = vector.broadcast %while3A_2435 : i32 to vector<16xi32>
        %gather3A_2439 = tpu.vector_load_idx %arg9[%broadcast_in_dim3A_2438] : memref<64xi32, #tpu.memory_space<vmem>>[vector<16xi32>], vector<16xi32>,
        %shift_right_logical3A_2440 = arith.constant 7 : i32
        %shift_right_logical3A_2441 = vector.broadcast %shift_right_logical3A_2440 : i32 to vector<16xi32>
        %shift_right_logical3A_2442 = arith.shrui %gather3A, %shift_right_logical3A_2441 : vector<16xi32>
        %and3A_2443 = arith.constant 127 : i32
        %and3A_2444 = vector.broadcast %and3A_2443 : i32 to vector<16xi32>
        %and3A_2445 = arith.andi %gather3A, %and3A_2444 : vector<16xi32>
        %broadcast_in_dim3A_2446 = vector.broadcast %min3A_1295 : i32 to vector<16xi32>
        %sub3A_2447 = arith.subi %shift_right_logical3A_2442, %broadcast_in_dim3A_2446 : vector<16xi32>
        %mul3A_2448 = arith.constant 128 : i32
        %mul3A_2449 = vector.broadcast %mul3A_2448 : i32 to vector<16xi32>
        %mul3A_2450 = arith.muli %sub3A_2447, %mul3A_2449 : vector<16xi32>
        %add3A_2451 = arith.addi %mul3A_2450, %and3A_2445 : vector<16xi32>
        %slice3A_2452 = vector.extract_strided_slice %while3A_2436 {offsets = [0], sizes = [1], strides = [1]} : vector<16xi32> to vector<1xi32>
        %squeeze3A_2453 = vector.extract %slice3A_2452[0] : i32 from vector<1xi32>
        %and3A_2454 = arith.constant 15 : i32
        %and3A_2455 = arith.andi %squeeze3A_2453, %and3A_2454 : i32
        %slice3A_2456 = vector.extract_strided_slice %while3A_2436 {offsets = [0], sizes = [1], strides = [1]} : vector<16xi32> to vector<1xi32>
        %squeeze3A_2457 = vector.extract %slice3A_2456[0] : i32 from vector<1xi32>
        %ge3A_2458 = arith.constant 16 : i32
        %ge3A_2459 = arith.cmpi sge, %squeeze3A_2457, %ge3A_2458 : i32
        %convert_element_type3A_2460 = arith.extui %ge3A_2459 : i1 to i32
        %cond3A = arith.constant 0 : i32
        %cond3A_2461 = arith.cmpi ne, %convert_element_type3A_2460, %cond3A : i32
        scf.if %cond3A_2461 {
          %dma_wait3A_2540 = arith.constant 0 : i32
          %dma_wait3A_2541 = arith.constant 0 : i32
          %dma_wait3A_2542 = tpu.memref_slice %arg10[%dma_wait3A_2541] : memref<2048xf32, #tpu.memory_space<vmem>> -> memref<128xf32, #tpu.memory_space<vmem>>
          %dma_wait3A_2543 = arith.constant 0 : i32
          %dma_wait3A_2544 = tpu.memref_slice %arg3[%dma_wait3A_2540, %dma_wait3A_2543] : memref<64x1000000xf32, #tpu.memory_space<hbm>> -> memref<1x128xf32, #tpu.memory_space<hbm>>
          %dma_wait3A_2545 = tpu.memref_squeeze %dma_wait3A_2544 : memref<1x128xf32, #tpu.memory_space<hbm>> -> memref<128xf32, #tpu.memory_space<hbm>>
          %dma_wait3A_2546 = arith.constant 0 : i32
          %dma_wait3A_2547 = tpu.memref_slice %arg10[%dma_wait3A_2546] : memref<2048xf32, #tpu.memory_space<vmem>> -> memref<128xf32, #tpu.memory_space<vmem>>
          %dma_wait3A_2548 = arith.constant 0 : i32
          %dma_wait3A_2549 = tpu.memref_slice %arg3[%dma_wait3A_2540, %dma_wait3A_2548] : memref<64x1000000xf32, #tpu.memory_space<hbm>> -> memref<1x128xf32, #tpu.memory_space<hbm>>
          %dma_wait3A_2550 = tpu.memref_squeeze %dma_wait3A_2549 : memref<1x128xf32, #tpu.memory_space<hbm>> -> memref<128xf32, #tpu.memory_space<hbm>>
          tpu.wait_dma2 semaphore(%arg15 : memref<!tpu.dma_semaphore, #tpu.memory_space<semaphore_mem>>) src(%dma_wait3A_2550 : memref<128xf32, #tpu.memory_space<hbm>>) dst(%dma_wait3A_2547 : memref<128xf32, #tpu.memory_space<vmem>>)
        } else {
        }
        %iota3A_2462 = tpu.iota {dimensions = array<i32: 0>} : vector<16xi32>
        %add3A_2463 = arith.constant 0 : i32
        %add3A_2464 = vector.broadcast %add3A_2463 : i32 to vector<16xi32>
        %add3A_2465 = arith.addi %iota3A_2462, %add3A_2464 : vector<16xi32>
        %gather3A_2466 = arith.constant 1 : i32
        %gather3A_2467 = arith.constant 0 : i32
        %gather3A_2468 = arith.constant 0 : i32
        %gather3A_2469 = tpu.memref_slice %arg11[%gather3A_2466, %gather3A_2467, %gather3A_2468] : memref<2x64x768xf32, #tpu.memory_space<vmem>> -> memref<1x64x768xf32, #tpu.memory_space<vmem>>
        %gather3A_2470 = tpu.memref_squeeze %gather3A_2469 : memref<1x64x768xf32, #tpu.memory_space<vmem>> -> memref<64x768xf32, #tpu.memory_space<vmem>>
        %gather3A_2471 = tpu.vector_load_idx %gather3A_2470[%add3A_2465, %add3A_2451] : memref<64x768xf32, #tpu.memory_space<vmem>>[vector<16xi32>, vector<16xi32>], vector<16xf32>,
        %mul3A_2472 = arith.constant 128 : i32
        %mul3A_2473 = arith.muli %and3A_2455, %mul3A_2472 : i32
        %add3A_2474 = arith.constant 0 : i32
        %add3A_2475 = arith.addi %mul3A_2473, %add3A_2474 : i32
        %swap3A = arith.index_cast %add3A_2475 : i32 to index
        %swap3A_2476 = tpu.vector_load %arg10[%swap3A] {strides = array<i32>} : memref<2048xf32, #tpu.memory_space<vmem>>, vector<16xf32>,
        tpu.vector_store %arg10[%swap3A], %gather3A_2471 {strides = array<i32>} : memref<2048xf32, #tpu.memory_space<vmem>>, vector<16xf32>,
        %iota3A_2477 = tpu.iota {dimensions = array<i32: 0>} : vector<16xi32>
        %add3A_2478 = arith.constant 16 : i32
        %add3A_2479 = vector.broadcast %add3A_2478 : i32 to vector<16xi32>
        %add3A_2480 = arith.addi %iota3A_2477, %add3A_2479 : vector<16xi32>
        %gather3A_2481 = arith.constant 1 : i32
        %gather3A_2482 = arith.constant 0 : i32
        %gather3A_2483 = arith.constant 0 : i32
        %gather3A_2484 = tpu.memref_slice %arg11[%gather3A_2481, %gather3A_2482, %gather3A_2483] : memref<2x64x768xf32, #tpu.memory_space<vmem>> -> memref<1x64x768xf32, #tpu.memory_space<vmem>>
        %gather3A_2485 = tpu.memref_squeeze %gather3A_2484 : memref<1x64x768xf32, #tpu.memory_space<vmem>> -> memref<64x768xf32, #tpu.memory_space<vmem>>
        %gather3A_2486 = tpu.vector_load_idx %gather3A_2485[%add3A_2480, %add3A_2451] : memref<64x768xf32, #tpu.memory_space<vmem>>[vector<16xi32>, vector<16xi32>], vector<16xf32>,
        %mul3A_2487 = arith.constant 128 : i32
        %mul3A_2488 = arith.muli %and3A_2455, %mul3A_2487 : i32
        %add3A_2489 = arith.constant 16 : i32
        %add3A_2490 = arith.addi %mul3A_2488, %add3A_2489 : i32
        %swap3A_2491 = arith.index_cast %add3A_2490 : i32 to index
        %swap3A_2492 = tpu.vector_load %arg10[%swap3A_2491] {strides = array<i32>} : memref<2048xf32, #tpu.memory_space<vmem>>, vector<16xf32>,
        tpu.vector_store %arg10[%swap3A_2491], %gather3A_2486 {strides = array<i32>} : memref<2048xf32, #tpu.memory_space<vmem>>, vector<16xf32>,
        %iota3A_2493 = tpu.iota {dimensions = array<i32: 0>} : vector<16xi32>
        %add3A_2494 = arith.constant 32 : i32
        %add3A_2495 = vector.broadcast %add3A_2494 : i32 to vector<16xi32>
        %add3A_2496 = arith.addi %iota3A_2493, %add3A_2495 : vector<16xi32>
        %gather3A_2497 = arith.constant 1 : i32
        %gather3A_2498 = arith.constant 0 : i32
        %gather3A_2499 = arith.constant 0 : i32
        %gather3A_2500 = tpu.memref_slice %arg11[%gather3A_2497, %gather3A_2498, %gather3A_2499] : memref<2x64x768xf32, #tpu.memory_space<vmem>> -> memref<1x64x768xf32, #tpu.memory_space<vmem>>
        %gather3A_2501 = tpu.memref_squeeze %gather3A_2500 : memref<1x64x768xf32, #tpu.memory_space<vmem>> -> memref<64x768xf32, #tpu.memory_space<vmem>>
        %gather3A_2502 = tpu.vector_load_idx %gather3A_2501[%add3A_2496, %add3A_2451] : memref<64x768xf32, #tpu.memory_space<vmem>>[vector<16xi32>, vector<16xi32>], vector<16xf32>,
        %mul3A_2503 = arith.constant 128 : i32
        %mul3A_2504 = arith.muli %and3A_2455, %mul3A_2503 : i32
        %add3A_2505 = arith.constant 32 : i32
        %add3A_2506 = arith.addi %mul3A_2504, %add3A_2505 : i32
        %swap3A_2507 = arith.index_cast %add3A_2506 : i32 to index
        %swap3A_2508 = tpu.vector_load %arg10[%swap3A_2507] {strides = array<i32>} : memref<2048xf32, #tpu.memory_space<vmem>>, vector<16xf32>,
        tpu.vector_store %arg10[%swap3A_2507], %gather3A_2502 {strides = array<i32>} : memref<2048xf32, #tpu.memory_space<vmem>>, vector<16xf32>,
        %iota3A_2509 = tpu.iota {dimensions = array<i32: 0>} : vector<16xi32>
        %add3A_2510 = arith.constant 48 : i32
        %add3A_2511 = vector.broadcast %add3A_2510 : i32 to vector<16xi32>
        %add3A_2512 = arith.addi %iota3A_2509, %add3A_2511 : vector<16xi32>
        %gather3A_2513 = arith.constant 1 : i32
        %gather3A_2514 = arith.constant 0 : i32
        %gather3A_2515 = arith.constant 0 : i32
        %gather3A_2516 = tpu.memref_slice %arg11[%gather3A_2513, %gather3A_2514, %gather3A_2515] : memref<2x64x768xf32, #tpu.memory_space<vmem>> -> memref<1x64x768xf32, #tpu.memory_space<vmem>>
        %gather3A_2517 = tpu.memref_squeeze %gather3A_2516 : memref<1x64x768xf32, #tpu.memory_space<vmem>> -> memref<64x768xf32, #tpu.memory_space<vmem>>
        %gather3A_2518 = tpu.vector_load_idx %gather3A_2517[%add3A_2512, %add3A_2451] : memref<64x768xf32, #tpu.memory_space<vmem>>[vector<16xi32>, vector<16xi32>], vector<16xf32>,
        %mul3A_2519 = arith.constant 128 : i32
        %mul3A_2520 = arith.muli %and3A_2455, %mul3A_2519 : i32
        %add3A_2521 = arith.constant 48 : i32
        %add3A_2522 = arith.addi %mul3A_2520, %add3A_2521 : i32
        %swap3A_2523 = arith.index_cast %add3A_2522 : i32 to index
        %swap3A_2524 = tpu.vector_load %arg10[%swap3A_2523] {strides = array<i32>} : memref<2048xf32, #tpu.memory_space<vmem>>, vector<16xf32>,
        tpu.vector_store %arg10[%swap3A_2523], %gather3A_2518 {strides = array<i32>} : memref<2048xf32, #tpu.memory_space<vmem>>, vector<16xf32>,
        %mul3A_2525 = arith.constant 128 : i32
        %mul3A_2526 = arith.muli %and3A_2455, %mul3A_2525 : i32
        %slice3A_2527 = vector.extract_strided_slice %gather3A_2439 {offsets = [0], sizes = [1], strides = [1]} : vector<16xi32> to vector<1xi32>
        %squeeze3A_2528 = vector.extract %slice3A_2527[0] : i32 from vector<1xi32>
        %dma_start3A_2529 = tpu.memref_slice %arg10[%mul3A_2526] : memref<2048xf32, #tpu.memory_space<vmem>> -> memref<128xf32, #tpu.memory_space<vmem>>
        %dma_start3A_2530 = arith.constant 0 : i32
        %dma_start3A_2531 = tpu.memref_slice %arg4[%squeeze3A_2528, %dma_start3A_2530] : memref<16384x128xf32, #tpu.memory_space<hbm>> -> memref<1x128xf32, #tpu.memory_space<hbm>>
        %dma_start3A_2532 = tpu.memref_squeeze %dma_start3A_2531 : memref<1x128xf32, #tpu.memory_space<hbm>> -> memref<128xf32, #tpu.memory_space<hbm>>
        %dma_start3A_2533 = arith.constant 0 : i32
        %dma_start3A_2534 = tpu.memref_slice %arg4[%squeeze3A_2528, %dma_start3A_2533] : memref<16384x128xf32, #tpu.memory_space<hbm>> -> memref<1x128xf32, #tpu.memory_space<hbm>>
        %dma_start3A_2535 = tpu.memref_squeeze %dma_start3A_2534 : memref<1x128xf32, #tpu.memory_space<hbm>> -> memref<128xf32, #tpu.memory_space<hbm>>
        %dma_start3A_2536 = tpu.memref_slice %arg10[%mul3A_2526] : memref<2048xf32, #tpu.memory_space<vmem>> -> memref<128xf32, #tpu.memory_space<vmem>>
        tpu.enqueue_dma source(%dma_start3A_2536 : memref<128xf32, #tpu.memory_space<vmem>>) target(%dma_start3A_2535 : memref<128xf32, #tpu.memory_space<hbm>>) target_semaphore(%arg15 : memref<!tpu.dma_semaphore, #tpu.memory_space<semaphore_mem>>)
        %add3A_2537 = arith.constant 1 : i32
        %add3A_2538 = vector.broadcast %add3A_2537 : i32 to vector<16xi32>
        %add3A_2539 = arith.addi %while3A_2436, %add3A_2538 : vector<16xi32>
        scf.yield %add3A_2539 : vector<16xi32>
      }
      %while3A_2433 = arith.constant 1 : i32
      %while3A_2434 = scf.for %while3A_2435 = %while3A_2430 to %while3A_2426 step %while3A_2433 iter_args(%while3A_2436 = %while3A_2432) -> (vector<16xi32>)  : i32 {
        %broadcast_in_dim3A_2437 = vector.broadcast %while3A_2435 : i32 to vector<16xi32>
        %gather3A = tpu.vector_load_idx %arg8[%broadcast_in_dim3A_2437] : memref<64xi32, #tpu.memory_space<vmem>>[vector<16xi32>], vector<16xi32>,
        %broadcast_in_dim3A_2438 = vector.broadcast %while3A_2435 : i32 to vector<16xi32>
        %gather3A_2439 = tpu.vector_load_idx %arg9[%broadcast_in_dim3A_2438] : memref<64xi32, #tpu.memory_space<vmem>>[vector<16xi32>], vector<16xi32>,
        %shift_right_logical3A_2440 = arith.constant 7 : i32
        %shift_right_logical3A_2441 = vector.broadcast %shift_right_logical3A_2440 : i32 to vector<16xi32>
        %shift_right_logical3A_2442 = arith.shrui %gather3A, %shift_right_logical3A_2441 : vector<16xi32>
        %and3A_2443 = arith.constant 127 : i32
        %and3A_2444 = vector.broadcast %and3A_2443 : i32 to vector<16xi32>
        %and3A_2445 = arith.andi %gather3A, %and3A_2444 : vector<16xi32>
        %broadcast_in_dim3A_2446 = vector.broadcast %min3A_1295 : i32 to vector<16xi32>
        %sub3A_2447 = arith.subi %shift_right_logical3A_2442, %broadcast_in_dim3A_2446 : vector<16xi32>
        %mul3A_2448 = arith.constant 128 : i32
        %mul3A_2449 = vector.broadcast %mul3A_2448 : i32 to vector<16xi32>
        %mul3A_2450 = arith.muli %sub3A_2447, %mul3A_2449 : vector<16xi32>
        %add3A_2451 = arith.addi %mul3A_2450, %and3A_2445 : vector<16xi32>
        %slice3A_2452 = vector.extract_strided_slice %while3A_2436 {offsets = [0], sizes = [1], strides = [1]} : vector<16xi32> to vector<1xi32>
        %squeeze3A_2453 = vector.extract %slice3A_2452[0] : i32 from vector<1xi32>
        %and3A_2454 = arith.constant 15 : i32
        %and3A_2455 = arith.andi %squeeze3A_2453, %and3A_2454 : i32
        %slice3A_2456 = vector.extract_strided_slice %while3A_2436 {offsets = [0], sizes = [1], strides = [1]} : vector<16xi32> to vector<1xi32>
        %squeeze3A_2457 = vector.extract %slice3A_2456[0] : i32 from vector<1xi32>
        %ge3A_2458 = arith.constant 16 : i32
        %ge3A_2459 = arith.cmpi sge, %squeeze3A_2457, %ge3A_2458 : i32
        %convert_element_type3A_2460 = arith.extui %ge3A_2459 : i1 to i32
        %cond3A = arith.constant 0 : i32
        %cond3A_2461 = arith.cmpi ne, %convert_element_type3A_2460, %cond3A : i32
        scf.if %cond3A_2461 {
          %dma_wait3A_2540 = arith.constant 0 : i32
          %dma_wait3A_2541 = arith.constant 0 : i32
          %dma_wait3A_2542 = tpu.memref_slice %arg10[%dma_wait3A_2541] : memref<2048xf32, #tpu.memory_space<vmem>> -> memref<128xf32, #tpu.memory_space<vmem>>
          %dma_wait3A_2543 = arith.constant 0 : i32
          %dma_wait3A_2544 = tpu.memref_slice %arg3[%dma_wait3A_2540, %dma_wait3A_2543] : memref<64x1000000xf32, #tpu.memory_space<hbm>> -> memref<1x128xf32, #tpu.memory_space<hbm>>
          %dma_wait3A_2545 = tpu.memref_squeeze %dma_wait3A_2544 : memref<1x128xf32, #tpu.memory_space<hbm>> -> memref<128xf32, #tpu.memory_space<hbm>>
          %dma_wait3A_2546 = arith.constant 0 : i32
          %dma_wait3A_2547 = tpu.memref_slice %arg10[%dma_wait3A_2546] : memref<2048xf32, #tpu.memory_space<vmem>> -> memref<128xf32, #tpu.memory_space<vmem>>
          %dma_wait3A_2548 = arith.constant 0 : i32
          %dma_wait3A_2549 = tpu.memref_slice %arg3[%dma_wait3A_2540, %dma_wait3A_2548] : memref<64x1000000xf32, #tpu.memory_space<hbm>> -> memref<1x128xf32, #tpu.memory_space<hbm>>
          %dma_wait3A_2550 = tpu.memref_squeeze %dma_wait3A_2549 : memref<1x128xf32, #tpu.memory_space<hbm>> -> memref<128xf32, #tpu.memory_space<hbm>>
          tpu.wait_dma2 semaphore(%arg15 : memref<!tpu.dma_semaphore, #tpu.memory_space<semaphore_mem>>) src(%dma_wait3A_2550 : memref<128xf32, #tpu.memory_space<hbm>>) dst(%dma_wait3A_2547 : memref<128xf32, #tpu.memory_space<vmem>>)
        } else {
        }
        %iota3A_2462 = tpu.iota {dimensions = array<i32: 0>} : vector<16xi32>
        %add3A_2463 = arith.constant 0 : i32
        %add3A_2464 = vector.broadcast %add3A_2463 : i32 to vector<16xi32>
        %add3A_2465 = arith.addi %iota3A_2462, %add3A_2464 : vector<16xi32>
        %gather3A_2466 = arith.constant 1 : i32
        %gather3A_2467 = arith.constant 0 : i32
        %gather3A_2468 = arith.constant 0 : i32
        %gather3A_2469 = tpu.memref_slice %arg11[%gather3A_2466, %gather3A_2467, %gather3A_2468] : memref<2x64x768xf32, #tpu.memory_space<vmem>> -> memref<1x64x768xf32, #tpu.memory_space<vmem>>
        %gather3A_2470 = tpu.memref_squeeze %gather3A_2469 : memref<1x64x768xf32, #tpu.memory_space<vmem>> -> memref<64x768xf32, #tpu.memory_space<vmem>>
        %gather3A_2471 = tpu.vector_load_idx %gather3A_2470[%add3A_2465, %add3A_2451] : memref<64x768xf32, #tpu.memory_space<vmem>>[vector<16xi32>, vector<16xi32>], vector<16xf32>,
        %mul3A_2472 = arith.constant 128 : i32
        %mul3A_2473 = arith.muli %and3A_2455, %mul3A_2472 : i32
        %add3A_2474 = arith.constant 0 : i32
        %add3A_2475 = arith.addi %mul3A_2473, %add3A_2474 : i32
        %swap3A = arith.index_cast %add3A_2475 : i32 to index
        %swap3A_2476 = tpu.vector_load %arg10[%swap3A] {strides = array<i32>} : memref<2048xf32, #tpu.memory_space<vmem>>, vector<16xf32>,
        tpu.vector_store %arg10[%swap3A], %gather3A_2471 {strides = array<i32>} : memref<2048xf32, #tpu.memory_space<vmem>>, vector<16xf32>,
        %iota3A_2477 = tpu.iota {dimensions = array<i32: 0>} : vector<16xi32>
        %add3A_2478 = arith.constant 16 : i32
        %add3A_2479 = vector.broadcast %add3A_2478 : i32 to vector<16xi32>
        %add3A_2480 = arith.addi %iota3A_2477, %add3A_2479 : vector<16xi32>
        %gather3A_2481 = arith.constant 1 : i32
        %gather3A_2482 = arith.constant 0 : i32
        %gather3A_2483 = arith.constant 0 : i32
        %gather3A_2484 = tpu.memref_slice %arg11[%gather3A_2481, %gather3A_2482, %gather3A_2483] : memref<2x64x768xf32, #tpu.memory_space<vmem>> -> memref<1x64x768xf32, #tpu.memory_space<vmem>>
        %gather3A_2485 = tpu.memref_squeeze %gather3A_2484 : memref<1x64x768xf32, #tpu.memory_space<vmem>> -> memref<64x768xf32, #tpu.memory_space<vmem>>
        %gather3A_2486 = tpu.vector_load_idx %gather3A_2485[%add3A_2480, %add3A_2451] : memref<64x768xf32, #tpu.memory_space<vmem>>[vector<16xi32>, vector<16xi32>], vector<16xf32>,
        %mul3A_2487 = arith.constant 128 : i32
        %mul3A_2488 = arith.muli %and3A_2455, %mul3A_2487 : i32
        %add3A_2489 = arith.constant 16 : i32
        %add3A_2490 = arith.addi %mul3A_2488, %add3A_2489 : i32
        %swap3A_2491 = arith.index_cast %add3A_2490 : i32 to index
        %swap3A_2492 = tpu.vector_load %arg10[%swap3A_2491] {strides = array<i32>} : memref<2048xf32, #tpu.memory_space<vmem>>, vector<16xf32>,
        tpu.vector_store %arg10[%swap3A_2491], %gather3A_2486 {strides = array<i32>} : memref<2048xf32, #tpu.memory_space<vmem>>, vector<16xf32>,
        %iota3A_2493 = tpu.iota {dimensions = array<i32: 0>} : vector<16xi32>
        %add3A_2494 = arith.constant 32 : i32
        %add3A_2495 = vector.broadcast %add3A_2494 : i32 to vector<16xi32>
        %add3A_2496 = arith.addi %iota3A_2493, %add3A_2495 : vector<16xi32>
        %gather3A_2497 = arith.constant 1 : i32
        %gather3A_2498 = arith.constant 0 : i32
        %gather3A_2499 = arith.constant 0 : i32
        %gather3A_2500 = tpu.memref_slice %arg11[%gather3A_2497, %gather3A_2498, %gather3A_2499] : memref<2x64x768xf32, #tpu.memory_space<vmem>> -> memref<1x64x768xf32, #tpu.memory_space<vmem>>
        %gather3A_2501 = tpu.memref_squeeze %gather3A_2500 : memref<1x64x768xf32, #tpu.memory_space<vmem>> -> memref<64x768xf32, #tpu.memory_space<vmem>>
        %gather3A_2502 = tpu.vector_load_idx %gather3A_2501[%add3A_2496, %add3A_2451] : memref<64x768xf32, #tpu.memory_space<vmem>>[vector<16xi32>, vector<16xi32>], vector<16xf32>,
        %mul3A_2503 = arith.constant 128 : i32
        %mul3A_2504 = arith.muli %and3A_2455, %mul3A_2503 : i32
        %add3A_2505 = arith.constant 32 : i32
        %add3A_2506 = arith.addi %mul3A_2504, %add3A_2505 : i32
        %swap3A_2507 = arith.index_cast %add3A_2506 : i32 to index
        %swap3A_2508 = tpu.vector_load %arg10[%swap3A_2507] {strides = array<i32>} : memref<2048xf32, #tpu.memory_space<vmem>>, vector<16xf32>,
        tpu.vector_store %arg10[%swap3A_2507], %gather3A_2502 {strides = array<i32>} : memref<2048xf32, #tpu.memory_space<vmem>>, vector<16xf32>,
        %iota3A_2509 = tpu.iota {dimensions = array<i32: 0>} : vector<16xi32>
        %add3A_2510 = arith.constant 48 : i32
        %add3A_2511 = vector.broadcast %add3A_2510 : i32 to vector<16xi32>
        %add3A_2512 = arith.addi %iota3A_2509, %add3A_2511 : vector<16xi32>
        %gather3A_2513 = arith.constant 1 : i32
        %gather3A_2514 = arith.constant 0 : i32
        %gather3A_2515 = arith.constant 0 : i32
        %gather3A_2516 = tpu.memref_slice %arg11[%gather3A_2513, %gather3A_2514, %gather3A_2515] : memref<2x64x768xf32, #tpu.memory_space<vmem>> -> memref<1x64x768xf32, #tpu.memory_space<vmem>>
        %gather3A_2517 = tpu.memref_squeeze %gather3A_2516 : memref<1x64x768xf32, #tpu.memory_space<vmem>> -> memref<64x768xf32, #tpu.memory_space<vmem>>
        %gather3A_2518 = tpu.vector_load_idx %gather3A_2517[%add3A_2512, %add3A_2451] : memref<64x768xf32, #tpu.memory_space<vmem>>[vector<16xi32>, vector<16xi32>], vector<16xf32>,
        %mul3A_2519 = arith.constant 128 : i32
        %mul3A_2520 = arith.muli %and3A_2455, %mul3A_2519 : i32
        %add3A_2521 = arith.constant 48 : i32
        %add3A_2522 = arith.addi %mul3A_2520, %add3A_2521 : i32
        %swap3A_2523 = arith.index_cast %add3A_2522 : i32 to index
        %swap3A_2524 = tpu.vector_load %arg10[%swap3A_2523] {strides = array<i32>} : memref<2048xf32, #tpu.memory_space<vmem>>, vector<16xf32>,
        tpu.vector_store %arg10[%swap3A_2523], %gather3A_2518 {strides = array<i32>} : memref<2048xf32, #tpu.memory_space<vmem>>, vector<16xf32>,
        %mul3A_2525 = arith.constant 128 : i32
        %mul3A_2526 = arith.muli %and3A_2455, %mul3A_2525 : i32
        %slice3A_2527 = vector.extract_strided_slice %gather3A_2439 {offsets = [0], sizes = [1], strides = [1]} : vector<16xi32> to vector<1xi32>
        %squeeze3A_2528 = vector.extract %slice3A_2527[0] : i32 from vector<1xi32>
        %dma_start3A_2529 = tpu.memref_slice %arg10[%mul3A_2526] : memref<2048xf32, #tpu.memory_space<vmem>> -> memref<128xf32, #tpu.memory_space<vmem>>
        %dma_start3A_2530 = arith.constant 0 : i32
        %dma_start3A_2531 = tpu.memref_slice %arg4[%squeeze3A_2528, %dma_start3A_2530] : memref<16384x128xf32, #tpu.memory_space<hbm>> -> memref<1x128xf32, #tpu.memory_space<hbm>>
        %dma_start3A_2532 = tpu.memref_squeeze %dma_start3A_2531 : memref<1x128xf32, #tpu.memory_space<hbm>> -> memref<128xf32, #tpu.memory_space<hbm>>
        %dma_start3A_2533 = arith.constant 0 : i32
        %dma_start3A_2534 = tpu.memref_slice %arg4[%squeeze3A_2528, %dma_start3A_2533] : memref<16384x128xf32, #tpu.memory_space<hbm>> -> memref<1x128xf32, #tpu.memory_space<hbm>>
        %dma_start3A_2535 = tpu.memref_squeeze %dma_start3A_2534 : memref<1x128xf32, #tpu.memory_space<hbm>> -> memref<128xf32, #tpu.memory_space<hbm>>
        %dma_start3A_2536 = tpu.memref_slice %arg10[%mul3A_2526] : memref<2048xf32, #tpu.memory_space<vmem>> -> memref<128xf32, #tpu.memory_space<vmem>>
        tpu.enqueue_dma source(%dma_start3A_2536 : memref<128xf32, #tpu.memory_space<vmem>>) target(%dma_start3A_2535 : memref<128xf32, #tpu.memory_space<hbm>>) target_semaphore(%arg15 : memref<!tpu.dma_semaphore, #tpu.memory_space<semaphore_mem>>)
        %add3A_2537 = arith.constant 1 : i32
        %add3A_2538 = vector.broadcast %add3A_2537 : i32 to vector<16xi32>
        %add3A_2539 = arith.addi %while3A_2436, %add3A_2538 : vector<16xi32>
        scf.yield %add3A_2539 : vector<16xi32>
      }
      scf.yield %while3A_2434 : vector<16xi32>
    }
    %scan3A_37 = arith.constant 21 : i32
    %dma_wait3A = arith.constant 0 : i32
    %dma_wait3A_38 = arith.constant 0 : i32
    %dma_wait3A_39 = arith.constant 0 : i32
    %dma_wait3A_40 = tpu.memref_slice %arg11[%dma_wait3A, %dma_wait3A_38, %dma_wait3A_39] : memref<2x64x768xf32, #tpu.memory_space<vmem>> -> memref<1x64x768xf32, #tpu.memory_space<vmem>>
    %dma_wait3A_41 = tpu.memref_squeeze %dma_wait3A_40 : memref<1x64x768xf32, #tpu.memory_space<vmem>> -> memref<64x768xf32, #tpu.memory_space<vmem>>
    %dma_wait3A_42 = arith.constant 0 : i32
    %dma_wait3A_43 = arith.constant 0 : i32
    %dma_wait3A_44 = tpu.memref_slice %arg3[%dma_wait3A_42, %dma_wait3A_43] : memref<64x1000000xf32, #tpu.memory_space<hbm>> -> memref<64x768xf32, #tpu.memory_space<hbm>>
    %dma_wait3A_45 = arith.constant 0 : i32
    %dma_wait3A_46 = arith.constant 0 : i32
    %dma_wait3A_47 = tpu.memref_slice %arg11[%dma_wait3A, %dma_wait3A_45, %dma_wait3A_46] : memref<2x64x768xf32, #tpu.memory_space<vmem>> -> memref<1x64x768xf32, #tpu.memory_space<vmem>>
    %dma_wait3A_48 = tpu.memref_squeeze %dma_wait3A_47 : memref<1x64x768xf32, #tpu.memory_space<vmem>> -> memref<64x768xf32, #tpu.memory_space<vmem>>
    %dma_wait3A_49 = arith.constant 0 : i32
    %dma_wait3A_50 = arith.constant 0 : i32
    %dma_wait3A_51 = tpu.memref_slice %arg3[%dma_wait3A_49, %dma_wait3A_50] : memref<64x1000000xf32, #tpu.memory_space<hbm>> -> memref<64x768xf32, #tpu.memory_space<hbm>>
    tpu.wait_dma2 semaphore(%arg12 : memref<!tpu.dma_semaphore, #tpu.memory_space<semaphore_mem>>) src(%dma_wait3A_51 : memref<64x768xf32, #tpu.memory_space<hbm>>) dst(%dma_wait3A_48 : memref<64x768xf32, #tpu.memory_space<vmem>>)
    %slice3A = vector.extract_strided_slice %scan3A_36 {offsets = [0], sizes = [1], strides = [1]} : vector<16xi32> to vector<1xi32>
    %squeeze3A = vector.extract %slice3A[0] : i32 from vector<1xi32>
    %min3A_52 = arith.constant 16 : i32
    %min3A_53 = arith.minsi %squeeze3A, %min3A_52 : i32
    %while3A = arith.constant 0 : i32
    %while3A_54 = arith.constant 0 : i32
    %while3A_55 = arith.subi %min3A_53, %while3A : i32
    %while3A_56 = arith.addi %while3A, %while3A_55 : i32
    %while3A_57 = arith.constant 1 : i32
    %while3A_58 = arith.divsi %while3A_55, %while3A_57 : i32
    %while3A_59 = arith.muli %while3A_58, %while3A_57 : i32
    %while3A_60 = arith.addi %while3A, %while3A_59 : i32
    %while3A_61 = arith.constant 1 : i32
    %while3A_62 = scf.for %while3A_65 = %while3A to %while3A_60 step %while3A_61 iter_args(%while3A_66 = %while3A_54) -> (i32)  : i32 {
      %dma_wait3A_67 = arith.constant 0 : i32
      %dma_wait3A_68 = arith.constant 0 : i32
      %dma_wait3A_69 = tpu.memref_slice %arg10[%dma_wait3A_68] : memref<2048xf32, #tpu.memory_space<vmem>> -> memref<128xf32, #tpu.memory_space<vmem>>
      %dma_wait3A_70 = arith.constant 0 : i32
      %dma_wait3A_71 = tpu.memref_slice %arg3[%dma_wait3A_67, %dma_wait3A_70] : memref<64x1000000xf32, #tpu.memory_space<hbm>> -> memref<1x128xf32, #tpu.memory_space<hbm>>
      %dma_wait3A_72 = tpu.memref_squeeze %dma_wait3A_71 : memref<1x128xf32, #tpu.memory_space<hbm>> -> memref<128xf32, #tpu.memory_space<hbm>>
      %dma_wait3A_73 = arith.constant 0 : i32
      %dma_wait3A_74 = tpu.memref_slice %arg10[%dma_wait3A_73] : memref<2048xf32, #tpu.memory_space<vmem>> -> memref<128xf32, #tpu.memory_space<vmem>>
      %dma_wait3A_75 = arith.constant 0 : i32
      %dma_wait3A_76 = tpu.memref_slice %arg3[%dma_wait3A_67, %dma_wait3A_75] : memref<64x1000000xf32, #tpu.memory_space<hbm>> -> memref<1x128xf32, #tpu.memory_space<hbm>>
      %dma_wait3A_77 = tpu.memref_squeeze %dma_wait3A_76 : memref<1x128xf32, #tpu.memory_space<hbm>> -> memref<128xf32, #tpu.memory_space<hbm>>
      tpu.wait_dma2 semaphore(%arg15 : memref<!tpu.dma_semaphore, #tpu.memory_space<semaphore_mem>>) src(%dma_wait3A_77 : memref<128xf32, #tpu.memory_space<hbm>>) dst(%dma_wait3A_74 : memref<128xf32, #tpu.memory_space<vmem>>)
      %while3A_78 = arith.constant 0 : i32
      scf.yield %while3A_78 : i32
    }
    %while3A_63 = arith.constant 1 : i32
    %while3A_64 = scf.for %while3A_65 = %while3A_60 to %while3A_56 step %while3A_63 iter_args(%while3A_66 = %while3A_62) -> (i32)  : i32 {
      %dma_wait3A_67 = arith.constant 0 : i32
      %dma_wait3A_68 = arith.constant 0 : i32
      %dma_wait3A_69 = tpu.memref_slice %arg10[%dma_wait3A_68] : memref<2048xf32, #tpu.memory_space<vmem>> -> memref<128xf32, #tpu.memory_space<vmem>>
      %dma_wait3A_70 = arith.constant 0 : i32
      %dma_wait3A_71 = tpu.memref_slice %arg3[%dma_wait3A_67, %dma_wait3A_70] : memref<64x1000000xf32, #tpu.memory_space<hbm>> -> memref<1x128xf32, #tpu.memory_space<hbm>>
      %dma_wait3A_72 = tpu.memref_squeeze %dma_wait3A_71 : memref<1x128xf32, #tpu.memory_space<hbm>> -> memref<128xf32, #tpu.memory_space<hbm>>
      %dma_wait3A_73 = arith.constant 0 : i32
      %dma_wait3A_74 = tpu.memref_slice %arg10[%dma_wait3A_73] : memref<2048xf32, #tpu.memory_space<vmem>> -> memref<128xf32, #tpu.memory_space<vmem>>
      %dma_wait3A_75 = arith.constant 0 : i32
      %dma_wait3A_76 = tpu.memref_slice %arg3[%dma_wait3A_67, %dma_wait3A_75] : memref<64x1000000xf32, #tpu.memory_space<hbm>> -> memref<1x128xf32, #tpu.memory_space<hbm>>
      %dma_wait3A_77 = tpu.memref_squeeze %dma_wait3A_76 : memref<1x128xf32, #tpu.memory_space<hbm>> -> memref<128xf32, #tpu.memory_space<hbm>>
      tpu.wait_dma2 semaphore(%arg15 : memref<!tpu.dma_semaphore, #tpu.memory_space<semaphore_mem>>) src(%dma_wait3A_77 : memref<128xf32, #tpu.memory_space<hbm>>) dst(%dma_wait3A_74 : memref<128xf32, #tpu.memory_space<vmem>>)
      %while3A_78 = arith.constant 0 : i32
      scf.yield %while3A_78 : i32
    }
    return
  }
}

module attributes {stable_mosaic.version = 14 : i64} {
  func.func @_mm_body(%arg0: i32, %arg1: memref<2048x128xf32, #tpu.memory_space<vmem>>, %arg2: memref<64x64xf32, #tpu.memory_space<vmem>>, %arg3: memref<1x64xf32, #tpu.memory_space<vmem>>, %arg4: memref<2048x64xf32, #tpu.memory_space<vmem>>) attributes {dimension_semantics = [#tpu.dimension_semantics<arbitrary>], iteration_bounds = array<i64: 8>, scalar_prefetch = 0 : i64, scratch_operands = 0 : i64, tpu.core_type = #tpu.core_type<tc>, window_params = [{transform_indices = @transform_0, window_bounds = array<i64: 2048, 128>}, {pipeline_mode = #tpu.pipeline_mode<synchronous>, transform_indices = @transform_1, window_bounds = array<i64: 64, 64>}, {pipeline_mode = #tpu.pipeline_mode<synchronous>, transform_indices = @transform_2, window_bounds = array<i64: 1, 64>}, {transform_indices = @transform_3, window_bounds = array<i64: 2048, 64>}]} {
    %get3A = arith.constant 0 : index
    %get3A_0 = arith.constant 0 : index
    %get3A_1 = vector.load %arg1[%get3A, %get3A_0] : memref<2048x128xf32, #tpu.memory_space<vmem>>, vector<2048x64xf32>
    %get3A_2 = arith.constant 0 : index
    %get3A_3 = arith.constant 0 : index
    %get3A_4 = vector.load %arg2[%get3A_2, %get3A_3] : memref<64x64xf32, #tpu.memory_space<vmem>>, vector<64x64xf32>
    %dot_general3A = arith.constant dense<0.000000e+00> : vector<2048x64xf32>
    %dot_general3A_5 = tpu.matmul %get3A_1, %get3A_4, %dot_general3A {dimension_numbers = #tpu.dot_dimension_numbers<[1], [0], [0], [1], [0, 0, 1, 1], [], []>, transpose_lhs_hint = false} : vector<2048x64xf32>, vector<64x64xf32>, vector<2048x64xf32> -> vector<2048x64xf32>
    %get3A_6 = arith.constant 0 : index
    %get3A_7 = arith.constant 0 : index
    %get3A_8 = vector.load %arg3[%get3A_6, %get3A_7] : memref<1x64xf32, #tpu.memory_space<vmem>>, vector<1x64xf32>
    %add3A = vector.broadcast %get3A_8 : vector<1x64xf32> to vector<2048x64xf32>
    %add3A_9 = arith.addf %dot_general3A_5, %add3A : vector<2048x64xf32>
    %swap3A = arith.constant 0 : index
    %swap3A_10 = arith.constant 0 : index
    %swap3A_11 = vector.load %arg4[%swap3A, %swap3A_10] : memref<2048x64xf32, #tpu.memory_space<vmem>>, vector<2048x64xf32>
    tpu.vector_store %arg4[%swap3A, %swap3A_10], %add3A_9 {strides = array<i32>} : memref<2048x64xf32, #tpu.memory_space<vmem>>, vector<2048x64xf32>,
    return
  }
  func.func @transform_0(%arg0: i32) -> (i32, i32) {
    %c0_i32 = arith.constant 0 : i32
    %c0_i32_0 = arith.constant 0 : i32
    return %arg0, %c0_i32 : i32, i32
  }
  func.func @transform_1(%arg0: i32) -> (i32, i32) {
    %c0_i32 = arith.constant 0 : i32
    %c0_i32_0 = arith.constant 0 : i32
    %c0_i32_1 = arith.constant 0 : i32
    return %c0_i32, %c0_i32_0 : i32, i32
  }
  func.func @transform_2(%arg0: i32) -> (i32, i32) {
    %c0_i32 = arith.constant 0 : i32
    %c0_i32_0 = arith.constant 0 : i32
    %c0_i32_1 = arith.constant 0 : i32
    return %c0_i32, %c0_i32_0 : i32, i32
  }
  func.func @transform_3(%arg0: i32) -> (i32, i32) {
    %c0_i32 = arith.constant 0 : i32
    %c0_i32_0 = arith.constant 0 : i32
    return %arg0, %c0_i32 : i32, i32
  }
}

</mosaic_0001>

<sc_bundles>
// kernel: kernel.4.cloned.1.call-start
scs
__scs_entry_jumppad:
0x0: {  	(pc) =	sbr.rel $0x88, $3  }
0x1: {  	(tag) =	ssettag $0x0;
	lr =	simm.s32 $0x1  }
0x2: {  	[smem:$0x3F9D] =	sst lr;
	_ =	strace $0xD0000000  }
0x3: {  	_ = 	snop  }
0x4: {  	_ = 	snop  }
0x5: {  	_ = 	snop  }
0x6: {  	_ = 	snop  }
0x7: {  	_ = 	snop  }
__scs_overlays_trampoline_lowered:
0x8: {  	[smem:$0x3FAC] =	sst s0  }
0x9: {  	[smem:$0x3FAD] =	sst s1  }
0xa: {  	[smem:$0x3FAE] =	sst s2  }
0xb: {  	[smem:$0x3FAF] =	sst s3  }
0xc: {  	[smem:$0x3FB0] =	sst s4  }
0xd: {  	[smem:$0x3FB1] =	sst s5  }
0xe: {  	[smem:$0x3FB2] =	sst s6  }
0xf: {  	[smem:$0x3FB3] =	sst s7  }
0x10: {  	[smem:$0x3FB4] =	sst s8  }
0x11: {  	[smem:$0x3FB5] =	sst s9;
	s0 =	simm.s32 @!p0 $0x0  }
0x12: {  	s1 =	sld [smem:$0x3F9B];
	s0 =	simm.s32 @p0 $0x1  }
0x13: {  	[smem:$0x3FB6] =	sst s0;
	s0 =	simm.s32 @!p1 $0x0  }
0x14: {  	s2 =	sld [smem:$0x3F9A];
	s0 =	simm.s32 @p1 $0x1  }
0x15: {  	[smem:$0x3FB7] =	sst s0;
	s0 =	simm.s32 @!p2 $0x0  }
0x16: {  	s3 =	sld [smem:$0x3FDB];
	s0 =	simm.s32 @p2 $0x1  }
0x17: {  	s4 =	simm.s32 $0x1BF5;
	[smem:$0x3FB9] =	sst s0  }
0x18: {  	s0 =	sld [smem:$0x3F9C];
	_ =	swait.ge [sflag:s4], $0x0  }
0x19: {  	s7 =	sld [smem:$0x3F9D]  }
0x1a: {  	s8 =	sadd.s32 $0xFFFFE003, lr  }
0x1b: {  	s9 =	sadd.s32 $0xFFFFFEF7, lr;
	s5 =	simm.s32 $0xFFFFFFFF;
	p2 =	slt.u32 s8, $0xFFFFF086  }
0x1c: {  	p1 =	slt.u32 s9, $0xF7A;
	s5 =	simm.s32 @!p2 $0x0  }
0x1d: {  	s5 =	simm.s32 @p1 $0x1;
	p0 =	seq.s32 s7, s2  }
0x1e: {  	s7 =	smul.u32 @!p0 $0xF7A, s2;
	p2 =	seq.s32 @!p0 s5, $0x0  }
0x1f: {  	s9 =	smul.u32 $0xF7A, s1;
	s8 =	simm.s32 @!p0 $0x1BF5;
	p2 =	por !p2, p0  }
0x20: {  	[sflag:s8] =	ssyncset.s32 @!p0 $0xFFFFF086;
	s6 =	sadd.s32 @!p0 s3, s7;
	s7 =	simm.s32 @!p0 $0x108  }
0x21: {  	s3 =	sadd.s32 s3, s9;
	s6 =	sadd.s32 @!p0 $0x88, s6;
	s7 =	simm.s32 @p2 $0x1082  }
0x22: {  	[simem:s7], [sflag:s8] =	dma.local @!p0 [hbm:s6], $0xF7A  }
0x23: {  	s9 =	sor.u32 $0xD0000000, s2;
	s6 =	simm.s32 $0x108;
	_ =	swait.ge @!p0 [sflag:s8], $0x0  }
0x24: {  	s3 =	sadd.s32 $0x88, s3;
	s6 =	simm.s32 @!p1 $0x1082;
	[sflag:s4] =	ssyncset.s32 $0xFFFFF086  }
0x25: {  	[simem:s6], [sflag:s4] =	dma.local [hbm:s3], $0xF7A  }
0x26: {  	[smem:$0x3F9D] =	sst s1;
	(tag) =	ssettag s2;
	_ =	strace s9  }
0x27: {  	s1 =	sld [smem:$0x3FAD]  }
0x28: {  	s2 =	sld [smem:$0x3FAE]  }
0x29: {  	s4 =	sld [smem:$0x3FB0]  }
0x2a: {  	p0 =	seq.s32 s5, $0x0;
	s5 =	sld [smem:$0x3FB1]  }
0x2b: {  	s6 =	sld [smem:$0x3FB2]  }
0x2c: {  	s7 =	sld [smem:$0x3FB3]  }
0x2d: {  	s3 =	simm.s32 $0x108;
	s8 =	sld [smem:$0x3FB4]  }
0x2e: {  	s3 =	simm.s32 @!p0 $0x1082;
	s9 =	sld [smem:$0x3FB5]  }
0x2f: {  	lr =	sadd.s32 s0, s3;
	s0 =	sld [smem:$0x3FAC]  }
0x30: {  	s3 =	sld [smem:$0x3FAF]  }
0x31: {  	[smem:$0x3FB8] =	sst s10  }
0x32: {  	s10 =	sld [smem:$0x3FB6];
	_ =	sdelay $0x3  }
0x33: {  	p0 =	seq.s32 s10, $0x1;
	s10 =	sld [smem:$0x3FB8];
	_ =	sdelay $0x3  }
0x34: {  	[smem:$0x3FB8] =	sst s10  }
0x35: {  	s10 =	sld [smem:$0x3FB7];
	_ =	sdelay $0x3  }
0x36: {  	p1 =	seq.s32 s10, $0x1;
	s10 =	sld [smem:$0x3FB8];
	_ =	sdelay $0x3  }
0x37: {  	[smem:$0x3FB8] =	sst s10  }
0x38: {  	s10 =	sld [smem:$0x3FB9]  }
0x39: {  	_ = 	snop;
	(pc) =	sbr.ind lr, $3  }
0x3a: {  	_ = 	snop  }
0x3b: {  	_ = 	snop  }
0x3c: {  	p2 =	seq.s32 s10, $0x1;
	s10 =	sld [smem:$0x3FB8]  }
0x3d: {  	_ =	shalt  }
0x3e: {  	_ =	shalt  }
0x3f: {  	_ =	shalt  }
0x40: {  	_ =	shalt  }
0x41: {  	_ =	shalt  }
0x42: {  	_ =	shalt  }
0x43: {  	_ =	shalt  }
0x44: {  	_ =	shalt  }
0x45: {  	_ =	shalt  }
0x46: {  	_ =	shalt  }
0x47: {  	_ =	shalt  }
0x48: {  	_ =	shalt  }
0x49: {  	_ =	shalt  }
0x4a: {  	_ =	shalt  }
0x4b: {  	_ =	shalt  }
0x4c: {  	_ =	shalt  }
0x4d: {  	_ =	shalt  }
0x4e: {  	_ =	shalt  }
0x4f: {  	_ =	shalt  }
0x50: {  	_ =	shalt  }
0x51: {  	_ =	shalt  }
0x52: {  	_ =	shalt  }
0x53: {  	_ =	shalt  }
0x54: {  	_ =	shalt  }
0x55: {  	_ =	shalt  }
0x56: {  	_ =	shalt  }
0x57: {  	_ =	shalt  }
0x58: {  	_ =	shalt  }
0x59: {  	_ =	shalt  }
0x5a: {  	_ =	shalt  }
0x5b: {  	_ =	shalt  }
0x5c: {  	_ =	shalt  }
0x5d: {  	_ =	shalt  }
0x5e: {  	_ =	shalt  }
0x5f: {  	_ =	shalt  }
0x60: {  	_ =	shalt  }
0x61: {  	_ =	shalt  }
0x62: {  	_ =	shalt  }
0x63: {  	_ =	shalt  }
0x64: {  	_ =	shalt  }
0x65: {  	_ =	shalt  }
0x66: {  	_ =	shalt  }
0x67: {  	_ =	shalt  }
0x68: {  	_ =	shalt  }
0x69: {  	_ =	shalt  }
0x6a: {  	_ =	shalt  }
0x6b: {  	_ =	shalt  }
0x6c: {  	_ =	shalt  }
0x6d: {  	_ =	shalt  }
0x6e: {  	_ =	shalt  }
0x6f: {  	_ =	shalt  }
0x70: {  	_ =	shalt  }
0x71: {  	_ =	shalt  }
0x72: {  	_ =	shalt  }
0x73: {  	_ =	shalt  }
0x74: {  	_ =	shalt  }
0x75: {  	_ =	shalt  }
0x76: {  	_ =	shalt  }
0x77: {  	_ =	shalt  }
0x78: {  	_ =	shalt  }
0x79: {  	_ =	shalt  }
0x7a: {  	_ =	shalt  }
0x7b: {  	_ =	shalt  }
0x7c: {  	_ =	shalt  }
0x7d: {  	_ =	shalt  }
0x7e: {  	_ =	shalt  }
0x7f: {  	_ =	shalt  }
0x80: {  	_ =	shalt  }
0x81: {  	_ =	shalt  }
0x82: {  	_ =	shalt  }
0x83: {  	_ =	shalt  }
0x84: {  	_ =	shalt  }
0x85: {  	_ =	shalt  }
0x86: {  	_ =	shalt  }
0x87: {  	_ =	shalt  }
.Lfunc_end0:
.L_simem_size_0:
called_computation_lowered:
.L_overlay_start_0:
0x88: {  	s2 =	sld [smem:$0x3FD9]  }
0x89: {  	s3 =	sld [smem:$0x3FFE];
	_ =	sdelay $0x1  }
0x8a: {  	s1 =	srdreg.scid  }
0x8b: {  	s0 =	sand.u32 $0x1, s1  }
0x8c: {  	s17 =	sshll.u32 s0, $0xA;
	s2 =	sadd.s32 s3, s2  }
0x8d: {  	s2 =	sadd.s32 s2, s17  }
0x8e: {  	[smem:$0x3FC4] =	sst s2  }
0x8f: {  	_ = 	snop  }
0x90: {  	s2 =	sld [smem:$0x3FC9]  }
0x91: {  	s18 =	sld [smem:$0x3FC8];
	(tm) =	ssettm $0x1  }
0x92: {  	s4 =	sld [smem:$0x3FFB];
	_ =	sdelay $0x3  }
0x93: {  	_ =	strace s4  }
0x94: {  	s4 =	sld [smem:$0x3FFC];
	_ =	sdelay $0x3  }
0x95: {  	_ =	strace s4  }
0x96: {  	s4 =	sld [smem:$0x3FFD];
	_ =	sdelay $0x3  }
0x97: {  	_ =	strace s4  }
0x98: {  	_ =	strace $0x8FFFFFFF  }
0x99: {  	s19 =	sld [smem:$0x3FDB];
	_ =	sdelay $0x1  }
0x9a: {  	s5 =	simm.s32 $_scs_section_size  }
0x9b: {  	s6 =	simm.s32 $_size__tile_overlayer_lowered;
	s7 =	simm.s32 $_tile_overlayer_lowered  }
0x9c: {  	s22 =	simm.s32 $0x1BFF;
	s21 =	sshll.u32 s7, $0x1;
	s4 =	sadd.s32 s5, s19  }
0x9d: {  	s8 =	simm.s32 $0x0;
	s20 =	sshll.u32 s6, $0x1;
	s6 =	sadd.s32 s21, s4  }
0x9e: {  	[timem:s8], [sflag:s22] =	dma.local [hbm:s6], s20  }
0x9f: {  	_ =	swait.ge [sflag:s22], s20  }
0xa0: {  	s5 =	ssub.s32 $0x0, s20;
	[sflag:s22] =	ssyncset.done $0x0  }
0xa1: {  	[sflag:s22] =	ssyncadd.s32 s5;
	_ =	sdelay $0x1  }
0xa2: {  	s23 =	simm.s32 $0x1B8B  }
0xa3: {  	_ =	swait.ge [sflag:s23], $0x1  }
0xa4: {  	[sflag:s23] =	ssyncset.done $0x0  }
0xa5: {  	s25 =	simm.s32 $0x1B8E;
	s24 =	sld [smem:$0x3FFE];
	[sflag:s23] =	ssyncadd.s32 $0xFFFFFFFF  }
0xa6: {  	s26 =	simm.s32 $execute0_lowered;
	[smem:$0x3FD2] =	sst s25  }
0xa7: {  	s6 =	sshll.u32 s26, $0x1;
	_ =	strace $0x80000046;
	[dreg:$0x1] =	wrdreg $0xFFFFFFFF  }
0xa8: {  	s28 =	simm.s32 $_size_execute0_lowered;
	s4 =	sadd.s32 s4, s6;
	[dreg:$0x0] =	wrdreg $0x0  }
0xa9: {  	s6 =	sshll.u32 s28, $0x1;
	[dreg:$0x2] =	wrdreg s4  }
0xaa: {  	[dreg:$0x3] =	wrdreg s6  }
0xab: {  	[dreg:$0x4] =	wrdreg $0xC0  }
0xac: {  	_ =	task [dreg:s8], $0x5FFFF  }
0xad: {  	[dreg:$0x1] =	wrdreg $0xFFFFFFFF  }
0xae: {  	[dreg:$0x0] =	wrdreg $0x60  }
0xaf: {  	[dreg:$0x2] =	wrdreg s2  }
0xb0: {  	[dreg:$0x3] =	wrdreg s18  }
0xb1: {  	[dreg:$0x4] =	wrdreg s24  }
0xb2: {  	[dreg:$0x5] =	wrdreg $0x9  }
0xb3: {  	_ =	task.clear_ibuf [dreg:s8], $0x6FFFF;
	_ =	strace $0x90000046  }
0xb4: {  	s29 =	simm.s32 $0x9;
	_ =	strace $0x80000048  }
0xb5: {  	_ =	swait.ge [sflag:s29], $0x1  }
0xb6: {  	[sflag:s29] =	ssyncadd.s32 $0xFFFFFFFF  }
0xb7: {  	_ =	strace $0x90000048  }
0xb8: {  	_ =	sfence  }
0xb9: {  	s30 =	sld [smem:$0x0];
	_ =	sdelay $0x2  }
0xba: {  	s31 =	sshll.u32 s1, $0xD;
	s1 =	sshrl.u32 s1, $0x2  }
0xbb: {  	s3 =	sand.u32 $0x4000, s31;
	s1 =	sadd.s32 s1, s30  }
0xbc: {  	s0 =	sor.u32 s3, s0;
	s1 =	sshll.u32 s1, $0x11  }
0xbd: {  	s0 =	sor.u32 s1, s0  }
0xbe: {  	s0 =	sadd.s32 $0x8F2B, s0  }
0xbf: {  	[sflag:s0] =	ssyncadd.remote.s32 $0x1  }
0xc0: {  	_ =	sfence.sel $0xFFFF  }
0xc1: {  	[dreg:$0x0] =	wrdreg $0xFFFFFFFF;
	(pc) =	sbr.abs _section_cstart, $3  }
0xc2: {  	[dreg:$0x1] =	wrdreg $0xFFFFFFFF  }
0xc3: {  	_ =	task.clear_ibuf [dreg:s8], $0x2FFFF;
	_ =	strace $0x9FFFFFFF  }
0xc4: {  	(tm) =	ssettm $0x7FFFFFFF  }
0xc5: {  	_ =	shalt  }
tec
execute0_lowered:
.L_overlay_start_1:
0x0: {  	(tag) =	ssettag $0x1  }
0x1: {  	v2 =	vlaneseq.u32;
	v3 =	vimm.s32 $0x0;
	v26 =	vimm.s32 $0x1B80  }
0x2: {  	vm13 =	vcmask $0x300;
	vm14 =	vcmask $0x704;
	vm12 =	vcmask $0xB08  }
0x3: {  	vm11 =	vcmask $0xF0C;
	vm10 =	vcmask $0x1310;
	vm9 =	vcmask $0x1714  }
0x4: {  	vm8 =	vcmask $0x1B18;
	vm7 =	vcmask $0x1F1C;
	vm6 =	vcmask $0x2320  }
0x5: {  	vm5 =	vcmask $0x2724;
	vm4 =	vcmask $0x2B28;
	vm3 =	vcmask $0x2F2C  }
0x6: {  	vm2 =	vcmask $0x3330;
	vm0 =	vcmask $0x3734;
	vm1 =	vcmask $0x3B38  }
0x7: {  	v42 =	vimm.s32 $0x4B80;
	v43 =	vimm.s32 $0x7B80;
	v44 =	vimm.s32 $0xAB80  }
0x8: {  	v4 =	vor.u32 $0x270, v2;
	v5 =	vor.u32 $0x260, v2;
	v6 =	vor.u32 $0x250, v2  }
0x9: {  	v7 =	vor.u32 $0x240, v2;
	v8 =	vor.u32 $0x230, v2;
	v9 =	vor.u32 $0x220, v2  }
0xa: {  	v10 =	vor.u32 $0x210, v2;
	v11 =	vor.u32 $0x200, v2;
	v12 =	vor.u32 $0x1F0, v2  }
0xb: {  	v13 =	vor.u32 $0x1E0, v2;
	v14 =	vor.u32 $0x1D0, v2;
	v15 =	vor.u32 $0x1C0, v2  }
0xc: {  	v16 =	vor.u32 $0x1B0, v2;
	v17 =	vor.u32 $0x1A0, v2;
	v18 =	vor.u32 $0x190, v2  }
0xd: {  	v19 =	vor.u32 $0x180, v2;
	v20 =	vor.u32 $0x170, v2;
	v21 =	vor.u32 $0x160, v2  }
0xe: {  	v22 =	vor.u32 $0x150, v2;
	v23 =	vor.u32 $0x140, v2;
	v24 =	vor.u32 $0x130, v2  }
0xf: {  	v25 =	vor.u32 $0x120, v2;
	v27 =	vsel vm13, $0x0, v26;
	v26 =	vor.u32 $0x110, v2  }
0x10: {  	v40 =	vor.u32 $0x30, v2;
	v42 =	vsel vm13, $0x3000, v42;
	v43 =	vsel vm13, $0x6000, v43  }
0x11: {  	s1 =	srdreg.scid;
	s0 =	stileid.u32;
	v44 =	vsel vm13, $0x9000, v44;
	v28 =	vsel vm14, $0x80, v27;
	v27 =	vor.u32 $0x100, v2  }
0x12: {  	s6 =	sand.u32 $0x1, s1;
	s30 =	sshll.u32 s0, $0x1;
	v42 =	vsel vm14, $0x3080, v42;
	v43 =	vsel vm14, $0x6080, v43;
	v44 =	vsel vm14, $0x9080, v44  }
0x13: {  	s1 =	sor.u32 s6, s30;
	v29 =	vsel vm12, $0x100, v28;
	v28 =	vor.u32 $0xF0, v2;
	v42 =	vsel vm12, $0x3100, v42  }
0x14: {  	s1 =	smul.u32 $0xFC, s1;
	v43 =	vsel vm12, $0x6100, v43;
	v44 =	vsel vm12, $0x9100, v44;
	v30 =	vsel vm11, $0x180, v29  }
0x15: {  	v29 =	vor.u32 $0xE0, v2;
	v42 =	vsel vm11, $0x3180, v42;
	v43 =	vsel vm11, $0x6180, v43  }
0x16: {  	v44 =	vsel vm11, $0x9180, v44;
	v0 =	vmov s1;
	v31 =	vsel vm10, $0x200, v30  }
0x17: {  	s2 =	sadd.s32 $0xFC, s1;
	v30 =	vor.u32 $0xD0, v2;
	v42 =	vsel vm10, $0x3200, v42;
	v43 =	vsel vm10, $0x6200, v43  }
0x18: {  	v44 =	vsel vm10, $0x9200, v44;
	v1 =	vmov s2;
	v32 =	vsel vm9, $0x280, v31  }
0x19: {  	v31 =	vor.u32 $0xC0, v2;
	v42 =	vsel vm9, $0x3280, v42;
	v43 =	vsel vm9, $0x6280, v43  }
0x1a: {  	v44 =	vsel vm9, $0x9280, v44;
	v33 =	vsel vm8, $0x300, v32;
	v32 =	vor.u32 $0xB0, v2  }
0x1b: {  	v42 =	vsel vm8, $0x3300, v42;
	v43 =	vsel vm8, $0x6300, v43;
	v44 =	vsel vm8, $0x9300, v44  }
0x1c: {  	v34 =	vsel vm7, $0x380, v33;
	v33 =	vor.u32 $0xA0, v2;
	v42 =	vsel vm7, $0x3380, v42  }
0x1d: {  	v43 =	vsel vm7, $0x6380, v43;
	v44 =	vsel vm7, $0x9380, v44;
	v35 =	vsel vm6, $0x1800, v34  }
0x1e: {  	s3 =	rddreg [dreg:$0x1];
	v34 =	vor.u32 $0x90, v2;
	v42 =	vsel vm6, $0x4800, v42;
	v43 =	vsel vm6, $0x7800, v43  }
0x1f: {  	s7 =	rddreg [dreg:$0x2];
	s11 =	simm.s32 $0x1800;
	v44 =	vsel vm6, $0xA800, v44;
	v36 =	vsel vm5, $0x1880, v35;
	v35 =	vor.u32 $0x80, v2  }
0x20: {  	s5 =	simm.s32 $0x0;
	s12 =	simm.s32 $0x7A1400;
	s13 =	simm.s32 $0x4E00;
	v42 =	vsel vm5, $0x4880, v42;
	v43 =	vsel vm5, $0x7880, v43;
	v44 =	vsel vm5, $0xA880, v44  }
0x21: {  	s14 =	simm.s32 $0x4;
	s15 =	simm.s32 $0x4000;
	s16 =	simm.s32 $0x4280;
	v37 =	vsel vm4, $0x1900, v36;
	v36 =	vor.u32 $0x70, v2;
	v42 =	vsel vm4, $0x4900, v42  }
0x22: {  	s17 =	simm.s32 $0x10E00;
	s18 =	simm.s32 $0x1;
	s19 =	simm.s32 $0x4500;
	v43 =	vsel vm4, $0x7900, v43;
	v44 =	vsel vm4, $0xA900, v44;
	v38 =	vsel vm3, $0x1980, v37  }
0x23: {  	s20 =	simm.s32 $0x4580;
	s21 =	simm.s32 $0x2;
	s22 =	simm.s32 $0x3;
	v37 =	vor.u32 $0x60, v2;
	v42 =	vsel vm3, $0x4980, v42;
	v43 =	vsel vm3, $0x7980, v43  }
.Ltmp0:
0x24: {  	s23 =	simm.s32 $0x0;
	s8 =	ssub.s32 $0x2, s6;
	v44 =	vsel vm3, $0xA980, v44;
	v39 =	vsel vm2, $0x1A00, v38;
	v38 =	vor.u32 $0x50, v2;
	(pc) =	sbr.rel .LBB2_1-.Ltmp0, $4  }
0x25: {  	[smem:$0x7FF] =	sst s5;
	s6 =	sadd.s32 $0xA00, s7;
	s31 =	sshrl.u32 s8, $0x1;
	v42 =	vsel vm2, $0x4A00, v42;
	v43 =	vsel vm2, $0x7A00, v43;
	v44 =	vsel vm2, $0xAA00, v44  }
0x26: {  	s10 =	ssub.s32 s8, s31;
	s9 =	smin.u32 s1, $0x1E7F;
	s8 =	sadd.s32 $0xC, s1;
	v41 =	vsel vm0, $0x1A80, v39;
	v39 =	vor.u32 $0x40, v2;
	v42 =	vsel vm0, $0x4A80, v42  }
0x27: {  	s2 =	rddreg [dreg:$0x0];
	_ =	strace $0x80000047;
	s9 =	sshll.u32 s9, $0x7;
	v43 =	vsel vm0, $0x7A80, v43;
	v44 =	vsel vm0, $0xAA80, v44;
	v41 =	vsel vm1, $0x1B00, v41  }
0x28: {  	s7 =	sadd.s32 s3, s9;
	s9 =	smax.u32 s10, $0x1;
	s10 =	sadd.s32 $0x6, s1;
	v42 =	vsel vm1, $0x4B00, v42;
	v43 =	vsel vm1, $0x7B00, v43;
	v44 =	vsel vm1, $0xAB00, v44  }
.LBB2_19:
0x29: {  	[sflag:s22] =	ssyncadd.s32 $0xFFFFFF80  }
.LBB2_20:
0x2a: {  	s23 =	sadd.s32 $0x1, s23  }
0x2b: {  	p0 =	sne.s32 s23, s9  }
.Ltmp1:
0x2c: {  	_ = 	snop;
	(pc) =	sbr.rel @!p0 .LBB2_21-.Ltmp1, $1  }
0x2d: {  	_ =	sdelay $0x3  }
.LBB2_1:
0x2e: {  	[tilespmem:s13], [sflag:$0x1] =	stream.strided.gather [hbm4b:s7+s11], $0xC000, s12, s11, $0x38;
	[tilespmem:$0x1CE00] =	vst v63  }
0x2f: {  	_ = 	snop  }
0x30: {  	[tilespmem:s5], [sflag:$0x4] =	stream.linear.gather [hbm4b:s2+s5], $0x4000, $0x38;
	[tilespmem:$0x1CE00] =	vst v63  }
0x31: {  	_ =	swait.ge [sflag:s14], $0x4000  }
0x32: {  	s25 =	simm.s32 $0xFFFFFFFC;
	[sflag:s14] =	ssyncset.done $0x0  }
0x33: {  	s26 =	simm.s32 $0x20;
	s28 =	simm.s32 $0x0;
	v45 =	vimm.s32 $0x0;
	[sflag:s14] =	ssyncadd.s32 $0xFFFFC000  }
.LBB2_2:
0x34: {  	v46 =	vld [tilespmem:s26+$0xFFFFFFE0];
	_ =	sdelay $0x4  }
0x35: {  	v47 =	vshrl.u32 v46, $0x7  }
0x36: {  	vm0 =	vge.u32 v47, v0;
	vm1 =	vlt.u32 v47, v1  }
0x37: {  	vm0 =	vmand vm0, vm1  }
0x38: {  	v55 =	vsel vm0, $0x1, v3  }
0x39: {  	(xrf0) =	vadd.scan.msk.s32 $0xffff, v55;
	_ =	sdelay $0x4  }
0x3a: {  	v56 =	vsel vm0, $0xFFFFFFFF, v3  }
0x3b: {  	v47 =	vadd.s32 v56, v45;
	v48, _, _ =	vpop (xrf0)  }
0x3c: {  	v47 =	vadd.s32 v48, v47  }
0x3d: {  	vm7 =	vlt.s32 v47, $0x280  }
0x3e: {  	vm1 =	vmand vm0, vm7;
	_ =	sdelay $0x5  }
0x3f: {  	v57 =	vor.u32 s28, v2;
	[tilespmem:v47+s15+$0x0] =	vst.idx.msk vm1, v46  }
0x40: {  	[tilespmem:v47+s16+$0x0] =	vst.idx.msk vm1, v57  }
0x41: {  	v46 =	vld [tilespmem:s26+$0xFFFFFFF0];
	_ =	sdelay $0x4  }
0x42: {  	v58 =	vshrl.u32 v46, $0x7  }
0x43: {  	vm8 =	vge.u32 v58, v0;
	vm2 =	vlt.u32 v58, v1  }
0x44: {  	vm1 =	vmand vm8, vm2  }
0x45: {  	v59 =	vsel vm1, $0x1, v3  }
0x46: {  	(xrf0) =	vadd.scan.msk.s32 $0xffff, v59;
	_ =	sdelay $0x2  }
0x47: {  	v60 =	vmpcnt.ones.xlane vm0;
	_ =	sdelay $0x1  }
0x48: {  	v61 =	vadd.s32 v45, v60;
	v62 =	vsel vm1, $0xFFFFFFFF, v3  }
0x49: {  	v47 =	vadd.s32 v62, v61;
	v63, _, _ =	vpop (xrf0)  }
0x4a: {  	v47 =	vadd.s32 v63, v47  }
0x4b: {  	vm9 =	vlt.s32 v47, $0x280  }
0x4c: {  	vm0 =	vmand vm1, vm9;
	_ =	sdelay $0x4  }
0x4d: {  	s24 =	sadd.s32 $0x10, s28  }
0x4e: {  	v50 =	vor.u32 s24, v2;
	[tilespmem:v47+s15+$0x0] =	vst.idx.msk vm0, v46  }
0x4f: {  	[tilespmem:v47+s16+$0x0] =	vst.idx.msk vm0, v50  }
0x50: {  	v46 =	vld [tilespmem:s26+$0x0];
	_ =	sdelay $0x4  }
0x51: {  	v51 =	vshrl.u32 v46, $0x7  }
0x52: {  	vm10 =	vge.u32 v51, v0;
	vm11 =	vlt.u32 v51, v1  }
0x53: {  	vm0 =	vmand vm10, vm11  }
0x54: {  	v52 =	vsel vm0, $0x1, v3  }
0x55: {  	(xrf0) =	vadd.scan.msk.s32 $0xffff, v52;
	_ =	sdelay $0x2  }
0x56: {  	v53 =	vmpcnt.ones.xlane vm1;
	_ =	sdelay $0x1  }
0x57: {  	v45 =	vadd.s32 v61, v53;
	v54 =	vsel vm0, $0xFFFFFFFF, v3  }
0x58: {  	v47 =	vadd.s32 v54, v45;
	v55, _, _ =	vpop (xrf0)  }
0x59: {  	v47 =	vadd.s32 v55, v47  }
0x5a: {  	vm12 =	vlt.s32 v47, $0x280  }
0x5b: {  	vm1 =	vmand vm0, vm12;
	_ =	sdelay $0x4  }
0x5c: {  	s30 =	sadd.s32 $0x20, s28  }
0x5d: {  	v56 =	vor.u32 s30, v2;
	[tilespmem:v47+s15+$0x0] =	vst.idx.msk vm1, v46  }
0x5e: {  	[tilespmem:v47+s16+$0x0] =	vst.idx.msk vm1, v56  }
0x5f: {  	v46 =	vld [tilespmem:s26+$0x10];
	_ =	sdelay $0x4  }
0x60: {  	v57 =	vshrl.u32 v46, $0x7  }
0x61: {  	vm13 =	vge.u32 v57, v0;
	vm14 =	vlt.u32 v57, v1  }
0x62: {  	vm1 =	vmand vm13, vm14  }
0x63: {  	v58 =	vsel vm1, $0x1, v3  }
0x64: {  	(xrf0) =	vadd.scan.msk.s32 $0xffff, v58;
	_ =	sdelay $0x2  }
0x65: {  	v59 =	vmpcnt.ones.xlane vm0;
	_ =	sdelay $0x1  }
0x66: {  	v45 =	vadd.s32 v45, v59;
	v60 =	vsel vm1, $0xFFFFFFFF, v3  }
0x67: {  	v47 =	vadd.s32 v60, v45;
	v61, _, _ =	vpop (xrf0)  }
0x68: {  	v47 =	vadd.s32 v61, v47  }
0x69: {  	vm15 =	vlt.s32 v47, $0x280  }
0x6a: {  	vm0 =	vmand vm1, vm15  }
0x6b: {  	s25 =	sadd.s32 $0x4, s25  }
0x6c: {  	p0 =	slt.u32 s25, $0x3FC  }
.Ltmp2:
0x6d: {  	_ = 	snop;
	(pc) =	sbr.rel @p0 .LBB2_2-.Ltmp2, $4  }
0x6e: {  	_ = 	snop  }
0x6f: {  	s31 =	sadd.s32 $0x30, s28;
	v62 =	vmpcnt.ones.xlane vm1  }
0x70: {  	v63 =	vor.u32 s31, v2;
	[tilespmem:v47+s15+$0x0] =	vst.idx.msk vm0, v46  }
0x71: {  	s28 =	sadd.s32 $0x40, s28;
	s24 =	simm.s32 $0x0;
	s26 =	sadd.s32 $0x40, s26;
	v45 =	vadd.s32 v45, v62;
	v46 =	vimm.s32 $0x0;
	[tilespmem:v47+s16+$0x0] =	vst.idx.msk vm0, v63  }
.Ltmp3:
0x72: {  	_ = 	snop;
	(pc) =	sbr.rel .LBB2_3-.Ltmp3, $1  }
0x73: {  	_ =	sdelay $0x3  }
.LBB2_11:
0x74: {  	_ = 	snop  }
.LBB2_14:
0x75: {  	_ =	sdelay $0x2  }
0x76: {  	[hbm4b:s29+s5] =	stream.linear.scatter @p0 [tilespmem:s28], [sflag:$0x3], $0x80, $0x38;
	[tilespmem:$0x1CE00] =	vst v63  }
0x77: {  	v49 =	vld.idx.msk [tilespmem:v48+s19+$0x0], $0xffff;
	_ =	sdelay $0x4  }
0x78: {  	v47 =	vsub.s32 v49, v47  }
0x79: {  	v47 =	vshll.u32 v47, $0x3  }
0x7a: {  	v49 =	vand.u32 $0x7F, v49;
	v47 =	vand.u32 $0xFFFFFC00, v47  }
0x7b: {  	s4 =	spop (v2sf);
	v47 =	vor.u32 v49, v47  }
0x7c: {  	p0 =	slt.s32 s4, $0x10;
	v49 =	vadd.s32 v41, v47  }
0x7d: {  	s25 =	simm.s32 @!p0 $0x3  }
0x7e: {  	v61 =	vld.idx.msk [tilespmem:v48+s20+$0x0], $0xffff;
	_ =	swait.ge @!p0 [sflag:s25], $0x80  }
0x7f: {  	[sflag:s25] =	ssyncset.done @!p0 $0x0  }
0x80: {  	[sflag:s25] =	ssyncadd.s32 @!p0 $0xFFFFFF80  }
0x81: {  	v49 =	vld.idx.msk [tilespmem:v49+s17+$0x0], $0xffff  }
0x82: {  	v50 =	vadd.s32 v42, v47;
	_ =	sdelay $0x1  }
0x83: {  	s4 =	sshll.u32 s4, $0x7  }
0x84: {  	s4 =	sand.u32 $0x780, s4  }
0x85: {  	(v2sf) =	vpush v61, $0x0;
	[tilespmem:s4+$0x4600] =	vst v49  }
0x86: {  	v62 =	vld.idx.msk [tilespmem:v50+s17+$0x0], $0xffff  }
0x87: {  	v63 =	vadd.s32 v43, v47;
	_ =	sdelay $0x3  }
0x88: {  	[tilespmem:s4+$0x4610] =	vst v62  }
0x89: {  	v48 =	vld.idx.msk [tilespmem:v63+s17+$0x0], $0xffff  }
0x8a: {  	v47 =	vadd.s32 v44, v47;
	_ =	sdelay $0x3  }
0x8b: {  	[tilespmem:s4+$0x4620] =	vst v48  }
0x8c: {  	v47 =	vld.idx.msk [tilespmem:v47+s17+$0x0], $0xffff;
	_ =	sdelay $0x1  }
0x8d: {  	s30 =	spop (v2sf)  }
0x8e: {  	s25 =	sshll.u32 s30, $0x4  }
0x8f: {  	s25 =	sand.u32 $0x1FFFFFF0, s25  }
0x90: {  	s26 =	sadd.s32 $0x4600, s4;
	s31 =	sadd.s32 s6, s25;
	[tilespmem:s4+$0x4630] =	vst v47  }
0x91: {  	v46 =	vadd.s32 $0x1, v46;
	[hbm4b:s31+s5] =	stream.linear.scatter [tilespmem:s26], [sflag:$0x3], $0x80, $0x38;
	[tilespmem:$0x1CE00] =	vst v63  }
.LBB2_15:
0x92: {  	s24 =	sadd.s32 $0x1, s24  }
0x93: {  	p0 =	sne.s32 s24, $0x15  }
.Ltmp4:
0x94: {  	_ = 	snop;
	(pc) =	sbr.rel @!p0 .LBB2_16-.Ltmp4, $1  }
0x95: {  	_ =	sdelay $0x3  }
.LBB2_3:
0x96: {  	s28 =	smul.u32 $0xC, s24;
	_ =	sdelay $0x1  }
0x97: {  	s26 =	sadd.s32 s10, s28  }
0x98: {  	p0 =	slt.s32 s26, $0x1E7F;
	s25 =	smov.u32 s26  }
0x99: {  	s25 =	simm.s32 @!p0 $0x1E7F  }
0x9a: {  	s29 =	sshll.u32 s25, $0x7  }
0x9b: {  	s29 =	sadd.s32 s3, s29  }
0x9c: {  	[tilespmem:s17], [sflag:$0x2] =	stream.strided.gather [hbm4b:s29+s11], $0xC000, s12, s11, $0x38;
	[tilespmem:$0x1CE00] =	vst v63  }
0x9d: {  	_ =	swait.ge [sflag:s18], $0xC000  }
0x9e: {  	[sflag:s18] =	ssyncset.done $0x0  }
0x9f: {  	[sflag:s18] =	ssyncadd.s32 $0xFFFF4000  }
0xa0: {  	v47 =	vld [tilespmem:$0x4000];
	_ =	sdelay $0x3  }
0xa1: {  	s28 =	sadd.s32 s1, s28  }
0xa2: {  	s29 =	sadd.s32 $0x6, s28;
	v48 =	vshrl.u32 v47, $0x7  }
0xa3: {  	vm0 =	vge.u32 v48, s28;
	vm1 =	vlt.u32 v48, s29  }
0xa4: {  	vm10 =	vgt.s32 v45, v2;
	vm0 =	vmand vm0, vm1  }
0xa5: {  	vm0 =	vmand vm10, vm0  }
0xa6: {  	v56 =	vsel vm0, $0x1, v3  }
0xa7: {  	(xrf0) =	vadd.scan.msk.s32 $0xffff, v56;
	_ =	sdelay $0x5  }
0xa8: {  	v49, _, _ =	vpop (xrf0)  }
0xa9: {  	v48 =	vsub.s32 v49, v56  }
0xaa: {  	vm1 =	vlt.s32 v48, $0x40  }
0xab: {  	vm1 =	vmand vm0, vm1;
	_ =	sdelay $0x5  }
0xac: {  	[tilespmem:v48+s19+$0x0] =	vst.idx.msk vm1, v47  }
0xad: {  	v47 =	vld [tilespmem:$0x4280];
	_ =	sdelay $0x4  }
0xae: {  	[tilespmem:v48+s20+$0x0] =	vst.idx.msk vm1, v47  }
0xaf: {  	v47 =	vld [tilespmem:$0x4010];
	_ =	sdelay $0x4  }
0xb0: {  	v57 =	vshrl.u32 v47, $0x7  }
0xb1: {  	v58 =	vor.u32 $0x10, v2;
	vm1 =	vge.u32 v57, s28;
	vm2 =	vlt.u32 v57, s29  }
0xb2: {  	vm3 =	vgt.s32 v45, v58;
	vm1 =	vmand vm1, vm2  }
0xb3: {  	vm1 =	vmand vm3, vm1  }
0xb4: {  	v60 =	vsel vm1, $0x1, v3  }
0xb5: {  	(xrf0) =	vadd.scan.msk.s32 $0xffff, v60;
	_ =	sdelay $0x3  }
0xb6: {  	v61 =	vmpcnt.ones.xlane vm0  }
0xb7: {  	v62 =	vsel vm1, $0xFFFFFFFF, v3  }
0xb8: {  	v49 =	vadd.s32 v62, v61;
	v50, _, _ =	vpop (xrf0)  }
0xb9: {  	v49 =	vadd.s32 v50, v49  }
0xba: {  	vm0 =	vlt.s32 v49, $0x40  }
0xbb: {  	vm0 =	vmand vm1, vm0;
	_ =	sdelay $0x5  }
0xbc: {  	[tilespmem:v49+s19+$0x0] =	vst.idx.msk vm0, v47  }
0xbd: {  	v47 =	vld [tilespmem:$0x4290];
	_ =	sdelay $0x4  }
0xbe: {  	[tilespmem:v49+s20+$0x0] =	vst.idx.msk vm0, v47  }
0xbf: {  	v47 =	vld [tilespmem:$0x4020];
	_ =	sdelay $0x4  }
0xc0: {  	v59 =	vimm.s32 $0x0;
	v63 =	vshrl.u32 v47, $0x7  }
0xc1: {  	v52 =	vor.u32 $0x20, v2;
	vm0 =	vge.u32 v63, s28;
	vm2 =	vlt.u32 v63, s29  }
0xc2: {  	v48 =	vsel vm3, $0xFFFFFFFF, v59;
	vm3 =	vgt.s32 v45, v52;
	vm0 =	vmand vm0, vm2  }
0xc3: {  	vm0 =	vmand vm3, vm0  }
0xc4: {  	v54 =	vsel vm0, $0x1, v3  }
0xc5: {  	(xrf0) =	vadd.scan.msk.s32 $0xffff, v54;
	_ =	sdelay $0x2  }
0xc6: {  	v55 =	vmpcnt.ones.xlane vm1  }
0xc7: {  	v53 =	vimm.s32 $0x0  }
0xc8: {  	[tilespmem:$0x1FE60] =	vst v48;
	v48 =	vadd.s32 v61, v55;
	v49 =	vsel vm3, $0xFFFFFFFF, v53;
	v56 =	vsel vm0, $0xFFFFFFFF, v3  }
0xc9: {  	[tilespmem:$0x1FE70] =	vst v49;
	v49 =	vadd.s32 v56, v48;
	v57, _, _ =	vpop (xrf0)  }
0xca: {  	v49 =	vadd.s32 v57, v49  }
0xcb: {  	vm1 =	vlt.s32 v49, $0x40  }
0xcc: {  	vm1 =	vmand vm0, vm1;
	_ =	sdelay $0x5  }
0xcd: {  	[tilespmem:v49+s19+$0x0] =	vst.idx.msk vm1, v47  }
0xce: {  	v47 =	vld [tilespmem:$0x42A0];
	_ =	sdelay $0x4  }
0xcf: {  	[tilespmem:v49+s20+$0x0] =	vst.idx.msk vm1, v47  }
0xd0: {  	v47 =	vld [tilespmem:$0x4030];
	_ =	sdelay $0x4  }
0xd1: {  	v58 =	vshrl.u32 v47, $0x7  }
0xd2: {  	vm1 =	vge.u32 v58, s28;
	vm2 =	vlt.u32 v58, s29  }
0xd3: {  	vm3 =	vgt.s32 v45, v40;
	vm1 =	vmand vm1, vm2  }
0xd4: {  	vm1 =	vmand vm3, vm1  }
0xd5: {  	v60 =	vsel vm1, $0x1, v3  }
0xd6: {  	(xrf0) =	vadd.scan.msk.s32 $0xffff, v60;
	_ =	sdelay $0x2  }
0xd7: {  	v61 =	vmpcnt.ones.xlane vm0  }
0xd8: {  	v59 =	vimm.s32 $0x0  }
0xd9: {  	v48 =	vadd.s32 v48, v61;
	v49 =	vsel vm3, $0xFFFFFFFF, v59;
	v62 =	vsel vm1, $0xFFFFFFFF, v3  }
0xda: {  	[tilespmem:$0x1FE80] =	vst v49;
	v49 =	vadd.s32 v62, v48;
	v63, _, _ =	vpop (xrf0)  }
0xdb: {  	v49 =	vadd.s32 v63, v49  }
0xdc: {  	vm0 =	vlt.s32 v49, $0x40  }
0xdd: {  	vm0 =	vmand vm1, vm0;
	_ =	sdelay $0x5  }
0xde: {  	[tilespmem:v49+s19+$0x0] =	vst.idx.msk vm0, v47  }
0xdf: {  	v47 =	vld [tilespmem:$0x42B0];
	_ =	sdelay $0x4  }
0xe0: {  	[tilespmem:v49+s20+$0x0] =	vst.idx.msk vm0, v47  }
0xe1: {  	v47 =	vld [tilespmem:$0x4040];
	_ =	sdelay $0x4  }
0xe2: {  	v52 =	vshrl.u32 v47, $0x7  }
0xe3: {  	vm0 =	vge.u32 v52, s28;
	vm2 =	vlt.u32 v52, s29  }
0xe4: {  	vm3 =	vgt.s32 v45, v39;
	vm0 =	vmand vm0, vm2  }
0xe5: {  	vm0 =	vmand vm3, vm0  }
0xe6: {  	v54 =	vsel vm0, $0x1, v3  }
0xe7: {  	(xrf0) =	vadd.scan.msk.s32 $0xffff, v54;
	_ =	sdelay $0x2  }
0xe8: {  	v55 =	vmpcnt.ones.xlane vm1  }
0xe9: {  	v53 =	vimm.s32 $0x0  }
0xea: {  	v48 =	vadd.s32 v48, v55;
	v49 =	vsel vm3, $0xFFFFFFFF, v53;
	v56 =	vsel vm0, $0xFFFFFFFF, v3  }
0xeb: {  	[tilespmem:$0x1FE90] =	vst v49;
	v49 =	vadd.s32 v56, v48;
	v57, _, _ =	vpop (xrf0)  }
0xec: {  	v49 =	vadd.s32 v57, v49  }
0xed: {  	vm1 =	vlt.s32 v49, $0x40  }
0xee: {  	vm1 =	vmand vm0, vm1;
	_ =	sdelay $0x5  }
0xef: {  	[tilespmem:v49+s19+$0x0] =	vst.idx.msk vm1, v47  }
0xf0: {  	v47 =	vld [tilespmem:$0x42C0];
	_ =	sdelay $0x4  }
0xf1: {  	[tilespmem:v49+s20+$0x0] =	vst.idx.msk vm1, v47  }
0xf2: {  	v47 =	vld [tilespmem:$0x4050];
	_ =	sdelay $0x4  }
0xf3: {  	v58 =	vshrl.u32 v47, $0x7  }
0xf4: {  	vm1 =	vge.u32 v58, s28;
	vm2 =	vlt.u32 v58, s29  }
0xf5: {  	vm3 =	vgt.s32 v45, v38;
	vm1 =	vmand vm1, vm2  }
0xf6: {  	vm1 =	vmand vm3, vm1  }
0xf7: {  	v60 =	vsel vm1, $0x1, v3  }
0xf8: {  	(xrf0) =	vadd.scan.msk.s32 $0xffff, v60;
	_ =	sdelay $0x2  }
0xf9: {  	v61 =	vmpcnt.ones.xlane vm0  }
0xfa: {  	v59 =	vimm.s32 $0x0  }
0xfb: {  	v48 =	vadd.s32 v48, v61;
	v49 =	vsel vm3, $0xFFFFFFFF, v59;
	v62 =	vsel vm1, $0xFFFFFFFF, v3  }
0xfc: {  	[tilespmem:$0x1FEA0] =	vst v49;
	v49 =	vadd.s32 v62, v48;
	v63, _, _ =	vpop (xrf0)  }
0xfd: {  	v49 =	vadd.s32 v63, v49  }
0xfe: {  	vm0 =	vlt.s32 v49, $0x40  }
0xff: {  	vm0 =	vmand vm1, vm0;
	_ =	sdelay $0x5  }
0x100: {  	[tilespmem:v49+s19+$0x0] =	vst.idx.msk vm0, v47  }
0x101: {  	v47 =	vld [tilespmem:$0x42D0];
	_ =	sdelay $0x4  }
0x102: {  	[tilespmem:v49+s20+$0x0] =	vst.idx.msk vm0, v47  }
0x103: {  	v47 =	vld [tilespmem:$0x4060];
	_ =	sdelay $0x4  }
0x104: {  	v52 =	vshrl.u32 v47, $0x7  }
0x105: {  	vm0 =	vge.u32 v52, s28;
	vm2 =	vlt.u32 v52, s29  }
0x106: {  	vm3 =	vgt.s32 v45, v37;
	vm0 =	vmand vm0, vm2  }
0x107: {  	vm0 =	vmand vm3, vm0  }
0x108: {  	v54 =	vsel vm0, $0x1, v3  }
0x109: {  	(xrf0) =	vadd.scan.msk.s32 $0xffff, v54;
	_ =	sdelay $0x2  }
0x10a: {  	v55 =	vmpcnt.ones.xlane vm1  }
0x10b: {  	v53 =	vimm.s32 $0x0  }
0x10c: {  	v48 =	vadd.s32 v48, v55;
	v49 =	vsel vm3, $0xFFFFFFFF, v53;
	v56 =	vsel vm0, $0xFFFFFFFF, v3  }
0x10d: {  	[tilespmem:$0x1FEB0] =	vst v49;
	v49 =	vadd.s32 v56, v48;
	v57, _, _ =	vpop (xrf0)  }
0x10e: {  	v49 =	vadd.s32 v57, v49  }
0x10f: {  	vm1 =	vlt.s32 v49, $0x40  }
0x110: {  	vm1 =	vmand vm0, vm1;
	_ =	sdelay $0x5  }
0x111: {  	[tilespmem:v49+s19+$0x0] =	vst.idx.msk vm1, v47  }
0x112: {  	v47 =	vld [tilespmem:$0x42E0];
	_ =	sdelay $0x4  }
0x113: {  	[tilespmem:v49+s20+$0x0] =	vst.idx.msk vm1, v47  }
0x114: {  	v47 =	vld [tilespmem:$0x4070];
	_ =	sdelay $0x4  }
0x115: {  	v58 =	vshrl.u32 v47, $0x7  }
0x116: {  	vm1 =	vge.u32 v58, s28;
	vm2 =	vlt.u32 v58, s29  }
0x117: {  	vm3 =	vgt.s32 v45, v36;
	vm1 =	vmand vm1, vm2  }
0x118: {  	vm1 =	vmand vm3, vm1  }
0x119: {  	v60 =	vsel vm1, $0x1, v3  }
0x11a: {  	(xrf0) =	vadd.scan.msk.s32 $0xffff, v60;
	_ =	sdelay $0x2  }
0x11b: {  	v61 =	vmpcnt.ones.xlane vm0  }
0x11c: {  	v59 =	vimm.s32 $0x0  }
0x11d: {  	v48 =	vadd.s32 v48, v61;
	v49 =	vsel vm3, $0xFFFFFFFF, v59;
	v62 =	vsel vm1, $0xFFFFFFFF, v3  }
0x11e: {  	[tilespmem:$0x1FEC0] =	vst v49;
	v49 =	vadd.s32 v62, v48;
	v63, _, _ =	vpop (xrf0)  }
0x11f: {  	v49 =	vadd.s32 v63, v49  }
0x120: {  	vm0 =	vlt.s32 v49, $0x40  }
0x121: {  	vm0 =	vmand vm1, vm0;
	_ =	sdelay $0x5  }
0x122: {  	[tilespmem:v49+s19+$0x0] =	vst.idx.msk vm0, v47  }
0x123: {  	v47 =	vld [tilespmem:$0x42F0];
	_ =	sdelay $0x4  }
0x124: {  	[tilespmem:v49+s20+$0x0] =	vst.idx.msk vm0, v47  }
0x125: {  	v47 =	vld [tilespmem:$0x4080];
	_ =	sdelay $0x4  }
0x126: {  	v52 =	vshrl.u32 v47, $0x7  }
0x127: {  	vm0 =	vge.u32 v52, s28;
	vm2 =	vlt.u32 v52, s29  }
0x128: {  	vm3 =	vgt.s32 v45, v35;
	vm0 =	vmand vm0, vm2  }
0x129: {  	vm0 =	vmand vm3, vm0  }
0x12a: {  	v54 =	vsel vm0, $0x1, v3  }
0x12b: {  	(xrf0) =	vadd.scan.msk.s32 $0xffff, v54;
	_ =	sdelay $0x2  }
0x12c: {  	v55 =	vmpcnt.ones.xlane vm1  }
0x12d: {  	v53 =	vimm.s32 $0x0  }
0x12e: {  	v48 =	vadd.s32 v48, v55;
	v49 =	vsel vm3, $0xFFFFFFFF, v53;
	v56 =	vsel vm0, $0xFFFFFFFF, v3  }
0x12f: {  	[tilespmem:$0x1FED0] =	vst v49;
	v49 =	vadd.s32 v56, v48;
	v57, _, _ =	vpop (xrf0)  }
0x130: {  	v49 =	vadd.s32 v57, v49  }
0x131: {  	vm1 =	vlt.s32 v49, $0x40  }
0x132: {  	vm1 =	vmand vm0, vm1;
	_ =	sdelay $0x5  }
0x133: {  	[tilespmem:v49+s19+$0x0] =	vst.idx.msk vm1, v47  }
0x134: {  	v47 =	vld [tilespmem:$0x4300];
	_ =	sdelay $0x4  }
0x135: {  	[tilespmem:v49+s20+$0x0] =	vst.idx.msk vm1, v47  }
0x136: {  	v47 =	vld [tilespmem:$0x4090];
	_ =	sdelay $0x4  }
0x137: {  	v58 =	vshrl.u32 v47, $0x7  }
0x138: {  	vm1 =	vge.u32 v58, s28;
	vm2 =	vlt.u32 v58, s29  }
0x139: {  	vm3 =	vgt.s32 v45, v34;
	vm1 =	vmand vm1, vm2  }
0x13a: {  	vm1 =	vmand vm3, vm1  }
0x13b: {  	v60 =	vsel vm1, $0x1, v3  }
0x13c: {  	(xrf0) =	vadd.scan.msk.s32 $0xffff, v60;
	_ =	sdelay $0x2  }
0x13d: {  	v61 =	vmpcnt.ones.xlane vm0  }
0x13e: {  	v59 =	vimm.s32 $0x0  }
0x13f: {  	v48 =	vadd.s32 v48, v61;
	v49 =	vsel vm3, $0xFFFFFFFF, v59;
	v62 =	vsel vm1, $0xFFFFFFFF, v3  }
0x140: {  	[tilespmem:$0x1FEE0] =	vst v49;
	v49 =	vadd.s32 v62, v48;
	v63, _, _ =	vpop (xrf0)  }
0x141: {  	v49 =	vadd.s32 v63, v49  }
0x142: {  	vm0 =	vlt.s32 v49, $0x40  }
0x143: {  	vm0 =	vmand vm1, vm0;
	_ =	sdelay $0x5  }
0x144: {  	[tilespmem:v49+s19+$0x0] =	vst.idx.msk vm0, v47  }
0x145: {  	v47 =	vld [tilespmem:$0x4310];
	_ =	sdelay $0x4  }
0x146: {  	[tilespmem:v49+s20+$0x0] =	vst.idx.msk vm0, v47  }
0x147: {  	v47 =	vld [tilespmem:$0x40A0];
	_ =	sdelay $0x4  }
0x148: {  	v52 =	vshrl.u32 v47, $0x7  }
0x149: {  	vm0 =	vge.u32 v52, s28;
	vm2 =	vlt.u32 v52, s29  }
0x14a: {  	vm3 =	vgt.s32 v45, v33;
	vm0 =	vmand vm0, vm2  }
0x14b: {  	vm0 =	vmand vm3, vm0  }
0x14c: {  	v54 =	vsel vm0, $0x1, v3  }
0x14d: {  	(xrf0) =	vadd.scan.msk.s32 $0xffff, v54;
	_ =	sdelay $0x2  }
0x14e: {  	v55 =	vmpcnt.ones.xlane vm1  }
0x14f: {  	v53 =	vimm.s32 $0x0  }
0x150: {  	v48 =	vadd.s32 v48, v55;
	v49 =	vsel vm3, $0xFFFFFFFF, v53;
	v56 =	vsel vm0, $0xFFFFFFFF, v3  }
0x151: {  	[tilespmem:$0x1FEF0] =	vst v49;
	v49 =	vadd.s32 v56, v48;
	v57, _, _ =	vpop (xrf0)  }
0x152: {  	v49 =	vadd.s32 v57, v49  }
0x153: {  	vm1 =	vlt.s32 v49, $0x40  }
0x154: {  	vm1 =	vmand vm0, vm1;
	_ =	sdelay $0x5  }
0x155: {  	[tilespmem:v49+s19+$0x0] =	vst.idx.msk vm1, v47  }
0x156: {  	v47 =	vld [tilespmem:$0x4320];
	_ =	sdelay $0x4  }
0x157: {  	[tilespmem:v49+s20+$0x0] =	vst.idx.msk vm1, v47  }
0x158: {  	v47 =	vld [tilespmem:$0x40B0];
	_ =	sdelay $0x4  }
0x159: {  	v58 =	vshrl.u32 v47, $0x7  }
0x15a: {  	vm1 =	vge.u32 v58, s28;
	vm2 =	vlt.u32 v58, s29  }
0x15b: {  	vm3 =	vgt.s32 v45, v32;
	vm1 =	vmand vm1, vm2  }
0x15c: {  	vm1 =	vmand vm3, vm1  }
0x15d: {  	v60 =	vsel vm1, $0x1, v3  }
0x15e: {  	(xrf0) =	vadd.scan.msk.s32 $0xffff, v60;
	_ =	sdelay $0x2  }
0x15f: {  	v61 =	vmpcnt.ones.xlane vm0  }
0x160: {  	v59 =	vimm.s32 $0x0  }
0x161: {  	v48 =	vadd.s32 v48, v61;
	v49 =	vsel vm3, $0xFFFFFFFF, v59;
	v62 =	vsel vm1, $0xFFFFFFFF, v3  }
0x162: {  	[tilespmem:$0x1FF00] =	vst v49;
	v49 =	vadd.s32 v62, v48;
	v63, _, _ =	vpop (xrf0)  }
0x163: {  	v49 =	vadd.s32 v63, v49  }
0x164: {  	vm0 =	vlt.s32 v49, $0x40  }
0x165: {  	vm0 =	vmand vm1, vm0;
	_ =	sdelay $0x5  }
0x166: {  	[tilespmem:v49+s19+$0x0] =	vst.idx.msk vm0, v47  }
0x167: {  	v47 =	vld [tilespmem:$0x4330];
	_ =	sdelay $0x4  }
0x168: {  	[tilespmem:v49+s20+$0x0] =	vst.idx.msk vm0, v47  }
0x169: {  	v47 =	vld [tilespmem:$0x40C0];
	_ =	sdelay $0x4  }
0x16a: {  	v52 =	vshrl.u32 v47, $0x7  }
0x16b: {  	vm0 =	vge.u32 v52, s28;
	vm2 =	vlt.u32 v52, s29  }
0x16c: {  	vm3 =	vgt.s32 v45, v31;
	vm0 =	vmand vm0, vm2  }
0x16d: {  	vm0 =	vmand vm3, vm0  }
0x16e: {  	v54 =	vsel vm0, $0x1, v3  }
0x16f: {  	(xrf0) =	vadd.scan.msk.s32 $0xffff, v54;
	_ =	sdelay $0x2  }
0x170: {  	v55 =	vmpcnt.ones.xlane vm1  }
0x171: {  	v53 =	vimm.s32 $0x0  }
0x172: {  	v48 =	vadd.s32 v48, v55;
	v49 =	vsel vm3, $0xFFFFFFFF, v53;
	v56 =	vsel vm0, $0xFFFFFFFF, v3  }
0x173: {  	[tilespmem:$0x1FF10] =	vst v49;
	v49 =	vadd.s32 v56, v48;
	v57, _, _ =	vpop (xrf0)  }
0x174: {  	v49 =	vadd.s32 v57, v49  }
0x175: {  	vm1 =	vlt.s32 v49, $0x40  }
0x176: {  	vm1 =	vmand vm0, vm1;
	_ =	sdelay $0x5  }
0x177: {  	[tilespmem:v49+s19+$0x0] =	vst.idx.msk vm1, v47  }
0x178: {  	v47 =	vld [tilespmem:$0x4340];
	_ =	sdelay $0x4  }
0x179: {  	[tilespmem:v49+s20+$0x0] =	vst.idx.msk vm1, v47  }
0x17a: {  	v47 =	vld [tilespmem:$0x40D0];
	_ =	sdelay $0x4  }
0x17b: {  	v58 =	vshrl.u32 v47, $0x7  }
0x17c: {  	vm1 =	vge.u32 v58, s28;
	vm2 =	vlt.u32 v58, s29  }
0x17d: {  	vm1 =	vmand vm1, vm2;
	vm2 =	vgt.s32 v45, v30  }
0x17e: {  	vm1 =	vmand vm2, vm1  }
0x17f: {  	v60 =	vsel vm1, $0x1, v3  }
0x180: {  	(xrf0) =	vadd.scan.msk.s32 $0xffff, v60;
	_ =	sdelay $0x2  }
0x181: {  	v61 =	vmpcnt.ones.xlane vm0  }
0x182: {  	v59 =	vimm.s32 $0x0  }
0x183: {  	v48 =	vadd.s32 v48, v61;
	v49 =	vsel vm2, $0xFFFFFFFF, v59;
	v62 =	vsel vm1, $0xFFFFFFFF, v3  }
0x184: {  	[tilespmem:$0x1FF20] =	vst v49;
	v49 =	vadd.s32 v62, v48;
	v63, _, _ =	vpop (xrf0)  }
0x185: {  	v49 =	vadd.s32 v63, v49  }
0x186: {  	vm0 =	vlt.s32 v49, $0x40  }
0x187: {  	vm0 =	vmand vm1, vm0;
	_ =	sdelay $0x5  }
0x188: {  	[tilespmem:v49+s19+$0x0] =	vst.idx.msk vm0, v47  }
0x189: {  	v47 =	vld [tilespmem:$0x4350];
	_ =	sdelay $0x4  }
0x18a: {  	[tilespmem:v49+s20+$0x0] =	vst.idx.msk vm0, v47  }
0x18b: {  	v47 =	vld [tilespmem:$0x40E0];
	_ =	sdelay $0x4  }
0x18c: {  	v52 =	vshrl.u32 v47, $0x7  }
0x18d: {  	vm0 =	vge.u32 v52, s28;
	vm2 =	vlt.u32 v52, s29  }
0x18e: {  	vm0 =	vmand vm0, vm2;
	vm2 =	vgt.s32 v45, v29  }
0x18f: {  	vm0 =	vmand vm2, vm0  }
0x190: {  	v54 =	vsel vm0, $0x1, v3  }
0x191: {  	(xrf0) =	vadd.scan.msk.s32 $0xffff, v54;
	_ =	sdelay $0x2  }
0x192: {  	v55 =	vmpcnt.ones.xlane vm1  }
0x193: {  	v53 =	vimm.s32 $0x0  }
0x194: {  	v48 =	vadd.s32 v48, v55;
	v49 =	vsel vm2, $0xFFFFFFFF, v53;
	v56 =	vsel vm0, $0xFFFFFFFF, v3  }
0x195: {  	[tilespmem:$0x1FF30] =	vst v49;
	v49 =	vadd.s32 v56, v48;
	v57, _, _ =	vpop (xrf0)  }
0x196: {  	v49 =	vadd.s32 v57, v49  }
0x197: {  	vm1 =	vlt.s32 v49, $0x40  }
0x198: {  	vm1 =	vmand vm0, vm1;
	_ =	sdelay $0x5  }
0x199: {  	[tilespmem:v49+s19+$0x0] =	vst.idx.msk vm1, v47  }
0x19a: {  	v47 =	vld [tilespmem:$0x4360];
	_ =	sdelay $0x4  }
0x19b: {  	[tilespmem:v49+s20+$0x0] =	vst.idx.msk vm1, v47  }
0x19c: {  	v47 =	vld [tilespmem:$0x40F0];
	_ =	sdelay $0x4  }
0x19d: {  	v58 =	vshrl.u32 v47, $0x7  }
0x19e: {  	vm1 =	vge.u32 v58, s28;
	vm2 =	vlt.u32 v58, s29  }
0x19f: {  	vm1 =	vmand vm1, vm2;
	vm2 =	vgt.s32 v45, v28  }
0x1a0: {  	vm1 =	vmand vm2, vm1  }
0x1a1: {  	v60 =	vsel vm1, $0x1, v3  }
0x1a2: {  	(xrf0) =	vadd.scan.msk.s32 $0xffff, v60;
	_ =	sdelay $0x2  }
0x1a3: {  	v61 =	vmpcnt.ones.xlane vm0  }
0x1a4: {  	v59 =	vimm.s32 $0x0  }
0x1a5: {  	v48 =	vadd.s32 v48, v61;
	v49 =	vsel vm2, $0xFFFFFFFF, v59;
	v62 =	vsel vm1, $0xFFFFFFFF, v3  }
0x1a6: {  	[tilespmem:$0x1FF40] =	vst v49;
	v49 =	vadd.s32 v62, v48;
	v63, _, _ =	vpop (xrf0)  }
0x1a7: {  	v49 =	vadd.s32 v63, v49  }
0x1a8: {  	vm0 =	vlt.s32 v49, $0x40  }
0x1a9: {  	vm0 =	vmand vm1, vm0;
	_ =	sdelay $0x5  }
0x1aa: {  	[tilespmem:v49+s19+$0x0] =	vst.idx.msk vm0, v47  }
0x1ab: {  	v47 =	vld [tilespmem:$0x4370];
	_ =	sdelay $0x4  }
0x1ac: {  	[tilespmem:v49+s20+$0x0] =	vst.idx.msk vm0, v47  }
0x1ad: {  	v47 =	vld [tilespmem:$0x4100];
	_ =	sdelay $0x4  }
0x1ae: {  	v52 =	vshrl.u32 v47, $0x7  }
0x1af: {  	vm0 =	vge.u32 v52, s28;
	vm2 =	vlt.u32 v52, s29  }
0x1b0: {  	vm0 =	vmand vm0, vm2;
	vm2 =	vgt.s32 v45, v27  }
0x1b1: {  	vm0 =	vmand vm2, vm0  }
0x1b2: {  	v54 =	vsel vm0, $0x1, v3  }
0x1b3: {  	(xrf0) =	vadd.scan.msk.s32 $0xffff, v54;
	_ =	sdelay $0x2  }
0x1b4: {  	v55 =	vmpcnt.ones.xlane vm1  }
0x1b5: {  	v53 =	vimm.s32 $0x0  }
0x1b6: {  	v48 =	vadd.s32 v48, v55;
	v49 =	vsel vm2, $0xFFFFFFFF, v53;
	v56 =	vsel vm0, $0xFFFFFFFF, v3  }
0x1b7: {  	[tilespmem:$0x1FF50] =	vst v49;
	v49 =	vadd.s32 v56, v48;
	v57, _, _ =	vpop (xrf0)  }
0x1b8: {  	v49 =	vadd.s32 v57, v49  }
0x1b9: {  	vm1 =	vlt.s32 v49, $0x40  }
0x1ba: {  	vm1 =	vmand vm0, vm1;
	_ =	sdelay $0x5  }
0x1bb: {  	[tilespmem:v49+s19+$0x0] =	vst.idx.msk vm1, v47  }
0x1bc: {  	v47 =	vld [tilespmem:$0x4380];
	_ =	sdelay $0x4  }
0x1bd: {  	[tilespmem:v49+s20+$0x0] =	vst.idx.msk vm1, v47  }
0x1be: {  	v47 =	vld [tilespmem:$0x4110];
	_ =	sdelay $0x4  }
0x1bf: {  	v58 =	vshrl.u32 v47, $0x7  }
0x1c0: {  	vm1 =	vge.u32 v58, s28;
	vm2 =	vlt.u32 v58, s29  }
0x1c1: {  	vm1 =	vmand vm1, vm2;
	vm2 =	vgt.s32 v45, v26  }
0x1c2: {  	vm1 =	vmand vm2, vm1  }
0x1c3: {  	v60 =	vsel vm1, $0x1, v3  }
0x1c4: {  	(xrf0) =	vadd.scan.msk.s32 $0xffff, v60;
	_ =	sdelay $0x2  }
0x1c5: {  	v61 =	vmpcnt.ones.xlane vm0  }
0x1c6: {  	v59 =	vimm.s32 $0x0  }
0x1c7: {  	v48 =	vadd.s32 v48, v61;
	v49 =	vsel vm2, $0xFFFFFFFF, v59;
	v62 =	vsel vm1, $0xFFFFFFFF, v3  }
0x1c8: {  	[tilespmem:$0x1FF60] =	vst v49;
	v49 =	vadd.s32 v62, v48;
	v63, _, _ =	vpop (xrf0)  }
0x1c9: {  	v49 =	vadd.s32 v63, v49  }
0x1ca: {  	vm0 =	vlt.s32 v49, $0x40  }
0x1cb: {  	vm0 =	vmand vm1, vm0;
	_ =	sdelay $0x5  }
0x1cc: {  	[tilespmem:v49+s19+$0x0] =	vst.idx.msk vm0, v47  }
0x1cd: {  	v47 =	vld [tilespmem:$0x4390];
	_ =	sdelay $0x4  }
0x1ce: {  	[tilespmem:v49+s20+$0x0] =	vst.idx.msk vm0, v47  }
0x1cf: {  	v47 =	vld [tilespmem:$0x4120];
	_ =	sdelay $0x4  }
0x1d0: {  	v52 =	vshrl.u32 v47, $0x7  }
0x1d1: {  	vm0 =	vge.u32 v52, s28;
	vm2 =	vlt.u32 v52, s29  }
0x1d2: {  	vm0 =	vmand vm0, vm2;
	vm2 =	vgt.s32 v45, v25  }
0x1d3: {  	vm0 =	vmand vm2, vm0  }
0x1d4: {  	v54 =	vsel vm0, $0x1, v3  }
0x1d5: {  	(xrf0) =	vadd.scan.msk.s32 $0xffff, v54;
	_ =	sdelay $0x2  }
0x1d6: {  	v55 =	vmpcnt.ones.xlane vm1  }
0x1d7: {  	v53 =	vimm.s32 $0x0  }
0x1d8: {  	v48 =	vadd.s32 v48, v55;
	v49 =	vsel vm2, $0xFFFFFFFF, v53;
	v56 =	vsel vm0, $0xFFFFFFFF, v3  }
0x1d9: {  	[tilespmem:$0x1FF70] =	vst v49;
	v49 =	vadd.s32 v56, v48;
	v57, _, _ =	vpop (xrf0)  }
0x1da: {  	v49 =	vadd.s32 v57, v49  }
0x1db: {  	vm1 =	vlt.s32 v49, $0x40  }
0x1dc: {  	vm1 =	vmand vm0, vm1;
	_ =	sdelay $0x5  }
0x1dd: {  	[tilespmem:v49+s19+$0x0] =	vst.idx.msk vm1, v47  }
0x1de: {  	v47 =	vld [tilespmem:$0x43A0];
	_ =	sdelay $0x4  }
0x1df: {  	[tilespmem:v49+s20+$0x0] =	vst.idx.msk vm1, v47  }
0x1e0: {  	v47 =	vld [tilespmem:$0x4130];
	_ =	sdelay $0x4  }
0x1e1: {  	v58 =	vshrl.u32 v47, $0x7  }
0x1e2: {  	vm1 =	vge.u32 v58, s28;
	vm2 =	vlt.u32 v58, s29  }
0x1e3: {  	vm1 =	vmand vm1, vm2;
	vm2 =	vgt.s32 v45, v24  }
0x1e4: {  	vm1 =	vmand vm2, vm1  }
0x1e5: {  	v60 =	vsel vm1, $0x1, v3  }
0x1e6: {  	(xrf0) =	vadd.scan.msk.s32 $0xffff, v60;
	_ =	sdelay $0x2  }
0x1e7: {  	v61 =	vmpcnt.ones.xlane vm0  }
0x1e8: {  	v59 =	vimm.s32 $0x0  }
0x1e9: {  	v48 =	vadd.s32 v48, v61;
	v49 =	vsel vm2, $0xFFFFFFFF, v59;
	v62 =	vsel vm1, $0xFFFFFFFF, v3  }
0x1ea: {  	[tilespmem:$0x1FF80] =	vst v49;
	v49 =	vadd.s32 v62, v48;
	v63, _, _ =	vpop (xrf0)  }
0x1eb: {  	v49 =	vadd.s32 v63, v49  }
0x1ec: {  	vm0 =	vlt.s32 v49, $0x40  }
0x1ed: {  	vm0 =	vmand vm1, vm0;
	_ =	sdelay $0x5  }
0x1ee: {  	[tilespmem:v49+s19+$0x0] =	vst.idx.msk vm0, v47  }
0x1ef: {  	v47 =	vld [tilespmem:$0x43B0];
	_ =	sdelay $0x4  }
0x1f0: {  	[tilespmem:v49+s20+$0x0] =	vst.idx.msk vm0, v47  }
0x1f1: {  	v47 =	vld [tilespmem:$0x4140];
	_ =	sdelay $0x4  }
0x1f2: {  	v52 =	vshrl.u32 v47, $0x7  }
0x1f3: {  	vm0 =	vge.u32 v52, s28;
	vm2 =	vlt.u32 v52, s29  }
0x1f4: {  	vm0 =	vmand vm0, vm2;
	vm2 =	vgt.s32 v45, v23  }
0x1f5: {  	vm0 =	vmand vm2, vm0  }
0x1f6: {  	v54 =	vsel vm0, $0x1, v3  }
0x1f7: {  	(xrf0) =	vadd.scan.msk.s32 $0xffff, v54;
	_ =	sdelay $0x2  }
0x1f8: {  	v55 =	vmpcnt.ones.xlane vm1  }
0x1f9: {  	v53 =	vimm.s32 $0x0  }
0x1fa: {  	v48 =	vadd.s32 v48, v55;
	v49 =	vsel vm2, $0xFFFFFFFF, v53;
	v56 =	vsel vm0, $0xFFFFFFFF, v3  }
0x1fb: {  	[tilespmem:$0x1FF90] =	vst v49;
	v49 =	vadd.s32 v56, v48;
	v57, _, _ =	vpop (xrf0)  }
0x1fc: {  	v49 =	vadd.s32 v57, v49  }
0x1fd: {  	vm1 =	vlt.s32 v49, $0x40  }
0x1fe: {  	vm1 =	vmand vm0, vm1;
	_ =	sdelay $0x5  }
0x1ff: {  	[tilespmem:v49+s19+$0x0] =	vst.idx.msk vm1, v47  }
0x200: {  	v47 =	vld [tilespmem:$0x43C0];
	_ =	sdelay $0x4  }
0x201: {  	[tilespmem:v49+s20+$0x0] =	vst.idx.msk vm1, v47  }
0x202: {  	v47 =	vld [tilespmem:$0x4150];
	_ =	sdelay $0x4  }
0x203: {  	v58 =	vshrl.u32 v47, $0x7  }
0x204: {  	vm1 =	vge.u32 v58, s28;
	vm2 =	vlt.u32 v58, s29  }
0x205: {  	vm1 =	vmand vm1, vm2;
	vm2 =	vgt.s32 v45, v22  }
0x206: {  	vm1 =	vmand vm2, vm1  }
0x207: {  	v60 =	vsel vm1, $0x1, v3  }
0x208: {  	(xrf0) =	vadd.scan.msk.s32 $0xffff, v60;
	_ =	sdelay $0x2  }
0x209: {  	v61 =	vmpcnt.ones.xlane vm0  }
0x20a: {  	v59 =	vimm.s32 $0x0  }
0x20b: {  	v48 =	vadd.s32 v48, v61;
	v49 =	vsel vm2, $0xFFFFFFFF, v59;
	v62 =	vsel vm1, $0xFFFFFFFF, v3  }
0x20c: {  	[tilespmem:$0x1FFA0] =	vst v49;
	v49 =	vadd.s32 v62, v48;
	v63, _, _ =	vpop (xrf0)  }
0x20d: {  	v49 =	vadd.s32 v63, v49  }
0x20e: {  	vm0 =	vlt.s32 v49, $0x40  }
0x20f: {  	vm0 =	vmand vm1, vm0;
	_ =	sdelay $0x5  }
0x210: {  	[tilespmem:v49+s19+$0x0] =	vst.idx.msk vm0, v47  }
0x211: {  	v47 =	vld [tilespmem:$0x43D0];
	_ =	sdelay $0x4  }
0x212: {  	[tilespmem:v49+s20+$0x0] =	vst.idx.msk vm0, v47  }
0x213: {  	v47 =	vld [tilespmem:$0x4160];
	_ =	sdelay $0x4  }
0x214: {  	v52 =	vshrl.u32 v47, $0x7  }
0x215: {  	vm0 =	vge.u32 v52, s28;
	vm2 =	vlt.u32 v52, s29  }
0x216: {  	vm0 =	vmand vm0, vm2;
	vm2 =	vgt.s32 v45, v21  }
0x217: {  	vm0 =	vmand vm2, vm0  }
0x218: {  	v54 =	vsel vm0, $0x1, v3  }
0x219: {  	(xrf0) =	vadd.scan.msk.s32 $0xffff, v54;
	_ =	sdelay $0x2  }
0x21a: {  	v55 =	vmpcnt.ones.xlane vm1  }
0x21b: {  	v53 =	vimm.s32 $0x0  }
0x21c: {  	v48 =	vadd.s32 v48, v55;
	v49 =	vsel vm2, $0xFFFFFFFF, v53;
	v56 =	vsel vm0, $0xFFFFFFFF, v3  }
0x21d: {  	[tilespmem:$0x1FFB0] =	vst v49;
	v49 =	vadd.s32 v56, v48;
	v57, _, _ =	vpop (xrf0)  }
0x21e: {  	v49 =	vadd.s32 v57, v49  }
0x21f: {  	vm1 =	vlt.s32 v49, $0x40  }
0x220: {  	vm1 =	vmand vm0, vm1;
	_ =	sdelay $0x5  }
0x221: {  	[tilespmem:v49+s19+$0x0] =	vst.idx.msk vm1, v47  }
0x222: {  	v47 =	vld [tilespmem:$0x43E0];
	_ =	sdelay $0x4  }
0x223: {  	[tilespmem:v49+s20+$0x0] =	vst.idx.msk vm1, v47  }
0x224: {  	v47 =	vld [tilespmem:$0x4170];
	_ =	sdelay $0x4  }
0x225: {  	v58 =	vshrl.u32 v47, $0x7  }
0x226: {  	vm1 =	vge.u32 v58, s28;
	vm2 =	vlt.u32 v58, s29  }
0x227: {  	vm1 =	vmand vm1, vm2;
	vm2 =	vgt.s32 v45, v20  }
0x228: {  	vm1 =	vmand vm2, vm1  }
0x229: {  	v60 =	vsel vm1, $0x1, v3  }
0x22a: {  	(xrf0) =	vadd.scan.msk.s32 $0xffff, v60;
	_ =	sdelay $0x2  }
0x22b: {  	v61 =	vmpcnt.ones.xlane vm0  }
0x22c: {  	v59 =	vimm.s32 $0x0  }
0x22d: {  	v48 =	vadd.s32 v48, v61;
	v49 =	vsel vm2, $0xFFFFFFFF, v59;
	v62 =	vsel vm1, $0xFFFFFFFF, v3  }
0x22e: {  	[tilespmem:$0x1FFC0] =	vst v49;
	v49 =	vadd.s32 v62, v48;
	v63, _, _ =	vpop (xrf0)  }
0x22f: {  	v49 =	vadd.s32 v63, v49  }
0x230: {  	vm0 =	vlt.s32 v49, $0x40  }
0x231: {  	vm0 =	vmand vm1, vm0;
	_ =	sdelay $0x5  }
0x232: {  	[tilespmem:v49+s19+$0x0] =	vst.idx.msk vm0, v47  }
0x233: {  	v47 =	vld [tilespmem:$0x43F0];
	_ =	sdelay $0x4  }
0x234: {  	[tilespmem:v49+s20+$0x0] =	vst.idx.msk vm0, v47  }
0x235: {  	v47 =	vld [tilespmem:$0x4180];
	_ =	sdelay $0x4  }
0x236: {  	v52 =	vshrl.u32 v47, $0x7  }
0x237: {  	vm0 =	vge.u32 v52, s28;
	vm2 =	vlt.u32 v52, s29  }
0x238: {  	vm0 =	vmand vm0, vm2;
	vm2 =	vgt.s32 v45, v19  }
0x239: {  	vm0 =	vmand vm2, vm0  }
0x23a: {  	v54 =	vsel vm0, $0x1, v3  }
0x23b: {  	(xrf0) =	vadd.scan.msk.s32 $0xffff, v54;
	_ =	sdelay $0x2  }
0x23c: {  	v55 =	vmpcnt.ones.xlane vm1  }
0x23d: {  	v53 =	vimm.s32 $0x0  }
0x23e: {  	v48 =	vadd.s32 v48, v55;
	v49 =	vsel vm2, $0xFFFFFFFF, v53;
	v56 =	vsel vm0, $0xFFFFFFFF, v3  }
0x23f: {  	[tilespmem:$0x1FFD0] =	vst v49;
	v49 =	vadd.s32 v56, v48;
	v57, _, _ =	vpop (xrf0)  }
0x240: {  	v49 =	vadd.s32 v57, v49  }
0x241: {  	vm1 =	vlt.s32 v49, $0x40  }
0x242: {  	vm1 =	vmand vm0, vm1;
	_ =	sdelay $0x5  }
0x243: {  	[tilespmem:v49+s19+$0x0] =	vst.idx.msk vm1, v47  }
0x244: {  	v47 =	vld [tilespmem:$0x4400];
	_ =	sdelay $0x4  }
0x245: {  	[tilespmem:v49+s20+$0x0] =	vst.idx.msk vm1, v47  }
0x246: {  	v47 =	vld [tilespmem:$0x4190];
	_ =	sdelay $0x4  }
0x247: {  	v58 =	vshrl.u32 v47, $0x7  }
0x248: {  	vm1 =	vge.u32 v58, s28;
	vm2 =	vlt.u32 v58, s29  }
0x249: {  	vm1 =	vmand vm1, vm2;
	vm2 =	vgt.s32 v45, v18  }
0x24a: {  	vm1 =	vmand vm2, vm1  }
0x24b: {  	v60 =	vsel vm1, $0x1, v3  }
0x24c: {  	(xrf0) =	vadd.scan.msk.s32 $0xffff, v60;
	_ =	sdelay $0x2  }
0x24d: {  	v61 =	vmpcnt.ones.xlane vm0  }
0x24e: {  	v59 =	vimm.s32 $0x0  }
0x24f: {  	v48 =	vadd.s32 v48, v61;
	v49 =	vsel vm2, $0xFFFFFFFF, v59;
	v62 =	vsel vm1, $0xFFFFFFFF, v3  }
0x250: {  	[tilespmem:$0x1FFE0] =	vst v49;
	v49 =	vadd.s32 v62, v48;
	v63, _, _ =	vpop (xrf0)  }
0x251: {  	v49 =	vadd.s32 v63, v49  }
0x252: {  	vm0 =	vlt.s32 v49, $0x40  }
0x253: {  	vm0 =	vmand vm1, vm0;
	_ =	sdelay $0x5  }
0x254: {  	[tilespmem:v49+s19+$0x0] =	vst.idx.msk vm0, v47  }
0x255: {  	v47 =	vld [tilespmem:$0x4410];
	_ =	sdelay $0x4  }
0x256: {  	[tilespmem:v49+s20+$0x0] =	vst.idx.msk vm0, v47  }
0x257: {  	v47 =	vld [tilespmem:$0x41A0];
	_ =	sdelay $0x4  }
0x258: {  	v52 =	vshrl.u32 v47, $0x7  }
0x259: {  	vm0 =	vge.u32 v52, s28;
	vm2 =	vlt.u32 v52, s29  }
0x25a: {  	vm0 =	vmand vm0, vm2;
	vm2 =	vgt.s32 v45, v17  }
0x25b: {  	vm0 =	vmand vm2, vm0  }
0x25c: {  	v54 =	vsel vm0, $0x1, v3  }
0x25d: {  	(xrf0) =	vadd.scan.msk.s32 $0xffff, v54;
	_ =	sdelay $0x2  }
0x25e: {  	v55 =	vmpcnt.ones.xlane vm1  }
0x25f: {  	v53 =	vimm.s32 $0x0  }
0x260: {  	v48 =	vadd.s32 v48, v55;
	v49 =	vsel vm2, $0xFFFFFFFF, v53;
	v56 =	vsel vm0, $0xFFFFFFFF, v3  }
0x261: {  	[tilespmem:$0x1FFF0] =	vst v49;
	v49 =	vadd.s32 v56, v48;
	v57, _, _ =	vpop (xrf0)  }
0x262: {  	v49 =	vadd.s32 v57, v49  }
0x263: {  	vm1 =	vlt.s32 v49, $0x40  }
0x264: {  	vm1 =	vmand vm0, vm1;
	_ =	sdelay $0x5  }
0x265: {  	[tilespmem:v49+s19+$0x0] =	vst.idx.msk vm1, v47  }
0x266: {  	v47 =	vld [tilespmem:$0x4420];
	_ =	sdelay $0x4  }
0x267: {  	[tilespmem:v49+s20+$0x0] =	vst.idx.msk vm1, v47  }
0x268: {  	v47 =	vld [tilespmem:$0x41B0];
	_ =	sdelay $0x4  }
0x269: {  	v58 =	vshrl.u32 v47, $0x7  }
0x26a: {  	vm1 =	vge.u32 v58, s28;
	vm2 =	vlt.u32 v58, s29  }
0x26b: {  	vm11 =	vgt.s32 v45, v16;
	vm1 =	vmand vm1, vm2  }
0x26c: {  	vm1 =	vmand vm11, vm1  }
0x26d: {  	v59 =	vsel vm1, $0x1, v3  }
0x26e: {  	(xrf0) =	vadd.scan.msk.s32 $0xffff, v59;
	_ =	sdelay $0x2  }
0x26f: {  	v60 =	vmpcnt.ones.xlane vm0;
	_ =	sdelay $0x1  }
0x270: {  	v48 =	vadd.s32 v48, v60;
	v61 =	vsel vm1, $0xFFFFFFFF, v3  }
0x271: {  	v49 =	vadd.s32 v61, v48;
	v62, _, _ =	vpop (xrf0)  }
0x272: {  	v49 =	vadd.s32 v62, v49  }
0x273: {  	vm0 =	vlt.s32 v49, $0x40  }
0x274: {  	vm0 =	vmand vm1, vm0;
	_ =	sdelay $0x5  }
0x275: {  	[tilespmem:v49+s19+$0x0] =	vst.idx.msk vm0, v47  }
0x276: {  	v47 =	vld [tilespmem:$0x4430];
	_ =	sdelay $0x4  }
0x277: {  	[tilespmem:v49+s20+$0x0] =	vst.idx.msk vm0, v47  }
0x278: {  	v47 =	vld [tilespmem:$0x41C0];
	_ =	sdelay $0x4  }
0x279: {  	v63 =	vshrl.u32 v47, $0x7  }
0x27a: {  	vm0 =	vge.u32 v63, s28;
	vm2 =	vlt.u32 v63, s29  }
0x27b: {  	vm12 =	vgt.s32 v45, v15;
	vm0 =	vmand vm0, vm2  }
0x27c: {  	vm0 =	vmand vm12, vm0  }
0x27d: {  	v52 =	vsel vm0, $0x1, v3  }
0x27e: {  	(xrf0) =	vadd.scan.msk.s32 $0xffff, v52;
	_ =	sdelay $0x2  }
0x27f: {  	v53 =	vmpcnt.ones.xlane vm1;
	_ =	sdelay $0x1  }
0x280: {  	v48 =	vadd.s32 v48, v53;
	v54 =	vsel vm0, $0xFFFFFFFF, v3  }
0x281: {  	v49 =	vadd.s32 v54, v48;
	v55, _, _ =	vpop (xrf0)  }
0x282: {  	v49 =	vadd.s32 v55, v49  }
0x283: {  	vm1 =	vlt.s32 v49, $0x40  }
0x284: {  	vm1 =	vmand vm0, vm1;
	_ =	sdelay $0x5  }
0x285: {  	[tilespmem:v49+s19+$0x0] =	vst.idx.msk vm1, v47  }
0x286: {  	v47 =	vld [tilespmem:$0x4440];
	_ =	sdelay $0x4  }
0x287: {  	[tilespmem:v49+s20+$0x0] =	vst.idx.msk vm1, v47  }
0x288: {  	v47 =	vld [tilespmem:$0x41D0];
	_ =	sdelay $0x4  }
0x289: {  	v56 =	vshrl.u32 v47, $0x7  }
0x28a: {  	vm1 =	vge.u32 v56, s28;
	vm2 =	vlt.u32 v56, s29  }
0x28b: {  	vm13 =	vgt.s32 v45, v14;
	vm1 =	vmand vm1, vm2  }
0x28c: {  	vm1 =	vmand vm13, vm1  }
0x28d: {  	v57 =	vsel vm1, $0x1, v3  }
0x28e: {  	(xrf0) =	vadd.scan.msk.s32 $0xffff, v57;
	_ =	sdelay $0x2  }
0x28f: {  	v58 =	vmpcnt.ones.xlane vm0;
	_ =	sdelay $0x1  }
0x290: {  	v48 =	vadd.s32 v48, v58;
	v59 =	vsel vm1, $0xFFFFFFFF, v3  }
0x291: {  	v49 =	vadd.s32 v59, v48;
	v60, _, _ =	vpop (xrf0)  }
0x292: {  	v49 =	vadd.s32 v60, v49  }
0x293: {  	vm0 =	vlt.s32 v49, $0x40  }
0x294: {  	vm0 =	vmand vm1, vm0;
	_ =	sdelay $0x5  }
0x295: {  	[tilespmem:v49+s19+$0x0] =	vst.idx.msk vm0, v47  }
0x296: {  	v47 =	vld [tilespmem:$0x4450];
	_ =	sdelay $0x4  }
0x297: {  	[tilespmem:v49+s20+$0x0] =	vst.idx.msk vm0, v47  }
0x298: {  	v47 =	vld [tilespmem:$0x41E0];
	_ =	sdelay $0x4  }
0x299: {  	v61 =	vshrl.u32 v47, $0x7  }
0x29a: {  	vm0 =	vge.u32 v61, s28;
	vm2 =	vlt.u32 v61, s29  }
0x29b: {  	vm14 =	vgt.s32 v45, v13;
	vm0 =	vmand vm0, vm2  }
0x29c: {  	vm0 =	vmand vm14, vm0  }
0x29d: {  	v62 =	vsel vm0, $0x1, v3  }
0x29e: {  	(xrf0) =	vadd.scan.msk.s32 $0xffff, v62;
	_ =	sdelay $0x2  }
0x29f: {  	v63 =	vmpcnt.ones.xlane vm1;
	_ =	sdelay $0x1  }
0x2a0: {  	v48 =	vadd.s32 v48, v63;
	v52 =	vsel vm0, $0xFFFFFFFF, v3  }
0x2a1: {  	v49 =	vadd.s32 v52, v48;
	v53, _, _ =	vpop (xrf0)  }
0x2a2: {  	v49 =	vadd.s32 v53, v49  }
0x2a3: {  	vm1 =	vlt.s32 v49, $0x40  }
0x2a4: {  	vm1 =	vmand vm0, vm1;
	_ =	sdelay $0x5  }
0x2a5: {  	[tilespmem:v49+s19+$0x0] =	vst.idx.msk vm1, v47  }
0x2a6: {  	v47 =	vld [tilespmem:$0x4460];
	_ =	sdelay $0x4  }
0x2a7: {  	[tilespmem:v49+s20+$0x0] =	vst.idx.msk vm1, v47  }
0x2a8: {  	v47 =	vld [tilespmem:$0x41F0];
	_ =	sdelay $0x4  }
0x2a9: {  	v54 =	vshrl.u32 v47, $0x7  }
0x2aa: {  	vm1 =	vge.u32 v54, s28;
	vm2 =	vlt.u32 v54, s29  }
0x2ab: {  	vm15 =	vgt.s32 v45, v12;
	vm1 =	vmand vm1, vm2  }
0x2ac: {  	vm1 =	vmand vm15, vm1  }
0x2ad: {  	v55 =	vsel vm1, $0x1, v3  }
0x2ae: {  	(xrf0) =	vadd.scan.msk.s32 $0xffff, v55;
	_ =	sdelay $0x2  }
0x2af: {  	v56 =	vmpcnt.ones.xlane vm0;
	_ =	sdelay $0x1  }
0x2b0: {  	v48 =	vadd.s32 v48, v56;
	v57 =	vsel vm1, $0xFFFFFFFF, v3  }
0x2b1: {  	v49 =	vadd.s32 v57, v48;
	v58, _, _ =	vpop (xrf0)  }
0x2b2: {  	v49 =	vadd.s32 v58, v49  }
0x2b3: {  	vm0 =	vlt.s32 v49, $0x40  }
0x2b4: {  	vm0 =	vmand vm1, vm0;
	_ =	sdelay $0x5  }
0x2b5: {  	[tilespmem:v49+s19+$0x0] =	vst.idx.msk vm0, v47  }
0x2b6: {  	v47 =	vld [tilespmem:$0x4470];
	_ =	sdelay $0x4  }
0x2b7: {  	[tilespmem:v49+s20+$0x0] =	vst.idx.msk vm0, v47  }
0x2b8: {  	v47 =	vld [tilespmem:$0x4200];
	_ =	sdelay $0x4  }
0x2b9: {  	v59 =	vshrl.u32 v47, $0x7  }
0x2ba: {  	vm0 =	vge.u32 v59, s28;
	vm2 =	vlt.u32 v59, s29  }
0x2bb: {  	vm2 =	vmand vm0, vm2;
	vm0 =	vgt.s32 v45, v11  }
0x2bc: {  	vm2 =	vmand vm0, vm2  }
0x2bd: {  	v60 =	vsel vm2, $0x1, v3  }
0x2be: {  	(xrf0) =	vadd.scan.msk.s32 $0xffff, v60;
	_ =	sdelay $0x2  }
0x2bf: {  	v61 =	vmpcnt.ones.xlane vm1;
	_ =	sdelay $0x1  }
0x2c0: {  	v48 =	vadd.s32 v48, v61;
	v62 =	vsel vm2, $0xFFFFFFFF, v3  }
0x2c1: {  	v49 =	vadd.s32 v62, v48;
	v63, _, _ =	vpop (xrf0)  }
0x2c2: {  	v49 =	vadd.s32 v63, v49  }
0x2c3: {  	vm1 =	vlt.s32 v49, $0x40  }
0x2c4: {  	vm1 =	vmand vm2, vm1;
	_ =	sdelay $0x5  }
0x2c5: {  	[tilespmem:v49+s19+$0x0] =	vst.idx.msk vm1, v47  }
0x2c6: {  	v47 =	vld [tilespmem:$0x4480];
	_ =	sdelay $0x4  }
0x2c7: {  	[tilespmem:v49+s20+$0x0] =	vst.idx.msk vm1, v47  }
0x2c8: {  	v47 =	vld [tilespmem:$0x4210];
	_ =	sdelay $0x4  }
0x2c9: {  	v52 =	vshrl.u32 v47, $0x7  }
0x2ca: {  	vm1 =	vge.u32 v52, s28;
	vm3 =	vlt.u32 v52, s29  }
0x2cb: {  	vm3 =	vmand vm1, vm3;
	vm1 =	vgt.s32 v45, v10  }
0x2cc: {  	vm3 =	vmand vm1, vm3  }
0x2cd: {  	v53 =	vsel vm3, $0x1, v3  }
0x2ce: {  	(xrf0) =	vadd.scan.msk.s32 $0xffff, v53;
	_ =	sdelay $0x2  }
0x2cf: {  	v54 =	vmpcnt.ones.xlane vm2;
	_ =	sdelay $0x1  }
0x2d0: {  	v48 =	vadd.s32 v48, v54;
	v55 =	vsel vm3, $0xFFFFFFFF, v3  }
0x2d1: {  	v49 =	vadd.s32 v55, v48;
	v56, _, _ =	vpop (xrf0)  }
0x2d2: {  	v49 =	vadd.s32 v56, v49  }
0x2d3: {  	vm2 =	vlt.s32 v49, $0x40  }
0x2d4: {  	vm2 =	vmand vm3, vm2;
	_ =	sdelay $0x5  }
0x2d5: {  	[tilespmem:v49+s19+$0x0] =	vst.idx.msk vm2, v47  }
0x2d6: {  	v47 =	vld [tilespmem:$0x4490];
	_ =	sdelay $0x4  }
0x2d7: {  	[tilespmem:v49+s20+$0x0] =	vst.idx.msk vm2, v47  }
0x2d8: {  	v47 =	vld [tilespmem:$0x4220];
	_ =	sdelay $0x4  }
0x2d9: {  	v57 =	vshrl.u32 v47, $0x7  }
0x2da: {  	vm2 =	vge.u32 v57, s28;
	vm4 =	vlt.u32 v57, s29  }
0x2db: {  	vm4 =	vmand vm2, vm4;
	vm2 =	vgt.s32 v45, v9  }
0x2dc: {  	vm4 =	vmand vm2, vm4  }
0x2dd: {  	v58 =	vsel vm4, $0x1, v3  }
0x2de: {  	(xrf0) =	vadd.scan.msk.s32 $0xffff, v58;
	_ =	sdelay $0x2  }
0x2df: {  	v59 =	vmpcnt.ones.xlane vm3;
	_ =	sdelay $0x1  }
0x2e0: {  	v48 =	vadd.s32 v48, v59;
	v60 =	vsel vm4, $0xFFFFFFFF, v3  }
0x2e1: {  	v49 =	vadd.s32 v60, v48;
	v61, _, _ =	vpop (xrf0)  }
0x2e2: {  	v49 =	vadd.s32 v61, v49  }
0x2e3: {  	vm3 =	vlt.s32 v49, $0x40  }
0x2e4: {  	vm3 =	vmand vm4, vm3;
	_ =	sdelay $0x5  }
0x2e5: {  	[tilespmem:v49+s19+$0x0] =	vst.idx.msk vm3, v47  }
0x2e6: {  	v47 =	vld [tilespmem:$0x44A0];
	_ =	sdelay $0x4  }
0x2e7: {  	[tilespmem:v49+s20+$0x0] =	vst.idx.msk vm3, v47  }
0x2e8: {  	v47 =	vld [tilespmem:$0x4230];
	_ =	sdelay $0x4  }
0x2e9: {  	v62 =	vshrl.u32 v47, $0x7  }
0x2ea: {  	vm3 =	vge.u32 v62, s28;
	vm5 =	vlt.u32 v62, s29  }
0x2eb: {  	vm5 =	vmand vm3, vm5;
	vm3 =	vgt.s32 v45, v8  }
0x2ec: {  	vm5 =	vmand vm3, vm5  }
0x2ed: {  	v63 =	vsel vm5, $0x1, v3  }
0x2ee: {  	(xrf0) =	vadd.scan.msk.s32 $0xffff, v63;
	_ =	sdelay $0x2  }
0x2ef: {  	v52 =	vmpcnt.ones.xlane vm4;
	_ =	sdelay $0x1  }
0x2f0: {  	v48 =	vadd.s32 v48, v52;
	v53 =	vsel vm5, $0xFFFFFFFF, v3  }
0x2f1: {  	v49 =	vadd.s32 v53, v48;
	v54, _, _ =	vpop (xrf0)  }
0x2f2: {  	v49 =	vadd.s32 v54, v49  }
0x2f3: {  	vm4 =	vlt.s32 v49, $0x40  }
0x2f4: {  	vm4 =	vmand vm5, vm4;
	_ =	sdelay $0x5  }
0x2f5: {  	[tilespmem:v49+s19+$0x0] =	vst.idx.msk vm4, v47  }
0x2f6: {  	v47 =	vld [tilespmem:$0x44B0];
	_ =	sdelay $0x4  }
0x2f7: {  	[tilespmem:v49+s20+$0x0] =	vst.idx.msk vm4, v47  }
0x2f8: {  	v47 =	vld [tilespmem:$0x4240];
	_ =	sdelay $0x4  }
0x2f9: {  	v55 =	vshrl.u32 v47, $0x7  }
0x2fa: {  	vm4 =	vge.u32 v55, s28;
	vm6 =	vlt.u32 v55, s29  }
0x2fb: {  	vm6 =	vmand vm4, vm6;
	vm4 =	vgt.s32 v45, v7  }
0x2fc: {  	vm6 =	vmand vm4, vm6  }
0x2fd: {  	v56 =	vsel vm6, $0x1, v3  }
0x2fe: {  	(xrf0) =	vadd.scan.msk.s32 $0xffff, v56;
	_ =	sdelay $0x2  }
0x2ff: {  	v57 =	vmpcnt.ones.xlane vm5;
	_ =	sdelay $0x1  }
0x300: {  	v48 =	vadd.s32 v48, v57;
	v58 =	vsel vm6, $0xFFFFFFFF, v3  }
0x301: {  	v49 =	vadd.s32 v58, v48;
	v59, _, _ =	vpop (xrf0)  }
0x302: {  	v49 =	vadd.s32 v59, v49  }
0x303: {  	vm5 =	vlt.s32 v49, $0x40  }
0x304: {  	vm5 =	vmand vm6, vm5;
	_ =	sdelay $0x5  }
0x305: {  	[tilespmem:v49+s19+$0x0] =	vst.idx.msk vm5, v47  }
0x306: {  	v47 =	vld [tilespmem:$0x44C0];
	_ =	sdelay $0x4  }
0x307: {  	[tilespmem:v49+s20+$0x0] =	vst.idx.msk vm5, v47  }
0x308: {  	v47 =	vld [tilespmem:$0x4250];
	_ =	sdelay $0x4  }
0x309: {  	v60 =	vshrl.u32 v47, $0x7  }
0x30a: {  	vm5 =	vge.u32 v60, s28;
	vm7 =	vlt.u32 v60, s29  }
0x30b: {  	vm7 =	vmand vm5, vm7;
	vm5 =	vgt.s32 v45, v6  }
0x30c: {  	vm7 =	vmand vm5, vm7  }
0x30d: {  	v61 =	vsel vm7, $0x1, v3  }
0x30e: {  	(xrf0) =	vadd.scan.msk.s32 $0xffff, v61;
	_ =	sdelay $0x2  }
0x30f: {  	v62 =	vmpcnt.ones.xlane vm6;
	_ =	sdelay $0x1  }
0x310: {  	v48 =	vadd.s32 v48, v62;
	v63 =	vsel vm7, $0xFFFFFFFF, v3  }
0x311: {  	v49 =	vadd.s32 v63, v48;
	v52, _, _ =	vpop (xrf0)  }
0x312: {  	v49 =	vadd.s32 v52, v49  }
0x313: {  	vm6 =	vlt.s32 v49, $0x40  }
0x314: {  	vm6 =	vmand vm7, vm6;
	_ =	sdelay $0x5  }
0x315: {  	[tilespmem:v49+s19+$0x0] =	vst.idx.msk vm6, v47  }
0x316: {  	v47 =	vld [tilespmem:$0x44D0];
	_ =	sdelay $0x4  }
0x317: {  	[tilespmem:v49+s20+$0x0] =	vst.idx.msk vm6, v47  }
0x318: {  	v47 =	vld [tilespmem:$0x4260];
	_ =	sdelay $0x4  }
0x319: {  	v53 =	vshrl.u32 v47, $0x7  }
0x31a: {  	vm6 =	vge.u32 v53, s28;
	vm8 =	vlt.u32 v53, s29  }
0x31b: {  	vm8 =	vmand vm6, vm8;
	vm6 =	vgt.s32 v45, v5  }
0x31c: {  	vm8 =	vmand vm6, vm8  }
0x31d: {  	v54 =	vsel vm8, $0x1, v3  }
0x31e: {  	(xrf0) =	vadd.scan.msk.s32 $0xffff, v54;
	_ =	sdelay $0x2  }
0x31f: {  	v55 =	vmpcnt.ones.xlane vm7;
	_ =	sdelay $0x1  }
0x320: {  	v48 =	vadd.s32 v48, v55;
	v56 =	vsel vm8, $0xFFFFFFFF, v3  }
0x321: {  	v49 =	vadd.s32 v56, v48;
	v57, _, _ =	vpop (xrf0)  }
0x322: {  	v49 =	vadd.s32 v57, v49  }
0x323: {  	vm7 =	vlt.s32 v49, $0x40  }
0x324: {  	vm7 =	vmand vm8, vm7;
	_ =	sdelay $0x5  }
0x325: {  	[tilespmem:v49+s19+$0x0] =	vst.idx.msk vm7, v47  }
0x326: {  	v47 =	vld [tilespmem:$0x44E0];
	_ =	sdelay $0x4  }
0x327: {  	[tilespmem:v49+s20+$0x0] =	vst.idx.msk vm7, v47  }
0x328: {  	v47 =	vld [tilespmem:$0x4270];
	_ =	sdelay $0x4  }
0x329: {  	v58 =	vshrl.u32 v47, $0x7  }
0x32a: {  	vm7 =	vge.u32 v58, s28;
	vm9 =	vlt.u32 v58, s29  }
0x32b: {  	vm9 =	vmand vm7, vm9;
	vm7 =	vgt.s32 v45, v4  }
0x32c: {  	v60 =	vmpcnt.ones.xlane vm8;
	vm9 =	vmand vm7, vm9  }
0x32d: {  	v61 =	vmpcnt.ones.xlane vm9  }
0x32e: {  	v48 =	vadd.s32 v48, v60  }
0x32f: {  	v59 =	vsel vm9, $0x1, v3;
	v49 =	vadd.s32 v48, v61  }
0x330: {  	(xrf0) =	vadd.scan.msk.s32 $0xffff, v59;
	(v2sf) =	vpush v49, $0x0;
	_ =	sdelay $0x4  }
0x331: {  	v62 =	vsel vm9, $0xFFFFFFFF, v3  }
0x332: {  	v48 =	vadd.s32 v62, v48;
	v63, _, _ =	vpop (xrf0)  }
0x333: {  	v48 =	vadd.s32 v63, v48  }
0x334: {  	vm8 =	vlt.s32 v48, $0x40  }
0x335: {  	vm8 =	vmand vm9, vm8;
	_ =	sdelay $0x5  }
0x336: {  	[tilespmem:v48+s19+$0x0] =	vst.idx.msk vm8, v47;
	s29 =	spop (v2sf)  }
0x337: {  	v47 =	vld [tilespmem:$0x44F0];
	p0 =	slt.s32 s29, $0x1  }
.Ltmp5:
0x338: {  	_ = 	snop;
	(pc) =	sbr.rel @p0 .LBB2_9-.Ltmp5, $2  }
0x339: {  	_ =	sdelay $0x2  }
0x33a: {  	[tilespmem:v48+s20+$0x0] =	vst.idx.msk vm8, v47  }
0x33b: {  	p1 =	sne.s32 s29, $0x1  }
.Ltmp6:
0x33c: {  	p0 =	slt.s32 s28, $0x1E7F;
	(pc) =	sbr.rel @!p1 .LBB2_5-.Ltmp6, $4  }
0x33d: {  	s28 =	simm.s32 @!p0 $0x1E7F  }
0x33e: {  	v47 =	vmov s28  }
0x33f: {  	s31 =	simm.s32 $0x0;
	v47 =	vshll.u32 v47, $0x7  }
0x340: {  	s30 =	simm.s32 $0x1;
	(v2sf) =	vpush v46, $0x0;
	v48 =	vmov s31;
	p0 =	por $0x0, $0x0;
	v47 =	vbroadcast v47, $0x0  }
0x341: {  	_ =	sdelay $0x5  }
0x342: {  	v49 =	vld.idx.msk [tilespmem:v48+s19+$0x0], $0xffff;
	_ =	sdelay $0x4  }
0x343: {  	v50 =	vsub.s32 v49, v47  }
0x344: {  	v50 =	vshll.u32 v50, $0x3  }
0x345: {  	v49 =	vand.u32 $0x7F, v49;
	v50 =	vand.u32 $0xFFFFFC00, v50  }
0x346: {  	v49 =	vor.u32 v49, v50;
	s28 =	spop (v2sf)  }
0x347: {  	v50 =	vadd.s32 v41, v49;
	p0 =	slt.s32 s28, $0x10  }
0x348: {  	s31 =	simm.s32 @!p0 $0x3  }
0x349: {  	v61 =	vld.idx.msk [tilespmem:v48+s20+$0x0], $0xffff;
	_ =	swait.ge @!p0 [sflag:s31], $0x80  }
0x34a: {  	[sflag:s31] =	ssyncset.done @!p0 $0x0  }
0x34b: {  	[sflag:s31] =	ssyncadd.s32 @!p0 $0xFFFFFF80  }
0x34c: {  	v50 =	vld.idx.msk [tilespmem:v50+s13+$0x0], $0xffff  }
0x34d: {  	v51 =	vadd.s32 v42, v49;
	_ =	sdelay $0x1  }
0x34e: {  	s28 =	sshll.u32 s28, $0x7  }
0x34f: {  	(v2sf) =	vpush v61, $0x0;
	s31 =	sand.u32 $0x780, s28  }
0x350: {  	[tilespmem:s31+$0x4600] =	vst v50  }
0x351: {  	v62 =	vld.idx.msk [tilespmem:v51+s13+$0x0], $0xffff  }
0x352: {  	v63 =	vadd.s32 v43, v49;
	_ =	sdelay $0x3  }
0x353: {  	[tilespmem:s31+$0x4610] =	vst v62  }
0x354: {  	v48 =	vld.idx.msk [tilespmem:v63+s13+$0x0], $0xffff  }
0x355: {  	v49 =	vadd.s32 v44, v49;
	_ =	sdelay $0x3  }
0x356: {  	[tilespmem:s31+$0x4620] =	vst v48  }
0x357: {  	p1 =	sne.s32 s29, $0x2;
	v46 =	vadd.s32 $0x1, v46;
	v49 =	vld.idx.msk [tilespmem:v49+s13+$0x0], $0xffff  }
.Ltmp7:
0x358: {  	s28 =	spop (v2sf);
	(v2sf) =	vpush v46, $0x0;
	(pc) =	sbr.rel @!p1 .LBB2_8-.Ltmp7, $4  }
0x359: {  	v48 =	vmov s30  }
0x35a: {  	s4 =	sshll.u32 s28, $0x4  }
0x35b: {  	p0 =	por $0x1, $0x1;
	s4 =	sand.u32 $0x1FFFFFF0, s4  }
0x35c: {  	s28 =	simm.s32 $0x2;
	s30 =	sadd.s32 $0x4600, s31;
	[tilespmem:s31+$0x4630] =	vst v49;
	s31 =	sadd.s32 s6, s4  }
.LBB2_7:
0x35d: {  	[hbm4b:s31+s5] =	stream.linear.scatter [tilespmem:s30], [sflag:$0x3], $0x80, $0x38;
	[tilespmem:$0x1CE00] =	vst v63  }
0x35e: {  	s30 =	smov.u32 s28;
	s28 =	sadd.s32 $0x1, s28;
	v49 =	vld.idx.msk [tilespmem:v48+s19+$0x0], $0xffff  }
0x35f: {  	p1 =	sne.s32 s29, s28;
	_ =	sdelay $0x4  }
0x360: {  	v50 =	vsub.s32 v49, v47  }
0x361: {  	v50 =	vshll.u32 v50, $0x3  }
0x362: {  	v49 =	vand.u32 $0x7F, v49;
	v50 =	vand.u32 $0xFFFFFC00, v50  }
0x363: {  	v49 =	vor.u32 v49, v50;
	s4 =	spop (v2sf)  }
0x364: {  	v50 =	vadd.s32 v41, v49;
	p2 =	slt.s32 s4, $0x10;
	s4 =	sshll.u32 s4, $0x7  }
0x365: {  	v48 =	vld.idx.msk [tilespmem:v48+s20+$0x0], $0xffff;
	s31 =	simm.s32 @!p2 $0x3  }
0x366: {  	_ =	swait.ge @!p2 [sflag:s31], $0x80  }
0x367: {  	[sflag:s31] =	ssyncset.done @!p2 $0x0  }
0x368: {  	[sflag:s31] =	ssyncadd.s32 @!p2 $0xFFFFFF80  }
0x369: {  	v50 =	vld.idx.msk [tilespmem:v50+s13+$0x0], $0xffff;
	_ =	sdelay $0x1  }
0x36a: {  	v51 =	vadd.s32 v42, v49;
	(v2sf) =	vpush v48, $0x0;
	_ =	sdelay $0x2  }
0x36b: {  	s4 =	sand.u32 $0x780, s4  }
0x36c: {  	[tilespmem:s4+$0x4600] =	vst v50  }
0x36d: {  	v48 =	vld.idx.msk [tilespmem:v51+s13+$0x0], $0xffff;
	_ =	sdelay $0x1  }
0x36e: {  	v50 =	vadd.s32 v43, v49;
	_ =	sdelay $0x3  }
0x36f: {  	[tilespmem:s4+$0x4610] =	vst v48  }
0x370: {  	v48 =	vld.idx.msk [tilespmem:v50+s13+$0x0], $0xffff;
	_ =	sdelay $0x1  }
0x371: {  	v49 =	vadd.s32 v44, v49  }
0x372: {  	s31 =	spop (v2sf)  }
0x373: {  	s31 =	sshll.u32 s31, $0x4  }
0x374: {  	s31 =	sand.u32 $0x1FFFFFF0, s31  }
0x375: {  	[tilespmem:s4+$0x4620] =	vst v48  }
0x376: {  	v49 =	vld.idx.msk [tilespmem:v49+s13+$0x0], $0xffff  }
0x377: {  	v46 =	vadd.s32 $0x1, v46  }
.Ltmp8:
0x378: {  	(v2sf) =	vpush v46, $0x0;
	(pc) =	sbr.rel @p1 .LBB2_7-.Ltmp8, $2  }
0x379: {  	v48 =	vmov s30;
	_ =	sdelay $0x2  }
0x37a: {  	s30 =	sadd.s32 $0x4600, s4;
	s31 =	sadd.s32 s6, s31;
	[tilespmem:s4+$0x4630] =	vst v49  }
.LBB2_8:
0x37b: {  	_ =	sdelay $0x2  }
0x37c: {  	[hbm4b:s31+s5] =	stream.linear.scatter @p0 [tilespmem:s30], [sflag:$0x3], $0x80, $0x38;
	[tilespmem:$0x1CE00] =	vst v63  }
0x37d: {  	v49 =	vld.idx.msk [tilespmem:v48+s19+$0x0], $0xffff;
	_ =	sdelay $0x4  }
0x37e: {  	v47 =	vsub.s32 v49, v47  }
0x37f: {  	v47 =	vshll.u32 v47, $0x3  }
0x380: {  	v49 =	vand.u32 $0x7F, v49;
	v47 =	vand.u32 $0xFFFFFC00, v47  }
0x381: {  	v47 =	vor.u32 v49, v47;
	s4 =	spop (v2sf)  }
0x382: {  	v49 =	vadd.s32 v41, v47;
	p0 =	slt.s32 s4, $0x10  }
0x383: {  	s28 =	simm.s32 @!p0 $0x3  }
0x384: {  	v61 =	vld.idx.msk [tilespmem:v48+s20+$0x0], $0xffff;
	_ =	swait.ge @!p0 [sflag:s28], $0x80  }
0x385: {  	[sflag:s28] =	ssyncset.done @!p0 $0x0  }
0x386: {  	[sflag:s28] =	ssyncadd.s32 @!p0 $0xFFFFFF80  }
0x387: {  	v49 =	vld.idx.msk [tilespmem:v49+s13+$0x0], $0xffff  }
0x388: {  	v50 =	vadd.s32 v42, v47;
	_ =	sdelay $0x1  }
0x389: {  	s4 =	sshll.u32 s4, $0x7  }
0x38a: {  	s4 =	sand.u32 $0x780, s4  }
0x38b: {  	(v2sf) =	vpush v61, $0x0;
	[tilespmem:s4+$0x4600] =	vst v49  }
0x38c: {  	v62 =	vld.idx.msk [tilespmem:v50+s13+$0x0], $0xffff  }
0x38d: {  	v63 =	vadd.s32 v43, v47;
	_ =	sdelay $0x3  }
0x38e: {  	[tilespmem:s4+$0x4610] =	vst v62  }
0x38f: {  	v48 =	vld.idx.msk [tilespmem:v63+s13+$0x0], $0xffff  }
0x390: {  	v47 =	vadd.s32 v44, v47;
	_ =	sdelay $0x3  }
0x391: {  	[tilespmem:s4+$0x4620] =	vst v48  }
0x392: {  	v47 =	vld.idx.msk [tilespmem:v47+s13+$0x0], $0xffff;
	_ =	sdelay $0x1  }
0x393: {  	s30 =	spop (v2sf)  }
0x394: {  	s28 =	sshll.u32 s30, $0x4  }
0x395: {  	s28 =	sand.u32 $0x1FFFFFF0, s28  }
0x396: {  	s29 =	sadd.s32 $0x4600, s4;
	s31 =	sadd.s32 s6, s28;
	[tilespmem:s4+$0x4630] =	vst v47  }
0x397: {  	v46 =	vadd.s32 $0x1, v46;
	[hbm4b:s31+s5] =	stream.linear.scatter [tilespmem:s29], [sflag:$0x3], $0x80, $0x38;
	[tilespmem:$0x1CE00] =	vst v63  }
.LBB2_9:
0x398: {  	s4 =	sshll.u32 s24, $0x1  }
0x399: {  	s4 =	smin.u32 s4, $0x27  }
0x39a: {  	s4 =	smul.u32 $0x6, s4;
	_ =	sdelay $0x1  }
0x39b: {  	s4 =	sadd.s32 s4, s8  }
0x39c: {  	s4 =	smin.u32 s4, $0x1E7F  }
0x39d: {  	s4 =	sshll.u32 s4, $0x7  }
0x39e: {  	s4 =	sadd.s32 s3, s4  }
0x39f: {  	[tilespmem:s13], [sflag:$0x1] =	stream.strided.gather [hbm4b:s4+s11], $0xC000, s12, s11, $0x38;
	[tilespmem:$0x1CE00] =	vst v63  }
0x3a0: {  	_ =	swait.ge [sflag:s21], $0xC000  }
0x3a1: {  	[sflag:s21] =	ssyncset.done $0x0  }
0x3a2: {  	[sflag:s21] =	ssyncadd.s32 $0xFFFF4000  }
0x3a3: {  	v47 =	vld [tilespmem:$0x4000];
	_ =	sdelay $0x4  }
0x3a4: {  	s28 =	sadd.s32 $0x6, s26;
	v48 =	vshrl.u32 v47, $0x7  }
0x3a5: {  	vm8 =	vge.u32 v48, s26;
	vm9 =	vlt.u32 v48, s28  }
0x3a6: {  	vm8 =	vmand vm8, vm9  }
0x3a7: {  	vm8 =	vmand vm10, vm8  }
0x3a8: {  	v58 =	vsel vm8, $0x1, v3  }
0x3a9: {  	(xrf0) =	vadd.scan.msk.s32 $0xffff, v58;
	_ =	sdelay $0x5  }
0x3aa: {  	v49, _, _ =	vpop (xrf0)  }
0x3ab: {  	v48 =	vsub.s32 v49, v58  }
0x3ac: {  	vm9 =	vlt.s32 v48, $0x40  }
0x3ad: {  	vm9 =	vmand vm8, vm9;
	_ =	sdelay $0x5  }
0x3ae: {  	[tilespmem:v48+s19+$0x0] =	vst.idx.msk vm9, v47  }
0x3af: {  	v47 =	vld [tilespmem:$0x4280];
	_ =	sdelay $0x4  }
0x3b0: {  	[tilespmem:v48+s20+$0x0] =	vst.idx.msk vm9, v47  }
0x3b1: {  	v47 =	vld [tilespmem:$0x4010];
	_ =	sdelay $0x1  }
0x3b2: {  	v60 =	vld [tilespmem:$0x1FE60];
	_ =	sdelay $0x2  }
0x3b3: {  	v59 =	vshrl.u32 v47, $0x7  }
0x3b4: {  	vm9 =	vge.u32 v59, s26;
	vm10 =	vlt.u32 v59, s28  }
0x3b5: {  	vm9 =	vmand vm9, vm10;
	vm10 =	vnez.u8 v60  }
0x3b6: {  	vm9 =	vmand vm10, vm9  }
0x3b7: {  	v61 =	vsel vm9, $0x1, v3  }
0x3b8: {  	(xrf0) =	vadd.scan.msk.s32 $0xffff, v61;
	_ =	sdelay $0x3  }
0x3b9: {  	v62 =	vmpcnt.ones.xlane vm8  }
0x3ba: {  	v63 =	vsel vm9, $0xFFFFFFFF, v3  }
0x3bb: {  	v49 =	vadd.s32 v63, v62;
	v50, _, _ =	vpop (xrf0)  }
0x3bc: {  	v49 =	vadd.s32 v50, v49  }
0x3bd: {  	vm8 =	vlt.s32 v49, $0x40  }
0x3be: {  	vm8 =	vmand vm9, vm8;
	_ =	sdelay $0x5  }
0x3bf: {  	[tilespmem:v49+s19+$0x0] =	vst.idx.msk vm8, v47  }
0x3c0: {  	v47 =	vld [tilespmem:$0x4290];
	_ =	sdelay $0x4  }
0x3c1: {  	[tilespmem:v49+s20+$0x0] =	vst.idx.msk vm8, v47  }
0x3c2: {  	v47 =	vld [tilespmem:$0x4020];
	_ =	sdelay $0x1  }
0x3c3: {  	v53 =	vld [tilespmem:$0x1FE70];
	_ =	sdelay $0x2  }
0x3c4: {  	v52 =	vshrl.u32 v47, $0x7  }
0x3c5: {  	vm8 =	vge.u32 v52, s26;
	vm10 =	vlt.u32 v52, s28  }
0x3c6: {  	vm8 =	vmand vm8, vm10;
	vm10 =	vnez.u8 v53  }
0x3c7: {  	vm8 =	vmand vm10, vm8  }
0x3c8: {  	v54 =	vsel vm8, $0x1, v3  }
0x3c9: {  	(xrf0) =	vadd.scan.msk.s32 $0xffff, v54;
	_ =	sdelay $0x2  }
0x3ca: {  	v55 =	vmpcnt.ones.xlane vm9;
	_ =	sdelay $0x1  }
0x3cb: {  	v48 =	vadd.s32 v62, v55;
	v56 =	vsel vm8, $0xFFFFFFFF, v3  }
0x3cc: {  	v49 =	vadd.s32 v56, v48;
	v57, _, _ =	vpop (xrf0)  }
0x3cd: {  	v49 =	vadd.s32 v57, v49  }
0x3ce: {  	vm9 =	vlt.s32 v49, $0x40  }
0x3cf: {  	vm9 =	vmand vm8, vm9;
	_ =	sdelay $0x5  }
0x3d0: {  	[tilespmem:v49+s19+$0x0] =	vst.idx.msk vm9, v47  }
0x3d1: {  	v47 =	vld [tilespmem:$0x42A0];
	_ =	sdelay $0x4  }
0x3d2: {  	[tilespmem:v49+s20+$0x0] =	vst.idx.msk vm9, v47  }
0x3d3: {  	v47 =	vld [tilespmem:$0x4030];
	_ =	sdelay $0x1  }
0x3d4: {  	v59 =	vld [tilespmem:$0x1FE80];
	_ =	sdelay $0x2  }
0x3d5: {  	v58 =	vshrl.u32 v47, $0x7  }
0x3d6: {  	vm9 =	vge.u32 v58, s26;
	vm10 =	vlt.u32 v58, s28  }
0x3d7: {  	vm9 =	vmand vm9, vm10;
	vm10 =	vnez.u8 v59  }
0x3d8: {  	vm9 =	vmand vm10, vm9  }
0x3d9: {  	v60 =	vsel vm9, $0x1, v3  }
0x3da: {  	(xrf0) =	vadd.scan.msk.s32 $0xffff, v60;
	_ =	sdelay $0x2  }
0x3db: {  	v61 =	vmpcnt.ones.xlane vm8;
	_ =	sdelay $0x1  }
0x3dc: {  	v48 =	vadd.s32 v48, v61;
	v62 =	vsel vm9, $0xFFFFFFFF, v3  }
0x3dd: {  	v49 =	vadd.s32 v62, v48;
	v63, _, _ =	vpop (xrf0)  }
0x3de: {  	v49 =	vadd.s32 v63, v49  }
0x3df: {  	vm8 =	vlt.s32 v49, $0x40  }
0x3e0: {  	vm8 =	vmand vm9, vm8;
	_ =	sdelay $0x5  }
0x3e1: {  	[tilespmem:v49+s19+$0x0] =	vst.idx.msk vm8, v47  }
0x3e2: {  	v47 =	vld [tilespmem:$0x42B0];
	_ =	sdelay $0x4  }
0x3e3: {  	[tilespmem:v49+s20+$0x0] =	vst.idx.msk vm8, v47  }
0x3e4: {  	v47 =	vld [tilespmem:$0x4040];
	_ =	sdelay $0x1  }
0x3e5: {  	v53 =	vld [tilespmem:$0x1FE90];
	_ =	sdelay $0x2  }
0x3e6: {  	v52 =	vshrl.u32 v47, $0x7  }
0x3e7: {  	vm8 =	vge.u32 v52, s26;
	vm10 =	vlt.u32 v52, s28  }
0x3e8: {  	vm8 =	vmand vm8, vm10;
	vm10 =	vnez.u8 v53  }
0x3e9: {  	vm8 =	vmand vm10, vm8  }
0x3ea: {  	v54 =	vsel vm8, $0x1, v3  }
0x3eb: {  	(xrf0) =	vadd.scan.msk.s32 $0xffff, v54;
	_ =	sdelay $0x2  }
0x3ec: {  	v55 =	vmpcnt.ones.xlane vm9;
	_ =	sdelay $0x1  }
0x3ed: {  	v48 =	vadd.s32 v48, v55;
	v56 =	vsel vm8, $0xFFFFFFFF, v3  }
0x3ee: {  	v49 =	vadd.s32 v56, v48;
	v57, _, _ =	vpop (xrf0)  }
0x3ef: {  	v49 =	vadd.s32 v57, v49  }
0x3f0: {  	vm9 =	vlt.s32 v49, $0x40  }
0x3f1: {  	vm9 =	vmand vm8, vm9;
	_ =	sdelay $0x5  }
0x3f2: {  	[tilespmem:v49+s19+$0x0] =	vst.idx.msk vm9, v47  }
0x3f3: {  	v47 =	vld [tilespmem:$0x42C0];
	_ =	sdelay $0x4  }
0x3f4: {  	[tilespmem:v49+s20+$0x0] =	vst.idx.msk vm9, v47  }
0x3f5: {  	v47 =	vld [tilespmem:$0x4050];
	_ =	sdelay $0x1  }
0x3f6: {  	v59 =	vld [tilespmem:$0x1FEA0];
	_ =	sdelay $0x2  }
0x3f7: {  	v58 =	vshrl.u32 v47, $0x7  }
0x3f8: {  	vm9 =	vge.u32 v58, s26;
	vm10 =	vlt.u32 v58, s28  }
0x3f9: {  	vm9 =	vmand vm9, vm10;
	vm10 =	vnez.u8 v59  }
0x3fa: {  	vm9 =	vmand vm10, vm9  }
0x3fb: {  	v60 =	vsel vm9, $0x1, v3  }
0x3fc: {  	(xrf0) =	vadd.scan.msk.s32 $0xffff, v60;
	_ =	sdelay $0x2  }
0x3fd: {  	v61 =	vmpcnt.ones.xlane vm8;
	_ =	sdelay $0x1  }
0x3fe: {  	v48 =	vadd.s32 v48, v61;
	v62 =	vsel vm9, $0xFFFFFFFF, v3  }
0x3ff: {  	v49 =	vadd.s32 v62, v48;
	v63, _, _ =	vpop (xrf0)  }
0x400: {  	v49 =	vadd.s32 v63, v49  }
0x401: {  	vm8 =	vlt.s32 v49, $0x40  }
0x402: {  	vm8 =	vmand vm9, vm8;
	_ =	sdelay $0x5  }
0x403: {  	[tilespmem:v49+s19+$0x0] =	vst.idx.msk vm8, v47  }
0x404: {  	v47 =	vld [tilespmem:$0x42D0];
	_ =	sdelay $0x4  }
0x405: {  	[tilespmem:v49+s20+$0x0] =	vst.idx.msk vm8, v47  }
0x406: {  	v47 =	vld [tilespmem:$0x4060];
	_ =	sdelay $0x1  }
0x407: {  	v53 =	vld [tilespmem:$0x1FEB0];
	_ =	sdelay $0x2  }
0x408: {  	v52 =	vshrl.u32 v47, $0x7  }
0x409: {  	vm8 =	vge.u32 v52, s26;
	vm10 =	vlt.u32 v52, s28  }
0x40a: {  	vm8 =	vmand vm8, vm10;
	vm10 =	vnez.u8 v53  }
0x40b: {  	vm8 =	vmand vm10, vm8  }
0x40c: {  	v54 =	vsel vm8, $0x1, v3  }
0x40d: {  	(xrf0) =	vadd.scan.msk.s32 $0xffff, v54;
	_ =	sdelay $0x2  }
0x40e: {  	v55 =	vmpcnt.ones.xlane vm9;
	_ =	sdelay $0x1  }
0x40f: {  	v48 =	vadd.s32 v48, v55;
	v56 =	vsel vm8, $0xFFFFFFFF, v3  }
0x410: {  	v49 =	vadd.s32 v56, v48;
	v57, _, _ =	vpop (xrf0)  }
0x411: {  	v49 =	vadd.s32 v57, v49  }
0x412: {  	vm9 =	vlt.s32 v49, $0x40  }
0x413: {  	vm9 =	vmand vm8, vm9;
	_ =	sdelay $0x5  }
0x414: {  	[tilespmem:v49+s19+$0x0] =	vst.idx.msk vm9, v47  }
0x415: {  	v47 =	vld [tilespmem:$0x42E0];
	_ =	sdelay $0x4  }
0x416: {  	[tilespmem:v49+s20+$0x0] =	vst.idx.msk vm9, v47  }
0x417: {  	v47 =	vld [tilespmem:$0x4070];
	_ =	sdelay $0x1  }
0x418: {  	v59 =	vld [tilespmem:$0x1FEC0];
	_ =	sdelay $0x2  }
0x419: {  	v58 =	vshrl.u32 v47, $0x7  }
0x41a: {  	vm9 =	vge.u32 v58, s26;
	vm10 =	vlt.u32 v58, s28  }
0x41b: {  	vm9 =	vmand vm9, vm10;
	vm10 =	vnez.u8 v59  }
0x41c: {  	vm9 =	vmand vm10, vm9  }
0x41d: {  	v60 =	vsel vm9, $0x1, v3  }
0x41e: {  	(xrf0) =	vadd.scan.msk.s32 $0xffff, v60;
	_ =	sdelay $0x2  }
0x41f: {  	v61 =	vmpcnt.ones.xlane vm8;
	_ =	sdelay $0x1  }
0x420: {  	v48 =	vadd.s32 v48, v61;
	v62 =	vsel vm9, $0xFFFFFFFF, v3  }
0x421: {  	v49 =	vadd.s32 v62, v48;
	v63, _, _ =	vpop (xrf0)  }
0x422: {  	v49 =	vadd.s32 v63, v49  }
0x423: {  	vm8 =	vlt.s32 v49, $0x40  }
0x424: {  	vm8 =	vmand vm9, vm8;
	_ =	sdelay $0x5  }
0x425: {  	[tilespmem:v49+s19+$0x0] =	vst.idx.msk vm8, v47  }
0x426: {  	v47 =	vld [tilespmem:$0x42F0];
	_ =	sdelay $0x4  }
0x427: {  	[tilespmem:v49+s20+$0x0] =	vst.idx.msk vm8, v47  }
0x428: {  	v47 =	vld [tilespmem:$0x4080];
	_ =	sdelay $0x1  }
0x429: {  	v53 =	vld [tilespmem:$0x1FED0];
	_ =	sdelay $0x2  }
0x42a: {  	v52 =	vshrl.u32 v47, $0x7  }
0x42b: {  	vm8 =	vge.u32 v52, s26;
	vm10 =	vlt.u32 v52, s28  }
0x42c: {  	vm8 =	vmand vm8, vm10;
	vm10 =	vnez.u8 v53  }
0x42d: {  	vm8 =	vmand vm10, vm8  }
0x42e: {  	v54 =	vsel vm8, $0x1, v3  }
0x42f: {  	(xrf0) =	vadd.scan.msk.s32 $0xffff, v54;
	_ =	sdelay $0x2  }
0x430: {  	v55 =	vmpcnt.ones.xlane vm9;
	_ =	sdelay $0x1  }
0x431: {  	v48 =	vadd.s32 v48, v55;
	v56 =	vsel vm8, $0xFFFFFFFF, v3  }
0x432: {  	v49 =	vadd.s32 v56, v48;
	v57, _, _ =	vpop (xrf0)  }
0x433: {  	v49 =	vadd.s32 v57, v49  }
0x434: {  	vm9 =	vlt.s32 v49, $0x40  }
0x435: {  	vm9 =	vmand vm8, vm9;
	_ =	sdelay $0x5  }
0x436: {  	[tilespmem:v49+s19+$0x0] =	vst.idx.msk vm9, v47  }
0x437: {  	v47 =	vld [tilespmem:$0x4300];
	_ =	sdelay $0x4  }
0x438: {  	[tilespmem:v49+s20+$0x0] =	vst.idx.msk vm9, v47  }
0x439: {  	v47 =	vld [tilespmem:$0x4090];
	_ =	sdelay $0x1  }
0x43a: {  	v59 =	vld [tilespmem:$0x1FEE0];
	_ =	sdelay $0x2  }
0x43b: {  	v58 =	vshrl.u32 v47, $0x7  }
0x43c: {  	vm9 =	vge.u32 v58, s26;
	vm10 =	vlt.u32 v58, s28  }
0x43d: {  	vm9 =	vmand vm9, vm10;
	vm10 =	vnez.u8 v59  }
0x43e: {  	vm9 =	vmand vm10, vm9  }
0x43f: {  	v60 =	vsel vm9, $0x1, v3  }
0x440: {  	(xrf0) =	vadd.scan.msk.s32 $0xffff, v60;
	_ =	sdelay $0x2  }
0x441: {  	v61 =	vmpcnt.ones.xlane vm8;
	_ =	sdelay $0x1  }
0x442: {  	v48 =	vadd.s32 v48, v61;
	v62 =	vsel vm9, $0xFFFFFFFF, v3  }
0x443: {  	v49 =	vadd.s32 v62, v48;
	v63, _, _ =	vpop (xrf0)  }
0x444: {  	v49 =	vadd.s32 v63, v49  }
0x445: {  	vm8 =	vlt.s32 v49, $0x40  }
0x446: {  	vm8 =	vmand vm9, vm8;
	_ =	sdelay $0x5  }
0x447: {  	[tilespmem:v49+s19+$0x0] =	vst.idx.msk vm8, v47  }
0x448: {  	v47 =	vld [tilespmem:$0x4310];
	_ =	sdelay $0x4  }
0x449: {  	[tilespmem:v49+s20+$0x0] =	vst.idx.msk vm8, v47  }
0x44a: {  	v47 =	vld [tilespmem:$0x40A0];
	_ =	sdelay $0x1  }
0x44b: {  	v53 =	vld [tilespmem:$0x1FEF0];
	_ =	sdelay $0x2  }
0x44c: {  	v52 =	vshrl.u32 v47, $0x7  }
0x44d: {  	vm8 =	vge.u32 v52, s26;
	vm10 =	vlt.u32 v52, s28  }
0x44e: {  	vm8 =	vmand vm8, vm10;
	vm10 =	vnez.u8 v53  }
0x44f: {  	vm8 =	vmand vm10, vm8  }
0x450: {  	v54 =	vsel vm8, $0x1, v3  }
0x451: {  	(xrf0) =	vadd.scan.msk.s32 $0xffff, v54;
	_ =	sdelay $0x2  }
0x452: {  	v55 =	vmpcnt.ones.xlane vm9;
	_ =	sdelay $0x1  }
0x453: {  	v48 =	vadd.s32 v48, v55;
	v56 =	vsel vm8, $0xFFFFFFFF, v3  }
0x454: {  	v49 =	vadd.s32 v56, v48;
	v57, _, _ =	vpop (xrf0)  }
0x455: {  	v49 =	vadd.s32 v57, v49  }
0x456: {  	vm9 =	vlt.s32 v49, $0x40  }
0x457: {  	vm9 =	vmand vm8, vm9;
	_ =	sdelay $0x5  }
0x458: {  	[tilespmem:v49+s19+$0x0] =	vst.idx.msk vm9, v47  }
0x459: {  	v47 =	vld [tilespmem:$0x4320];
	_ =	sdelay $0x4  }
0x45a: {  	[tilespmem:v49+s20+$0x0] =	vst.idx.msk vm9, v47  }
0x45b: {  	v47 =	vld [tilespmem:$0x40B0];
	_ =	sdelay $0x1  }
0x45c: {  	v59 =	vld [tilespmem:$0x1FF00];
	_ =	sdelay $0x2  }
0x45d: {  	v58 =	vshrl.u32 v47, $0x7  }
0x45e: {  	vm9 =	vge.u32 v58, s26;
	vm10 =	vlt.u32 v58, s28  }
0x45f: {  	vm9 =	vmand vm9, vm10;
	vm10 =	vnez.u8 v59  }
0x460: {  	vm9 =	vmand vm10, vm9  }
0x461: {  	v60 =	vsel vm9, $0x1, v3  }
0x462: {  	(xrf0) =	vadd.scan.msk.s32 $0xffff, v60;
	_ =	sdelay $0x2  }
0x463: {  	v61 =	vmpcnt.ones.xlane vm8;
	_ =	sdelay $0x1  }
0x464: {  	v48 =	vadd.s32 v48, v61;
	v62 =	vsel vm9, $0xFFFFFFFF, v3  }
0x465: {  	v49 =	vadd.s32 v62, v48;
	v63, _, _ =	vpop (xrf0)  }
0x466: {  	v49 =	vadd.s32 v63, v49  }
0x467: {  	vm8 =	vlt.s32 v49, $0x40  }
0x468: {  	vm8 =	vmand vm9, vm8;
	_ =	sdelay $0x5  }
0x469: {  	[tilespmem:v49+s19+$0x0] =	vst.idx.msk vm8, v47  }
0x46a: {  	v47 =	vld [tilespmem:$0x4330];
	_ =	sdelay $0x4  }
0x46b: {  	[tilespmem:v49+s20+$0x0] =	vst.idx.msk vm8, v47  }
0x46c: {  	v47 =	vld [tilespmem:$0x40C0];
	_ =	sdelay $0x1  }
0x46d: {  	v53 =	vld [tilespmem:$0x1FF10];
	_ =	sdelay $0x2  }
0x46e: {  	v52 =	vshrl.u32 v47, $0x7  }
0x46f: {  	vm8 =	vge.u32 v52, s26;
	vm10 =	vlt.u32 v52, s28  }
0x470: {  	vm8 =	vmand vm8, vm10;
	vm10 =	vnez.u8 v53  }
0x471: {  	vm8 =	vmand vm10, vm8  }
0x472: {  	v54 =	vsel vm8, $0x1, v3  }
0x473: {  	(xrf0) =	vadd.scan.msk.s32 $0xffff, v54;
	_ =	sdelay $0x2  }
0x474: {  	v55 =	vmpcnt.ones.xlane vm9;
	_ =	sdelay $0x1  }
0x475: {  	v48 =	vadd.s32 v48, v55;
	v56 =	vsel vm8, $0xFFFFFFFF, v3  }
0x476: {  	v49 =	vadd.s32 v56, v48;
	v57, _, _ =	vpop (xrf0)  }
0x477: {  	v49 =	vadd.s32 v57, v49  }
0x478: {  	vm9 =	vlt.s32 v49, $0x40  }
0x479: {  	vm9 =	vmand vm8, vm9;
	_ =	sdelay $0x5  }
0x47a: {  	[tilespmem:v49+s19+$0x0] =	vst.idx.msk vm9, v47  }
0x47b: {  	v47 =	vld [tilespmem:$0x4340];
	_ =	sdelay $0x4  }
0x47c: {  	[tilespmem:v49+s20+$0x0] =	vst.idx.msk vm9, v47  }
0x47d: {  	v47 =	vld [tilespmem:$0x40D0];
	_ =	sdelay $0x1  }
0x47e: {  	v59 =	vld [tilespmem:$0x1FF20];
	_ =	sdelay $0x2  }
0x47f: {  	v58 =	vshrl.u32 v47, $0x7  }
0x480: {  	vm9 =	vge.u32 v58, s26;
	vm10 =	vlt.u32 v58, s28  }
0x481: {  	vm9 =	vmand vm9, vm10;
	vm10 =	vnez.u8 v59  }
0x482: {  	vm9 =	vmand vm10, vm9  }
0x483: {  	v60 =	vsel vm9, $0x1, v3  }
0x484: {  	(xrf0) =	vadd.scan.msk.s32 $0xffff, v60;
	_ =	sdelay $0x2  }
0x485: {  	v61 =	vmpcnt.ones.xlane vm8;
	_ =	sdelay $0x1  }
0x486: {  	v48 =	vadd.s32 v48, v61;
	v62 =	vsel vm9, $0xFFFFFFFF, v3  }
0x487: {  	v49 =	vadd.s32 v62, v48;
	v63, _, _ =	vpop (xrf0)  }
0x488: {  	v49 =	vadd.s32 v63, v49  }
0x489: {  	vm8 =	vlt.s32 v49, $0x40  }
0x48a: {  	vm8 =	vmand vm9, vm8;
	_ =	sdelay $0x5  }
0x48b: {  	[tilespmem:v49+s19+$0x0] =	vst.idx.msk vm8, v47  }
0x48c: {  	v47 =	vld [tilespmem:$0x4350];
	_ =	sdelay $0x4  }
0x48d: {  	[tilespmem:v49+s20+$0x0] =	vst.idx.msk vm8, v47  }
0x48e: {  	v47 =	vld [tilespmem:$0x40E0];
	_ =	sdelay $0x1  }
0x48f: {  	v53 =	vld [tilespmem:$0x1FF30];
	_ =	sdelay $0x2  }
0x490: {  	v52 =	vshrl.u32 v47, $0x7  }
0x491: {  	vm8 =	vge.u32 v52, s26;
	vm10 =	vlt.u32 v52, s28  }
0x492: {  	vm8 =	vmand vm8, vm10;
	vm10 =	vnez.u8 v53  }
0x493: {  	vm8 =	vmand vm10, vm8  }
0x494: {  	v54 =	vsel vm8, $0x1, v3  }
0x495: {  	(xrf0) =	vadd.scan.msk.s32 $0xffff, v54;
	_ =	sdelay $0x2  }
0x496: {  	v55 =	vmpcnt.ones.xlane vm9;
	_ =	sdelay $0x1  }
0x497: {  	v48 =	vadd.s32 v48, v55;
	v56 =	vsel vm8, $0xFFFFFFFF, v3  }
0x498: {  	v49 =	vadd.s32 v56, v48;
	v57, _, _ =	vpop (xrf0)  }
0x499: {  	v49 =	vadd.s32 v57, v49  }
0x49a: {  	vm9 =	vlt.s32 v49, $0x40  }
0x49b: {  	vm9 =	vmand vm8, vm9;
	_ =	sdelay $0x5  }
0x49c: {  	[tilespmem:v49+s19+$0x0] =	vst.idx.msk vm9, v47  }
0x49d: {  	v47 =	vld [tilespmem:$0x4360];
	_ =	sdelay $0x4  }
0x49e: {  	[tilespmem:v49+s20+$0x0] =	vst.idx.msk vm9, v47  }
0x49f: {  	v47 =	vld [tilespmem:$0x40F0];
	_ =	sdelay $0x1  }
0x4a0: {  	v59 =	vld [tilespmem:$0x1FF40];
	_ =	sdelay $0x2  }
0x4a1: {  	v58 =	vshrl.u32 v47, $0x7  }
0x4a2: {  	vm9 =	vge.u32 v58, s26;
	vm10 =	vlt.u32 v58, s28  }
0x4a3: {  	vm9 =	vmand vm9, vm10;
	vm10 =	vnez.u8 v59  }
0x4a4: {  	vm9 =	vmand vm10, vm9  }
0x4a5: {  	v60 =	vsel vm9, $0x1, v3  }
0x4a6: {  	(xrf0) =	vadd.scan.msk.s32 $0xffff, v60;
	_ =	sdelay $0x2  }
0x4a7: {  	v61 =	vmpcnt.ones.xlane vm8;
	_ =	sdelay $0x1  }
0x4a8: {  	v48 =	vadd.s32 v48, v61;
	v62 =	vsel vm9, $0xFFFFFFFF, v3  }
0x4a9: {  	v49 =	vadd.s32 v62, v48;
	v63, _, _ =	vpop (xrf0)  }
0x4aa: {  	v49 =	vadd.s32 v63, v49  }
0x4ab: {  	vm8 =	vlt.s32 v49, $0x40  }
0x4ac: {  	vm8 =	vmand vm9, vm8;
	_ =	sdelay $0x5  }
0x4ad: {  	[tilespmem:v49+s19+$0x0] =	vst.idx.msk vm8, v47  }
0x4ae: {  	v47 =	vld [tilespmem:$0x4370];
	_ =	sdelay $0x4  }
0x4af: {  	[tilespmem:v49+s20+$0x0] =	vst.idx.msk vm8, v47  }
0x4b0: {  	v47 =	vld [tilespmem:$0x4100];
	_ =	sdelay $0x1  }
0x4b1: {  	v53 =	vld [tilespmem:$0x1FF50];
	_ =	sdelay $0x2  }
0x4b2: {  	v52 =	vshrl.u32 v47, $0x7  }
0x4b3: {  	vm8 =	vge.u32 v52, s26;
	vm10 =	vlt.u32 v52, s28  }
0x4b4: {  	vm8 =	vmand vm8, vm10;
	vm10 =	vnez.u8 v53  }
0x4b5: {  	vm8 =	vmand vm10, vm8  }
0x4b6: {  	v54 =	vsel vm8, $0x1, v3  }
0x4b7: {  	(xrf0) =	vadd.scan.msk.s32 $0xffff, v54;
	_ =	sdelay $0x2  }
0x4b8: {  	v55 =	vmpcnt.ones.xlane vm9;
	_ =	sdelay $0x1  }
0x4b9: {  	v48 =	vadd.s32 v48, v55;
	v56 =	vsel vm8, $0xFFFFFFFF, v3  }
0x4ba: {  	v49 =	vadd.s32 v56, v48;
	v57, _, _ =	vpop (xrf0)  }
0x4bb: {  	v49 =	vadd.s32 v57, v49  }
0x4bc: {  	vm9 =	vlt.s32 v49, $0x40  }
0x4bd: {  	vm9 =	vmand vm8, vm9;
	_ =	sdelay $0x5  }
0x4be: {  	[tilespmem:v49+s19+$0x0] =	vst.idx.msk vm9, v47  }
0x4bf: {  	v47 =	vld [tilespmem:$0x4380];
	_ =	sdelay $0x4  }
0x4c0: {  	[tilespmem:v49+s20+$0x0] =	vst.idx.msk vm9, v47  }
0x4c1: {  	v47 =	vld [tilespmem:$0x4110];
	_ =	sdelay $0x1  }
0x4c2: {  	v59 =	vld [tilespmem:$0x1FF60];
	_ =	sdelay $0x2  }
0x4c3: {  	v58 =	vshrl.u32 v47, $0x7  }
0x4c4: {  	vm9 =	vge.u32 v58, s26;
	vm10 =	vlt.u32 v58, s28  }
0x4c5: {  	vm9 =	vmand vm9, vm10;
	vm10 =	vnez.u8 v59  }
0x4c6: {  	vm9 =	vmand vm10, vm9  }
0x4c7: {  	v60 =	vsel vm9, $0x1, v3  }
0x4c8: {  	(xrf0) =	vadd.scan.msk.s32 $0xffff, v60;
	_ =	sdelay $0x2  }
0x4c9: {  	v61 =	vmpcnt.ones.xlane vm8;
	_ =	sdelay $0x1  }
0x4ca: {  	v48 =	vadd.s32 v48, v61;
	v62 =	vsel vm9, $0xFFFFFFFF, v3  }
0x4cb: {  	v49 =	vadd.s32 v62, v48;
	v63, _, _ =	vpop (xrf0)  }
0x4cc: {  	v49 =	vadd.s32 v63, v49  }
0x4cd: {  	vm8 =	vlt.s32 v49, $0x40  }
0x4ce: {  	vm8 =	vmand vm9, vm8;
	_ =	sdelay $0x5  }
0x4cf: {  	[tilespmem:v49+s19+$0x0] =	vst.idx.msk vm8, v47  }
0x4d0: {  	v47 =	vld [tilespmem:$0x4390];
	_ =	sdelay $0x4  }
0x4d1: {  	[tilespmem:v49+s20+$0x0] =	vst.idx.msk vm8, v47  }
0x4d2: {  	v47 =	vld [tilespmem:$0x4120];
	_ =	sdelay $0x1  }
0x4d3: {  	v53 =	vld [tilespmem:$0x1FF70];
	_ =	sdelay $0x2  }
0x4d4: {  	v52 =	vshrl.u32 v47, $0x7  }
0x4d5: {  	vm8 =	vge.u32 v52, s26;
	vm10 =	vlt.u32 v52, s28  }
0x4d6: {  	vm8 =	vmand vm8, vm10;
	vm10 =	vnez.u8 v53  }
0x4d7: {  	vm8 =	vmand vm10, vm8  }
0x4d8: {  	v54 =	vsel vm8, $0x1, v3  }
0x4d9: {  	(xrf0) =	vadd.scan.msk.s32 $0xffff, v54;
	_ =	sdelay $0x2  }
0x4da: {  	v55 =	vmpcnt.ones.xlane vm9;
	_ =	sdelay $0x1  }
0x4db: {  	v48 =	vadd.s32 v48, v55;
	v56 =	vsel vm8, $0xFFFFFFFF, v3  }
0x4dc: {  	v49 =	vadd.s32 v56, v48;
	v57, _, _ =	vpop (xrf0)  }
0x4dd: {  	v49 =	vadd.s32 v57, v49  }
0x4de: {  	vm9 =	vlt.s32 v49, $0x40  }
0x4df: {  	vm9 =	vmand vm8, vm9;
	_ =	sdelay $0x5  }
0x4e0: {  	[tilespmem:v49+s19+$0x0] =	vst.idx.msk vm9, v47  }
0x4e1: {  	v47 =	vld [tilespmem:$0x43A0];
	_ =	sdelay $0x4  }
0x4e2: {  	[tilespmem:v49+s20+$0x0] =	vst.idx.msk vm9, v47  }
0x4e3: {  	v47 =	vld [tilespmem:$0x4130];
	_ =	sdelay $0x1  }
0x4e4: {  	v59 =	vld [tilespmem:$0x1FF80];
	_ =	sdelay $0x2  }
0x4e5: {  	v58 =	vshrl.u32 v47, $0x7  }
0x4e6: {  	vm9 =	vge.u32 v58, s26;
	vm10 =	vlt.u32 v58, s28  }
0x4e7: {  	vm9 =	vmand vm9, vm10;
	vm10 =	vnez.u8 v59  }
0x4e8: {  	vm9 =	vmand vm10, vm9  }
0x4e9: {  	v60 =	vsel vm9, $0x1, v3  }
0x4ea: {  	(xrf0) =	vadd.scan.msk.s32 $0xffff, v60;
	_ =	sdelay $0x2  }
0x4eb: {  	v61 =	vmpcnt.ones.xlane vm8;
	_ =	sdelay $0x1  }
0x4ec: {  	v48 =	vadd.s32 v48, v61;
	v62 =	vsel vm9, $0xFFFFFFFF, v3  }
0x4ed: {  	v49 =	vadd.s32 v62, v48;
	v63, _, _ =	vpop (xrf0)  }
0x4ee: {  	v49 =	vadd.s32 v63, v49  }
0x4ef: {  	vm8 =	vlt.s32 v49, $0x40  }
0x4f0: {  	vm8 =	vmand vm9, vm8;
	_ =	sdelay $0x5  }
0x4f1: {  	[tilespmem:v49+s19+$0x0] =	vst.idx.msk vm8, v47  }
0x4f2: {  	v47 =	vld [tilespmem:$0x43B0];
	_ =	sdelay $0x4  }
0x4f3: {  	[tilespmem:v49+s20+$0x0] =	vst.idx.msk vm8, v47  }
0x4f4: {  	v47 =	vld [tilespmem:$0x4140];
	_ =	sdelay $0x1  }
0x4f5: {  	v53 =	vld [tilespmem:$0x1FF90];
	_ =	sdelay $0x2  }
0x4f6: {  	v52 =	vshrl.u32 v47, $0x7  }
0x4f7: {  	vm8 =	vge.u32 v52, s26;
	vm10 =	vlt.u32 v52, s28  }
0x4f8: {  	vm8 =	vmand vm8, vm10;
	vm10 =	vnez.u8 v53  }
0x4f9: {  	vm8 =	vmand vm10, vm8  }
0x4fa: {  	v54 =	vsel vm8, $0x1, v3  }
0x4fb: {  	(xrf0) =	vadd.scan.msk.s32 $0xffff, v54;
	_ =	sdelay $0x2  }
0x4fc: {  	v55 =	vmpcnt.ones.xlane vm9;
	_ =	sdelay $0x1  }
0x4fd: {  	v48 =	vadd.s32 v48, v55;
	v56 =	vsel vm8, $0xFFFFFFFF, v3  }
0x4fe: {  	v49 =	vadd.s32 v56, v48;
	v57, _, _ =	vpop (xrf0)  }
0x4ff: {  	v49 =	vadd.s32 v57, v49  }
0x500: {  	vm9 =	vlt.s32 v49, $0x40  }
0x501: {  	vm9 =	vmand vm8, vm9;
	_ =	sdelay $0x5  }
0x502: {  	[tilespmem:v49+s19+$0x0] =	vst.idx.msk vm9, v47  }
0x503: {  	v47 =	vld [tilespmem:$0x43C0];
	_ =	sdelay $0x4  }
0x504: {  	[tilespmem:v49+s20+$0x0] =	vst.idx.msk vm9, v47  }
0x505: {  	v47 =	vld [tilespmem:$0x4150];
	_ =	sdelay $0x1  }
0x506: {  	v59 =	vld [tilespmem:$0x1FFA0];
	_ =	sdelay $0x2  }
0x507: {  	v58 =	vshrl.u32 v47, $0x7  }
0x508: {  	vm9 =	vge.u32 v58, s26;
	vm10 =	vlt.u32 v58, s28  }
0x509: {  	vm9 =	vmand vm9, vm10;
	vm10 =	vnez.u8 v59  }
0x50a: {  	vm9 =	vmand vm10, vm9  }
0x50b: {  	v60 =	vsel vm9, $0x1, v3  }
0x50c: {  	(xrf0) =	vadd.scan.msk.s32 $0xffff, v60;
	_ =	sdelay $0x2  }
0x50d: {  	v61 =	vmpcnt.ones.xlane vm8;
	_ =	sdelay $0x1  }
0x50e: {  	v48 =	vadd.s32 v48, v61;
	v62 =	vsel vm9, $0xFFFFFFFF, v3  }
0x50f: {  	v49 =	vadd.s32 v62, v48;
	v63, _, _ =	vpop (xrf0)  }
0x510: {  	v49 =	vadd.s32 v63, v49  }
0x511: {  	vm8 =	vlt.s32 v49, $0x40  }
0x512: {  	vm8 =	vmand vm9, vm8;
	_ =	sdelay $0x5  }
0x513: {  	[tilespmem:v49+s19+$0x0] =	vst.idx.msk vm8, v47  }
0x514: {  	v47 =	vld [tilespmem:$0x43D0];
	_ =	sdelay $0x4  }
0x515: {  	[tilespmem:v49+s20+$0x0] =	vst.idx.msk vm8, v47  }
0x516: {  	v47 =	vld [tilespmem:$0x4160];
	_ =	sdelay $0x1  }
0x517: {  	v53 =	vld [tilespmem:$0x1FFB0];
	_ =	sdelay $0x2  }
0x518: {  	v52 =	vshrl.u32 v47, $0x7  }
0x519: {  	vm8 =	vge.u32 v52, s26;
	vm10 =	vlt.u32 v52, s28  }
0x51a: {  	vm8 =	vmand vm8, vm10;
	vm10 =	vnez.u8 v53  }
0x51b: {  	vm8 =	vmand vm10, vm8  }
0x51c: {  	v54 =	vsel vm8, $0x1, v3  }
0x51d: {  	(xrf0) =	vadd.scan.msk.s32 $0xffff, v54;
	_ =	sdelay $0x2  }
0x51e: {  	v55 =	vmpcnt.ones.xlane vm9;
	_ =	sdelay $0x1  }
0x51f: {  	v48 =	vadd.s32 v48, v55;
	v56 =	vsel vm8, $0xFFFFFFFF, v3  }
0x520: {  	v49 =	vadd.s32 v56, v48;
	v57, _, _ =	vpop (xrf0)  }
0x521: {  	v49 =	vadd.s32 v57, v49  }
0x522: {  	vm9 =	vlt.s32 v49, $0x40  }
0x523: {  	vm9 =	vmand vm8, vm9;
	_ =	sdelay $0x5  }
0x524: {  	[tilespmem:v49+s19+$0x0] =	vst.idx.msk vm9, v47  }
0x525: {  	v47 =	vld [tilespmem:$0x43E0];
	_ =	sdelay $0x4  }
0x526: {  	[tilespmem:v49+s20+$0x0] =	vst.idx.msk vm9, v47  }
0x527: {  	v47 =	vld [tilespmem:$0x4170];
	_ =	sdelay $0x1  }
0x528: {  	v59 =	vld [tilespmem:$0x1FFC0];
	_ =	sdelay $0x2  }
0x529: {  	v58 =	vshrl.u32 v47, $0x7  }
0x52a: {  	vm9 =	vge.u32 v58, s26;
	vm10 =	vlt.u32 v58, s28  }
0x52b: {  	vm9 =	vmand vm9, vm10;
	vm10 =	vnez.u8 v59  }
0x52c: {  	vm9 =	vmand vm10, vm9  }
0x52d: {  	v60 =	vsel vm9, $0x1, v3  }
0x52e: {  	(xrf0) =	vadd.scan.msk.s32 $0xffff, v60;
	_ =	sdelay $0x2  }
0x52f: {  	v61 =	vmpcnt.ones.xlane vm8;
	_ =	sdelay $0x1  }
0x530: {  	v48 =	vadd.s32 v48, v61;
	v62 =	vsel vm9, $0xFFFFFFFF, v3  }
0x531: {  	v49 =	vadd.s32 v62, v48;
	v63, _, _ =	vpop (xrf0)  }
0x532: {  	v49 =	vadd.s32 v63, v49  }
0x533: {  	vm8 =	vlt.s32 v49, $0x40  }
0x534: {  	vm8 =	vmand vm9, vm8;
	_ =	sdelay $0x5  }
0x535: {  	[tilespmem:v49+s19+$0x0] =	vst.idx.msk vm8, v47  }
0x536: {  	v47 =	vld [tilespmem:$0x43F0];
	_ =	sdelay $0x4  }
0x537: {  	[tilespmem:v49+s20+$0x0] =	vst.idx.msk vm8, v47  }
0x538: {  	v47 =	vld [tilespmem:$0x4180];
	_ =	sdelay $0x1  }
0x539: {  	v53 =	vld [tilespmem:$0x1FFD0];
	_ =	sdelay $0x2  }
0x53a: {  	v52 =	vshrl.u32 v47, $0x7  }
0x53b: {  	vm8 =	vge.u32 v52, s26;
	vm10 =	vlt.u32 v52, s28  }
0x53c: {  	vm8 =	vmand vm8, vm10;
	vm10 =	vnez.u8 v53  }
0x53d: {  	vm8 =	vmand vm10, vm8  }
0x53e: {  	v54 =	vsel vm8, $0x1, v3  }
0x53f: {  	(xrf0) =	vadd.scan.msk.s32 $0xffff, v54;
	_ =	sdelay $0x2  }
0x540: {  	v55 =	vmpcnt.ones.xlane vm9;
	_ =	sdelay $0x1  }
0x541: {  	v48 =	vadd.s32 v48, v55;
	v56 =	vsel vm8, $0xFFFFFFFF, v3  }
0x542: {  	v49 =	vadd.s32 v56, v48;
	v57, _, _ =	vpop (xrf0)  }
0x543: {  	v49 =	vadd.s32 v57, v49  }
0x544: {  	vm9 =	vlt.s32 v49, $0x40  }
0x545: {  	vm9 =	vmand vm8, vm9;
	_ =	sdelay $0x5  }
0x546: {  	[tilespmem:v49+s19+$0x0] =	vst.idx.msk vm9, v47  }
0x547: {  	v47 =	vld [tilespmem:$0x4400];
	_ =	sdelay $0x4  }
0x548: {  	[tilespmem:v49+s20+$0x0] =	vst.idx.msk vm9, v47  }
0x549: {  	v47 =	vld [tilespmem:$0x4190];
	_ =	sdelay $0x1  }
0x54a: {  	v59 =	vld [tilespmem:$0x1FFE0];
	_ =	sdelay $0x2  }
0x54b: {  	v58 =	vshrl.u32 v47, $0x7  }
0x54c: {  	vm9 =	vge.u32 v58, s26;
	vm10 =	vlt.u32 v58, s28  }
0x54d: {  	vm9 =	vmand vm9, vm10;
	vm10 =	vnez.u8 v59  }
0x54e: {  	vm9 =	vmand vm10, vm9  }
0x54f: {  	v60 =	vsel vm9, $0x1, v3  }
0x550: {  	(xrf0) =	vadd.scan.msk.s32 $0xffff, v60;
	_ =	sdelay $0x2  }
0x551: {  	v61 =	vmpcnt.ones.xlane vm8;
	_ =	sdelay $0x1  }
0x552: {  	v48 =	vadd.s32 v48, v61;
	v62 =	vsel vm9, $0xFFFFFFFF, v3  }
0x553: {  	v49 =	vadd.s32 v62, v48;
	v63, _, _ =	vpop (xrf0)  }
0x554: {  	v49 =	vadd.s32 v63, v49  }
0x555: {  	vm8 =	vlt.s32 v49, $0x40  }
0x556: {  	vm8 =	vmand vm9, vm8;
	_ =	sdelay $0x5  }
0x557: {  	[tilespmem:v49+s19+$0x0] =	vst.idx.msk vm8, v47  }
0x558: {  	v47 =	vld [tilespmem:$0x4410];
	_ =	sdelay $0x4  }
0x559: {  	[tilespmem:v49+s20+$0x0] =	vst.idx.msk vm8, v47  }
0x55a: {  	v47 =	vld [tilespmem:$0x41A0];
	_ =	sdelay $0x1  }
0x55b: {  	v53 =	vld [tilespmem:$0x1FFF0];
	_ =	sdelay $0x2  }
0x55c: {  	v52 =	vshrl.u32 v47, $0x7  }
0x55d: {  	vm8 =	vge.u32 v52, s26;
	vm10 =	vlt.u32 v52, s28  }
0x55e: {  	vm8 =	vmand vm8, vm10;
	vm10 =	vnez.u8 v53  }
0x55f: {  	vm8 =	vmand vm10, vm8  }
0x560: {  	v54 =	vsel vm8, $0x1, v3  }
0x561: {  	(xrf0) =	vadd.scan.msk.s32 $0xffff, v54;
	_ =	sdelay $0x2  }
0x562: {  	v55 =	vmpcnt.ones.xlane vm9;
	_ =	sdelay $0x1  }
0x563: {  	v48 =	vadd.s32 v48, v55;
	v56 =	vsel vm8, $0xFFFFFFFF, v3  }
0x564: {  	v49 =	vadd.s32 v56, v48;
	v57, _, _ =	vpop (xrf0)  }
0x565: {  	v49 =	vadd.s32 v57, v49  }
0x566: {  	vm9 =	vlt.s32 v49, $0x40  }
0x567: {  	vm9 =	vmand vm8, vm9;
	_ =	sdelay $0x5  }
0x568: {  	[tilespmem:v49+s19+$0x0] =	vst.idx.msk vm9, v47  }
0x569: {  	v47 =	vld [tilespmem:$0x4420];
	_ =	sdelay $0x4  }
0x56a: {  	[tilespmem:v49+s20+$0x0] =	vst.idx.msk vm9, v47  }
0x56b: {  	v47 =	vld [tilespmem:$0x41B0];
	_ =	sdelay $0x4  }
0x56c: {  	v58 =	vshrl.u32 v47, $0x7  }
0x56d: {  	vm9 =	vge.u32 v58, s26;
	vm10 =	vlt.u32 v58, s28  }
0x56e: {  	vm9 =	vmand vm9, vm10  }
0x56f: {  	vm9 =	vmand vm11, vm9  }
0x570: {  	v59 =	vsel vm9, $0x1, v3  }
0x571: {  	(xrf0) =	vadd.scan.msk.s32 $0xffff, v59;
	_ =	sdelay $0x2  }
0x572: {  	v60 =	vmpcnt.ones.xlane vm8;
	_ =	sdelay $0x1  }
0x573: {  	v48 =	vadd.s32 v48, v60;
	v61 =	vsel vm9, $0xFFFFFFFF, v3  }
0x574: {  	v49 =	vadd.s32 v61, v48;
	v62, _, _ =	vpop (xrf0)  }
0x575: {  	v49 =	vadd.s32 v62, v49  }
0x576: {  	vm8 =	vlt.s32 v49, $0x40  }
0x577: {  	vm8 =	vmand vm9, vm8;
	_ =	sdelay $0x5  }
0x578: {  	[tilespmem:v49+s19+$0x0] =	vst.idx.msk vm8, v47  }
0x579: {  	v47 =	vld [tilespmem:$0x4430];
	_ =	sdelay $0x4  }
0x57a: {  	[tilespmem:v49+s20+$0x0] =	vst.idx.msk vm8, v47  }
0x57b: {  	v47 =	vld [tilespmem:$0x41C0];
	_ =	sdelay $0x4  }
0x57c: {  	v63 =	vshrl.u32 v47, $0x7  }
0x57d: {  	vm8 =	vge.u32 v63, s26;
	vm10 =	vlt.u32 v63, s28  }
0x57e: {  	vm8 =	vmand vm8, vm10  }
0x57f: {  	vm8 =	vmand vm12, vm8  }
0x580: {  	v52 =	vsel vm8, $0x1, v3  }
0x581: {  	(xrf0) =	vadd.scan.msk.s32 $0xffff, v52;
	_ =	sdelay $0x2  }
0x582: {  	v53 =	vmpcnt.ones.xlane vm9;
	_ =	sdelay $0x1  }
0x583: {  	v48 =	vadd.s32 v48, v53;
	v54 =	vsel vm8, $0xFFFFFFFF, v3  }
0x584: {  	v49 =	vadd.s32 v54, v48;
	v55, _, _ =	vpop (xrf0)  }
0x585: {  	v49 =	vadd.s32 v55, v49  }
0x586: {  	vm12 =	vlt.s32 v49, $0x40  }
0x587: {  	vm9 =	vmand vm8, vm12;
	_ =	sdelay $0x5  }
0x588: {  	[tilespmem:v49+s19+$0x0] =	vst.idx.msk vm9, v47  }
0x589: {  	v47 =	vld [tilespmem:$0x4440];
	_ =	sdelay $0x4  }
0x58a: {  	[tilespmem:v49+s20+$0x0] =	vst.idx.msk vm9, v47  }
0x58b: {  	v47 =	vld [tilespmem:$0x41D0];
	_ =	sdelay $0x4  }
0x58c: {  	v56 =	vshrl.u32 v47, $0x7  }
0x58d: {  	vm9 =	vge.u32 v56, s26;
	vm12 =	vlt.u32 v56, s28  }
0x58e: {  	vm9 =	vmand vm9, vm12  }
0x58f: {  	vm9 =	vmand vm13, vm9  }
0x590: {  	v57 =	vsel vm9, $0x1, v3  }
0x591: {  	(xrf0) =	vadd.scan.msk.s32 $0xffff, v57;
	_ =	sdelay $0x2  }
0x592: {  	v58 =	vmpcnt.ones.xlane vm8;
	_ =	sdelay $0x1  }
0x593: {  	v48 =	vadd.s32 v48, v58;
	v59 =	vsel vm9, $0xFFFFFFFF, v3  }
0x594: {  	v49 =	vadd.s32 v59, v48;
	v60, _, _ =	vpop (xrf0)  }
0x595: {  	v49 =	vadd.s32 v60, v49  }
0x596: {  	vm13 =	vlt.s32 v49, $0x40  }
0x597: {  	vm8 =	vmand vm9, vm13;
	_ =	sdelay $0x5  }
0x598: {  	[tilespmem:v49+s19+$0x0] =	vst.idx.msk vm8, v47  }
0x599: {  	v47 =	vld [tilespmem:$0x4450];
	_ =	sdelay $0x4  }
0x59a: {  	[tilespmem:v49+s20+$0x0] =	vst.idx.msk vm8, v47  }
0x59b: {  	v47 =	vld [tilespmem:$0x41E0];
	_ =	sdelay $0x4  }
0x59c: {  	v61 =	vshrl.u32 v47, $0x7  }
0x59d: {  	vm12 =	vge.u32 v61, s26;
	vm13 =	vlt.u32 v61, s28  }
0x59e: {  	vm8 =	vmand vm12, vm13  }
0x59f: {  	vm8 =	vmand vm14, vm8  }
0x5a0: {  	v62 =	vsel vm8, $0x1, v3  }
0x5a1: {  	(xrf0) =	vadd.scan.msk.s32 $0xffff, v62;
	_ =	sdelay $0x2  }
0x5a2: {  	v63 =	vmpcnt.ones.xlane vm9;
	_ =	sdelay $0x1  }
0x5a3: {  	v48 =	vadd.s32 v48, v63;
	v52 =	vsel vm8, $0xFFFFFFFF, v3  }
0x5a4: {  	v49 =	vadd.s32 v52, v48;
	v53, _, _ =	vpop (xrf0)  }
0x5a5: {  	v49 =	vadd.s32 v53, v49  }
0x5a6: {  	vm12 =	vlt.s32 v49, $0x40  }
0x5a7: {  	vm9 =	vmand vm8, vm12;
	_ =	sdelay $0x5  }
0x5a8: {  	[tilespmem:v49+s19+$0x0] =	vst.idx.msk vm9, v47  }
0x5a9: {  	v47 =	vld [tilespmem:$0x4460];
	_ =	sdelay $0x4  }
0x5aa: {  	[tilespmem:v49+s20+$0x0] =	vst.idx.msk vm9, v47  }
0x5ab: {  	v47 =	vld [tilespmem:$0x41F0];
	_ =	sdelay $0x4  }
0x5ac: {  	v54 =	vshrl.u32 v47, $0x7  }
0x5ad: {  	vm13 =	vge.u32 v54, s26;
	vm14 =	vlt.u32 v54, s28  }
0x5ae: {  	vm9 =	vmand vm13, vm14  }
0x5af: {  	vm9 =	vmand vm15, vm9  }
0x5b0: {  	v55 =	vsel vm9, $0x1, v3  }
0x5b1: {  	(xrf0) =	vadd.scan.msk.s32 $0xffff, v55;
	_ =	sdelay $0x2  }
0x5b2: {  	v56 =	vmpcnt.ones.xlane vm8;
	_ =	sdelay $0x1  }
0x5b3: {  	v48 =	vadd.s32 v48, v56;
	v57 =	vsel vm9, $0xFFFFFFFF, v3  }
0x5b4: {  	v49 =	vadd.s32 v57, v48;
	v58, _, _ =	vpop (xrf0)  }
0x5b5: {  	v49 =	vadd.s32 v58, v49  }
0x5b6: {  	vm15 =	vlt.s32 v49, $0x40  }
0x5b7: {  	vm8 =	vmand vm9, vm15;
	_ =	sdelay $0x5  }
0x5b8: {  	[tilespmem:v49+s19+$0x0] =	vst.idx.msk vm8, v47  }
0x5b9: {  	v47 =	vld [tilespmem:$0x4470];
	_ =	sdelay $0x4  }
0x5ba: {  	[tilespmem:v49+s20+$0x0] =	vst.idx.msk vm8, v47  }
0x5bb: {  	v47 =	vld [tilespmem:$0x4200];
	_ =	sdelay $0x4  }
0x5bc: {  	v59 =	vshrl.u32 v47, $0x7  }
0x5bd: {  	vm12 =	vge.u32 v59, s26;
	vm13 =	vlt.u32 v59, s28  }
0x5be: {  	vm8 =	vmand vm12, vm13  }
0x5bf: {  	vm0 =	vmand vm0, vm8  }
0x5c0: {  	v60 =	vsel vm0, $0x1, v3  }
0x5c1: {  	(xrf0) =	vadd.scan.msk.s32 $0xffff, v60;
	_ =	sdelay $0x2  }
0x5c2: {  	v61 =	vmpcnt.ones.xlane vm9;
	_ =	sdelay $0x1  }
0x5c3: {  	v48 =	vadd.s32 v48, v61;
	v62 =	vsel vm0, $0xFFFFFFFF, v3  }
0x5c4: {  	v49 =	vadd.s32 v62, v48;
	v63, _, _ =	vpop (xrf0)  }
0x5c5: {  	v49 =	vadd.s32 v63, v49  }
0x5c6: {  	vm14 =	vlt.s32 v49, $0x40  }
0x5c7: {  	vm8 =	vmand vm0, vm14;
	_ =	sdelay $0x5  }
0x5c8: {  	[tilespmem:v49+s19+$0x0] =	vst.idx.msk vm8, v47  }
0x5c9: {  	v47 =	vld [tilespmem:$0x4480];
	_ =	sdelay $0x4  }
0x5ca: {  	[tilespmem:v49+s20+$0x0] =	vst.idx.msk vm8, v47  }
0x5cb: {  	v47 =	vld [tilespmem:$0x4210];
	_ =	sdelay $0x4  }
0x5cc: {  	v52 =	vshrl.u32 v47, $0x7  }
0x5cd: {  	vm15 =	vge.u32 v52, s26;
	vm12 =	vlt.u32 v52, s28  }
0x5ce: {  	vm8 =	vmand vm15, vm12  }
0x5cf: {  	vm1 =	vmand vm1, vm8  }
0x5d0: {  	v53 =	vsel vm1, $0x1, v3  }
0x5d1: {  	(xrf0) =	vadd.scan.msk.s32 $0xffff, v53;
	_ =	sdelay $0x2  }
0x5d2: {  	v54 =	vmpcnt.ones.xlane vm0;
	_ =	sdelay $0x1  }
0x5d3: {  	v48 =	vadd.s32 v48, v54;
	v55 =	vsel vm1, $0xFFFFFFFF, v3  }
0x5d4: {  	v49 =	vadd.s32 v55, v48;
	v56, _, _ =	vpop (xrf0)  }
0x5d5: {  	v49 =	vadd.s32 v56, v49  }
0x5d6: {  	vm13 =	vlt.s32 v49, $0x40  }
0x5d7: {  	vm0 =	vmand vm1, vm13;
	_ =	sdelay $0x5  }
0x5d8: {  	[tilespmem:v49+s19+$0x0] =	vst.idx.msk vm0, v47  }
0x5d9: {  	v47 =	vld [tilespmem:$0x4490];
	_ =	sdelay $0x4  }
0x5da: {  	[tilespmem:v49+s20+$0x0] =	vst.idx.msk vm0, v47  }
0x5db: {  	v47 =	vld [tilespmem:$0x4220];
	_ =	sdelay $0x4  }
0x5dc: {  	v57 =	vshrl.u32 v47, $0x7  }
0x5dd: {  	vm14 =	vge.u32 v57, s26;
	vm15 =	vlt.u32 v57, s28  }
0x5de: {  	vm0 =	vmand vm14, vm15  }
0x5df: {  	vm0 =	vmand vm2, vm0  }
0x5e0: {  	v58 =	vsel vm0, $0x1, v3  }
0x5e1: {  	(xrf0) =	vadd.scan.msk.s32 $0xffff, v58;
	_ =	sdelay $0x2  }
0x5e2: {  	v59 =	vmpcnt.ones.xlane vm1;
	_ =	sdelay $0x1  }
0x5e3: {  	v48 =	vadd.s32 v48, v59;
	v60 =	vsel vm0, $0xFFFFFFFF, v3  }
0x5e4: {  	v49 =	vadd.s32 v60, v48;
	v61, _, _ =	vpop (xrf0)  }
0x5e5: {  	v49 =	vadd.s32 v61, v49  }
0x5e6: {  	vm9 =	vlt.s32 v49, $0x40  }
0x5e7: {  	vm1 =	vmand vm0, vm9;
	_ =	sdelay $0x5  }
0x5e8: {  	[tilespmem:v49+s19+$0x0] =	vst.idx.msk vm1, v47  }
0x5e9: {  	v47 =	vld [tilespmem:$0x44A0];
	_ =	sdelay $0x4  }
0x5ea: {  	[tilespmem:v49+s20+$0x0] =	vst.idx.msk vm1, v47  }
0x5eb: {  	v47 =	vld [tilespmem:$0x4230];
	_ =	sdelay $0x4  }
0x5ec: {  	v62 =	vshrl.u32 v47, $0x7  }
0x5ed: {  	vm10 =	vge.u32 v62, s26;
	vm11 =	vlt.u32 v62, s28  }
0x5ee: {  	vm1 =	vmand vm10, vm11  }
0x5ef: {  	vm1 =	vmand vm3, vm1  }
0x5f0: {  	v63 =	vsel vm1, $0x1, v3  }
0x5f1: {  	(xrf0) =	vadd.scan.msk.s32 $0xffff, v63;
	_ =	sdelay $0x2  }
0x5f2: {  	v52 =	vmpcnt.ones.xlane vm0;
	_ =	sdelay $0x1  }
0x5f3: {  	v48 =	vadd.s32 v48, v52;
	v53 =	vsel vm1, $0xFFFFFFFF, v3  }
0x5f4: {  	v49 =	vadd.s32 v53, v48;
	v54, _, _ =	vpop (xrf0)  }
0x5f5: {  	v49 =	vadd.s32 v54, v49  }
0x5f6: {  	vm12 =	vlt.s32 v49, $0x40  }
0x5f7: {  	vm0 =	vmand vm1, vm12;
	_ =	sdelay $0x5  }
0x5f8: {  	[tilespmem:v49+s19+$0x0] =	vst.idx.msk vm0, v47  }
0x5f9: {  	v47 =	vld [tilespmem:$0x44B0];
	_ =	sdelay $0x4  }
0x5fa: {  	[tilespmem:v49+s20+$0x0] =	vst.idx.msk vm0, v47  }
0x5fb: {  	v47 =	vld [tilespmem:$0x4240];
	_ =	sdelay $0x4  }
0x5fc: {  	v55 =	vshrl.u32 v47, $0x7  }
0x5fd: {  	vm13 =	vge.u32 v55, s26;
	vm14 =	vlt.u32 v55, s28  }
0x5fe: {  	vm0 =	vmand vm13, vm14  }
0x5ff: {  	vm0 =	vmand vm4, vm0  }
0x600: {  	v56 =	vsel vm0, $0x1, v3  }
0x601: {  	(xrf0) =	vadd.scan.msk.s32 $0xffff, v56;
	_ =	sdelay $0x2  }
0x602: {  	v57 =	vmpcnt.ones.xlane vm1;
	_ =	sdelay $0x1  }
0x603: {  	v48 =	vadd.s32 v48, v57;
	v58 =	vsel vm0, $0xFFFFFFFF, v3  }
0x604: {  	v49 =	vadd.s32 v58, v48;
	v59, _, _ =	vpop (xrf0)  }
0x605: {  	v49 =	vadd.s32 v59, v49  }
0x606: {  	vm15 =	vlt.s32 v49, $0x40  }
0x607: {  	vm1 =	vmand vm0, vm15;
	_ =	sdelay $0x5  }
0x608: {  	[tilespmem:v49+s19+$0x0] =	vst.idx.msk vm1, v47  }
0x609: {  	v47 =	vld [tilespmem:$0x44C0];
	_ =	sdelay $0x4  }
0x60a: {  	[tilespmem:v49+s20+$0x0] =	vst.idx.msk vm1, v47  }
0x60b: {  	v47 =	vld [tilespmem:$0x4250];
	_ =	sdelay $0x4  }
0x60c: {  	v60 =	vshrl.u32 v47, $0x7  }
0x60d: {  	vm4 =	vge.u32 v60, s26;
	vm8 =	vlt.u32 v60, s28  }
0x60e: {  	vm1 =	vmand vm4, vm8  }
0x60f: {  	vm1 =	vmand vm5, vm1  }
0x610: {  	v61 =	vsel vm1, $0x1, v3  }
0x611: {  	(xrf0) =	vadd.scan.msk.s32 $0xffff, v61;
	_ =	sdelay $0x2  }
0x612: {  	v62 =	vmpcnt.ones.xlane vm0;
	_ =	sdelay $0x1  }
0x613: {  	v48 =	vadd.s32 v48, v62;
	v63 =	vsel vm1, $0xFFFFFFFF, v3  }
0x614: {  	v49 =	vadd.s32 v63, v48;
	v52, _, _ =	vpop (xrf0)  }
0x615: {  	v49 =	vadd.s32 v52, v49  }
0x616: {  	vm9 =	vlt.s32 v49, $0x40  }
0x617: {  	vm0 =	vmand vm1, vm9;
	_ =	sdelay $0x5  }
0x618: {  	[tilespmem:v49+s19+$0x0] =	vst.idx.msk vm0, v47  }
0x619: {  	v47 =	vld [tilespmem:$0x44D0];
	_ =	sdelay $0x4  }
0x61a: {  	[tilespmem:v49+s20+$0x0] =	vst.idx.msk vm0, v47  }
0x61b: {  	v47 =	vld [tilespmem:$0x4260];
	_ =	sdelay $0x4  }
0x61c: {  	v53 =	vshrl.u32 v47, $0x7  }
0x61d: {  	vm10 =	vge.u32 v53, s26;
	vm11 =	vlt.u32 v53, s28  }
0x61e: {  	vm0 =	vmand vm10, vm11  }
0x61f: {  	vm0 =	vmand vm6, vm0  }
0x620: {  	v54 =	vsel vm0, $0x1, v3  }
0x621: {  	(xrf0) =	vadd.scan.msk.s32 $0xffff, v54;
	_ =	sdelay $0x2  }
0x622: {  	v55 =	vmpcnt.ones.xlane vm1;
	_ =	sdelay $0x1  }
0x623: {  	v48 =	vadd.s32 v48, v55;
	v56 =	vsel vm0, $0xFFFFFFFF, v3  }
0x624: {  	v49 =	vadd.s32 v56, v48;
	v57, _, _ =	vpop (xrf0)  }
0x625: {  	v49 =	vadd.s32 v57, v49  }
0x626: {  	vm12 =	vlt.s32 v49, $0x40  }
0x627: {  	vm1 =	vmand vm0, vm12;
	_ =	sdelay $0x5  }
0x628: {  	[tilespmem:v49+s19+$0x0] =	vst.idx.msk vm1, v47  }
0x629: {  	v47 =	vld [tilespmem:$0x44E0];
	_ =	sdelay $0x4  }
0x62a: {  	[tilespmem:v49+s20+$0x0] =	vst.idx.msk vm1, v47  }
0x62b: {  	v47 =	vld [tilespmem:$0x4270];
	_ =	sdelay $0x4  }
0x62c: {  	v58 =	vshrl.u32 v47, $0x7  }
0x62d: {  	vm13 =	vge.u32 v58, s26;
	vm14 =	vlt.u32 v58, s28  }
0x62e: {  	vm1 =	vmand vm13, vm14  }
0x62f: {  	v60 =	vmpcnt.ones.xlane vm0;
	vm1 =	vmand vm7, vm1  }
0x630: {  	v61 =	vmpcnt.ones.xlane vm1  }
0x631: {  	v48 =	vadd.s32 v48, v60  }
0x632: {  	v59 =	vsel vm1, $0x1, v3;
	v49 =	vadd.s32 v48, v61  }
0x633: {  	(xrf0) =	vadd.scan.msk.s32 $0xffff, v59;
	(v2sf) =	vpush v49, $0x0;
	_ =	sdelay $0x4  }
0x634: {  	v62 =	vsel vm1, $0xFFFFFFFF, v3  }
0x635: {  	v48 =	vadd.s32 v62, v48;
	v63, _, _ =	vpop (xrf0)  }
0x636: {  	v48 =	vadd.s32 v63, v48  }
0x637: {  	vm15 =	vlt.s32 v48, $0x40  }
0x638: {  	vm0 =	vmand vm1, vm15;
	_ =	sdelay $0x5  }
0x639: {  	[tilespmem:v48+s19+$0x0] =	vst.idx.msk vm0, v47;
	s26 =	spop (v2sf)  }
0x63a: {  	v47 =	vld [tilespmem:$0x44F0];
	p0 =	slt.s32 s26, $0x1  }
.Ltmp9:
0x63b: {  	_ = 	snop;
	(pc) =	sbr.rel @p0 .LBB2_15-.Ltmp9, $2  }
0x63c: {  	_ =	sdelay $0x2  }
0x63d: {  	[tilespmem:v48+s20+$0x0] =	vst.idx.msk vm0, v47  }
0x63e: {  	p1 =	sne.s32 s26, $0x1  }
.Ltmp10:
0x63f: {  	_ = 	snop;
	(pc) =	sbr.rel @!p1 .LBB2_11-.Ltmp10, $4  }
0x640: {  	_ = 	snop  }
0x641: {  	v47 =	vmov s25;
	(v2sf) =	vpush v46, $0x0  }
0x642: {  	s4 =	simm.s32 $0x0;
	v47 =	vshll.u32 v47, $0x7  }
0x643: {  	s28 =	simm.s32 $0x1;
	p0 =	por $0x0, $0x0;
	v48 =	vmov s4;
	v47 =	vbroadcast v47, $0x0  }
0x644: {  	_ =	sdelay $0x3  }
0x645: {  	v49 =	vld.idx.msk [tilespmem:v48+s19+$0x0], $0xffff;
	_ =	sdelay $0x4  }
0x646: {  	v50 =	vsub.s32 v49, v47  }
0x647: {  	v50 =	vshll.u32 v50, $0x3  }
0x648: {  	v49 =	vand.u32 $0x7F, v49;
	v50 =	vand.u32 $0xFFFFFC00, v50  }
0x649: {  	v49 =	vor.u32 v49, v50;
	s4 =	spop (v2sf)  }
0x64a: {  	v50 =	vadd.s32 v41, v49;
	p0 =	slt.s32 s4, $0x10  }
0x64b: {  	s25 =	simm.s32 @!p0 $0x3  }
0x64c: {  	v61 =	vld.idx.msk [tilespmem:v48+s20+$0x0], $0xffff;
	_ =	swait.ge @!p0 [sflag:s25], $0x80  }
0x64d: {  	[sflag:s25] =	ssyncset.done @!p0 $0x0  }
0x64e: {  	[sflag:s25] =	ssyncadd.s32 @!p0 $0xFFFFFF80  }
0x64f: {  	v50 =	vld.idx.msk [tilespmem:v50+s17+$0x0], $0xffff  }
0x650: {  	v51 =	vadd.s32 v42, v49;
	_ =	sdelay $0x1  }
0x651: {  	s4 =	sshll.u32 s4, $0x7  }
0x652: {  	s4 =	sand.u32 $0x780, s4;
	(v2sf) =	vpush v61, $0x0  }
0x653: {  	[tilespmem:s4+$0x4600] =	vst v50  }
0x654: {  	v62 =	vld.idx.msk [tilespmem:v51+s17+$0x0], $0xffff  }
0x655: {  	v63 =	vadd.s32 v43, v49;
	_ =	sdelay $0x3  }
0x656: {  	[tilespmem:s4+$0x4610] =	vst v62  }
0x657: {  	v48 =	vld.idx.msk [tilespmem:v63+s17+$0x0], $0xffff  }
0x658: {  	v49 =	vadd.s32 v44, v49;
	_ =	sdelay $0x3  }
0x659: {  	[tilespmem:s4+$0x4620] =	vst v48  }
0x65a: {  	p1 =	sne.s32 s26, $0x2;
	v46 =	vadd.s32 $0x1, v46;
	v49 =	vld.idx.msk [tilespmem:v49+s17+$0x0], $0xffff  }
.Ltmp11:
0x65b: {  	s31 =	spop (v2sf);
	(v2sf) =	vpush v46, $0x0;
	(pc) =	sbr.rel @!p1 .LBB2_14-.Ltmp11, $4  }
0x65c: {  	v48 =	vmov s28  }
0x65d: {  	s29 =	sshll.u32 s31, $0x4  }
0x65e: {  	s25 =	simm.s32 $0x2;
	s29 =	sand.u32 $0x1FFFFFF0, s29  }
0x65f: {  	p0 =	por $0x1, $0x1;
	s29 =	sadd.s32 s6, s29;
	s28 =	sadd.s32 $0x4600, s4;
	[tilespmem:s4+$0x4630] =	vst v49  }
.LBB2_13:
0x660: {  	[hbm4b:s29+s5] =	stream.linear.scatter [tilespmem:s28], [sflag:$0x3], $0x80, $0x38;
	[tilespmem:$0x1CE00] =	vst v63  }
0x661: {  	s28 =	smov.u32 s25;
	s25 =	sadd.s32 $0x1, s25;
	v49 =	vld.idx.msk [tilespmem:v48+s19+$0x0], $0xffff  }
0x662: {  	p1 =	sne.s32 s26, s25;
	_ =	sdelay $0x4  }
0x663: {  	v50 =	vsub.s32 v49, v47  }
0x664: {  	v50 =	vshll.u32 v50, $0x3  }
0x665: {  	v49 =	vand.u32 $0x7F, v49;
	v50 =	vand.u32 $0xFFFFFC00, v50  }
0x666: {  	v49 =	vor.u32 v49, v50;
	s4 =	spop (v2sf)  }
0x667: {  	v50 =	vadd.s32 v41, v49;
	p2 =	slt.s32 s4, $0x10;
	s4 =	sshll.u32 s4, $0x7  }
0x668: {  	v48 =	vld.idx.msk [tilespmem:v48+s20+$0x0], $0xffff;
	s29 =	simm.s32 @!p2 $0x3  }
0x669: {  	_ =	swait.ge @!p2 [sflag:s29], $0x80  }
0x66a: {  	[sflag:s29] =	ssyncset.done @!p2 $0x0  }
0x66b: {  	[sflag:s29] =	ssyncadd.s32 @!p2 $0xFFFFFF80  }
0x66c: {  	v50 =	vld.idx.msk [tilespmem:v50+s17+$0x0], $0xffff;
	_ =	sdelay $0x1  }
0x66d: {  	v51 =	vadd.s32 v42, v49;
	(v2sf) =	vpush v48, $0x0;
	_ =	sdelay $0x2  }
0x66e: {  	s4 =	sand.u32 $0x780, s4  }
0x66f: {  	[tilespmem:s4+$0x4600] =	vst v50  }
0x670: {  	v48 =	vld.idx.msk [tilespmem:v51+s17+$0x0], $0xffff;
	_ =	sdelay $0x1  }
0x671: {  	v50 =	vadd.s32 v43, v49;
	_ =	sdelay $0x3  }
0x672: {  	[tilespmem:s4+$0x4610] =	vst v48  }
0x673: {  	v48 =	vld.idx.msk [tilespmem:v50+s17+$0x0], $0xffff;
	_ =	sdelay $0x1  }
0x674: {  	v49 =	vadd.s32 v44, v49  }
0x675: {  	s29 =	spop (v2sf)  }
0x676: {  	s29 =	sshll.u32 s29, $0x4  }
0x677: {  	s29 =	sand.u32 $0x1FFFFFF0, s29  }
0x678: {  	[tilespmem:s4+$0x4620] =	vst v48  }
0x679: {  	v49 =	vld.idx.msk [tilespmem:v49+s17+$0x0], $0xffff  }
0x67a: {  	v46 =	vadd.s32 $0x1, v46  }
.Ltmp12:
0x67b: {  	(v2sf) =	vpush v46, $0x0;
	(pc) =	sbr.rel @p1 .LBB2_13-.Ltmp12, $2  }
0x67c: {  	v48 =	vmov s28;
	_ =	sdelay $0x2  }
0x67d: {  	s28 =	sadd.s32 $0x4600, s4;
	s29 =	sadd.s32 s6, s29;
	[tilespmem:s4+$0x4630] =	vst v49  }
.Ltmp13:
0x67e: {  	_ = 	snop;
	(pc) =	sbr.rel .LBB2_14-.Ltmp13, $1  }
0x67f: {  	_ =	sdelay $0x3  }
.LBB2_5:
.Ltmp14:
0x680: {  	(pc) =	sbr.rel .LBB2_8-.Ltmp14, $2  }
0x681: {  	_ =	sdelay $0x2  }
0x682: {  	_ = 	snop  }
.LBB2_16:
0x683: {  	_ =	swait.ge [sflag:s18], $0xC000  }
0x684: {  	(v2sf) =	vpush v46, $0x0;
	_ =	sdelay $0xe  }
0x685: {  	s24 =	spop (v2sf)  }
0x686: {  	p0 =	slt.s32 s24, $0x1  }
.Ltmp15:
0x687: {  	_ = 	snop;
	(pc) =	sbr.rel @p0 .LBB2_20-.Ltmp15, $3  }
0x688: {  	_ =	sdelay $0x1  }
0x689: {  	[sflag:s18] =	ssyncset.done $0x0  }
0x68a: {  	[sflag:s18] =	ssyncadd.s32 $0xFFFF4000  }
0x68b: {  	p0 =	slt.s32 s24, $0x10  }
0x68c: {  	s24 =	simm.s32 @!p0 $0x10  }
0x68d: {  	p0 =	sne.s32 s24, $0x1  }
.Ltmp16:
0x68e: {  	_ = 	snop;
	(pc) =	sbr.rel @!p0 .LBB2_19-.Ltmp16, $3  }
0x68f: {  	_ =	sdelay $0x1  }
0x690: {  	_ =	swait.ge [sflag:s22], $0x80  }
0x691: {  	[sflag:s22] =	ssyncset.done $0x0;
	s24 =	sadd.s32 $0xFFFFFFFF, s24  }
.LBB2_18:
0x692: {  	p0 =	sne.s32 s24, $0x1;
	s24 =	sadd.s32 $0xFFFFFFFF, s24;
	[sflag:s22] =	ssyncadd.s32 $0xFFFFFF80  }
.Ltmp17:
0x693: {  	(pc) =	sbr.rel @p0 .LBB2_18-.Ltmp17, $3  }
0x694: {  	_ =	sdelay $0x1  }
0x695: {  	_ =	swait.ge [sflag:s22], $0x80  }
0x696: {  	[sflag:s22] =	ssyncset.done $0x0  }
.Ltmp18:
0x697: {  	_ = 	snop;
	(pc) =	sbr.rel .LBB2_19-.Ltmp18, $1  }
0x698: {  	_ =	sdelay $0x3  }
.LBB2_21:
0x699: {  	_ =	sfence.sel $0x180000  }
0x69a: {  	[bflag:$0x0] =	sbarrier.arrive $0xFFFF  }
0x69b: {  	_ =	strace $0x90000047  }
0x69c: {  	[bflag:$0x2] =	sbarrier.arrive $0xFFFF  }
0x69d: {  	p0 =	sne.s32 s0, $0x0;
	s0 =	rddreg [dreg:$0x3]  }
0x69e: {  	s0 =	sadd.s32 @!p0 $0x100000, s0  }
0x69f: {  	[sflag:s0] =	ssyncadd.tile.s32 @!p0 $0x1;
	_ =	shalt  }
.Lfunc_end2:
_tile_overlayer_lowered:
.L_overlay_start_2:
0x6a0: {  	(tag) =	ssettag $0x2  }
0x6a1: {  	s0 =	rddreg [dreg:$0x0];
	s2 =	stileid.u32  }
0x6a2: {  	s1 =	rddreg [dreg:$0x1];
	p0 =	sne.s32 s2, $0x0  }
0x6a3: {  	s3 =	rddreg [dreg:$0x2];
	[bflag:$0x3] =	sbarrier.arrive $0xFFFF;
	s2 =	simm.s32 @!p0 $0x1C04  }
0x6a4: {  	[timem:s3], [sflag:s2] =	dma.local @!p0 [hbm:s0], s1  }
0x6a5: {  	s0 =	simm.s32 @!p0 $0x4  }
0x6a6: {  	_ =	swait.ge @!p0 [sflag:s0], s1  }
0x6a7: {  	s1 =	ssub.s32 @!p0 $0x0, s1;
	[sflag:s0] =	ssyncset.done @!p0 $0x0  }
0x6a8: {  	[sflag:s0] =	ssyncadd.s32 @!p0 s1  }
0x6a9: {  	[bflag:$0x3] =	sbarrier.arrive $0xFFFF  }
0x6aa: {  	_ =	shalt  }

</sc_bundles>
